<compile_context>
chip_gen: v7x
topology: tpu7x:2x2x1
jax: 0.10.2.dev20260603
libtpu: 0.0.44.dev20260713+nightly
codegen_flags: <defaults>
</compile_context>

<pallas_src>
import jax
import jax.numpy as jnp
from jax import lax
from jax.experimental import pallas as pl
from jax.experimental.pallas import tpu as pltpu
from jax.experimental.pallas import tpu_sc as plsc

_B = 4
_HW = 256
_S = 16
_C = 133
_CP = 144
_TILE = 1024
_NC = 2
_NS = 16
_NW = _NC * _NS
_JOBS_PER_W = (_B * _S) // _NW


def _sample_constants():
    sel = jnp.full((_B, _HW), 1.0, jnp.float32) + 1e-11
    sel = sel / sel.sum(axis=1, keepdims=True)
    sel = jnp.log(sel)
    u = jax.random.uniform(jax.random.key(42), sel.shape, minval=1e-9, maxval=1.0)
    gumbel = -jnp.log(-jnp.log(u))
    _, mask_idx = jax.lax.top_k(sel + gumbel, _S)
    job_rows = (
        jnp.arange(_B, dtype=jnp.int32)[:, None] * _HW + mask_idx
    ).reshape(_NW, _JOBS_PER_W)
    tbl = jnp.concatenate(
        [job_rows, jnp.tile(job_rows[:, :1], (1, 16 - _JOBS_PER_W))], axis=1
    ).astype(jnp.int32)
    return mask_idx, tbl


def _sc_body(rows_hbm, tbl_hbm, out_hbm, idx_v, tile_v, hist_v, oh_v, sem):
    wid = lax.axis_index("c") * _NS + lax.axis_index("s")
    pltpu.sync_copy(tbl_hbm.at[wid], idx_v)
    idx_vec = idx_v[...]

    lane = lax.iota(jnp.int32, 16)
    ones = jnp.ones((16,), jnp.int32)
    lane_base = lane * _CP

    copies = []
    col32 = []
    for k in range(_JOBS_PER_W):
        row = idx_vec[k]
        b = row >> 8
        t = row & 255
        col32.append((t & 3) * 32)
        copies.append(
            pltpu.async_copy(
                rows_hbm.at[
                    b, pl.ds((t >> 4) * 32, 32), pl.ds(((t & 15) >> 2) * 128, 128)
                ],
                tile_v.at[k],
                sem,
            )
        )

    for k in range(_JOBS_PER_W):
        zeros16 = jnp.zeros((16,), jnp.int32)
        for i in range((16 * _CP) // 16):
            hist_v[pl.ds(i * 16, 16)] = zeros16

        copies[k].wait()

        c32 = col32[k]
        for i in range(_TILE // 16):
            v = tile_v[k, i >> 1, pl.ds(c32 + (i & 1) * 16, 16)]
            plsc.addupdate_scatter(hist_v, [lane_base + v], ones)

        kmax = jnp.full((16,), -1, jnp.int32)
        for cb in range(_CP // 16):
            counts = hist_v[pl.ds(cb * 16, 16)]
            for l in range(1, 16):
                counts = counts + hist_v[pl.ds(l * _CP + cb * 16, 16)]
            key = counts * 2048 + (2047 - (lane + cb * 16))
            kmax = jnp.maximum(kmax, key)
        best = jnp.max(kmax)
        cls = 2047 - (best & 2047)

        for cb in range(_CP // 16):
            oh_v[pl.ds(cb * 16, 16)] = jnp.where(
                lane + cb * 16 == cls, 1.0, 0.0
            ).astype(jnp.float32)
        pltpu.sync_copy(oh_v, out_hbm.at[wid * _JOBS_PER_W + k])


@jax.jit
def _sc_call(rows2d, tbl):
    return pl.kernel(
        _sc_body,
        out_type=jax.ShapeDtypeStruct((_B * _S, _CP), jnp.float32),
        mesh=plsc.VectorSubcoreMesh(
            core_axis_name="c", subcore_axis_name="s",
            num_cores=_NC, num_subcores=_NS,
        ),
        scratch_types=[
            pltpu.VMEM((16,), jnp.int32),
            pltpu.VMEM((_JOBS_PER_W, 32, 128), jnp.int32),
            pltpu.VMEM((16 * _CP,), jnp.int32),
            pltpu.VMEM((_CP,), jnp.float32),
            pltpu.SemaphoreType.DMA,
        ],
        compiler_params=pltpu.CompilerParams(needs_layout_passes=False),
    )(rows2d, tbl)


def kernel(masks):
    mask_idx, tbl = _sample_constants()
    out = _sc_call(masks.reshape(_B, 512, 512), tbl)
    sampled = out[:, :_C].reshape(_B, _S, _C)
    return sampled, mask_idx

# --- scband reference (transcript-rebuilt; emitter-appended) ---
"""Pipeline reference for scband-mask-pooling-57432302682496 (READ-ONLY COPY).

The authoritative reference and input builder live on the scoring server;
editing this copy changes nothing except your own understanding.
"""

import jax, jax.numpy as jnp
import numpy as np

NUM_CLASSES = 133
NUM_SAMPLES = 16
DOWN = 32


def setup_inputs(seed: int = 0) -> dict:
    key = jax.random.key(seed)
    masks = jax.random.randint(key, (4, 1, 512, 512), 0, NUM_CLASSES, dtype=jnp.int32)
    return {"masks": masks}


def reference(masks):
    # pool_masks: binarize per class, average pool, flatten, argmax, one-hot
    mask_ids = jnp.arange(NUM_CLASSES)
    binm = (masks == mask_ids[None, :, None, None]).astype(jnp.float32)  # [B, C, H, W]
    B, C, H, W = binm.shape
    pooled = binm.reshape(B, C, H // DOWN, DOWN, W // DOWN, DOWN).mean(axis=(3, 5))  # AvgPool2d(k=32, s=32)
    pooled = pooled.reshape(B, C, -1)  # b c (h w)
    amax = jnp.argmax(pooled, axis=1)  # [B, HW]
    onehot = jnp.take(jnp.eye(NUM_CLASSES, dtype=jnp.float32), amax, axis=0)  # [B, HW, C]

    # sample_masks: multinomial without replacement over log-weights
    # (torch.multinomial(log_w, n) translated via Gumbel-top-k on the log weights)
    mask_exists = onehot.sum(axis=-1) > 0.001  # [B, HW]
    sel = mask_exists.astype(jnp.float32) + 1e-11
    sel = sel / sel.sum(axis=1, keepdims=True)
    sel = jnp.log(sel)
    u = jax.random.uniform(jax.random.key(42), sel.shape, minval=1e-9, maxval=1.0)
    gumbel = -jnp.log(-jnp.log(u))
    _, mask_idx = jax.lax.top_k(sel + gumbel, NUM_SAMPLES)  # [B, S]

    sampled = jnp.take_along_axis(onehot, mask_idx[:, :, None], axis=1)  # [B, S, C]
    area = sampled.sum(axis=-1, keepdims=True)
    sampled = sampled / jnp.maximum(area, 1.0)
    return sampled, mask_idx

if __name__ == "__main__":
    import jax
    _d = setup_inputs()
    print(jax.jit(kernel)(*tuple(_d.values())))

</pallas_src>

<mosaic_0001>
#map = affine_map<(d0, d1) -> (0, 0, 0)>
#map1 = affine_map<(d0, d1) -> (0, 0)>
module attributes {stable_mosaic.version = 14 : i64} {
  func.func @_sc_body(%arg0: i32, %arg1: i32, %arg2: memref<4x512x512xi32, #tpu.memory_space<hbm>>, %arg3: memref<32x16xi32, #tpu.memory_space<hbm>>, %arg4: memref<64x144xf32, #tpu.memory_space<hbm>>, %arg5: memref<16xi32, #tpu.memory_space<vmem>>, %arg6: memref<2x32x128xi32, #tpu.memory_space<vmem>>, %arg7: memref<2304xi32, #tpu.memory_space<vmem>>, %arg8: memref<144xf32, #tpu.memory_space<vmem>>, %arg9: memref<!tpu.dma_semaphore, #tpu.memory_space<semaphore_mem>>) attributes {dimension_semantics = [#tpu.dimension_semantics<core_parallel>, #tpu.dimension_semantics<subcore_parallel>], iteration_bounds = array<i64: 2, 16>, scalar_prefetch = 0 : i64, scratch_operands = 5 : i64, tpu.core_type = #tpu.core_type<sc_vector_subcore>, window_params = [{transform_indices = #map}, {transform_indices = #map1}, {transform_indices = #map1}]} {
    %mul3A = arith.constant 16 : i32
    %mul3A_0 = arith.muli %arg0, %mul3A : i32
    %add3A = arith.addi %mul3A_0, %arg1 : i32
    "tpu.region"() ({
      %run_scoped3A = tpu.sem_alloc : memref<!tpu.dma_semaphore, #tpu.memory_space<semaphore_mem>>
      %dma_start3A_3113 = arith.constant 0 : i32
      %dma_start3A_3114 = tpu.memref_slice %arg3[%add3A, %dma_start3A_3113] : memref<32x16xi32, #tpu.memory_space<hbm>> -> memref<1x16xi32, #tpu.memory_space<hbm>>
      %dma_start3A_3115 = tpu.memref_squeeze %dma_start3A_3114 : memref<1x16xi32, #tpu.memory_space<hbm>> -> memref<16xi32, #tpu.memory_space<hbm>>
      %dma_start3A_3116 = arith.constant 0 : i32
      %dma_start3A_3117 = tpu.memref_slice %arg3[%add3A, %dma_start3A_3116] : memref<32x16xi32, #tpu.memory_space<hbm>> -> memref<1x16xi32, #tpu.memory_space<hbm>>
      %dma_start3A_3118 = tpu.memref_squeeze %dma_start3A_3117 : memref<1x16xi32, #tpu.memory_space<hbm>> -> memref<16xi32, #tpu.memory_space<hbm>>
      tpu.enqueue_dma source(%dma_start3A_3118 : memref<16xi32, #tpu.memory_space<hbm>>) target(%arg5 : memref<16xi32, #tpu.memory_space<vmem>>) target_semaphore(%run_scoped3A : memref<!tpu.dma_semaphore, #tpu.memory_space<semaphore_mem>>)
      %dma_wait3A_3119 = arith.constant 0 : i32
      %dma_wait3A_3120 = tpu.memref_slice %arg3[%add3A, %dma_wait3A_3119] : memref<32x16xi32, #tpu.memory_space<hbm>> -> memref<1x16xi32, #tpu.memory_space<hbm>>
      %dma_wait3A_3121 = tpu.memref_squeeze %dma_wait3A_3120 : memref<1x16xi32, #tpu.memory_space<hbm>> -> memref<16xi32, #tpu.memory_space<hbm>>
      %dma_wait3A_3122 = arith.constant 0 : i32
      %dma_wait3A_3123 = tpu.memref_slice %arg3[%add3A, %dma_wait3A_3122] : memref<32x16xi32, #tpu.memory_space<hbm>> -> memref<1x16xi32, #tpu.memory_space<hbm>>
      %dma_wait3A_3124 = tpu.memref_squeeze %dma_wait3A_3123 : memref<1x16xi32, #tpu.memory_space<hbm>> -> memref<16xi32, #tpu.memory_space<hbm>>
      tpu.wait_dma2 semaphore(%run_scoped3A : memref<!tpu.dma_semaphore, #tpu.memory_space<semaphore_mem>>) src(%dma_wait3A_3124 : memref<16xi32, #tpu.memory_space<hbm>>) dst(%arg5 : memref<16xi32, #tpu.memory_space<vmem>>)
      tpu.yield
    }) : () -> ()
    %get3A = arith.constant 0 : index
    %get3A_1 = tpu.vector_load %arg5[%get3A] {strides = array<i32>} : memref<16xi32, #tpu.memory_space<vmem>>, vector<16xi32>,
    %iota3A = tpu.iota {dimensions = array<i32: 0>} : vector<16xi32>
    %broadcast_in_dim3A = arith.constant 1 : i32
    %broadcast_in_dim3A_2 = vector.broadcast %broadcast_in_dim3A : i32 to vector<16xi32>
    %mul3A_3 = arith.constant 144 : i32
    %mul3A_4 = vector.broadcast %mul3A_3 : i32 to vector<16xi32>
    %mul3A_5 = arith.muli %iota3A, %mul3A_4 : vector<16xi32>
    %slice3A = vector.extract_strided_slice %get3A_1 {offsets = [0], sizes = [1], strides = [1]} : vector<16xi32> to vector<1xi32>
    %squeeze3A = vector.extract %slice3A[0] : i32 from vector<1xi32>
    %shift_right_arithmetic3A = arith.constant 8 : i32
    %shift_right_arithmetic3A_6 = arith.shrsi %squeeze3A, %shift_right_arithmetic3A : i32
    %and3A = arith.constant 255 : i32
    %and3A_7 = arith.andi %squeeze3A, %and3A : i32
    %and3A_8 = arith.constant 3 : i32
    %and3A_9 = arith.andi %and3A_7, %and3A_8 : i32
    %mul3A_10 = arith.constant 32 : i32
    %mul3A_11 = arith.muli %and3A_9, %mul3A_10 : i32
    %shift_right_arithmetic3A_12 = arith.constant 4 : i32
    %shift_right_arithmetic3A_13 = arith.shrsi %and3A_7, %shift_right_arithmetic3A_12 : i32
    %mul3A_14 = arith.constant 32 : i32
    %mul3A_15 = arith.muli %shift_right_arithmetic3A_13, %mul3A_14 : i32
    %and3A_16 = arith.constant 15 : i32
    %and3A_17 = arith.andi %and3A_7, %and3A_16 : i32
    %shift_right_arithmetic3A_18 = arith.constant 2 : i32
    %shift_right_arithmetic3A_19 = arith.shrsi %and3A_17, %shift_right_arithmetic3A_18 : i32
    %mul3A_20 = arith.constant 128 : i32
    %mul3A_21 = arith.muli %shift_right_arithmetic3A_19, %mul3A_20 : i32
    %dma_start3A = arith.constant 0 : i32
    %dma_start3A_22 = arith.constant 0 : i32
    %dma_start3A_23 = arith.constant 0 : i32
    %dma_start3A_24 = tpu.memref_slice %arg6[%dma_start3A, %dma_start3A_22, %dma_start3A_23] : memref<2x32x128xi32, #tpu.memory_space<vmem>> -> memref<1x32x128xi32, #tpu.memory_space<vmem>>
    %dma_start3A_25 = tpu.memref_squeeze %dma_start3A_24 : memref<1x32x128xi32, #tpu.memory_space<vmem>> -> memref<32x128xi32, #tpu.memory_space<vmem>>
    %dma_start3A_26 = tpu.memref_slice %arg2[%shift_right_arithmetic3A_6, %mul3A_15, %mul3A_21] : memref<4x512x512xi32, #tpu.memory_space<hbm>> -> memref<1x32x128xi32, #tpu.memory_space<hbm>>
    %dma_start3A_27 = tpu.memref_squeeze %dma_start3A_26 : memref<1x32x128xi32, #tpu.memory_space<hbm>> -> memref<32x128xi32, #tpu.memory_space<hbm>>
    %dma_start3A_28 = arith.constant 0 : i32
    %dma_start3A_29 = arith.constant 0 : i32
    %dma_start3A_30 = tpu.memref_slice %arg6[%dma_start3A, %dma_start3A_28, %dma_start3A_29] : memref<2x32x128xi32, #tpu.memory_space<vmem>> -> memref<1x32x128xi32, #tpu.memory_space<vmem>>
    %dma_start3A_31 = tpu.memref_squeeze %dma_start3A_30 : memref<1x32x128xi32, #tpu.memory_space<vmem>> -> memref<32x128xi32, #tpu.memory_space<vmem>>
    %dma_start3A_32 = tpu.memref_slice %arg2[%shift_right_arithmetic3A_6, %mul3A_15, %mul3A_21] : memref<4x512x512xi32, #tpu.memory_space<hbm>> -> memref<1x32x128xi32, #tpu.memory_space<hbm>>
    %dma_start3A_33 = tpu.memref_squeeze %dma_start3A_32 : memref<1x32x128xi32, #tpu.memory_space<hbm>> -> memref<32x128xi32, #tpu.memory_space<hbm>>
    tpu.enqueue_dma source(%dma_start3A_33 : memref<32x128xi32, #tpu.memory_space<hbm>>) target(%dma_start3A_31 : memref<32x128xi32, #tpu.memory_space<vmem>>) target_semaphore(%arg9 : memref<!tpu.dma_semaphore, #tpu.memory_space<semaphore_mem>>)
    %slice3A_34 = vector.extract_strided_slice %get3A_1 {offsets = [1], sizes = [1], strides = [1]} : vector<16xi32> to vector<1xi32>
    %squeeze3A_35 = vector.extract %slice3A_34[0] : i32 from vector<1xi32>
    %shift_right_arithmetic3A_36 = arith.constant 8 : i32
    %shift_right_arithmetic3A_37 = arith.shrsi %squeeze3A_35, %shift_right_arithmetic3A_36 : i32
    %and3A_38 = arith.constant 255 : i32
    %and3A_39 = arith.andi %squeeze3A_35, %and3A_38 : i32
    %and3A_40 = arith.constant 3 : i32
    %and3A_41 = arith.andi %and3A_39, %and3A_40 : i32
    %mul3A_42 = arith.constant 32 : i32
    %mul3A_43 = arith.muli %and3A_41, %mul3A_42 : i32
    %shift_right_arithmetic3A_44 = arith.constant 4 : i32
    %shift_right_arithmetic3A_45 = arith.shrsi %and3A_39, %shift_right_arithmetic3A_44 : i32
    %mul3A_46 = arith.constant 32 : i32
    %mul3A_47 = arith.muli %shift_right_arithmetic3A_45, %mul3A_46 : i32
    %and3A_48 = arith.constant 15 : i32
    %and3A_49 = arith.andi %and3A_39, %and3A_48 : i32
    %shift_right_arithmetic3A_50 = arith.constant 2 : i32
    %shift_right_arithmetic3A_51 = arith.shrsi %and3A_49, %shift_right_arithmetic3A_50 : i32
    %mul3A_52 = arith.constant 128 : i32
    %mul3A_53 = arith.muli %shift_right_arithmetic3A_51, %mul3A_52 : i32
    %dma_start3A_54 = arith.constant 1 : i32
    %dma_start3A_55 = arith.constant 0 : i32
    %dma_start3A_56 = arith.constant 0 : i32
    %dma_start3A_57 = tpu.memref_slice %arg6[%dma_start3A_54, %dma_start3A_55, %dma_start3A_56] : memref<2x32x128xi32, #tpu.memory_space<vmem>> -> memref<1x32x128xi32, #tpu.memory_space<vmem>>
    %dma_start3A_58 = tpu.memref_squeeze %dma_start3A_57 : memref<1x32x128xi32, #tpu.memory_space<vmem>> -> memref<32x128xi32, #tpu.memory_space<vmem>>
    %dma_start3A_59 = tpu.memref_slice %arg2[%shift_right_arithmetic3A_37, %mul3A_47, %mul3A_53] : memref<4x512x512xi32, #tpu.memory_space<hbm>> -> memref<1x32x128xi32, #tpu.memory_space<hbm>>
    %dma_start3A_60 = tpu.memref_squeeze %dma_start3A_59 : memref<1x32x128xi32, #tpu.memory_space<hbm>> -> memref<32x128xi32, #tpu.memory_space<hbm>>
    %dma_start3A_61 = arith.constant 0 : i32
    %dma_start3A_62 = arith.constant 0 : i32
    %dma_start3A_63 = tpu.memref_slice %arg6[%dma_start3A_54, %dma_start3A_61, %dma_start3A_62] : memref<2x32x128xi32, #tpu.memory_space<vmem>> -> memref<1x32x128xi32, #tpu.memory_space<vmem>>
    %dma_start3A_64 = tpu.memref_squeeze %dma_start3A_63 : memref<1x32x128xi32, #tpu.memory_space<vmem>> -> memref<32x128xi32, #tpu.memory_space<vmem>>
    %dma_start3A_65 = tpu.memref_slice %arg2[%shift_right_arithmetic3A_37, %mul3A_47, %mul3A_53] : memref<4x512x512xi32, #tpu.memory_space<hbm>> -> memref<1x32x128xi32, #tpu.memory_space<hbm>>
    %dma_start3A_66 = tpu.memref_squeeze %dma_start3A_65 : memref<1x32x128xi32, #tpu.memory_space<hbm>> -> memref<32x128xi32, #tpu.memory_space<hbm>>
    tpu.enqueue_dma source(%dma_start3A_66 : memref<32x128xi32, #tpu.memory_space<hbm>>) target(%dma_start3A_64 : memref<32x128xi32, #tpu.memory_space<vmem>>) target_semaphore(%arg9 : memref<!tpu.dma_semaphore, #tpu.memory_space<semaphore_mem>>)
    %broadcast_in_dim3A_67 = arith.constant 0 : i32
    %broadcast_in_dim3A_68 = vector.broadcast %broadcast_in_dim3A_67 : i32 to vector<16xi32>
    %swap3A = arith.constant 0 : index
    %swap3A_69 = tpu.vector_load %arg7[%swap3A] {strides = array<i32>} : memref<2304xi32, #tpu.memory_space<vmem>>, vector<16xi32>,
    tpu.vector_store %arg7[%swap3A], %broadcast_in_dim3A_68 {strides = array<i32>} : memref<2304xi32, #tpu.memory_space<vmem>>, vector<16xi32>,
    %swap3A_70 = arith.constant 16 : index
    %swap3A_71 = tpu.vector_load %arg7[%swap3A_70] {strides = array<i32>} : memref<2304xi32, #tpu.memory_space<vmem>>, vector<16xi32>,
    tpu.vector_store %arg7[%swap3A_70], %broadcast_in_dim3A_68 {strides = array<i32>} : memref<2304xi32, #tpu.memory_space<vmem>>, vector<16xi32>,
    %swap3A_72 = arith.constant 32 : index
    %swap3A_73 = tpu.vector_load %arg7[%swap3A_72] {strides = array<i32>} : memref<2304xi32, #tpu.memory_space<vmem>>, vector<16xi32>,
    tpu.vector_store %arg7[%swap3A_72], %broadcast_in_dim3A_68 {strides = array<i32>} : memref<2304xi32, #tpu.memory_space<vmem>>, vector<16xi32>,
    %swap3A_74 = arith.constant 48 : index
    %swap3A_75 = tpu.vector_load %arg7[%swap3A_74] {strides = array<i32>} : memref<2304xi32, #tpu.memory_space<vmem>>, vector<16xi32>,
    tpu.vector_store %arg7[%swap3A_74], %broadcast_in_dim3A_68 {strides = array<i32>} : memref<2304xi32, #tpu.memory_space<vmem>>, vector<16xi32>,
    %swap3A_76 = arith.constant 64 : index
    %swap3A_77 = tpu.vector_load %arg7[%swap3A_76] {strides = array<i32>} : memref<2304xi32, #tpu.memory_space<vmem>>, vector<16xi32>,
    tpu.vector_store %arg7[%swap3A_76], %broadcast_in_dim3A_68 {strides = array<i32>} : memref<2304xi32, #tpu.memory_space<vmem>>, vector<16xi32>,
    %swap3A_78 = arith.constant 80 : index
    %swap3A_79 = tpu.vector_load %arg7[%swap3A_78] {strides = array<i32>} : memref<2304xi32, #tpu.memory_space<vmem>>, vector<16xi32>,
    tpu.vector_store %arg7[%swap3A_78], %broadcast_in_dim3A_68 {strides = array<i32>} : memref<2304xi32, #tpu.memory_space<vmem>>, vector<16xi32>,
    %swap3A_80 = arith.constant 96 : index
    %swap3A_81 = tpu.vector_load %arg7[%swap3A_80] {strides = array<i32>} : memref<2304xi32, #tpu.memory_space<vmem>>, vector<16xi32>,
    tpu.vector_store %arg7[%swap3A_80], %broadcast_in_dim3A_68 {strides = array<i32>} : memref<2304xi32, #tpu.memory_space<vmem>>, vector<16xi32>,
    %swap3A_82 = arith.constant 112 : index
    %swap3A_83 = tpu.vector_load %arg7[%swap3A_82] {strides = array<i32>} : memref<2304xi32, #tpu.memory_space<vmem>>, vector<16xi32>,
    tpu.vector_store %arg7[%swap3A_82], %broadcast_in_dim3A_68 {strides = array<i32>} : memref<2304xi32, #tpu.memory_space<vmem>>, vector<16xi32>,
    %swap3A_84 = arith.constant 128 : index
    %swap3A_85 = tpu.vector_load %arg7[%swap3A_84] {strides = array<i32>} : memref<2304xi32, #tpu.memory_space<vmem>>, vector<16xi32>,
    tpu.vector_store %arg7[%swap3A_84], %broadcast_in_dim3A_68 {strides = array<i32>} : memref<2304xi32, #tpu.memory_space<vmem>>, vector<16xi32>,
    %swap3A_86 = arith.constant 144 : index
    %swap3A_87 = tpu.vector_load %arg7[%swap3A_86] {strides = array<i32>} : memref<2304xi32, #tpu.memory_space<vmem>>, vector<16xi32>,
    tpu.vector_store %arg7[%swap3A_86], %broadcast_in_dim3A_68 {strides = array<i32>} : memref<2304xi32, #tpu.memory_space<vmem>>, vector<16xi32>,
    %swap3A_88 = arith.constant 160 : index
    %swap3A_89 = tpu.vector_load %arg7[%swap3A_88] {strides = array<i32>} : memref<2304xi32, #tpu.memory_space<vmem>>, vector<16xi32>,
    tpu.vector_store %arg7[%swap3A_88], %broadcast_in_dim3A_68 {strides = array<i32>} : memref<2304xi32, #tpu.memory_space<vmem>>, vector<16xi32>,
    %swap3A_90 = arith.constant 176 : index
    %swap3A_91 = tpu.vector_load %arg7[%swap3A_90] {strides = array<i32>} : memref<2304xi32, #tpu.memory_space<vmem>>, vector<16xi32>,
    tpu.vector_store %arg7[%swap3A_90], %broadcast_in_dim3A_68 {strides = array<i32>} : memref<2304xi32, #tpu.memory_space<vmem>>, vector<16xi32>,
    %swap3A_92 = arith.constant 192 : index
    %swap3A_93 = tpu.vector_load %arg7[%swap3A_92] {strides = array<i32>} : memref<2304xi32, #tpu.memory_space<vmem>>, vector<16xi32>,
    tpu.vector_store %arg7[%swap3A_92], %broadcast_in_dim3A_68 {strides = array<i32>} : memref<2304xi32, #tpu.memory_space<vmem>>, vector<16xi32>,
    %swap3A_94 = arith.constant 208 : index
    %swap3A_95 = tpu.vector_load %arg7[%swap3A_94] {strides = array<i32>} : memref<2304xi32, #tpu.memory_space<vmem>>, vector<16xi32>,
    tpu.vector_store %arg7[%swap3A_94], %broadcast_in_dim3A_68 {strides = array<i32>} : memref<2304xi32, #tpu.memory_space<vmem>>, vector<16xi32>,
    %swap3A_96 = arith.constant 224 : index
    %swap3A_97 = tpu.vector_load %arg7[%swap3A_96] {strides = array<i32>} : memref<2304xi32, #tpu.memory_space<vmem>>, vector<16xi32>,
    tpu.vector_store %arg7[%swap3A_96], %broadcast_in_dim3A_68 {strides = array<i32>} : memref<2304xi32, #tpu.memory_space<vmem>>, vector<16xi32>,
    %swap3A_98 = arith.constant 240 : index
    %swap3A_99 = tpu.vector_load %arg7[%swap3A_98] {strides = array<i32>} : memref<2304xi32, #tpu.memory_space<vmem>>, vector<16xi32>,
    tpu.vector_store %arg7[%swap3A_98], %broadcast_in_dim3A_68 {strides = array<i32>} : memref<2304xi32, #tpu.memory_space<vmem>>, vector<16xi32>,
    %swap3A_100 = arith.constant 256 : index
    %swap3A_101 = tpu.vector_load %arg7[%swap3A_100] {strides = array<i32>} : memref<2304xi32, #tpu.memory_space<vmem>>, vector<16xi32>,
    tpu.vector_store %arg7[%swap3A_100], %broadcast_in_dim3A_68 {strides = array<i32>} : memref<2304xi32, #tpu.memory_space<vmem>>, vector<16xi32>,
    %swap3A_102 = arith.constant 272 : index
    %swap3A_103 = tpu.vector_load %arg7[%swap3A_102] {strides = array<i32>} : memref<2304xi32, #tpu.memory_space<vmem>>, vector<16xi32>,
    tpu.vector_store %arg7[%swap3A_102], %broadcast_in_dim3A_68 {strides = array<i32>} : memref<2304xi32, #tpu.memory_space<vmem>>, vector<16xi32>,
    %swap3A_104 = arith.constant 288 : index
    %swap3A_105 = tpu.vector_load %arg7[%swap3A_104] {strides = array<i32>} : memref<2304xi32, #tpu.memory_space<vmem>>, vector<16xi32>,
    tpu.vector_store %arg7[%swap3A_104], %broadcast_in_dim3A_68 {strides = array<i32>} : memref<2304xi32, #tpu.memory_space<vmem>>, vector<16xi32>,
    %swap3A_106 = arith.constant 304 : index
    %swap3A_107 = tpu.vector_load %arg7[%swap3A_106] {strides = array<i32>} : memref<2304xi32, #tpu.memory_space<vmem>>, vector<16xi32>,
    tpu.vector_store %arg7[%swap3A_106], %broadcast_in_dim3A_68 {strides = array<i32>} : memref<2304xi32, #tpu.memory_space<vmem>>, vector<16xi32>,
    %swap3A_108 = arith.constant 320 : index
    %swap3A_109 = tpu.vector_load %arg7[%swap3A_108] {strides = array<i32>} : memref<2304xi32, #tpu.memory_space<vmem>>, vector<16xi32>,
    tpu.vector_store %arg7[%swap3A_108], %broadcast_in_dim3A_68 {strides = array<i32>} : memref<2304xi32, #tpu.memory_space<vmem>>, vector<16xi32>,
    %swap3A_110 = arith.constant 336 : index
    %swap3A_111 = tpu.vector_load %arg7[%swap3A_110] {strides = array<i32>} : memref<2304xi32, #tpu.memory_space<vmem>>, vector<16xi32>,
    tpu.vector_store %arg7[%swap3A_110], %broadcast_in_dim3A_68 {strides = array<i32>} : memref<2304xi32, #tpu.memory_space<vmem>>, vector<16xi32>,
    %swap3A_112 = arith.constant 352 : index
    %swap3A_113 = tpu.vector_load %arg7[%swap3A_112] {strides = array<i32>} : memref<2304xi32, #tpu.memory_space<vmem>>, vector<16xi32>,
    tpu.vector_store %arg7[%swap3A_112], %broadcast_in_dim3A_68 {strides = array<i32>} : memref<2304xi32, #tpu.memory_space<vmem>>, vector<16xi32>,
    %swap3A_114 = arith.constant 368 : index
    %swap3A_115 = tpu.vector_load %arg7[%swap3A_114] {strides = array<i32>} : memref<2304xi32, #tpu.memory_space<vmem>>, vector<16xi32>,
    tpu.vector_store %arg7[%swap3A_114], %broadcast_in_dim3A_68 {strides = array<i32>} : memref<2304xi32, #tpu.memory_space<vmem>>, vector<16xi32>,
    %swap3A_116 = arith.constant 384 : index
    %swap3A_117 = tpu.vector_load %arg7[%swap3A_116] {strides = array<i32>} : memref<2304xi32, #tpu.memory_space<vmem>>, vector<16xi32>,
    tpu.vector_store %arg7[%swap3A_116], %broadcast_in_dim3A_68 {strides = array<i32>} : memref<2304xi32, #tpu.memory_space<vmem>>, vector<16xi32>,
    %swap3A_118 = arith.constant 400 : index
    %swap3A_119 = tpu.vector_load %arg7[%swap3A_118] {strides = array<i32>} : memref<2304xi32, #tpu.memory_space<vmem>>, vector<16xi32>,
    tpu.vector_store %arg7[%swap3A_118], %broadcast_in_dim3A_68 {strides = array<i32>} : memref<2304xi32, #tpu.memory_space<vmem>>, vector<16xi32>,
    %swap3A_120 = arith.constant 416 : index
    %swap3A_121 = tpu.vector_load %arg7[%swap3A_120] {strides = array<i32>} : memref<2304xi32, #tpu.memory_space<vmem>>, vector<16xi32>,
    tpu.vector_store %arg7[%swap3A_120], %broadcast_in_dim3A_68 {strides = array<i32>} : memref<2304xi32, #tpu.memory_space<vmem>>, vector<16xi32>,
    %swap3A_122 = arith.constant 432 : index
    %swap3A_123 = tpu.vector_load %arg7[%swap3A_122] {strides = array<i32>} : memref<2304xi32, #tpu.memory_space<vmem>>, vector<16xi32>,
    tpu.vector_store %arg7[%swap3A_122], %broadcast_in_dim3A_68 {strides = array<i32>} : memref<2304xi32, #tpu.memory_space<vmem>>, vector<16xi32>,
    %swap3A_124 = arith.constant 448 : index
    %swap3A_125 = tpu.vector_load %arg7[%swap3A_124] {strides = array<i32>} : memref<2304xi32, #tpu.memory_space<vmem>>, vector<16xi32>,
    tpu.vector_store %arg7[%swap3A_124], %broadcast_in_dim3A_68 {strides = array<i32>} : memref<2304xi32, #tpu.memory_space<vmem>>, vector<16xi32>,
    %swap3A_126 = arith.constant 464 : index
    %swap3A_127 = tpu.vector_load %arg7[%swap3A_126] {strides = array<i32>} : memref<2304xi32, #tpu.memory_space<vmem>>, vector<16xi32>,
    tpu.vector_store %arg7[%swap3A_126], %broadcast_in_dim3A_68 {strides = array<i32>} : memref<2304xi32, #tpu.memory_space<vmem>>, vector<16xi32>,
    %swap3A_128 = arith.constant 480 : index
    %swap3A_129 = tpu.vector_load %arg7[%swap3A_128] {strides = array<i32>} : memref<2304xi32, #tpu.memory_space<vmem>>, vector<16xi32>,
    tpu.vector_store %arg7[%swap3A_128], %broadcast_in_dim3A_68 {strides = array<i32>} : memref<2304xi32, #tpu.memory_space<vmem>>, vector<16xi32>,
    %swap3A_130 = arith.constant 496 : index
    %swap3A_131 = tpu.vector_load %arg7[%swap3A_130] {strides = array<i32>} : memref<2304xi32, #tpu.memory_space<vmem>>, vector<16xi32>,
    tpu.vector_store %arg7[%swap3A_130], %broadcast_in_dim3A_68 {strides = array<i32>} : memref<2304xi32, #tpu.memory_space<vmem>>, vector<16xi32>,
    %swap3A_132 = arith.constant 512 : index
    %swap3A_133 = tpu.vector_load %arg7[%swap3A_132] {strides = array<i32>} : memref<2304xi32, #tpu.memory_space<vmem>>, vector<16xi32>,
    tpu.vector_store %arg7[%swap3A_132], %broadcast_in_dim3A_68 {strides = array<i32>} : memref<2304xi32, #tpu.memory_space<vmem>>, vector<16xi32>,
    %swap3A_134 = arith.constant 528 : index
    %swap3A_135 = tpu.vector_load %arg7[%swap3A_134] {strides = array<i32>} : memref<2304xi32, #tpu.memory_space<vmem>>, vector<16xi32>,
    tpu.vector_store %arg7[%swap3A_134], %broadcast_in_dim3A_68 {strides = array<i32>} : memref<2304xi32, #tpu.memory_space<vmem>>, vector<16xi32>,
    %swap3A_136 = arith.constant 544 : index
    %swap3A_137 = tpu.vector_load %arg7[%swap3A_136] {strides = array<i32>} : memref<2304xi32, #tpu.memory_space<vmem>>, vector<16xi32>,
    tpu.vector_store %arg7[%swap3A_136], %broadcast_in_dim3A_68 {strides = array<i32>} : memref<2304xi32, #tpu.memory_space<vmem>>, vector<16xi32>,
    %swap3A_138 = arith.constant 560 : index
    %swap3A_139 = tpu.vector_load %arg7[%swap3A_138] {strides = array<i32>} : memref<2304xi32, #tpu.memory_space<vmem>>, vector<16xi32>,
    tpu.vector_store %arg7[%swap3A_138], %broadcast_in_dim3A_68 {strides = array<i32>} : memref<2304xi32, #tpu.memory_space<vmem>>, vector<16xi32>,
    %swap3A_140 = arith.constant 576 : index
    %swap3A_141 = tpu.vector_load %arg7[%swap3A_140] {strides = array<i32>} : memref<2304xi32, #tpu.memory_space<vmem>>, vector<16xi32>,
    tpu.vector_store %arg7[%swap3A_140], %broadcast_in_dim3A_68 {strides = array<i32>} : memref<2304xi32, #tpu.memory_space<vmem>>, vector<16xi32>,
    %swap3A_142 = arith.constant 592 : index
    %swap3A_143 = tpu.vector_load %arg7[%swap3A_142] {strides = array<i32>} : memref<2304xi32, #tpu.memory_space<vmem>>, vector<16xi32>,
    tpu.vector_store %arg7[%swap3A_142], %broadcast_in_dim3A_68 {strides = array<i32>} : memref<2304xi32, #tpu.memory_space<vmem>>, vector<16xi32>,
    %swap3A_144 = arith.constant 608 : index
    %swap3A_145 = tpu.vector_load %arg7[%swap3A_144] {strides = array<i32>} : memref<2304xi32, #tpu.memory_space<vmem>>, vector<16xi32>,
    tpu.vector_store %arg7[%swap3A_144], %broadcast_in_dim3A_68 {strides = array<i32>} : memref<2304xi32, #tpu.memory_space<vmem>>, vector<16xi32>,
    %swap3A_146 = arith.constant 624 : index
    %swap3A_147 = tpu.vector_load %arg7[%swap3A_146] {strides = array<i32>} : memref<2304xi32, #tpu.memory_space<vmem>>, vector<16xi32>,
    tpu.vector_store %arg7[%swap3A_146], %broadcast_in_dim3A_68 {strides = array<i32>} : memref<2304xi32, #tpu.memory_space<vmem>>, vector<16xi32>,
    %swap3A_148 = arith.constant 640 : index
    %swap3A_149 = tpu.vector_load %arg7[%swap3A_148] {strides = array<i32>} : memref<2304xi32, #tpu.memory_space<vmem>>, vector<16xi32>,
    tpu.vector_store %arg7[%swap3A_148], %broadcast_in_dim3A_68 {strides = array<i32>} : memref<2304xi32, #tpu.memory_space<vmem>>, vector<16xi32>,
    %swap3A_150 = arith.constant 656 : index
    %swap3A_151 = tpu.vector_load %arg7[%swap3A_150] {strides = array<i32>} : memref<2304xi32, #tpu.memory_space<vmem>>, vector<16xi32>,
    tpu.vector_store %arg7[%swap3A_150], %broadcast_in_dim3A_68 {strides = array<i32>} : memref<2304xi32, #tpu.memory_space<vmem>>, vector<16xi32>,
    %swap3A_152 = arith.constant 672 : index
    %swap3A_153 = tpu.vector_load %arg7[%swap3A_152] {strides = array<i32>} : memref<2304xi32, #tpu.memory_space<vmem>>, vector<16xi32>,
    tpu.vector_store %arg7[%swap3A_152], %broadcast_in_dim3A_68 {strides = array<i32>} : memref<2304xi32, #tpu.memory_space<vmem>>, vector<16xi32>,
    %swap3A_154 = arith.constant 688 : index
    %swap3A_155 = tpu.vector_load %arg7[%swap3A_154] {strides = array<i32>} : memref<2304xi32, #tpu.memory_space<vmem>>, vector<16xi32>,
    tpu.vector_store %arg7[%swap3A_154], %broadcast_in_dim3A_68 {strides = array<i32>} : memref<2304xi32, #tpu.memory_space<vmem>>, vector<16xi32>,
    %swap3A_156 = arith.constant 704 : index
    %swap3A_157 = tpu.vector_load %arg7[%swap3A_156] {strides = array<i32>} : memref<2304xi32, #tpu.memory_space<vmem>>, vector<16xi32>,
    tpu.vector_store %arg7[%swap3A_156], %broadcast_in_dim3A_68 {strides = array<i32>} : memref<2304xi32, #tpu.memory_space<vmem>>, vector<16xi32>,
    %swap3A_158 = arith.constant 720 : index
    %swap3A_159 = tpu.vector_load %arg7[%swap3A_158] {strides = array<i32>} : memref<2304xi32, #tpu.memory_space<vmem>>, vector<16xi32>,
    tpu.vector_store %arg7[%swap3A_158], %broadcast_in_dim3A_68 {strides = array<i32>} : memref<2304xi32, #tpu.memory_space<vmem>>, vector<16xi32>,
    %swap3A_160 = arith.constant 736 : index
    %swap3A_161 = tpu.vector_load %arg7[%swap3A_160] {strides = array<i32>} : memref<2304xi32, #tpu.memory_space<vmem>>, vector<16xi32>,
    tpu.vector_store %arg7[%swap3A_160], %broadcast_in_dim3A_68 {strides = array<i32>} : memref<2304xi32, #tpu.memory_space<vmem>>, vector<16xi32>,
    %swap3A_162 = arith.constant 752 : index
    %swap3A_163 = tpu.vector_load %arg7[%swap3A_162] {strides = array<i32>} : memref<2304xi32, #tpu.memory_space<vmem>>, vector<16xi32>,
    tpu.vector_store %arg7[%swap3A_162], %broadcast_in_dim3A_68 {strides = array<i32>} : memref<2304xi32, #tpu.memory_space<vmem>>, vector<16xi32>,
    %swap3A_164 = arith.constant 768 : index
    %swap3A_165 = tpu.vector_load %arg7[%swap3A_164] {strides = array<i32>} : memref<2304xi32, #tpu.memory_space<vmem>>, vector<16xi32>,
    tpu.vector_store %arg7[%swap3A_164], %broadcast_in_dim3A_68 {strides = array<i32>} : memref<2304xi32, #tpu.memory_space<vmem>>, vector<16xi32>,
    %swap3A_166 = arith.constant 784 : index
    %swap3A_167 = tpu.vector_load %arg7[%swap3A_166] {strides = array<i32>} : memref<2304xi32, #tpu.memory_space<vmem>>, vector<16xi32>,
    tpu.vector_store %arg7[%swap3A_166], %broadcast_in_dim3A_68 {strides = array<i32>} : memref<2304xi32, #tpu.memory_space<vmem>>, vector<16xi32>,
    %swap3A_168 = arith.constant 800 : index
    %swap3A_169 = tpu.vector_load %arg7[%swap3A_168] {strides = array<i32>} : memref<2304xi32, #tpu.memory_space<vmem>>, vector<16xi32>,
    tpu.vector_store %arg7[%swap3A_168], %broadcast_in_dim3A_68 {strides = array<i32>} : memref<2304xi32, #tpu.memory_space<vmem>>, vector<16xi32>,
    %swap3A_170 = arith.constant 816 : index
    %swap3A_171 = tpu.vector_load %arg7[%swap3A_170] {strides = array<i32>} : memref<2304xi32, #tpu.memory_space<vmem>>, vector<16xi32>,
    tpu.vector_store %arg7[%swap3A_170], %broadcast_in_dim3A_68 {strides = array<i32>} : memref<2304xi32, #tpu.memory_space<vmem>>, vector<16xi32>,
    %swap3A_172 = arith.constant 832 : index
    %swap3A_173 = tpu.vector_load %arg7[%swap3A_172] {strides = array<i32>} : memref<2304xi32, #tpu.memory_space<vmem>>, vector<16xi32>,
    tpu.vector_store %arg7[%swap3A_172], %broadcast_in_dim3A_68 {strides = array<i32>} : memref<2304xi32, #tpu.memory_space<vmem>>, vector<16xi32>,
    %swap3A_174 = arith.constant 848 : index
    %swap3A_175 = tpu.vector_load %arg7[%swap3A_174] {strides = array<i32>} : memref<2304xi32, #tpu.memory_space<vmem>>, vector<16xi32>,
    tpu.vector_store %arg7[%swap3A_174], %broadcast_in_dim3A_68 {strides = array<i32>} : memref<2304xi32, #tpu.memory_space<vmem>>, vector<16xi32>,
    %swap3A_176 = arith.constant 864 : index
    %swap3A_177 = tpu.vector_load %arg7[%swap3A_176] {strides = array<i32>} : memref<2304xi32, #tpu.memory_space<vmem>>, vector<16xi32>,
    tpu.vector_store %arg7[%swap3A_176], %broadcast_in_dim3A_68 {strides = array<i32>} : memref<2304xi32, #tpu.memory_space<vmem>>, vector<16xi32>,
    %swap3A_178 = arith.constant 880 : index
    %swap3A_179 = tpu.vector_load %arg7[%swap3A_178] {strides = array<i32>} : memref<2304xi32, #tpu.memory_space<vmem>>, vector<16xi32>,
    tpu.vector_store %arg7[%swap3A_178], %broadcast_in_dim3A_68 {strides = array<i32>} : memref<2304xi32, #tpu.memory_space<vmem>>, vector<16xi32>,
    %swap3A_180 = arith.constant 896 : index
    %swap3A_181 = tpu.vector_load %arg7[%swap3A_180] {strides = array<i32>} : memref<2304xi32, #tpu.memory_space<vmem>>, vector<16xi32>,
    tpu.vector_store %arg7[%swap3A_180], %broadcast_in_dim3A_68 {strides = array<i32>} : memref<2304xi32, #tpu.memory_space<vmem>>, vector<16xi32>,
    %swap3A_182 = arith.constant 912 : index
    %swap3A_183 = tpu.vector_load %arg7[%swap3A_182] {strides = array<i32>} : memref<2304xi32, #tpu.memory_space<vmem>>, vector<16xi32>,
    tpu.vector_store %arg7[%swap3A_182], %broadcast_in_dim3A_68 {strides = array<i32>} : memref<2304xi32, #tpu.memory_space<vmem>>, vector<16xi32>,
    %swap3A_184 = arith.constant 928 : index
    %swap3A_185 = tpu.vector_load %arg7[%swap3A_184] {strides = array<i32>} : memref<2304xi32, #tpu.memory_space<vmem>>, vector<16xi32>,
    tpu.vector_store %arg7[%swap3A_184], %broadcast_in_dim3A_68 {strides = array<i32>} : memref<2304xi32, #tpu.memory_space<vmem>>, vector<16xi32>,
    %swap3A_186 = arith.constant 944 : index
    %swap3A_187 = tpu.vector_load %arg7[%swap3A_186] {strides = array<i32>} : memref<2304xi32, #tpu.memory_space<vmem>>, vector<16xi32>,
    tpu.vector_store %arg7[%swap3A_186], %broadcast_in_dim3A_68 {strides = array<i32>} : memref<2304xi32, #tpu.memory_space<vmem>>, vector<16xi32>,
    %swap3A_188 = arith.constant 960 : index
    %swap3A_189 = tpu.vector_load %arg7[%swap3A_188] {strides = array<i32>} : memref<2304xi32, #tpu.memory_space<vmem>>, vector<16xi32>,
    tpu.vector_store %arg7[%swap3A_188], %broadcast_in_dim3A_68 {strides = array<i32>} : memref<2304xi32, #tpu.memory_space<vmem>>, vector<16xi32>,
    %swap3A_190 = arith.constant 976 : index
    %swap3A_191 = tpu.vector_load %arg7[%swap3A_190] {strides = array<i32>} : memref<2304xi32, #tpu.memory_space<vmem>>, vector<16xi32>,
    tpu.vector_store %arg7[%swap3A_190], %broadcast_in_dim3A_68 {strides = array<i32>} : memref<2304xi32, #tpu.memory_space<vmem>>, vector<16xi32>,
    %swap3A_192 = arith.constant 992 : index
    %swap3A_193 = tpu.vector_load %arg7[%swap3A_192] {strides = array<i32>} : memref<2304xi32, #tpu.memory_space<vmem>>, vector<16xi32>,
    tpu.vector_store %arg7[%swap3A_192], %broadcast_in_dim3A_68 {strides = array<i32>} : memref<2304xi32, #tpu.memory_space<vmem>>, vector<16xi32>,
    %swap3A_194 = arith.constant 1008 : index
    %swap3A_195 = tpu.vector_load %arg7[%swap3A_194] {strides = array<i32>} : memref<2304xi32, #tpu.memory_space<vmem>>, vector<16xi32>,
    tpu.vector_store %arg7[%swap3A_194], %broadcast_in_dim3A_68 {strides = array<i32>} : memref<2304xi32, #tpu.memory_space<vmem>>, vector<16xi32>,
    %swap3A_196 = arith.constant 1024 : index
    %swap3A_197 = tpu.vector_load %arg7[%swap3A_196] {strides = array<i32>} : memref<2304xi32, #tpu.memory_space<vmem>>, vector<16xi32>,
    tpu.vector_store %arg7[%swap3A_196], %broadcast_in_dim3A_68 {strides = array<i32>} : memref<2304xi32, #tpu.memory_space<vmem>>, vector<16xi32>,
    %swap3A_198 = arith.constant 1040 : index
    %swap3A_199 = tpu.vector_load %arg7[%swap3A_198] {strides = array<i32>} : memref<2304xi32, #tpu.memory_space<vmem>>, vector<16xi32>,
    tpu.vector_store %arg7[%swap3A_198], %broadcast_in_dim3A_68 {strides = array<i32>} : memref<2304xi32, #tpu.memory_space<vmem>>, vector<16xi32>,
    %swap3A_200 = arith.constant 1056 : index
    %swap3A_201 = tpu.vector_load %arg7[%swap3A_200] {strides = array<i32>} : memref<2304xi32, #tpu.memory_space<vmem>>, vector<16xi32>,
    tpu.vector_store %arg7[%swap3A_200], %broadcast_in_dim3A_68 {strides = array<i32>} : memref<2304xi32, #tpu.memory_space<vmem>>, vector<16xi32>,
    %swap3A_202 = arith.constant 1072 : index
    %swap3A_203 = tpu.vector_load %arg7[%swap3A_202] {strides = array<i32>} : memref<2304xi32, #tpu.memory_space<vmem>>, vector<16xi32>,
    tpu.vector_store %arg7[%swap3A_202], %broadcast_in_dim3A_68 {strides = array<i32>} : memref<2304xi32, #tpu.memory_space<vmem>>, vector<16xi32>,
    %swap3A_204 = arith.constant 1088 : index
    %swap3A_205 = tpu.vector_load %arg7[%swap3A_204] {strides = array<i32>} : memref<2304xi32, #tpu.memory_space<vmem>>, vector<16xi32>,
    tpu.vector_store %arg7[%swap3A_204], %broadcast_in_dim3A_68 {strides = array<i32>} : memref<2304xi32, #tpu.memory_space<vmem>>, vector<16xi32>,
    %swap3A_206 = arith.constant 1104 : index
    %swap3A_207 = tpu.vector_load %arg7[%swap3A_206] {strides = array<i32>} : memref<2304xi32, #tpu.memory_space<vmem>>, vector<16xi32>,
    tpu.vector_store %arg7[%swap3A_206], %broadcast_in_dim3A_68 {strides = array<i32>} : memref<2304xi32, #tpu.memory_space<vmem>>, vector<16xi32>,
    %swap3A_208 = arith.constant 1120 : index
    %swap3A_209 = tpu.vector_load %arg7[%swap3A_208] {strides = array<i32>} : memref<2304xi32, #tpu.memory_space<vmem>>, vector<16xi32>,
    tpu.vector_store %arg7[%swap3A_208], %broadcast_in_dim3A_68 {strides = array<i32>} : memref<2304xi32, #tpu.memory_space<vmem>>, vector<16xi32>,
    %swap3A_210 = arith.constant 1136 : index
    %swap3A_211 = tpu.vector_load %arg7[%swap3A_210] {strides = array<i32>} : memref<2304xi32, #tpu.memory_space<vmem>>, vector<16xi32>,
    tpu.vector_store %arg7[%swap3A_210], %broadcast_in_dim3A_68 {strides = array<i32>} : memref<2304xi32, #tpu.memory_space<vmem>>, vector<16xi32>,
    %swap3A_212 = arith.constant 1152 : index
    %swap3A_213 = tpu.vector_load %arg7[%swap3A_212] {strides = array<i32>} : memref<2304xi32, #tpu.memory_space<vmem>>, vector<16xi32>,
    tpu.vector_store %arg7[%swap3A_212], %broadcast_in_dim3A_68 {strides = array<i32>} : memref<2304xi32, #tpu.memory_space<vmem>>, vector<16xi32>,
    %swap3A_214 = arith.constant 1168 : index
    %swap3A_215 = tpu.vector_load %arg7[%swap3A_214] {strides = array<i32>} : memref<2304xi32, #tpu.memory_space<vmem>>, vector<16xi32>,
    tpu.vector_store %arg7[%swap3A_214], %broadcast_in_dim3A_68 {strides = array<i32>} : memref<2304xi32, #tpu.memory_space<vmem>>, vector<16xi32>,
    %swap3A_216 = arith.constant 1184 : index
    %swap3A_217 = tpu.vector_load %arg7[%swap3A_216] {strides = array<i32>} : memref<2304xi32, #tpu.memory_space<vmem>>, vector<16xi32>,
    tpu.vector_store %arg7[%swap3A_216], %broadcast_in_dim3A_68 {strides = array<i32>} : memref<2304xi32, #tpu.memory_space<vmem>>, vector<16xi32>,
    %swap3A_218 = arith.constant 1200 : index
    %swap3A_219 = tpu.vector_load %arg7[%swap3A_218] {strides = array<i32>} : memref<2304xi32, #tpu.memory_space<vmem>>, vector<16xi32>,
    tpu.vector_store %arg7[%swap3A_218], %broadcast_in_dim3A_68 {strides = array<i32>} : memref<2304xi32, #tpu.memory_space<vmem>>, vector<16xi32>,
    %swap3A_220 = arith.constant 1216 : index
    %swap3A_221 = tpu.vector_load %arg7[%swap3A_220] {strides = array<i32>} : memref<2304xi32, #tpu.memory_space<vmem>>, vector<16xi32>,
    tpu.vector_store %arg7[%swap3A_220], %broadcast_in_dim3A_68 {strides = array<i32>} : memref<2304xi32, #tpu.memory_space<vmem>>, vector<16xi32>,
    %swap3A_222 = arith.constant 1232 : index
    %swap3A_223 = tpu.vector_load %arg7[%swap3A_222] {strides = array<i32>} : memref<2304xi32, #tpu.memory_space<vmem>>, vector<16xi32>,
    tpu.vector_store %arg7[%swap3A_222], %broadcast_in_dim3A_68 {strides = array<i32>} : memref<2304xi32, #tpu.memory_space<vmem>>, vector<16xi32>,
    %swap3A_224 = arith.constant 1248 : index
    %swap3A_225 = tpu.vector_load %arg7[%swap3A_224] {strides = array<i32>} : memref<2304xi32, #tpu.memory_space<vmem>>, vector<16xi32>,
    tpu.vector_store %arg7[%swap3A_224], %broadcast_in_dim3A_68 {strides = array<i32>} : memref<2304xi32, #tpu.memory_space<vmem>>, vector<16xi32>,
    %swap3A_226 = arith.constant 1264 : index
    %swap3A_227 = tpu.vector_load %arg7[%swap3A_226] {strides = array<i32>} : memref<2304xi32, #tpu.memory_space<vmem>>, vector<16xi32>,
    tpu.vector_store %arg7[%swap3A_226], %broadcast_in_dim3A_68 {strides = array<i32>} : memref<2304xi32, #tpu.memory_space<vmem>>, vector<16xi32>,
    %swap3A_228 = arith.constant 1280 : index
    %swap3A_229 = tpu.vector_load %arg7[%swap3A_228] {strides = array<i32>} : memref<2304xi32, #tpu.memory_space<vmem>>, vector<16xi32>,
    tpu.vector_store %arg7[%swap3A_228], %broadcast_in_dim3A_68 {strides = array<i32>} : memref<2304xi32, #tpu.memory_space<vmem>>, vector<16xi32>,
    %swap3A_230 = arith.constant 1296 : index
    %swap3A_231 = tpu.vector_load %arg7[%swap3A_230] {strides = array<i32>} : memref<2304xi32, #tpu.memory_space<vmem>>, vector<16xi32>,
    tpu.vector_store %arg7[%swap3A_230], %broadcast_in_dim3A_68 {strides = array<i32>} : memref<2304xi32, #tpu.memory_space<vmem>>, vector<16xi32>,
    %swap3A_232 = arith.constant 1312 : index
    %swap3A_233 = tpu.vector_load %arg7[%swap3A_232] {strides = array<i32>} : memref<2304xi32, #tpu.memory_space<vmem>>, vector<16xi32>,
    tpu.vector_store %arg7[%swap3A_232], %broadcast_in_dim3A_68 {strides = array<i32>} : memref<2304xi32, #tpu.memory_space<vmem>>, vector<16xi32>,
    %swap3A_234 = arith.constant 1328 : index
    %swap3A_235 = tpu.vector_load %arg7[%swap3A_234] {strides = array<i32>} : memref<2304xi32, #tpu.memory_space<vmem>>, vector<16xi32>,
    tpu.vector_store %arg7[%swap3A_234], %broadcast_in_dim3A_68 {strides = array<i32>} : memref<2304xi32, #tpu.memory_space<vmem>>, vector<16xi32>,
    %swap3A_236 = arith.constant 1344 : index
    %swap3A_237 = tpu.vector_load %arg7[%swap3A_236] {strides = array<i32>} : memref<2304xi32, #tpu.memory_space<vmem>>, vector<16xi32>,
    tpu.vector_store %arg7[%swap3A_236], %broadcast_in_dim3A_68 {strides = array<i32>} : memref<2304xi32, #tpu.memory_space<vmem>>, vector<16xi32>,
    %swap3A_238 = arith.constant 1360 : index
    %swap3A_239 = tpu.vector_load %arg7[%swap3A_238] {strides = array<i32>} : memref<2304xi32, #tpu.memory_space<vmem>>, vector<16xi32>,
    tpu.vector_store %arg7[%swap3A_238], %broadcast_in_dim3A_68 {strides = array<i32>} : memref<2304xi32, #tpu.memory_space<vmem>>, vector<16xi32>,
    %swap3A_240 = arith.constant 1376 : index
    %swap3A_241 = tpu.vector_load %arg7[%swap3A_240] {strides = array<i32>} : memref<2304xi32, #tpu.memory_space<vmem>>, vector<16xi32>,
    tpu.vector_store %arg7[%swap3A_240], %broadcast_in_dim3A_68 {strides = array<i32>} : memref<2304xi32, #tpu.memory_space<vmem>>, vector<16xi32>,
    %swap3A_242 = arith.constant 1392 : index
    %swap3A_243 = tpu.vector_load %arg7[%swap3A_242] {strides = array<i32>} : memref<2304xi32, #tpu.memory_space<vmem>>, vector<16xi32>,
    tpu.vector_store %arg7[%swap3A_242], %broadcast_in_dim3A_68 {strides = array<i32>} : memref<2304xi32, #tpu.memory_space<vmem>>, vector<16xi32>,
    %swap3A_244 = arith.constant 1408 : index
    %swap3A_245 = tpu.vector_load %arg7[%swap3A_244] {strides = array<i32>} : memref<2304xi32, #tpu.memory_space<vmem>>, vector<16xi32>,
    tpu.vector_store %arg7[%swap3A_244], %broadcast_in_dim3A_68 {strides = array<i32>} : memref<2304xi32, #tpu.memory_space<vmem>>, vector<16xi32>,
    %swap3A_246 = arith.constant 1424 : index
    %swap3A_247 = tpu.vector_load %arg7[%swap3A_246] {strides = array<i32>} : memref<2304xi32, #tpu.memory_space<vmem>>, vector<16xi32>,
    tpu.vector_store %arg7[%swap3A_246], %broadcast_in_dim3A_68 {strides = array<i32>} : memref<2304xi32, #tpu.memory_space<vmem>>, vector<16xi32>,
    %swap3A_248 = arith.constant 1440 : index
    %swap3A_249 = tpu.vector_load %arg7[%swap3A_248] {strides = array<i32>} : memref<2304xi32, #tpu.memory_space<vmem>>, vector<16xi32>,
    tpu.vector_store %arg7[%swap3A_248], %broadcast_in_dim3A_68 {strides = array<i32>} : memref<2304xi32, #tpu.memory_space<vmem>>, vector<16xi32>,
    %swap3A_250 = arith.constant 1456 : index
    %swap3A_251 = tpu.vector_load %arg7[%swap3A_250] {strides = array<i32>} : memref<2304xi32, #tpu.memory_space<vmem>>, vector<16xi32>,
    tpu.vector_store %arg7[%swap3A_250], %broadcast_in_dim3A_68 {strides = array<i32>} : memref<2304xi32, #tpu.memory_space<vmem>>, vector<16xi32>,
    %swap3A_252 = arith.constant 1472 : index
    %swap3A_253 = tpu.vector_load %arg7[%swap3A_252] {strides = array<i32>} : memref<2304xi32, #tpu.memory_space<vmem>>, vector<16xi32>,
    tpu.vector_store %arg7[%swap3A_252], %broadcast_in_dim3A_68 {strides = array<i32>} : memref<2304xi32, #tpu.memory_space<vmem>>, vector<16xi32>,
    %swap3A_254 = arith.constant 1488 : index
    %swap3A_255 = tpu.vector_load %arg7[%swap3A_254] {strides = array<i32>} : memref<2304xi32, #tpu.memory_space<vmem>>, vector<16xi32>,
    tpu.vector_store %arg7[%swap3A_254], %broadcast_in_dim3A_68 {strides = array<i32>} : memref<2304xi32, #tpu.memory_space<vmem>>, vector<16xi32>,
    %swap3A_256 = arith.constant 1504 : index
    %swap3A_257 = tpu.vector_load %arg7[%swap3A_256] {strides = array<i32>} : memref<2304xi32, #tpu.memory_space<vmem>>, vector<16xi32>,
    tpu.vector_store %arg7[%swap3A_256], %broadcast_in_dim3A_68 {strides = array<i32>} : memref<2304xi32, #tpu.memory_space<vmem>>, vector<16xi32>,
    %swap3A_258 = arith.constant 1520 : index
    %swap3A_259 = tpu.vector_load %arg7[%swap3A_258] {strides = array<i32>} : memref<2304xi32, #tpu.memory_space<vmem>>, vector<16xi32>,
    tpu.vector_store %arg7[%swap3A_258], %broadcast_in_dim3A_68 {strides = array<i32>} : memref<2304xi32, #tpu.memory_space<vmem>>, vector<16xi32>,
    %swap3A_260 = arith.constant 1536 : index
    %swap3A_261 = tpu.vector_load %arg7[%swap3A_260] {strides = array<i32>} : memref<2304xi32, #tpu.memory_space<vmem>>, vector<16xi32>,
    tpu.vector_store %arg7[%swap3A_260], %broadcast_in_dim3A_68 {strides = array<i32>} : memref<2304xi32, #tpu.memory_space<vmem>>, vector<16xi32>,
    %swap3A_262 = arith.constant 1552 : index
    %swap3A_263 = tpu.vector_load %arg7[%swap3A_262] {strides = array<i32>} : memref<2304xi32, #tpu.memory_space<vmem>>, vector<16xi32>,
    tpu.vector_store %arg7[%swap3A_262], %broadcast_in_dim3A_68 {strides = array<i32>} : memref<2304xi32, #tpu.memory_space<vmem>>, vector<16xi32>,
    %swap3A_264 = arith.constant 1568 : index
    %swap3A_265 = tpu.vector_load %arg7[%swap3A_264] {strides = array<i32>} : memref<2304xi32, #tpu.memory_space<vmem>>, vector<16xi32>,
    tpu.vector_store %arg7[%swap3A_264], %broadcast_in_dim3A_68 {strides = array<i32>} : memref<2304xi32, #tpu.memory_space<vmem>>, vector<16xi32>,
    %swap3A_266 = arith.constant 1584 : index
    %swap3A_267 = tpu.vector_load %arg7[%swap3A_266] {strides = array<i32>} : memref<2304xi32, #tpu.memory_space<vmem>>, vector<16xi32>,
    tpu.vector_store %arg7[%swap3A_266], %broadcast_in_dim3A_68 {strides = array<i32>} : memref<2304xi32, #tpu.memory_space<vmem>>, vector<16xi32>,
    %swap3A_268 = arith.constant 1600 : index
    %swap3A_269 = tpu.vector_load %arg7[%swap3A_268] {strides = array<i32>} : memref<2304xi32, #tpu.memory_space<vmem>>, vector<16xi32>,
    tpu.vector_store %arg7[%swap3A_268], %broadcast_in_dim3A_68 {strides = array<i32>} : memref<2304xi32, #tpu.memory_space<vmem>>, vector<16xi32>,
    %swap3A_270 = arith.constant 1616 : index
    %swap3A_271 = tpu.vector_load %arg7[%swap3A_270] {strides = array<i32>} : memref<2304xi32, #tpu.memory_space<vmem>>, vector<16xi32>,
    tpu.vector_store %arg7[%swap3A_270], %broadcast_in_dim3A_68 {strides = array<i32>} : memref<2304xi32, #tpu.memory_space<vmem>>, vector<16xi32>,
    %swap3A_272 = arith.constant 1632 : index
    %swap3A_273 = tpu.vector_load %arg7[%swap3A_272] {strides = array<i32>} : memref<2304xi32, #tpu.memory_space<vmem>>, vector<16xi32>,
    tpu.vector_store %arg7[%swap3A_272], %broadcast_in_dim3A_68 {strides = array<i32>} : memref<2304xi32, #tpu.memory_space<vmem>>, vector<16xi32>,
    %swap3A_274 = arith.constant 1648 : index
    %swap3A_275 = tpu.vector_load %arg7[%swap3A_274] {strides = array<i32>} : memref<2304xi32, #tpu.memory_space<vmem>>, vector<16xi32>,
    tpu.vector_store %arg7[%swap3A_274], %broadcast_in_dim3A_68 {strides = array<i32>} : memref<2304xi32, #tpu.memory_space<vmem>>, vector<16xi32>,
    %swap3A_276 = arith.constant 1664 : index
    %swap3A_277 = tpu.vector_load %arg7[%swap3A_276] {strides = array<i32>} : memref<2304xi32, #tpu.memory_space<vmem>>, vector<16xi32>,
    tpu.vector_store %arg7[%swap3A_276], %broadcast_in_dim3A_68 {strides = array<i32>} : memref<2304xi32, #tpu.memory_space<vmem>>, vector<16xi32>,
    %swap3A_278 = arith.constant 1680 : index
    %swap3A_279 = tpu.vector_load %arg7[%swap3A_278] {strides = array<i32>} : memref<2304xi32, #tpu.memory_space<vmem>>, vector<16xi32>,
    tpu.vector_store %arg7[%swap3A_278], %broadcast_in_dim3A_68 {strides = array<i32>} : memref<2304xi32, #tpu.memory_space<vmem>>, vector<16xi32>,
    %swap3A_280 = arith.constant 1696 : index
    %swap3A_281 = tpu.vector_load %arg7[%swap3A_280] {strides = array<i32>} : memref<2304xi32, #tpu.memory_space<vmem>>, vector<16xi32>,
    tpu.vector_store %arg7[%swap3A_280], %broadcast_in_dim3A_68 {strides = array<i32>} : memref<2304xi32, #tpu.memory_space<vmem>>, vector<16xi32>,
    %swap3A_282 = arith.constant 1712 : index
    %swap3A_283 = tpu.vector_load %arg7[%swap3A_282] {strides = array<i32>} : memref<2304xi32, #tpu.memory_space<vmem>>, vector<16xi32>,
    tpu.vector_store %arg7[%swap3A_282], %broadcast_in_dim3A_68 {strides = array<i32>} : memref<2304xi32, #tpu.memory_space<vmem>>, vector<16xi32>,
    %swap3A_284 = arith.constant 1728 : index
    %swap3A_285 = tpu.vector_load %arg7[%swap3A_284] {strides = array<i32>} : memref<2304xi32, #tpu.memory_space<vmem>>, vector<16xi32>,
    tpu.vector_store %arg7[%swap3A_284], %broadcast_in_dim3A_68 {strides = array<i32>} : memref<2304xi32, #tpu.memory_space<vmem>>, vector<16xi32>,
    %swap3A_286 = arith.constant 1744 : index
    %swap3A_287 = tpu.vector_load %arg7[%swap3A_286] {strides = array<i32>} : memref<2304xi32, #tpu.memory_space<vmem>>, vector<16xi32>,
    tpu.vector_store %arg7[%swap3A_286], %broadcast_in_dim3A_68 {strides = array<i32>} : memref<2304xi32, #tpu.memory_space<vmem>>, vector<16xi32>,
    %swap3A_288 = arith.constant 1760 : index
    %swap3A_289 = tpu.vector_load %arg7[%swap3A_288] {strides = array<i32>} : memref<2304xi32, #tpu.memory_space<vmem>>, vector<16xi32>,
    tpu.vector_store %arg7[%swap3A_288], %broadcast_in_dim3A_68 {strides = array<i32>} : memref<2304xi32, #tpu.memory_space<vmem>>, vector<16xi32>,
    %swap3A_290 = arith.constant 1776 : index
    %swap3A_291 = tpu.vector_load %arg7[%swap3A_290] {strides = array<i32>} : memref<2304xi32, #tpu.memory_space<vmem>>, vector<16xi32>,
    tpu.vector_store %arg7[%swap3A_290], %broadcast_in_dim3A_68 {strides = array<i32>} : memref<2304xi32, #tpu.memory_space<vmem>>, vector<16xi32>,
    %swap3A_292 = arith.constant 1792 : index
    %swap3A_293 = tpu.vector_load %arg7[%swap3A_292] {strides = array<i32>} : memref<2304xi32, #tpu.memory_space<vmem>>, vector<16xi32>,
    tpu.vector_store %arg7[%swap3A_292], %broadcast_in_dim3A_68 {strides = array<i32>} : memref<2304xi32, #tpu.memory_space<vmem>>, vector<16xi32>,
    %swap3A_294 = arith.constant 1808 : index
    %swap3A_295 = tpu.vector_load %arg7[%swap3A_294] {strides = array<i32>} : memref<2304xi32, #tpu.memory_space<vmem>>, vector<16xi32>,
    tpu.vector_store %arg7[%swap3A_294], %broadcast_in_dim3A_68 {strides = array<i32>} : memref<2304xi32, #tpu.memory_space<vmem>>, vector<16xi32>,
    %swap3A_296 = arith.constant 1824 : index
    %swap3A_297 = tpu.vector_load %arg7[%swap3A_296] {strides = array<i32>} : memref<2304xi32, #tpu.memory_space<vmem>>, vector<16xi32>,
    tpu.vector_store %arg7[%swap3A_296], %broadcast_in_dim3A_68 {strides = array<i32>} : memref<2304xi32, #tpu.memory_space<vmem>>, vector<16xi32>,
    %swap3A_298 = arith.constant 1840 : index
    %swap3A_299 = tpu.vector_load %arg7[%swap3A_298] {strides = array<i32>} : memref<2304xi32, #tpu.memory_space<vmem>>, vector<16xi32>,
    tpu.vector_store %arg7[%swap3A_298], %broadcast_in_dim3A_68 {strides = array<i32>} : memref<2304xi32, #tpu.memory_space<vmem>>, vector<16xi32>,
    %swap3A_300 = arith.constant 1856 : index
    %swap3A_301 = tpu.vector_load %arg7[%swap3A_300] {strides = array<i32>} : memref<2304xi32, #tpu.memory_space<vmem>>, vector<16xi32>,
    tpu.vector_store %arg7[%swap3A_300], %broadcast_in_dim3A_68 {strides = array<i32>} : memref<2304xi32, #tpu.memory_space<vmem>>, vector<16xi32>,
    %swap3A_302 = arith.constant 1872 : index
    %swap3A_303 = tpu.vector_load %arg7[%swap3A_302] {strides = array<i32>} : memref<2304xi32, #tpu.memory_space<vmem>>, vector<16xi32>,
    tpu.vector_store %arg7[%swap3A_302], %broadcast_in_dim3A_68 {strides = array<i32>} : memref<2304xi32, #tpu.memory_space<vmem>>, vector<16xi32>,
    %swap3A_304 = arith.constant 1888 : index
    %swap3A_305 = tpu.vector_load %arg7[%swap3A_304] {strides = array<i32>} : memref<2304xi32, #tpu.memory_space<vmem>>, vector<16xi32>,
    tpu.vector_store %arg7[%swap3A_304], %broadcast_in_dim3A_68 {strides = array<i32>} : memref<2304xi32, #tpu.memory_space<vmem>>, vector<16xi32>,
    %swap3A_306 = arith.constant 1904 : index
    %swap3A_307 = tpu.vector_load %arg7[%swap3A_306] {strides = array<i32>} : memref<2304xi32, #tpu.memory_space<vmem>>, vector<16xi32>,
    tpu.vector_store %arg7[%swap3A_306], %broadcast_in_dim3A_68 {strides = array<i32>} : memref<2304xi32, #tpu.memory_space<vmem>>, vector<16xi32>,
    %swap3A_308 = arith.constant 1920 : index
    %swap3A_309 = tpu.vector_load %arg7[%swap3A_308] {strides = array<i32>} : memref<2304xi32, #tpu.memory_space<vmem>>, vector<16xi32>,
    tpu.vector_store %arg7[%swap3A_308], %broadcast_in_dim3A_68 {strides = array<i32>} : memref<2304xi32, #tpu.memory_space<vmem>>, vector<16xi32>,
    %swap3A_310 = arith.constant 1936 : index
    %swap3A_311 = tpu.vector_load %arg7[%swap3A_310] {strides = array<i32>} : memref<2304xi32, #tpu.memory_space<vmem>>, vector<16xi32>,
    tpu.vector_store %arg7[%swap3A_310], %broadcast_in_dim3A_68 {strides = array<i32>} : memref<2304xi32, #tpu.memory_space<vmem>>, vector<16xi32>,
    %swap3A_312 = arith.constant 1952 : index
    %swap3A_313 = tpu.vector_load %arg7[%swap3A_312] {strides = array<i32>} : memref<2304xi32, #tpu.memory_space<vmem>>, vector<16xi32>,
    tpu.vector_store %arg7[%swap3A_312], %broadcast_in_dim3A_68 {strides = array<i32>} : memref<2304xi32, #tpu.memory_space<vmem>>, vector<16xi32>,
    %swap3A_314 = arith.constant 1968 : index
    %swap3A_315 = tpu.vector_load %arg7[%swap3A_314] {strides = array<i32>} : memref<2304xi32, #tpu.memory_space<vmem>>, vector<16xi32>,
    tpu.vector_store %arg7[%swap3A_314], %broadcast_in_dim3A_68 {strides = array<i32>} : memref<2304xi32, #tpu.memory_space<vmem>>, vector<16xi32>,
    %swap3A_316 = arith.constant 1984 : index
    %swap3A_317 = tpu.vector_load %arg7[%swap3A_316] {strides = array<i32>} : memref<2304xi32, #tpu.memory_space<vmem>>, vector<16xi32>,
    tpu.vector_store %arg7[%swap3A_316], %broadcast_in_dim3A_68 {strides = array<i32>} : memref<2304xi32, #tpu.memory_space<vmem>>, vector<16xi32>,
    %swap3A_318 = arith.constant 2000 : index
    %swap3A_319 = tpu.vector_load %arg7[%swap3A_318] {strides = array<i32>} : memref<2304xi32, #tpu.memory_space<vmem>>, vector<16xi32>,
    tpu.vector_store %arg7[%swap3A_318], %broadcast_in_dim3A_68 {strides = array<i32>} : memref<2304xi32, #tpu.memory_space<vmem>>, vector<16xi32>,
    %swap3A_320 = arith.constant 2016 : index
    %swap3A_321 = tpu.vector_load %arg7[%swap3A_320] {strides = array<i32>} : memref<2304xi32, #tpu.memory_space<vmem>>, vector<16xi32>,
    tpu.vector_store %arg7[%swap3A_320], %broadcast_in_dim3A_68 {strides = array<i32>} : memref<2304xi32, #tpu.memory_space<vmem>>, vector<16xi32>,
    %swap3A_322 = arith.constant 2032 : index
    %swap3A_323 = tpu.vector_load %arg7[%swap3A_322] {strides = array<i32>} : memref<2304xi32, #tpu.memory_space<vmem>>, vector<16xi32>,
    tpu.vector_store %arg7[%swap3A_322], %broadcast_in_dim3A_68 {strides = array<i32>} : memref<2304xi32, #tpu.memory_space<vmem>>, vector<16xi32>,
    %swap3A_324 = arith.constant 2048 : index
    %swap3A_325 = tpu.vector_load %arg7[%swap3A_324] {strides = array<i32>} : memref<2304xi32, #tpu.memory_space<vmem>>, vector<16xi32>,
    tpu.vector_store %arg7[%swap3A_324], %broadcast_in_dim3A_68 {strides = array<i32>} : memref<2304xi32, #tpu.memory_space<vmem>>, vector<16xi32>,
    %swap3A_326 = arith.constant 2064 : index
    %swap3A_327 = tpu.vector_load %arg7[%swap3A_326] {strides = array<i32>} : memref<2304xi32, #tpu.memory_space<vmem>>, vector<16xi32>,
    tpu.vector_store %arg7[%swap3A_326], %broadcast_in_dim3A_68 {strides = array<i32>} : memref<2304xi32, #tpu.memory_space<vmem>>, vector<16xi32>,
    %swap3A_328 = arith.constant 2080 : index
    %swap3A_329 = tpu.vector_load %arg7[%swap3A_328] {strides = array<i32>} : memref<2304xi32, #tpu.memory_space<vmem>>, vector<16xi32>,
    tpu.vector_store %arg7[%swap3A_328], %broadcast_in_dim3A_68 {strides = array<i32>} : memref<2304xi32, #tpu.memory_space<vmem>>, vector<16xi32>,
    %swap3A_330 = arith.constant 2096 : index
    %swap3A_331 = tpu.vector_load %arg7[%swap3A_330] {strides = array<i32>} : memref<2304xi32, #tpu.memory_space<vmem>>, vector<16xi32>,
    tpu.vector_store %arg7[%swap3A_330], %broadcast_in_dim3A_68 {strides = array<i32>} : memref<2304xi32, #tpu.memory_space<vmem>>, vector<16xi32>,
    %swap3A_332 = arith.constant 2112 : index
    %swap3A_333 = tpu.vector_load %arg7[%swap3A_332] {strides = array<i32>} : memref<2304xi32, #tpu.memory_space<vmem>>, vector<16xi32>,
    tpu.vector_store %arg7[%swap3A_332], %broadcast_in_dim3A_68 {strides = array<i32>} : memref<2304xi32, #tpu.memory_space<vmem>>, vector<16xi32>,
    %swap3A_334 = arith.constant 2128 : index
    %swap3A_335 = tpu.vector_load %arg7[%swap3A_334] {strides = array<i32>} : memref<2304xi32, #tpu.memory_space<vmem>>, vector<16xi32>,
    tpu.vector_store %arg7[%swap3A_334], %broadcast_in_dim3A_68 {strides = array<i32>} : memref<2304xi32, #tpu.memory_space<vmem>>, vector<16xi32>,
    %swap3A_336 = arith.constant 2144 : index
    %swap3A_337 = tpu.vector_load %arg7[%swap3A_336] {strides = array<i32>} : memref<2304xi32, #tpu.memory_space<vmem>>, vector<16xi32>,
    tpu.vector_store %arg7[%swap3A_336], %broadcast_in_dim3A_68 {strides = array<i32>} : memref<2304xi32, #tpu.memory_space<vmem>>, vector<16xi32>,
    %swap3A_338 = arith.constant 2160 : index
    %swap3A_339 = tpu.vector_load %arg7[%swap3A_338] {strides = array<i32>} : memref<2304xi32, #tpu.memory_space<vmem>>, vector<16xi32>,
    tpu.vector_store %arg7[%swap3A_338], %broadcast_in_dim3A_68 {strides = array<i32>} : memref<2304xi32, #tpu.memory_space<vmem>>, vector<16xi32>,
    %swap3A_340 = arith.constant 2176 : index
    %swap3A_341 = tpu.vector_load %arg7[%swap3A_340] {strides = array<i32>} : memref<2304xi32, #tpu.memory_space<vmem>>, vector<16xi32>,
    tpu.vector_store %arg7[%swap3A_340], %broadcast_in_dim3A_68 {strides = array<i32>} : memref<2304xi32, #tpu.memory_space<vmem>>, vector<16xi32>,
    %swap3A_342 = arith.constant 2192 : index
    %swap3A_343 = tpu.vector_load %arg7[%swap3A_342] {strides = array<i32>} : memref<2304xi32, #tpu.memory_space<vmem>>, vector<16xi32>,
    tpu.vector_store %arg7[%swap3A_342], %broadcast_in_dim3A_68 {strides = array<i32>} : memref<2304xi32, #tpu.memory_space<vmem>>, vector<16xi32>,
    %swap3A_344 = arith.constant 2208 : index
    %swap3A_345 = tpu.vector_load %arg7[%swap3A_344] {strides = array<i32>} : memref<2304xi32, #tpu.memory_space<vmem>>, vector<16xi32>,
    tpu.vector_store %arg7[%swap3A_344], %broadcast_in_dim3A_68 {strides = array<i32>} : memref<2304xi32, #tpu.memory_space<vmem>>, vector<16xi32>,
    %swap3A_346 = arith.constant 2224 : index
    %swap3A_347 = tpu.vector_load %arg7[%swap3A_346] {strides = array<i32>} : memref<2304xi32, #tpu.memory_space<vmem>>, vector<16xi32>,
    tpu.vector_store %arg7[%swap3A_346], %broadcast_in_dim3A_68 {strides = array<i32>} : memref<2304xi32, #tpu.memory_space<vmem>>, vector<16xi32>,
    %swap3A_348 = arith.constant 2240 : index
    %swap3A_349 = tpu.vector_load %arg7[%swap3A_348] {strides = array<i32>} : memref<2304xi32, #tpu.memory_space<vmem>>, vector<16xi32>,
    tpu.vector_store %arg7[%swap3A_348], %broadcast_in_dim3A_68 {strides = array<i32>} : memref<2304xi32, #tpu.memory_space<vmem>>, vector<16xi32>,
    %swap3A_350 = arith.constant 2256 : index
    %swap3A_351 = tpu.vector_load %arg7[%swap3A_350] {strides = array<i32>} : memref<2304xi32, #tpu.memory_space<vmem>>, vector<16xi32>,
    tpu.vector_store %arg7[%swap3A_350], %broadcast_in_dim3A_68 {strides = array<i32>} : memref<2304xi32, #tpu.memory_space<vmem>>, vector<16xi32>,
    %swap3A_352 = arith.constant 2272 : index
    %swap3A_353 = tpu.vector_load %arg7[%swap3A_352] {strides = array<i32>} : memref<2304xi32, #tpu.memory_space<vmem>>, vector<16xi32>,
    tpu.vector_store %arg7[%swap3A_352], %broadcast_in_dim3A_68 {strides = array<i32>} : memref<2304xi32, #tpu.memory_space<vmem>>, vector<16xi32>,
    %swap3A_354 = arith.constant 2288 : index
    %swap3A_355 = tpu.vector_load %arg7[%swap3A_354] {strides = array<i32>} : memref<2304xi32, #tpu.memory_space<vmem>>, vector<16xi32>,
    tpu.vector_store %arg7[%swap3A_354], %broadcast_in_dim3A_68 {strides = array<i32>} : memref<2304xi32, #tpu.memory_space<vmem>>, vector<16xi32>,
    %dma_wait3A = arith.constant 0 : i32
    %dma_wait3A_356 = arith.constant 0 : i32
    %dma_wait3A_357 = arith.constant 0 : i32
    %dma_wait3A_358 = tpu.memref_slice %arg6[%dma_wait3A, %dma_wait3A_356, %dma_wait3A_357] : memref<2x32x128xi32, #tpu.memory_space<vmem>> -> memref<1x32x128xi32, #tpu.memory_space<vmem>>
    %dma_wait3A_359 = tpu.memref_squeeze %dma_wait3A_358 : memref<1x32x128xi32, #tpu.memory_space<vmem>> -> memref<32x128xi32, #tpu.memory_space<vmem>>
    %dma_wait3A_360 = tpu.memref_slice %arg2[%shift_right_arithmetic3A_6, %mul3A_15, %mul3A_21] : memref<4x512x512xi32, #tpu.memory_space<hbm>> -> memref<1x32x128xi32, #tpu.memory_space<hbm>>
    %dma_wait3A_361 = tpu.memref_squeeze %dma_wait3A_360 : memref<1x32x128xi32, #tpu.memory_space<hbm>> -> memref<32x128xi32, #tpu.memory_space<hbm>>
    %dma_wait3A_362 = arith.constant 0 : i32
    %dma_wait3A_363 = arith.constant 0 : i32
    %dma_wait3A_364 = tpu.memref_slice %arg6[%dma_wait3A, %dma_wait3A_362, %dma_wait3A_363] : memref<2x32x128xi32, #tpu.memory_space<vmem>> -> memref<1x32x128xi32, #tpu.memory_space<vmem>>
    %dma_wait3A_365 = tpu.memref_squeeze %dma_wait3A_364 : memref<1x32x128xi32, #tpu.memory_space<vmem>> -> memref<32x128xi32, #tpu.memory_space<vmem>>
    %dma_wait3A_366 = tpu.memref_slice %arg2[%shift_right_arithmetic3A_6, %mul3A_15, %mul3A_21] : memref<4x512x512xi32, #tpu.memory_space<hbm>> -> memref<1x32x128xi32, #tpu.memory_space<hbm>>
    %dma_wait3A_367 = tpu.memref_squeeze %dma_wait3A_366 : memref<1x32x128xi32, #tpu.memory_space<hbm>> -> memref<32x128xi32, #tpu.memory_space<hbm>>
    tpu.wait_dma2 semaphore(%arg9 : memref<!tpu.dma_semaphore, #tpu.memory_space<semaphore_mem>>) src(%dma_wait3A_367 : memref<32x128xi32, #tpu.memory_space<hbm>>) dst(%dma_wait3A_365 : memref<32x128xi32, #tpu.memory_space<vmem>>)
    %add3A_368 = arith.constant 0 : i32
    %add3A_369 = arith.addi %mul3A_11, %add3A_368 : i32
    %get3A_370 = arith.constant 0 : i32
    %get3A_371 = arith.constant 0 : i32
    %get3A_372 = arith.index_cast %get3A_370 : i32 to index
    %get3A_373 = arith.index_cast %get3A_371 : i32 to index
    %get3A_374 = arith.index_cast %add3A_369 : i32 to index
    %get3A_375 = tpu.vector_load %arg6[%get3A_372, %get3A_373, %get3A_374] {strides = array<i32>} : memref<2x32x128xi32, #tpu.memory_space<vmem>>, vector<16xi32>,
    %add3A_376 = arith.addi %mul3A_5, %get3A_375 : vector<16xi32>
    tpu.vector_store_idx %arg7[%add3A_376], %broadcast_in_dim3A_2 {add = true} : memref<2304xi32, #tpu.memory_space<vmem>>[vector<16xi32>], vector<16xi32>,
    %add3A_377 = arith.constant 16 : i32
    %add3A_378 = arith.addi %mul3A_11, %add3A_377 : i32
    %get3A_379 = arith.constant 0 : i32
    %get3A_380 = arith.constant 0 : i32
    %get3A_381 = arith.index_cast %get3A_379 : i32 to index
    %get3A_382 = arith.index_cast %get3A_380 : i32 to index
    %get3A_383 = arith.index_cast %add3A_378 : i32 to index
    %get3A_384 = tpu.vector_load %arg6[%get3A_381, %get3A_382, %get3A_383] {strides = array<i32>} : memref<2x32x128xi32, #tpu.memory_space<vmem>>, vector<16xi32>,
    %add3A_385 = arith.addi %mul3A_5, %get3A_384 : vector<16xi32>
    tpu.vector_store_idx %arg7[%add3A_385], %broadcast_in_dim3A_2 {add = true} : memref<2304xi32, #tpu.memory_space<vmem>>[vector<16xi32>], vector<16xi32>,
    %add3A_386 = arith.constant 0 : i32
    %add3A_387 = arith.addi %mul3A_11, %add3A_386 : i32
    %get3A_388 = arith.constant 0 : i32
    %get3A_389 = arith.constant 1 : i32
    %get3A_390 = arith.index_cast %get3A_388 : i32 to index
    %get3A_391 = arith.index_cast %get3A_389 : i32 to index
    %get3A_392 = arith.index_cast %add3A_387 : i32 to index
    %get3A_393 = tpu.vector_load %arg6[%get3A_390, %get3A_391, %get3A_392] {strides = array<i32>} : memref<2x32x128xi32, #tpu.memory_space<vmem>>, vector<16xi32>,
    %add3A_394 = arith.addi %mul3A_5, %get3A_393 : vector<16xi32>
    tpu.vector_store_idx %arg7[%add3A_394], %broadcast_in_dim3A_2 {add = true} : memref<2304xi32, #tpu.memory_space<vmem>>[vector<16xi32>], vector<16xi32>,
    %add3A_395 = arith.constant 16 : i32
    %add3A_396 = arith.addi %mul3A_11, %add3A_395 : i32
    %get3A_397 = arith.constant 0 : i32
    %get3A_398 = arith.constant 1 : i32
    %get3A_399 = arith.index_cast %get3A_397 : i32 to index
    %get3A_400 = arith.index_cast %get3A_398 : i32 to index
    %get3A_401 = arith.index_cast %add3A_396 : i32 to index
    %get3A_402 = tpu.vector_load %arg6[%get3A_399, %get3A_400, %get3A_401] {strides = array<i32>} : memref<2x32x128xi32, #tpu.memory_space<vmem>>, vector<16xi32>,
    %add3A_403 = arith.addi %mul3A_5, %get3A_402 : vector<16xi32>
    tpu.vector_store_idx %arg7[%add3A_403], %broadcast_in_dim3A_2 {add = true} : memref<2304xi32, #tpu.memory_space<vmem>>[vector<16xi32>], vector<16xi32>,
    %add3A_404 = arith.constant 0 : i32
    %add3A_405 = arith.addi %mul3A_11, %add3A_404 : i32
    %get3A_406 = arith.constant 0 : i32
    %get3A_407 = arith.constant 2 : i32
    %get3A_408 = arith.index_cast %get3A_406 : i32 to index
    %get3A_409 = arith.index_cast %get3A_407 : i32 to index
    %get3A_410 = arith.index_cast %add3A_405 : i32 to index
    %get3A_411 = tpu.vector_load %arg6[%get3A_408, %get3A_409, %get3A_410] {strides = array<i32>} : memref<2x32x128xi32, #tpu.memory_space<vmem>>, vector<16xi32>,
    %add3A_412 = arith.addi %mul3A_5, %get3A_411 : vector<16xi32>
    tpu.vector_store_idx %arg7[%add3A_412], %broadcast_in_dim3A_2 {add = true} : memref<2304xi32, #tpu.memory_space<vmem>>[vector<16xi32>], vector<16xi32>,
    %add3A_413 = arith.constant 16 : i32
    %add3A_414 = arith.addi %mul3A_11, %add3A_413 : i32
    %get3A_415 = arith.constant 0 : i32
    %get3A_416 = arith.constant 2 : i32
    %get3A_417 = arith.index_cast %get3A_415 : i32 to index
    %get3A_418 = arith.index_cast %get3A_416 : i32 to index
    %get3A_419 = arith.index_cast %add3A_414 : i32 to index
    %get3A_420 = tpu.vector_load %arg6[%get3A_417, %get3A_418, %get3A_419] {strides = array<i32>} : memref<2x32x128xi32, #tpu.memory_space<vmem>>, vector<16xi32>,
    %add3A_421 = arith.addi %mul3A_5, %get3A_420 : vector<16xi32>
    tpu.vector_store_idx %arg7[%add3A_421], %broadcast_in_dim3A_2 {add = true} : memref<2304xi32, #tpu.memory_space<vmem>>[vector<16xi32>], vector<16xi32>,
    %add3A_422 = arith.constant 0 : i32
    %add3A_423 = arith.addi %mul3A_11, %add3A_422 : i32
    %get3A_424 = arith.constant 0 : i32
    %get3A_425 = arith.constant 3 : i32
    %get3A_426 = arith.index_cast %get3A_424 : i32 to index
    %get3A_427 = arith.index_cast %get3A_425 : i32 to index
    %get3A_428 = arith.index_cast %add3A_423 : i32 to index
    %get3A_429 = tpu.vector_load %arg6[%get3A_426, %get3A_427, %get3A_428] {strides = array<i32>} : memref<2x32x128xi32, #tpu.memory_space<vmem>>, vector<16xi32>,
    %add3A_430 = arith.addi %mul3A_5, %get3A_429 : vector<16xi32>
    tpu.vector_store_idx %arg7[%add3A_430], %broadcast_in_dim3A_2 {add = true} : memref<2304xi32, #tpu.memory_space<vmem>>[vector<16xi32>], vector<16xi32>,
    %add3A_431 = arith.constant 16 : i32
    %add3A_432 = arith.addi %mul3A_11, %add3A_431 : i32
    %get3A_433 = arith.constant 0 : i32
    %get3A_434 = arith.constant 3 : i32
    %get3A_435 = arith.index_cast %get3A_433 : i32 to index
    %get3A_436 = arith.index_cast %get3A_434 : i32 to index
    %get3A_437 = arith.index_cast %add3A_432 : i32 to index
    %get3A_438 = tpu.vector_load %arg6[%get3A_435, %get3A_436, %get3A_437] {strides = array<i32>} : memref<2x32x128xi32, #tpu.memory_space<vmem>>, vector<16xi32>,
    %add3A_439 = arith.addi %mul3A_5, %get3A_438 : vector<16xi32>
    tpu.vector_store_idx %arg7[%add3A_439], %broadcast_in_dim3A_2 {add = true} : memref<2304xi32, #tpu.memory_space<vmem>>[vector<16xi32>], vector<16xi32>,
    %add3A_440 = arith.constant 0 : i32
    %add3A_441 = arith.addi %mul3A_11, %add3A_440 : i32
    %get3A_442 = arith.constant 0 : i32
    %get3A_443 = arith.constant 4 : i32
    %get3A_444 = arith.index_cast %get3A_442 : i32 to index
    %get3A_445 = arith.index_cast %get3A_443 : i32 to index
    %get3A_446 = arith.index_cast %add3A_441 : i32 to index
    %get3A_447 = tpu.vector_load %arg6[%get3A_444, %get3A_445, %get3A_446] {strides = array<i32>} : memref<2x32x128xi32, #tpu.memory_space<vmem>>, vector<16xi32>,
    %add3A_448 = arith.addi %mul3A_5, %get3A_447 : vector<16xi32>
    tpu.vector_store_idx %arg7[%add3A_448], %broadcast_in_dim3A_2 {add = true} : memref<2304xi32, #tpu.memory_space<vmem>>[vector<16xi32>], vector<16xi32>,
    %add3A_449 = arith.constant 16 : i32
    %add3A_450 = arith.addi %mul3A_11, %add3A_449 : i32
    %get3A_451 = arith.constant 0 : i32
    %get3A_452 = arith.constant 4 : i32
    %get3A_453 = arith.index_cast %get3A_451 : i32 to index
    %get3A_454 = arith.index_cast %get3A_452 : i32 to index
    %get3A_455 = arith.index_cast %add3A_450 : i32 to index
    %get3A_456 = tpu.vector_load %arg6[%get3A_453, %get3A_454, %get3A_455] {strides = array<i32>} : memref<2x32x128xi32, #tpu.memory_space<vmem>>, vector<16xi32>,
    %add3A_457 = arith.addi %mul3A_5, %get3A_456 : vector<16xi32>
    tpu.vector_store_idx %arg7[%add3A_457], %broadcast_in_dim3A_2 {add = true} : memref<2304xi32, #tpu.memory_space<vmem>>[vector<16xi32>], vector<16xi32>,
    %add3A_458 = arith.constant 0 : i32
    %add3A_459 = arith.addi %mul3A_11, %add3A_458 : i32
    %get3A_460 = arith.constant 0 : i32
    %get3A_461 = arith.constant 5 : i32
    %get3A_462 = arith.index_cast %get3A_460 : i32 to index
    %get3A_463 = arith.index_cast %get3A_461 : i32 to index
    %get3A_464 = arith.index_cast %add3A_459 : i32 to index
    %get3A_465 = tpu.vector_load %arg6[%get3A_462, %get3A_463, %get3A_464] {strides = array<i32>} : memref<2x32x128xi32, #tpu.memory_space<vmem>>, vector<16xi32>,
    %add3A_466 = arith.addi %mul3A_5, %get3A_465 : vector<16xi32>
    tpu.vector_store_idx %arg7[%add3A_466], %broadcast_in_dim3A_2 {add = true} : memref<2304xi32, #tpu.memory_space<vmem>>[vector<16xi32>], vector<16xi32>,
    %add3A_467 = arith.constant 16 : i32
    %add3A_468 = arith.addi %mul3A_11, %add3A_467 : i32
    %get3A_469 = arith.constant 0 : i32
    %get3A_470 = arith.constant 5 : i32
    %get3A_471 = arith.index_cast %get3A_469 : i32 to index
    %get3A_472 = arith.index_cast %get3A_470 : i32 to index
    %get3A_473 = arith.index_cast %add3A_468 : i32 to index
    %get3A_474 = tpu.vector_load %arg6[%get3A_471, %get3A_472, %get3A_473] {strides = array<i32>} : memref<2x32x128xi32, #tpu.memory_space<vmem>>, vector<16xi32>,
    %add3A_475 = arith.addi %mul3A_5, %get3A_474 : vector<16xi32>
    tpu.vector_store_idx %arg7[%add3A_475], %broadcast_in_dim3A_2 {add = true} : memref<2304xi32, #tpu.memory_space<vmem>>[vector<16xi32>], vector<16xi32>,
    %add3A_476 = arith.constant 0 : i32
    %add3A_477 = arith.addi %mul3A_11, %add3A_476 : i32
    %get3A_478 = arith.constant 0 : i32
    %get3A_479 = arith.constant 6 : i32
    %get3A_480 = arith.index_cast %get3A_478 : i32 to index
    %get3A_481 = arith.index_cast %get3A_479 : i32 to index
    %get3A_482 = arith.index_cast %add3A_477 : i32 to index
    %get3A_483 = tpu.vector_load %arg6[%get3A_480, %get3A_481, %get3A_482] {strides = array<i32>} : memref<2x32x128xi32, #tpu.memory_space<vmem>>, vector<16xi32>,
    %add3A_484 = arith.addi %mul3A_5, %get3A_483 : vector<16xi32>
    tpu.vector_store_idx %arg7[%add3A_484], %broadcast_in_dim3A_2 {add = true} : memref<2304xi32, #tpu.memory_space<vmem>>[vector<16xi32>], vector<16xi32>,
    %add3A_485 = arith.constant 16 : i32
    %add3A_486 = arith.addi %mul3A_11, %add3A_485 : i32
    %get3A_487 = arith.constant 0 : i32
    %get3A_488 = arith.constant 6 : i32
    %get3A_489 = arith.index_cast %get3A_487 : i32 to index
    %get3A_490 = arith.index_cast %get3A_488 : i32 to index
    %get3A_491 = arith.index_cast %add3A_486 : i32 to index
    %get3A_492 = tpu.vector_load %arg6[%get3A_489, %get3A_490, %get3A_491] {strides = array<i32>} : memref<2x32x128xi32, #tpu.memory_space<vmem>>, vector<16xi32>,
    %add3A_493 = arith.addi %mul3A_5, %get3A_492 : vector<16xi32>
    tpu.vector_store_idx %arg7[%add3A_493], %broadcast_in_dim3A_2 {add = true} : memref<2304xi32, #tpu.memory_space<vmem>>[vector<16xi32>], vector<16xi32>,
    %add3A_494 = arith.constant 0 : i32
    %add3A_495 = arith.addi %mul3A_11, %add3A_494 : i32
    %get3A_496 = arith.constant 0 : i32
    %get3A_497 = arith.constant 7 : i32
    %get3A_498 = arith.index_cast %get3A_496 : i32 to index
    %get3A_499 = arith.index_cast %get3A_497 : i32 to index
    %get3A_500 = arith.index_cast %add3A_495 : i32 to index
    %get3A_501 = tpu.vector_load %arg6[%get3A_498, %get3A_499, %get3A_500] {strides = array<i32>} : memref<2x32x128xi32, #tpu.memory_space<vmem>>, vector<16xi32>,
    %add3A_502 = arith.addi %mul3A_5, %get3A_501 : vector<16xi32>
    tpu.vector_store_idx %arg7[%add3A_502], %broadcast_in_dim3A_2 {add = true} : memref<2304xi32, #tpu.memory_space<vmem>>[vector<16xi32>], vector<16xi32>,
    %add3A_503 = arith.constant 16 : i32
    %add3A_504 = arith.addi %mul3A_11, %add3A_503 : i32
    %get3A_505 = arith.constant 0 : i32
    %get3A_506 = arith.constant 7 : i32
    %get3A_507 = arith.index_cast %get3A_505 : i32 to index
    %get3A_508 = arith.index_cast %get3A_506 : i32 to index
    %get3A_509 = arith.index_cast %add3A_504 : i32 to index
    %get3A_510 = tpu.vector_load %arg6[%get3A_507, %get3A_508, %get3A_509] {strides = array<i32>} : memref<2x32x128xi32, #tpu.memory_space<vmem>>, vector<16xi32>,
    %add3A_511 = arith.addi %mul3A_5, %get3A_510 : vector<16xi32>
    tpu.vector_store_idx %arg7[%add3A_511], %broadcast_in_dim3A_2 {add = true} : memref<2304xi32, #tpu.memory_space<vmem>>[vector<16xi32>], vector<16xi32>,
    %add3A_512 = arith.constant 0 : i32
    %add3A_513 = arith.addi %mul3A_11, %add3A_512 : i32
    %get3A_514 = arith.constant 0 : i32
    %get3A_515 = arith.constant 8 : i32
    %get3A_516 = arith.index_cast %get3A_514 : i32 to index
    %get3A_517 = arith.index_cast %get3A_515 : i32 to index
    %get3A_518 = arith.index_cast %add3A_513 : i32 to index
    %get3A_519 = tpu.vector_load %arg6[%get3A_516, %get3A_517, %get3A_518] {strides = array<i32>} : memref<2x32x128xi32, #tpu.memory_space<vmem>>, vector<16xi32>,
    %add3A_520 = arith.addi %mul3A_5, %get3A_519 : vector<16xi32>
    tpu.vector_store_idx %arg7[%add3A_520], %broadcast_in_dim3A_2 {add = true} : memref<2304xi32, #tpu.memory_space<vmem>>[vector<16xi32>], vector<16xi32>,
    %add3A_521 = arith.constant 16 : i32
    %add3A_522 = arith.addi %mul3A_11, %add3A_521 : i32
    %get3A_523 = arith.constant 0 : i32
    %get3A_524 = arith.constant 8 : i32
    %get3A_525 = arith.index_cast %get3A_523 : i32 to index
    %get3A_526 = arith.index_cast %get3A_524 : i32 to index
    %get3A_527 = arith.index_cast %add3A_522 : i32 to index
    %get3A_528 = tpu.vector_load %arg6[%get3A_525, %get3A_526, %get3A_527] {strides = array<i32>} : memref<2x32x128xi32, #tpu.memory_space<vmem>>, vector<16xi32>,
    %add3A_529 = arith.addi %mul3A_5, %get3A_528 : vector<16xi32>
    tpu.vector_store_idx %arg7[%add3A_529], %broadcast_in_dim3A_2 {add = true} : memref<2304xi32, #tpu.memory_space<vmem>>[vector<16xi32>], vector<16xi32>,
    %add3A_530 = arith.constant 0 : i32
    %add3A_531 = arith.addi %mul3A_11, %add3A_530 : i32
    %get3A_532 = arith.constant 0 : i32
    %get3A_533 = arith.constant 9 : i32
    %get3A_534 = arith.index_cast %get3A_532 : i32 to index
    %get3A_535 = arith.index_cast %get3A_533 : i32 to index
    %get3A_536 = arith.index_cast %add3A_531 : i32 to index
    %get3A_537 = tpu.vector_load %arg6[%get3A_534, %get3A_535, %get3A_536] {strides = array<i32>} : memref<2x32x128xi32, #tpu.memory_space<vmem>>, vector<16xi32>,
    %add3A_538 = arith.addi %mul3A_5, %get3A_537 : vector<16xi32>
    tpu.vector_store_idx %arg7[%add3A_538], %broadcast_in_dim3A_2 {add = true} : memref<2304xi32, #tpu.memory_space<vmem>>[vector<16xi32>], vector<16xi32>,
    %add3A_539 = arith.constant 16 : i32
    %add3A_540 = arith.addi %mul3A_11, %add3A_539 : i32
    %get3A_541 = arith.constant 0 : i32
    %get3A_542 = arith.constant 9 : i32
    %get3A_543 = arith.index_cast %get3A_541 : i32 to index
    %get3A_544 = arith.index_cast %get3A_542 : i32 to index
    %get3A_545 = arith.index_cast %add3A_540 : i32 to index
    %get3A_546 = tpu.vector_load %arg6[%get3A_543, %get3A_544, %get3A_545] {strides = array<i32>} : memref<2x32x128xi32, #tpu.memory_space<vmem>>, vector<16xi32>,
    %add3A_547 = arith.addi %mul3A_5, %get3A_546 : vector<16xi32>
    tpu.vector_store_idx %arg7[%add3A_547], %broadcast_in_dim3A_2 {add = true} : memref<2304xi32, #tpu.memory_space<vmem>>[vector<16xi32>], vector<16xi32>,
    %add3A_548 = arith.constant 0 : i32
    %add3A_549 = arith.addi %mul3A_11, %add3A_548 : i32
    %get3A_550 = arith.constant 0 : i32
    %get3A_551 = arith.constant 10 : i32
    %get3A_552 = arith.index_cast %get3A_550 : i32 to index
    %get3A_553 = arith.index_cast %get3A_551 : i32 to index
    %get3A_554 = arith.index_cast %add3A_549 : i32 to index
    %get3A_555 = tpu.vector_load %arg6[%get3A_552, %get3A_553, %get3A_554] {strides = array<i32>} : memref<2x32x128xi32, #tpu.memory_space<vmem>>, vector<16xi32>,
    %add3A_556 = arith.addi %mul3A_5, %get3A_555 : vector<16xi32>
    tpu.vector_store_idx %arg7[%add3A_556], %broadcast_in_dim3A_2 {add = true} : memref<2304xi32, #tpu.memory_space<vmem>>[vector<16xi32>], vector<16xi32>,
    %add3A_557 = arith.constant 16 : i32
    %add3A_558 = arith.addi %mul3A_11, %add3A_557 : i32
    %get3A_559 = arith.constant 0 : i32
    %get3A_560 = arith.constant 10 : i32
    %get3A_561 = arith.index_cast %get3A_559 : i32 to index
    %get3A_562 = arith.index_cast %get3A_560 : i32 to index
    %get3A_563 = arith.index_cast %add3A_558 : i32 to index
    %get3A_564 = tpu.vector_load %arg6[%get3A_561, %get3A_562, %get3A_563] {strides = array<i32>} : memref<2x32x128xi32, #tpu.memory_space<vmem>>, vector<16xi32>,
    %add3A_565 = arith.addi %mul3A_5, %get3A_564 : vector<16xi32>
    tpu.vector_store_idx %arg7[%add3A_565], %broadcast_in_dim3A_2 {add = true} : memref<2304xi32, #tpu.memory_space<vmem>>[vector<16xi32>], vector<16xi32>,
    %add3A_566 = arith.constant 0 : i32
    %add3A_567 = arith.addi %mul3A_11, %add3A_566 : i32
    %get3A_568 = arith.constant 0 : i32
    %get3A_569 = arith.constant 11 : i32
    %get3A_570 = arith.index_cast %get3A_568 : i32 to index
    %get3A_571 = arith.index_cast %get3A_569 : i32 to index
    %get3A_572 = arith.index_cast %add3A_567 : i32 to index
    %get3A_573 = tpu.vector_load %arg6[%get3A_570, %get3A_571, %get3A_572] {strides = array<i32>} : memref<2x32x128xi32, #tpu.memory_space<vmem>>, vector<16xi32>,
    %add3A_574 = arith.addi %mul3A_5, %get3A_573 : vector<16xi32>
    tpu.vector_store_idx %arg7[%add3A_574], %broadcast_in_dim3A_2 {add = true} : memref<2304xi32, #tpu.memory_space<vmem>>[vector<16xi32>], vector<16xi32>,
    %add3A_575 = arith.constant 16 : i32
    %add3A_576 = arith.addi %mul3A_11, %add3A_575 : i32
    %get3A_577 = arith.constant 0 : i32
    %get3A_578 = arith.constant 11 : i32
    %get3A_579 = arith.index_cast %get3A_577 : i32 to index
    %get3A_580 = arith.index_cast %get3A_578 : i32 to index
    %get3A_581 = arith.index_cast %add3A_576 : i32 to index
    %get3A_582 = tpu.vector_load %arg6[%get3A_579, %get3A_580, %get3A_581] {strides = array<i32>} : memref<2x32x128xi32, #tpu.memory_space<vmem>>, vector<16xi32>,
    %add3A_583 = arith.addi %mul3A_5, %get3A_582 : vector<16xi32>
    tpu.vector_store_idx %arg7[%add3A_583], %broadcast_in_dim3A_2 {add = true} : memref<2304xi32, #tpu.memory_space<vmem>>[vector<16xi32>], vector<16xi32>,
    %add3A_584 = arith.constant 0 : i32
    %add3A_585 = arith.addi %mul3A_11, %add3A_584 : i32
    %get3A_586 = arith.constant 0 : i32
    %get3A_587 = arith.constant 12 : i32
    %get3A_588 = arith.index_cast %get3A_586 : i32 to index
    %get3A_589 = arith.index_cast %get3A_587 : i32 to index
    %get3A_590 = arith.index_cast %add3A_585 : i32 to index
    %get3A_591 = tpu.vector_load %arg6[%get3A_588, %get3A_589, %get3A_590] {strides = array<i32>} : memref<2x32x128xi32, #tpu.memory_space<vmem>>, vector<16xi32>,
    %add3A_592 = arith.addi %mul3A_5, %get3A_591 : vector<16xi32>
    tpu.vector_store_idx %arg7[%add3A_592], %broadcast_in_dim3A_2 {add = true} : memref<2304xi32, #tpu.memory_space<vmem>>[vector<16xi32>], vector<16xi32>,
    %add3A_593 = arith.constant 16 : i32
    %add3A_594 = arith.addi %mul3A_11, %add3A_593 : i32
    %get3A_595 = arith.constant 0 : i32
    %get3A_596 = arith.constant 12 : i32
    %get3A_597 = arith.index_cast %get3A_595 : i32 to index
    %get3A_598 = arith.index_cast %get3A_596 : i32 to index
    %get3A_599 = arith.index_cast %add3A_594 : i32 to index
    %get3A_600 = tpu.vector_load %arg6[%get3A_597, %get3A_598, %get3A_599] {strides = array<i32>} : memref<2x32x128xi32, #tpu.memory_space<vmem>>, vector<16xi32>,
    %add3A_601 = arith.addi %mul3A_5, %get3A_600 : vector<16xi32>
    tpu.vector_store_idx %arg7[%add3A_601], %broadcast_in_dim3A_2 {add = true} : memref<2304xi32, #tpu.memory_space<vmem>>[vector<16xi32>], vector<16xi32>,
    %add3A_602 = arith.constant 0 : i32
    %add3A_603 = arith.addi %mul3A_11, %add3A_602 : i32
    %get3A_604 = arith.constant 0 : i32
    %get3A_605 = arith.constant 13 : i32
    %get3A_606 = arith.index_cast %get3A_604 : i32 to index
    %get3A_607 = arith.index_cast %get3A_605 : i32 to index
    %get3A_608 = arith.index_cast %add3A_603 : i32 to index
    %get3A_609 = tpu.vector_load %arg6[%get3A_606, %get3A_607, %get3A_608] {strides = array<i32>} : memref<2x32x128xi32, #tpu.memory_space<vmem>>, vector<16xi32>,
    %add3A_610 = arith.addi %mul3A_5, %get3A_609 : vector<16xi32>
    tpu.vector_store_idx %arg7[%add3A_610], %broadcast_in_dim3A_2 {add = true} : memref<2304xi32, #tpu.memory_space<vmem>>[vector<16xi32>], vector<16xi32>,
    %add3A_611 = arith.constant 16 : i32
    %add3A_612 = arith.addi %mul3A_11, %add3A_611 : i32
    %get3A_613 = arith.constant 0 : i32
    %get3A_614 = arith.constant 13 : i32
    %get3A_615 = arith.index_cast %get3A_613 : i32 to index
    %get3A_616 = arith.index_cast %get3A_614 : i32 to index
    %get3A_617 = arith.index_cast %add3A_612 : i32 to index
    %get3A_618 = tpu.vector_load %arg6[%get3A_615, %get3A_616, %get3A_617] {strides = array<i32>} : memref<2x32x128xi32, #tpu.memory_space<vmem>>, vector<16xi32>,
    %add3A_619 = arith.addi %mul3A_5, %get3A_618 : vector<16xi32>
    tpu.vector_store_idx %arg7[%add3A_619], %broadcast_in_dim3A_2 {add = true} : memref<2304xi32, #tpu.memory_space<vmem>>[vector<16xi32>], vector<16xi32>,
    %add3A_620 = arith.constant 0 : i32
    %add3A_621 = arith.addi %mul3A_11, %add3A_620 : i32
    %get3A_622 = arith.constant 0 : i32
    %get3A_623 = arith.constant 14 : i32
    %get3A_624 = arith.index_cast %get3A_622 : i32 to index
    %get3A_625 = arith.index_cast %get3A_623 : i32 to index
    %get3A_626 = arith.index_cast %add3A_621 : i32 to index
    %get3A_627 = tpu.vector_load %arg6[%get3A_624, %get3A_625, %get3A_626] {strides = array<i32>} : memref<2x32x128xi32, #tpu.memory_space<vmem>>, vector<16xi32>,
    %add3A_628 = arith.addi %mul3A_5, %get3A_627 : vector<16xi32>
    tpu.vector_store_idx %arg7[%add3A_628], %broadcast_in_dim3A_2 {add = true} : memref<2304xi32, #tpu.memory_space<vmem>>[vector<16xi32>], vector<16xi32>,
    %add3A_629 = arith.constant 16 : i32
    %add3A_630 = arith.addi %mul3A_11, %add3A_629 : i32
    %get3A_631 = arith.constant 0 : i32
    %get3A_632 = arith.constant 14 : i32
    %get3A_633 = arith.index_cast %get3A_631 : i32 to index
    %get3A_634 = arith.index_cast %get3A_632 : i32 to index
    %get3A_635 = arith.index_cast %add3A_630 : i32 to index
    %get3A_636 = tpu.vector_load %arg6[%get3A_633, %get3A_634, %get3A_635] {strides = array<i32>} : memref<2x32x128xi32, #tpu.memory_space<vmem>>, vector<16xi32>,
    %add3A_637 = arith.addi %mul3A_5, %get3A_636 : vector<16xi32>
    tpu.vector_store_idx %arg7[%add3A_637], %broadcast_in_dim3A_2 {add = true} : memref<2304xi32, #tpu.memory_space<vmem>>[vector<16xi32>], vector<16xi32>,
    %add3A_638 = arith.constant 0 : i32
    %add3A_639 = arith.addi %mul3A_11, %add3A_638 : i32
    %get3A_640 = arith.constant 0 : i32
    %get3A_641 = arith.constant 15 : i32
    %get3A_642 = arith.index_cast %get3A_640 : i32 to index
    %get3A_643 = arith.index_cast %get3A_641 : i32 to index
    %get3A_644 = arith.index_cast %add3A_639 : i32 to index
    %get3A_645 = tpu.vector_load %arg6[%get3A_642, %get3A_643, %get3A_644] {strides = array<i32>} : memref<2x32x128xi32, #tpu.memory_space<vmem>>, vector<16xi32>,
    %add3A_646 = arith.addi %mul3A_5, %get3A_645 : vector<16xi32>
    tpu.vector_store_idx %arg7[%add3A_646], %broadcast_in_dim3A_2 {add = true} : memref<2304xi32, #tpu.memory_space<vmem>>[vector<16xi32>], vector<16xi32>,
    %add3A_647 = arith.constant 16 : i32
    %add3A_648 = arith.addi %mul3A_11, %add3A_647 : i32
    %get3A_649 = arith.constant 0 : i32
    %get3A_650 = arith.constant 15 : i32
    %get3A_651 = arith.index_cast %get3A_649 : i32 to index
    %get3A_652 = arith.index_cast %get3A_650 : i32 to index
    %get3A_653 = arith.index_cast %add3A_648 : i32 to index
    %get3A_654 = tpu.vector_load %arg6[%get3A_651, %get3A_652, %get3A_653] {strides = array<i32>} : memref<2x32x128xi32, #tpu.memory_space<vmem>>, vector<16xi32>,
    %add3A_655 = arith.addi %mul3A_5, %get3A_654 : vector<16xi32>
    tpu.vector_store_idx %arg7[%add3A_655], %broadcast_in_dim3A_2 {add = true} : memref<2304xi32, #tpu.memory_space<vmem>>[vector<16xi32>], vector<16xi32>,
    %add3A_656 = arith.constant 0 : i32
    %add3A_657 = arith.addi %mul3A_11, %add3A_656 : i32
    %get3A_658 = arith.constant 0 : i32
    %get3A_659 = arith.constant 16 : i32
    %get3A_660 = arith.index_cast %get3A_658 : i32 to index
    %get3A_661 = arith.index_cast %get3A_659 : i32 to index
    %get3A_662 = arith.index_cast %add3A_657 : i32 to index
    %get3A_663 = tpu.vector_load %arg6[%get3A_660, %get3A_661, %get3A_662] {strides = array<i32>} : memref<2x32x128xi32, #tpu.memory_space<vmem>>, vector<16xi32>,
    %add3A_664 = arith.addi %mul3A_5, %get3A_663 : vector<16xi32>
    tpu.vector_store_idx %arg7[%add3A_664], %broadcast_in_dim3A_2 {add = true} : memref<2304xi32, #tpu.memory_space<vmem>>[vector<16xi32>], vector<16xi32>,
    %add3A_665 = arith.constant 16 : i32
    %add3A_666 = arith.addi %mul3A_11, %add3A_665 : i32
    %get3A_667 = arith.constant 0 : i32
    %get3A_668 = arith.constant 16 : i32
    %get3A_669 = arith.index_cast %get3A_667 : i32 to index
    %get3A_670 = arith.index_cast %get3A_668 : i32 to index
    %get3A_671 = arith.index_cast %add3A_666 : i32 to index
    %get3A_672 = tpu.vector_load %arg6[%get3A_669, %get3A_670, %get3A_671] {strides = array<i32>} : memref<2x32x128xi32, #tpu.memory_space<vmem>>, vector<16xi32>,
    %add3A_673 = arith.addi %mul3A_5, %get3A_672 : vector<16xi32>
    tpu.vector_store_idx %arg7[%add3A_673], %broadcast_in_dim3A_2 {add = true} : memref<2304xi32, #tpu.memory_space<vmem>>[vector<16xi32>], vector<16xi32>,
    %add3A_674 = arith.constant 0 : i32
    %add3A_675 = arith.addi %mul3A_11, %add3A_674 : i32
    %get3A_676 = arith.constant 0 : i32
    %get3A_677 = arith.constant 17 : i32
    %get3A_678 = arith.index_cast %get3A_676 : i32 to index
    %get3A_679 = arith.index_cast %get3A_677 : i32 to index
    %get3A_680 = arith.index_cast %add3A_675 : i32 to index
    %get3A_681 = tpu.vector_load %arg6[%get3A_678, %get3A_679, %get3A_680] {strides = array<i32>} : memref<2x32x128xi32, #tpu.memory_space<vmem>>, vector<16xi32>,
    %add3A_682 = arith.addi %mul3A_5, %get3A_681 : vector<16xi32>
    tpu.vector_store_idx %arg7[%add3A_682], %broadcast_in_dim3A_2 {add = true} : memref<2304xi32, #tpu.memory_space<vmem>>[vector<16xi32>], vector<16xi32>,
    %add3A_683 = arith.constant 16 : i32
    %add3A_684 = arith.addi %mul3A_11, %add3A_683 : i32
    %get3A_685 = arith.constant 0 : i32
    %get3A_686 = arith.constant 17 : i32
    %get3A_687 = arith.index_cast %get3A_685 : i32 to index
    %get3A_688 = arith.index_cast %get3A_686 : i32 to index
    %get3A_689 = arith.index_cast %add3A_684 : i32 to index
    %get3A_690 = tpu.vector_load %arg6[%get3A_687, %get3A_688, %get3A_689] {strides = array<i32>} : memref<2x32x128xi32, #tpu.memory_space<vmem>>, vector<16xi32>,
    %add3A_691 = arith.addi %mul3A_5, %get3A_690 : vector<16xi32>
    tpu.vector_store_idx %arg7[%add3A_691], %broadcast_in_dim3A_2 {add = true} : memref<2304xi32, #tpu.memory_space<vmem>>[vector<16xi32>], vector<16xi32>,
    %add3A_692 = arith.constant 0 : i32
    %add3A_693 = arith.addi %mul3A_11, %add3A_692 : i32
    %get3A_694 = arith.constant 0 : i32
    %get3A_695 = arith.constant 18 : i32
    %get3A_696 = arith.index_cast %get3A_694 : i32 to index
    %get3A_697 = arith.index_cast %get3A_695 : i32 to index
    %get3A_698 = arith.index_cast %add3A_693 : i32 to index
    %get3A_699 = tpu.vector_load %arg6[%get3A_696, %get3A_697, %get3A_698] {strides = array<i32>} : memref<2x32x128xi32, #tpu.memory_space<vmem>>, vector<16xi32>,
    %add3A_700 = arith.addi %mul3A_5, %get3A_699 : vector<16xi32>
    tpu.vector_store_idx %arg7[%add3A_700], %broadcast_in_dim3A_2 {add = true} : memref<2304xi32, #tpu.memory_space<vmem>>[vector<16xi32>], vector<16xi32>,
    %add3A_701 = arith.constant 16 : i32
    %add3A_702 = arith.addi %mul3A_11, %add3A_701 : i32
    %get3A_703 = arith.constant 0 : i32
    %get3A_704 = arith.constant 18 : i32
    %get3A_705 = arith.index_cast %get3A_703 : i32 to index
    %get3A_706 = arith.index_cast %get3A_704 : i32 to index
    %get3A_707 = arith.index_cast %add3A_702 : i32 to index
    %get3A_708 = tpu.vector_load %arg6[%get3A_705, %get3A_706, %get3A_707] {strides = array<i32>} : memref<2x32x128xi32, #tpu.memory_space<vmem>>, vector<16xi32>,
    %add3A_709 = arith.addi %mul3A_5, %get3A_708 : vector<16xi32>
    tpu.vector_store_idx %arg7[%add3A_709], %broadcast_in_dim3A_2 {add = true} : memref<2304xi32, #tpu.memory_space<vmem>>[vector<16xi32>], vector<16xi32>,
    %add3A_710 = arith.constant 0 : i32
    %add3A_711 = arith.addi %mul3A_11, %add3A_710 : i32
    %get3A_712 = arith.constant 0 : i32
    %get3A_713 = arith.constant 19 : i32
    %get3A_714 = arith.index_cast %get3A_712 : i32 to index
    %get3A_715 = arith.index_cast %get3A_713 : i32 to index
    %get3A_716 = arith.index_cast %add3A_711 : i32 to index
    %get3A_717 = tpu.vector_load %arg6[%get3A_714, %get3A_715, %get3A_716] {strides = array<i32>} : memref<2x32x128xi32, #tpu.memory_space<vmem>>, vector<16xi32>,
    %add3A_718 = arith.addi %mul3A_5, %get3A_717 : vector<16xi32>
    tpu.vector_store_idx %arg7[%add3A_718], %broadcast_in_dim3A_2 {add = true} : memref<2304xi32, #tpu.memory_space<vmem>>[vector<16xi32>], vector<16xi32>,
    %add3A_719 = arith.constant 16 : i32
    %add3A_720 = arith.addi %mul3A_11, %add3A_719 : i32
    %get3A_721 = arith.constant 0 : i32
    %get3A_722 = arith.constant 19 : i32
    %get3A_723 = arith.index_cast %get3A_721 : i32 to index
    %get3A_724 = arith.index_cast %get3A_722 : i32 to index
    %get3A_725 = arith.index_cast %add3A_720 : i32 to index
    %get3A_726 = tpu.vector_load %arg6[%get3A_723, %get3A_724, %get3A_725] {strides = array<i32>} : memref<2x32x128xi32, #tpu.memory_space<vmem>>, vector<16xi32>,
    %add3A_727 = arith.addi %mul3A_5, %get3A_726 : vector<16xi32>
    tpu.vector_store_idx %arg7[%add3A_727], %broadcast_in_dim3A_2 {add = true} : memref<2304xi32, #tpu.memory_space<vmem>>[vector<16xi32>], vector<16xi32>,
    %add3A_728 = arith.constant 0 : i32
    %add3A_729 = arith.addi %mul3A_11, %add3A_728 : i32
    %get3A_730 = arith.constant 0 : i32
    %get3A_731 = arith.constant 20 : i32
    %get3A_732 = arith.index_cast %get3A_730 : i32 to index
    %get3A_733 = arith.index_cast %get3A_731 : i32 to index
    %get3A_734 = arith.index_cast %add3A_729 : i32 to index
    %get3A_735 = tpu.vector_load %arg6[%get3A_732, %get3A_733, %get3A_734] {strides = array<i32>} : memref<2x32x128xi32, #tpu.memory_space<vmem>>, vector<16xi32>,
    %add3A_736 = arith.addi %mul3A_5, %get3A_735 : vector<16xi32>
    tpu.vector_store_idx %arg7[%add3A_736], %broadcast_in_dim3A_2 {add = true} : memref<2304xi32, #tpu.memory_space<vmem>>[vector<16xi32>], vector<16xi32>,
    %add3A_737 = arith.constant 16 : i32
    %add3A_738 = arith.addi %mul3A_11, %add3A_737 : i32
    %get3A_739 = arith.constant 0 : i32
    %get3A_740 = arith.constant 20 : i32
    %get3A_741 = arith.index_cast %get3A_739 : i32 to index
    %get3A_742 = arith.index_cast %get3A_740 : i32 to index
    %get3A_743 = arith.index_cast %add3A_738 : i32 to index
    %get3A_744 = tpu.vector_load %arg6[%get3A_741, %get3A_742, %get3A_743] {strides = array<i32>} : memref<2x32x128xi32, #tpu.memory_space<vmem>>, vector<16xi32>,
    %add3A_745 = arith.addi %mul3A_5, %get3A_744 : vector<16xi32>
    tpu.vector_store_idx %arg7[%add3A_745], %broadcast_in_dim3A_2 {add = true} : memref<2304xi32, #tpu.memory_space<vmem>>[vector<16xi32>], vector<16xi32>,
    %add3A_746 = arith.constant 0 : i32
    %add3A_747 = arith.addi %mul3A_11, %add3A_746 : i32
    %get3A_748 = arith.constant 0 : i32
    %get3A_749 = arith.constant 21 : i32
    %get3A_750 = arith.index_cast %get3A_748 : i32 to index
    %get3A_751 = arith.index_cast %get3A_749 : i32 to index
    %get3A_752 = arith.index_cast %add3A_747 : i32 to index
    %get3A_753 = tpu.vector_load %arg6[%get3A_750, %get3A_751, %get3A_752] {strides = array<i32>} : memref<2x32x128xi32, #tpu.memory_space<vmem>>, vector<16xi32>,
    %add3A_754 = arith.addi %mul3A_5, %get3A_753 : vector<16xi32>
    tpu.vector_store_idx %arg7[%add3A_754], %broadcast_in_dim3A_2 {add = true} : memref<2304xi32, #tpu.memory_space<vmem>>[vector<16xi32>], vector<16xi32>,
    %add3A_755 = arith.constant 16 : i32
    %add3A_756 = arith.addi %mul3A_11, %add3A_755 : i32
    %get3A_757 = arith.constant 0 : i32
    %get3A_758 = arith.constant 21 : i32
    %get3A_759 = arith.index_cast %get3A_757 : i32 to index
    %get3A_760 = arith.index_cast %get3A_758 : i32 to index
    %get3A_761 = arith.index_cast %add3A_756 : i32 to index
    %get3A_762 = tpu.vector_load %arg6[%get3A_759, %get3A_760, %get3A_761] {strides = array<i32>} : memref<2x32x128xi32, #tpu.memory_space<vmem>>, vector<16xi32>,
    %add3A_763 = arith.addi %mul3A_5, %get3A_762 : vector<16xi32>
    tpu.vector_store_idx %arg7[%add3A_763], %broadcast_in_dim3A_2 {add = true} : memref<2304xi32, #tpu.memory_space<vmem>>[vector<16xi32>], vector<16xi32>,
    %add3A_764 = arith.constant 0 : i32
    %add3A_765 = arith.addi %mul3A_11, %add3A_764 : i32
    %get3A_766 = arith.constant 0 : i32
    %get3A_767 = arith.constant 22 : i32
    %get3A_768 = arith.index_cast %get3A_766 : i32 to index
    %get3A_769 = arith.index_cast %get3A_767 : i32 to index
    %get3A_770 = arith.index_cast %add3A_765 : i32 to index
    %get3A_771 = tpu.vector_load %arg6[%get3A_768, %get3A_769, %get3A_770] {strides = array<i32>} : memref<2x32x128xi32, #tpu.memory_space<vmem>>, vector<16xi32>,
    %add3A_772 = arith.addi %mul3A_5, %get3A_771 : vector<16xi32>
    tpu.vector_store_idx %arg7[%add3A_772], %broadcast_in_dim3A_2 {add = true} : memref<2304xi32, #tpu.memory_space<vmem>>[vector<16xi32>], vector<16xi32>,
    %add3A_773 = arith.constant 16 : i32
    %add3A_774 = arith.addi %mul3A_11, %add3A_773 : i32
    %get3A_775 = arith.constant 0 : i32
    %get3A_776 = arith.constant 22 : i32
    %get3A_777 = arith.index_cast %get3A_775 : i32 to index
    %get3A_778 = arith.index_cast %get3A_776 : i32 to index
    %get3A_779 = arith.index_cast %add3A_774 : i32 to index
    %get3A_780 = tpu.vector_load %arg6[%get3A_777, %get3A_778, %get3A_779] {strides = array<i32>} : memref<2x32x128xi32, #tpu.memory_space<vmem>>, vector<16xi32>,
    %add3A_781 = arith.addi %mul3A_5, %get3A_780 : vector<16xi32>
    tpu.vector_store_idx %arg7[%add3A_781], %broadcast_in_dim3A_2 {add = true} : memref<2304xi32, #tpu.memory_space<vmem>>[vector<16xi32>], vector<16xi32>,
    %add3A_782 = arith.constant 0 : i32
    %add3A_783 = arith.addi %mul3A_11, %add3A_782 : i32
    %get3A_784 = arith.constant 0 : i32
    %get3A_785 = arith.constant 23 : i32
    %get3A_786 = arith.index_cast %get3A_784 : i32 to index
    %get3A_787 = arith.index_cast %get3A_785 : i32 to index
    %get3A_788 = arith.index_cast %add3A_783 : i32 to index
    %get3A_789 = tpu.vector_load %arg6[%get3A_786, %get3A_787, %get3A_788] {strides = array<i32>} : memref<2x32x128xi32, #tpu.memory_space<vmem>>, vector<16xi32>,
    %add3A_790 = arith.addi %mul3A_5, %get3A_789 : vector<16xi32>
    tpu.vector_store_idx %arg7[%add3A_790], %broadcast_in_dim3A_2 {add = true} : memref<2304xi32, #tpu.memory_space<vmem>>[vector<16xi32>], vector<16xi32>,
    %add3A_791 = arith.constant 16 : i32
    %add3A_792 = arith.addi %mul3A_11, %add3A_791 : i32
    %get3A_793 = arith.constant 0 : i32
    %get3A_794 = arith.constant 23 : i32
    %get3A_795 = arith.index_cast %get3A_793 : i32 to index
    %get3A_796 = arith.index_cast %get3A_794 : i32 to index
    %get3A_797 = arith.index_cast %add3A_792 : i32 to index
    %get3A_798 = tpu.vector_load %arg6[%get3A_795, %get3A_796, %get3A_797] {strides = array<i32>} : memref<2x32x128xi32, #tpu.memory_space<vmem>>, vector<16xi32>,
    %add3A_799 = arith.addi %mul3A_5, %get3A_798 : vector<16xi32>
    tpu.vector_store_idx %arg7[%add3A_799], %broadcast_in_dim3A_2 {add = true} : memref<2304xi32, #tpu.memory_space<vmem>>[vector<16xi32>], vector<16xi32>,
    %add3A_800 = arith.constant 0 : i32
    %add3A_801 = arith.addi %mul3A_11, %add3A_800 : i32
    %get3A_802 = arith.constant 0 : i32
    %get3A_803 = arith.constant 24 : i32
    %get3A_804 = arith.index_cast %get3A_802 : i32 to index
    %get3A_805 = arith.index_cast %get3A_803 : i32 to index
    %get3A_806 = arith.index_cast %add3A_801 : i32 to index
    %get3A_807 = tpu.vector_load %arg6[%get3A_804, %get3A_805, %get3A_806] {strides = array<i32>} : memref<2x32x128xi32, #tpu.memory_space<vmem>>, vector<16xi32>,
    %add3A_808 = arith.addi %mul3A_5, %get3A_807 : vector<16xi32>
    tpu.vector_store_idx %arg7[%add3A_808], %broadcast_in_dim3A_2 {add = true} : memref<2304xi32, #tpu.memory_space<vmem>>[vector<16xi32>], vector<16xi32>,
    %add3A_809 = arith.constant 16 : i32
    %add3A_810 = arith.addi %mul3A_11, %add3A_809 : i32
    %get3A_811 = arith.constant 0 : i32
    %get3A_812 = arith.constant 24 : i32
    %get3A_813 = arith.index_cast %get3A_811 : i32 to index
    %get3A_814 = arith.index_cast %get3A_812 : i32 to index
    %get3A_815 = arith.index_cast %add3A_810 : i32 to index
    %get3A_816 = tpu.vector_load %arg6[%get3A_813, %get3A_814, %get3A_815] {strides = array<i32>} : memref<2x32x128xi32, #tpu.memory_space<vmem>>, vector<16xi32>,
    %add3A_817 = arith.addi %mul3A_5, %get3A_816 : vector<16xi32>
    tpu.vector_store_idx %arg7[%add3A_817], %broadcast_in_dim3A_2 {add = true} : memref<2304xi32, #tpu.memory_space<vmem>>[vector<16xi32>], vector<16xi32>,
    %add3A_818 = arith.constant 0 : i32
    %add3A_819 = arith.addi %mul3A_11, %add3A_818 : i32
    %get3A_820 = arith.constant 0 : i32
    %get3A_821 = arith.constant 25 : i32
    %get3A_822 = arith.index_cast %get3A_820 : i32 to index
    %get3A_823 = arith.index_cast %get3A_821 : i32 to index
    %get3A_824 = arith.index_cast %add3A_819 : i32 to index
    %get3A_825 = tpu.vector_load %arg6[%get3A_822, %get3A_823, %get3A_824] {strides = array<i32>} : memref<2x32x128xi32, #tpu.memory_space<vmem>>, vector<16xi32>,
    %add3A_826 = arith.addi %mul3A_5, %get3A_825 : vector<16xi32>
    tpu.vector_store_idx %arg7[%add3A_826], %broadcast_in_dim3A_2 {add = true} : memref<2304xi32, #tpu.memory_space<vmem>>[vector<16xi32>], vector<16xi32>,
    %add3A_827 = arith.constant 16 : i32
    %add3A_828 = arith.addi %mul3A_11, %add3A_827 : i32
    %get3A_829 = arith.constant 0 : i32
    %get3A_830 = arith.constant 25 : i32
    %get3A_831 = arith.index_cast %get3A_829 : i32 to index
    %get3A_832 = arith.index_cast %get3A_830 : i32 to index
    %get3A_833 = arith.index_cast %add3A_828 : i32 to index
    %get3A_834 = tpu.vector_load %arg6[%get3A_831, %get3A_832, %get3A_833] {strides = array<i32>} : memref<2x32x128xi32, #tpu.memory_space<vmem>>, vector<16xi32>,
    %add3A_835 = arith.addi %mul3A_5, %get3A_834 : vector<16xi32>
    tpu.vector_store_idx %arg7[%add3A_835], %broadcast_in_dim3A_2 {add = true} : memref<2304xi32, #tpu.memory_space<vmem>>[vector<16xi32>], vector<16xi32>,
    %add3A_836 = arith.constant 0 : i32
    %add3A_837 = arith.addi %mul3A_11, %add3A_836 : i32
    %get3A_838 = arith.constant 0 : i32
    %get3A_839 = arith.constant 26 : i32
    %get3A_840 = arith.index_cast %get3A_838 : i32 to index
    %get3A_841 = arith.index_cast %get3A_839 : i32 to index
    %get3A_842 = arith.index_cast %add3A_837 : i32 to index
    %get3A_843 = tpu.vector_load %arg6[%get3A_840, %get3A_841, %get3A_842] {strides = array<i32>} : memref<2x32x128xi32, #tpu.memory_space<vmem>>, vector<16xi32>,
    %add3A_844 = arith.addi %mul3A_5, %get3A_843 : vector<16xi32>
    tpu.vector_store_idx %arg7[%add3A_844], %broadcast_in_dim3A_2 {add = true} : memref<2304xi32, #tpu.memory_space<vmem>>[vector<16xi32>], vector<16xi32>,
    %add3A_845 = arith.constant 16 : i32
    %add3A_846 = arith.addi %mul3A_11, %add3A_845 : i32
    %get3A_847 = arith.constant 0 : i32
    %get3A_848 = arith.constant 26 : i32
    %get3A_849 = arith.index_cast %get3A_847 : i32 to index
    %get3A_850 = arith.index_cast %get3A_848 : i32 to index
    %get3A_851 = arith.index_cast %add3A_846 : i32 to index
    %get3A_852 = tpu.vector_load %arg6[%get3A_849, %get3A_850, %get3A_851] {strides = array<i32>} : memref<2x32x128xi32, #tpu.memory_space<vmem>>, vector<16xi32>,
    %add3A_853 = arith.addi %mul3A_5, %get3A_852 : vector<16xi32>
    tpu.vector_store_idx %arg7[%add3A_853], %broadcast_in_dim3A_2 {add = true} : memref<2304xi32, #tpu.memory_space<vmem>>[vector<16xi32>], vector<16xi32>,
    %add3A_854 = arith.constant 0 : i32
    %add3A_855 = arith.addi %mul3A_11, %add3A_854 : i32
    %get3A_856 = arith.constant 0 : i32
    %get3A_857 = arith.constant 27 : i32
    %get3A_858 = arith.index_cast %get3A_856 : i32 to index
    %get3A_859 = arith.index_cast %get3A_857 : i32 to index
    %get3A_860 = arith.index_cast %add3A_855 : i32 to index
    %get3A_861 = tpu.vector_load %arg6[%get3A_858, %get3A_859, %get3A_860] {strides = array<i32>} : memref<2x32x128xi32, #tpu.memory_space<vmem>>, vector<16xi32>,
    %add3A_862 = arith.addi %mul3A_5, %get3A_861 : vector<16xi32>
    tpu.vector_store_idx %arg7[%add3A_862], %broadcast_in_dim3A_2 {add = true} : memref<2304xi32, #tpu.memory_space<vmem>>[vector<16xi32>], vector<16xi32>,
    %add3A_863 = arith.constant 16 : i32
    %add3A_864 = arith.addi %mul3A_11, %add3A_863 : i32
    %get3A_865 = arith.constant 0 : i32
    %get3A_866 = arith.constant 27 : i32
    %get3A_867 = arith.index_cast %get3A_865 : i32 to index
    %get3A_868 = arith.index_cast %get3A_866 : i32 to index
    %get3A_869 = arith.index_cast %add3A_864 : i32 to index
    %get3A_870 = tpu.vector_load %arg6[%get3A_867, %get3A_868, %get3A_869] {strides = array<i32>} : memref<2x32x128xi32, #tpu.memory_space<vmem>>, vector<16xi32>,
    %add3A_871 = arith.addi %mul3A_5, %get3A_870 : vector<16xi32>
    tpu.vector_store_idx %arg7[%add3A_871], %broadcast_in_dim3A_2 {add = true} : memref<2304xi32, #tpu.memory_space<vmem>>[vector<16xi32>], vector<16xi32>,
    %add3A_872 = arith.constant 0 : i32
    %add3A_873 = arith.addi %mul3A_11, %add3A_872 : i32
    %get3A_874 = arith.constant 0 : i32
    %get3A_875 = arith.constant 28 : i32
    %get3A_876 = arith.index_cast %get3A_874 : i32 to index
    %get3A_877 = arith.index_cast %get3A_875 : i32 to index
    %get3A_878 = arith.index_cast %add3A_873 : i32 to index
    %get3A_879 = tpu.vector_load %arg6[%get3A_876, %get3A_877, %get3A_878] {strides = array<i32>} : memref<2x32x128xi32, #tpu.memory_space<vmem>>, vector<16xi32>,
    %add3A_880 = arith.addi %mul3A_5, %get3A_879 : vector<16xi32>
    tpu.vector_store_idx %arg7[%add3A_880], %broadcast_in_dim3A_2 {add = true} : memref<2304xi32, #tpu.memory_space<vmem>>[vector<16xi32>], vector<16xi32>,
    %add3A_881 = arith.constant 16 : i32
    %add3A_882 = arith.addi %mul3A_11, %add3A_881 : i32
    %get3A_883 = arith.constant 0 : i32
    %get3A_884 = arith.constant 28 : i32
    %get3A_885 = arith.index_cast %get3A_883 : i32 to index
    %get3A_886 = arith.index_cast %get3A_884 : i32 to index
    %get3A_887 = arith.index_cast %add3A_882 : i32 to index
    %get3A_888 = tpu.vector_load %arg6[%get3A_885, %get3A_886, %get3A_887] {strides = array<i32>} : memref<2x32x128xi32, #tpu.memory_space<vmem>>, vector<16xi32>,
    %add3A_889 = arith.addi %mul3A_5, %get3A_888 : vector<16xi32>
    tpu.vector_store_idx %arg7[%add3A_889], %broadcast_in_dim3A_2 {add = true} : memref<2304xi32, #tpu.memory_space<vmem>>[vector<16xi32>], vector<16xi32>,
    %add3A_890 = arith.constant 0 : i32
    %add3A_891 = arith.addi %mul3A_11, %add3A_890 : i32
    %get3A_892 = arith.constant 0 : i32
    %get3A_893 = arith.constant 29 : i32
    %get3A_894 = arith.index_cast %get3A_892 : i32 to index
    %get3A_895 = arith.index_cast %get3A_893 : i32 to index
    %get3A_896 = arith.index_cast %add3A_891 : i32 to index
    %get3A_897 = tpu.vector_load %arg6[%get3A_894, %get3A_895, %get3A_896] {strides = array<i32>} : memref<2x32x128xi32, #tpu.memory_space<vmem>>, vector<16xi32>,
    %add3A_898 = arith.addi %mul3A_5, %get3A_897 : vector<16xi32>
    tpu.vector_store_idx %arg7[%add3A_898], %broadcast_in_dim3A_2 {add = true} : memref<2304xi32, #tpu.memory_space<vmem>>[vector<16xi32>], vector<16xi32>,
    %add3A_899 = arith.constant 16 : i32
    %add3A_900 = arith.addi %mul3A_11, %add3A_899 : i32
    %get3A_901 = arith.constant 0 : i32
    %get3A_902 = arith.constant 29 : i32
    %get3A_903 = arith.index_cast %get3A_901 : i32 to index
    %get3A_904 = arith.index_cast %get3A_902 : i32 to index
    %get3A_905 = arith.index_cast %add3A_900 : i32 to index
    %get3A_906 = tpu.vector_load %arg6[%get3A_903, %get3A_904, %get3A_905] {strides = array<i32>} : memref<2x32x128xi32, #tpu.memory_space<vmem>>, vector<16xi32>,
    %add3A_907 = arith.addi %mul3A_5, %get3A_906 : vector<16xi32>
    tpu.vector_store_idx %arg7[%add3A_907], %broadcast_in_dim3A_2 {add = true} : memref<2304xi32, #tpu.memory_space<vmem>>[vector<16xi32>], vector<16xi32>,
    %add3A_908 = arith.constant 0 : i32
    %add3A_909 = arith.addi %mul3A_11, %add3A_908 : i32
    %get3A_910 = arith.constant 0 : i32
    %get3A_911 = arith.constant 30 : i32
    %get3A_912 = arith.index_cast %get3A_910 : i32 to index
    %get3A_913 = arith.index_cast %get3A_911 : i32 to index
    %get3A_914 = arith.index_cast %add3A_909 : i32 to index
    %get3A_915 = tpu.vector_load %arg6[%get3A_912, %get3A_913, %get3A_914] {strides = array<i32>} : memref<2x32x128xi32, #tpu.memory_space<vmem>>, vector<16xi32>,
    %add3A_916 = arith.addi %mul3A_5, %get3A_915 : vector<16xi32>
    tpu.vector_store_idx %arg7[%add3A_916], %broadcast_in_dim3A_2 {add = true} : memref<2304xi32, #tpu.memory_space<vmem>>[vector<16xi32>], vector<16xi32>,
    %add3A_917 = arith.constant 16 : i32
    %add3A_918 = arith.addi %mul3A_11, %add3A_917 : i32
    %get3A_919 = arith.constant 0 : i32
    %get3A_920 = arith.constant 30 : i32
    %get3A_921 = arith.index_cast %get3A_919 : i32 to index
    %get3A_922 = arith.index_cast %get3A_920 : i32 to index
    %get3A_923 = arith.index_cast %add3A_918 : i32 to index
    %get3A_924 = tpu.vector_load %arg6[%get3A_921, %get3A_922, %get3A_923] {strides = array<i32>} : memref<2x32x128xi32, #tpu.memory_space<vmem>>, vector<16xi32>,
    %add3A_925 = arith.addi %mul3A_5, %get3A_924 : vector<16xi32>
    tpu.vector_store_idx %arg7[%add3A_925], %broadcast_in_dim3A_2 {add = true} : memref<2304xi32, #tpu.memory_space<vmem>>[vector<16xi32>], vector<16xi32>,
    %add3A_926 = arith.constant 0 : i32
    %add3A_927 = arith.addi %mul3A_11, %add3A_926 : i32
    %get3A_928 = arith.constant 0 : i32
    %get3A_929 = arith.constant 31 : i32
    %get3A_930 = arith.index_cast %get3A_928 : i32 to index
    %get3A_931 = arith.index_cast %get3A_929 : i32 to index
    %get3A_932 = arith.index_cast %add3A_927 : i32 to index
    %get3A_933 = tpu.vector_load %arg6[%get3A_930, %get3A_931, %get3A_932] {strides = array<i32>} : memref<2x32x128xi32, #tpu.memory_space<vmem>>, vector<16xi32>,
    %add3A_934 = arith.addi %mul3A_5, %get3A_933 : vector<16xi32>
    tpu.vector_store_idx %arg7[%add3A_934], %broadcast_in_dim3A_2 {add = true} : memref<2304xi32, #tpu.memory_space<vmem>>[vector<16xi32>], vector<16xi32>,
    %add3A_935 = arith.constant 16 : i32
    %add3A_936 = arith.addi %mul3A_11, %add3A_935 : i32
    %get3A_937 = arith.constant 0 : i32
    %get3A_938 = arith.constant 31 : i32
    %get3A_939 = arith.index_cast %get3A_937 : i32 to index
    %get3A_940 = arith.index_cast %get3A_938 : i32 to index
    %get3A_941 = arith.index_cast %add3A_936 : i32 to index
    %get3A_942 = tpu.vector_load %arg6[%get3A_939, %get3A_940, %get3A_941] {strides = array<i32>} : memref<2x32x128xi32, #tpu.memory_space<vmem>>, vector<16xi32>,
    %add3A_943 = arith.addi %mul3A_5, %get3A_942 : vector<16xi32>
    tpu.vector_store_idx %arg7[%add3A_943], %broadcast_in_dim3A_2 {add = true} : memref<2304xi32, #tpu.memory_space<vmem>>[vector<16xi32>], vector<16xi32>,
    %broadcast_in_dim3A_944 = arith.constant -1 : i32
    %broadcast_in_dim3A_945 = vector.broadcast %broadcast_in_dim3A_944 : i32 to vector<16xi32>
    %get3A_946 = arith.constant 0 : index
    %get3A_947 = tpu.vector_load %arg7[%get3A_946] {strides = array<i32>} : memref<2304xi32, #tpu.memory_space<vmem>>, vector<16xi32>,
    %get3A_948 = arith.constant 144 : index
    %get3A_949 = tpu.vector_load %arg7[%get3A_948] {strides = array<i32>} : memref<2304xi32, #tpu.memory_space<vmem>>, vector<16xi32>,
    %add3A_950 = arith.addi %get3A_947, %get3A_949 : vector<16xi32>
    %get3A_951 = arith.constant 288 : index
    %get3A_952 = tpu.vector_load %arg7[%get3A_951] {strides = array<i32>} : memref<2304xi32, #tpu.memory_space<vmem>>, vector<16xi32>,
    %add3A_953 = arith.addi %add3A_950, %get3A_952 : vector<16xi32>
    %get3A_954 = arith.constant 432 : index
    %get3A_955 = tpu.vector_load %arg7[%get3A_954] {strides = array<i32>} : memref<2304xi32, #tpu.memory_space<vmem>>, vector<16xi32>,
    %add3A_956 = arith.addi %add3A_953, %get3A_955 : vector<16xi32>
    %get3A_957 = arith.constant 576 : index
    %get3A_958 = tpu.vector_load %arg7[%get3A_957] {strides = array<i32>} : memref<2304xi32, #tpu.memory_space<vmem>>, vector<16xi32>,
    %add3A_959 = arith.addi %add3A_956, %get3A_958 : vector<16xi32>
    %get3A_960 = arith.constant 720 : index
    %get3A_961 = tpu.vector_load %arg7[%get3A_960] {strides = array<i32>} : memref<2304xi32, #tpu.memory_space<vmem>>, vector<16xi32>,
    %add3A_962 = arith.addi %add3A_959, %get3A_961 : vector<16xi32>
    %get3A_963 = arith.constant 864 : index
    %get3A_964 = tpu.vector_load %arg7[%get3A_963] {strides = array<i32>} : memref<2304xi32, #tpu.memory_space<vmem>>, vector<16xi32>,
    %add3A_965 = arith.addi %add3A_962, %get3A_964 : vector<16xi32>
    %get3A_966 = arith.constant 1008 : index
    %get3A_967 = tpu.vector_load %arg7[%get3A_966] {strides = array<i32>} : memref<2304xi32, #tpu.memory_space<vmem>>, vector<16xi32>,
    %add3A_968 = arith.addi %add3A_965, %get3A_967 : vector<16xi32>
    %get3A_969 = arith.constant 1152 : index
    %get3A_970 = tpu.vector_load %arg7[%get3A_969] {strides = array<i32>} : memref<2304xi32, #tpu.memory_space<vmem>>, vector<16xi32>,
    %add3A_971 = arith.addi %add3A_968, %get3A_970 : vector<16xi32>
    %get3A_972 = arith.constant 1296 : index
    %get3A_973 = tpu.vector_load %arg7[%get3A_972] {strides = array<i32>} : memref<2304xi32, #tpu.memory_space<vmem>>, vector<16xi32>,
    %add3A_974 = arith.addi %add3A_971, %get3A_973 : vector<16xi32>
    %get3A_975 = arith.constant 1440 : index
    %get3A_976 = tpu.vector_load %arg7[%get3A_975] {strides = array<i32>} : memref<2304xi32, #tpu.memory_space<vmem>>, vector<16xi32>,
    %add3A_977 = arith.addi %add3A_974, %get3A_976 : vector<16xi32>
    %get3A_978 = arith.constant 1584 : index
    %get3A_979 = tpu.vector_load %arg7[%get3A_978] {strides = array<i32>} : memref<2304xi32, #tpu.memory_space<vmem>>, vector<16xi32>,
    %add3A_980 = arith.addi %add3A_977, %get3A_979 : vector<16xi32>
    %get3A_981 = arith.constant 1728 : index
    %get3A_982 = tpu.vector_load %arg7[%get3A_981] {strides = array<i32>} : memref<2304xi32, #tpu.memory_space<vmem>>, vector<16xi32>,
    %add3A_983 = arith.addi %add3A_980, %get3A_982 : vector<16xi32>
    %get3A_984 = arith.constant 1872 : index
    %get3A_985 = tpu.vector_load %arg7[%get3A_984] {strides = array<i32>} : memref<2304xi32, #tpu.memory_space<vmem>>, vector<16xi32>,
    %add3A_986 = arith.addi %add3A_983, %get3A_985 : vector<16xi32>
    %get3A_987 = arith.constant 2016 : index
    %get3A_988 = tpu.vector_load %arg7[%get3A_987] {strides = array<i32>} : memref<2304xi32, #tpu.memory_space<vmem>>, vector<16xi32>,
    %add3A_989 = arith.addi %add3A_986, %get3A_988 : vector<16xi32>
    %get3A_990 = arith.constant 2160 : index
    %get3A_991 = tpu.vector_load %arg7[%get3A_990] {strides = array<i32>} : memref<2304xi32, #tpu.memory_space<vmem>>, vector<16xi32>,
    %add3A_992 = arith.addi %add3A_989, %get3A_991 : vector<16xi32>
    %mul3A_993 = arith.constant 2048 : i32
    %mul3A_994 = vector.broadcast %mul3A_993 : i32 to vector<16xi32>
    %mul3A_995 = arith.muli %add3A_992, %mul3A_994 : vector<16xi32>
    %add3A_996 = arith.constant 0 : i32
    %add3A_997 = vector.broadcast %add3A_996 : i32 to vector<16xi32>
    %add3A_998 = arith.addi %iota3A, %add3A_997 : vector<16xi32>
    %sub3A = arith.constant 2047 : i32
    %sub3A_999 = vector.broadcast %sub3A : i32 to vector<16xi32>
    %sub3A_1000 = arith.subi %sub3A_999, %add3A_998 : vector<16xi32>
    %add3A_1001 = arith.addi %mul3A_995, %sub3A_1000 : vector<16xi32>
    %max3A = arith.maxsi %broadcast_in_dim3A_945, %add3A_1001 : vector<16xi32>
    %get3A_1002 = arith.constant 16 : index
    %get3A_1003 = tpu.vector_load %arg7[%get3A_1002] {strides = array<i32>} : memref<2304xi32, #tpu.memory_space<vmem>>, vector<16xi32>,
    %get3A_1004 = arith.constant 160 : index
    %get3A_1005 = tpu.vector_load %arg7[%get3A_1004] {strides = array<i32>} : memref<2304xi32, #tpu.memory_space<vmem>>, vector<16xi32>,
    %add3A_1006 = arith.addi %get3A_1003, %get3A_1005 : vector<16xi32>
    %get3A_1007 = arith.constant 304 : index
    %get3A_1008 = tpu.vector_load %arg7[%get3A_1007] {strides = array<i32>} : memref<2304xi32, #tpu.memory_space<vmem>>, vector<16xi32>,
    %add3A_1009 = arith.addi %add3A_1006, %get3A_1008 : vector<16xi32>
    %get3A_1010 = arith.constant 448 : index
    %get3A_1011 = tpu.vector_load %arg7[%get3A_1010] {strides = array<i32>} : memref<2304xi32, #tpu.memory_space<vmem>>, vector<16xi32>,
    %add3A_1012 = arith.addi %add3A_1009, %get3A_1011 : vector<16xi32>
    %get3A_1013 = arith.constant 592 : index
    %get3A_1014 = tpu.vector_load %arg7[%get3A_1013] {strides = array<i32>} : memref<2304xi32, #tpu.memory_space<vmem>>, vector<16xi32>,
    %add3A_1015 = arith.addi %add3A_1012, %get3A_1014 : vector<16xi32>
    %get3A_1016 = arith.constant 736 : index
    %get3A_1017 = tpu.vector_load %arg7[%get3A_1016] {strides = array<i32>} : memref<2304xi32, #tpu.memory_space<vmem>>, vector<16xi32>,
    %add3A_1018 = arith.addi %add3A_1015, %get3A_1017 : vector<16xi32>
    %get3A_1019 = arith.constant 880 : index
    %get3A_1020 = tpu.vector_load %arg7[%get3A_1019] {strides = array<i32>} : memref<2304xi32, #tpu.memory_space<vmem>>, vector<16xi32>,
    %add3A_1021 = arith.addi %add3A_1018, %get3A_1020 : vector<16xi32>
    %get3A_1022 = arith.constant 1024 : index
    %get3A_1023 = tpu.vector_load %arg7[%get3A_1022] {strides = array<i32>} : memref<2304xi32, #tpu.memory_space<vmem>>, vector<16xi32>,
    %add3A_1024 = arith.addi %add3A_1021, %get3A_1023 : vector<16xi32>
    %get3A_1025 = arith.constant 1168 : index
    %get3A_1026 = tpu.vector_load %arg7[%get3A_1025] {strides = array<i32>} : memref<2304xi32, #tpu.memory_space<vmem>>, vector<16xi32>,
    %add3A_1027 = arith.addi %add3A_1024, %get3A_1026 : vector<16xi32>
    %get3A_1028 = arith.constant 1312 : index
    %get3A_1029 = tpu.vector_load %arg7[%get3A_1028] {strides = array<i32>} : memref<2304xi32, #tpu.memory_space<vmem>>, vector<16xi32>,
    %add3A_1030 = arith.addi %add3A_1027, %get3A_1029 : vector<16xi32>
    %get3A_1031 = arith.constant 1456 : index
    %get3A_1032 = tpu.vector_load %arg7[%get3A_1031] {strides = array<i32>} : memref<2304xi32, #tpu.memory_space<vmem>>, vector<16xi32>,
    %add3A_1033 = arith.addi %add3A_1030, %get3A_1032 : vector<16xi32>
    %get3A_1034 = arith.constant 1600 : index
    %get3A_1035 = tpu.vector_load %arg7[%get3A_1034] {strides = array<i32>} : memref<2304xi32, #tpu.memory_space<vmem>>, vector<16xi32>,
    %add3A_1036 = arith.addi %add3A_1033, %get3A_1035 : vector<16xi32>
    %get3A_1037 = arith.constant 1744 : index
    %get3A_1038 = tpu.vector_load %arg7[%get3A_1037] {strides = array<i32>} : memref<2304xi32, #tpu.memory_space<vmem>>, vector<16xi32>,
    %add3A_1039 = arith.addi %add3A_1036, %get3A_1038 : vector<16xi32>
    %get3A_1040 = arith.constant 1888 : index
    %get3A_1041 = tpu.vector_load %arg7[%get3A_1040] {strides = array<i32>} : memref<2304xi32, #tpu.memory_space<vmem>>, vector<16xi32>,
    %add3A_1042 = arith.addi %add3A_1039, %get3A_1041 : vector<16xi32>
    %get3A_1043 = arith.constant 2032 : index
    %get3A_1044 = tpu.vector_load %arg7[%get3A_1043] {strides = array<i32>} : memref<2304xi32, #tpu.memory_space<vmem>>, vector<16xi32>,
    %add3A_1045 = arith.addi %add3A_1042, %get3A_1044 : vector<16xi32>
    %get3A_1046 = arith.constant 2176 : index
    %get3A_1047 = tpu.vector_load %arg7[%get3A_1046] {strides = array<i32>} : memref<2304xi32, #tpu.memory_space<vmem>>, vector<16xi32>,
    %add3A_1048 = arith.addi %add3A_1045, %get3A_1047 : vector<16xi32>
    %mul3A_1049 = arith.constant 2048 : i32
    %mul3A_1050 = vector.broadcast %mul3A_1049 : i32 to vector<16xi32>
    %mul3A_1051 = arith.muli %add3A_1048, %mul3A_1050 : vector<16xi32>
    %add3A_1052 = arith.constant 16 : i32
    %add3A_1053 = vector.broadcast %add3A_1052 : i32 to vector<16xi32>
    %add3A_1054 = arith.addi %iota3A, %add3A_1053 : vector<16xi32>
    %sub3A_1055 = arith.constant 2047 : i32
    %sub3A_1056 = vector.broadcast %sub3A_1055 : i32 to vector<16xi32>
    %sub3A_1057 = arith.subi %sub3A_1056, %add3A_1054 : vector<16xi32>
    %add3A_1058 = arith.addi %mul3A_1051, %sub3A_1057 : vector<16xi32>
    %max3A_1059 = arith.maxsi %max3A, %add3A_1058 : vector<16xi32>
    %get3A_1060 = arith.constant 32 : index
    %get3A_1061 = tpu.vector_load %arg7[%get3A_1060] {strides = array<i32>} : memref<2304xi32, #tpu.memory_space<vmem>>, vector<16xi32>,
    %get3A_1062 = arith.constant 176 : index
    %get3A_1063 = tpu.vector_load %arg7[%get3A_1062] {strides = array<i32>} : memref<2304xi32, #tpu.memory_space<vmem>>, vector<16xi32>,
    %add3A_1064 = arith.addi %get3A_1061, %get3A_1063 : vector<16xi32>
    %get3A_1065 = arith.constant 320 : index
    %get3A_1066 = tpu.vector_load %arg7[%get3A_1065] {strides = array<i32>} : memref<2304xi32, #tpu.memory_space<vmem>>, vector<16xi32>,
    %add3A_1067 = arith.addi %add3A_1064, %get3A_1066 : vector<16xi32>
    %get3A_1068 = arith.constant 464 : index
    %get3A_1069 = tpu.vector_load %arg7[%get3A_1068] {strides = array<i32>} : memref<2304xi32, #tpu.memory_space<vmem>>, vector<16xi32>,
    %add3A_1070 = arith.addi %add3A_1067, %get3A_1069 : vector<16xi32>
    %get3A_1071 = arith.constant 608 : index
    %get3A_1072 = tpu.vector_load %arg7[%get3A_1071] {strides = array<i32>} : memref<2304xi32, #tpu.memory_space<vmem>>, vector<16xi32>,
    %add3A_1073 = arith.addi %add3A_1070, %get3A_1072 : vector<16xi32>
    %get3A_1074 = arith.constant 752 : index
    %get3A_1075 = tpu.vector_load %arg7[%get3A_1074] {strides = array<i32>} : memref<2304xi32, #tpu.memory_space<vmem>>, vector<16xi32>,
    %add3A_1076 = arith.addi %add3A_1073, %get3A_1075 : vector<16xi32>
    %get3A_1077 = arith.constant 896 : index
    %get3A_1078 = tpu.vector_load %arg7[%get3A_1077] {strides = array<i32>} : memref<2304xi32, #tpu.memory_space<vmem>>, vector<16xi32>,
    %add3A_1079 = arith.addi %add3A_1076, %get3A_1078 : vector<16xi32>
    %get3A_1080 = arith.constant 1040 : index
    %get3A_1081 = tpu.vector_load %arg7[%get3A_1080] {strides = array<i32>} : memref<2304xi32, #tpu.memory_space<vmem>>, vector<16xi32>,
    %add3A_1082 = arith.addi %add3A_1079, %get3A_1081 : vector<16xi32>
    %get3A_1083 = arith.constant 1184 : index
    %get3A_1084 = tpu.vector_load %arg7[%get3A_1083] {strides = array<i32>} : memref<2304xi32, #tpu.memory_space<vmem>>, vector<16xi32>,
    %add3A_1085 = arith.addi %add3A_1082, %get3A_1084 : vector<16xi32>
    %get3A_1086 = arith.constant 1328 : index
    %get3A_1087 = tpu.vector_load %arg7[%get3A_1086] {strides = array<i32>} : memref<2304xi32, #tpu.memory_space<vmem>>, vector<16xi32>,
    %add3A_1088 = arith.addi %add3A_1085, %get3A_1087 : vector<16xi32>
    %get3A_1089 = arith.constant 1472 : index
    %get3A_1090 = tpu.vector_load %arg7[%get3A_1089] {strides = array<i32>} : memref<2304xi32, #tpu.memory_space<vmem>>, vector<16xi32>,
    %add3A_1091 = arith.addi %add3A_1088, %get3A_1090 : vector<16xi32>
    %get3A_1092 = arith.constant 1616 : index
    %get3A_1093 = tpu.vector_load %arg7[%get3A_1092] {strides = array<i32>} : memref<2304xi32, #tpu.memory_space<vmem>>, vector<16xi32>,
    %add3A_1094 = arith.addi %add3A_1091, %get3A_1093 : vector<16xi32>
    %get3A_1095 = arith.constant 1760 : index
    %get3A_1096 = tpu.vector_load %arg7[%get3A_1095] {strides = array<i32>} : memref<2304xi32, #tpu.memory_space<vmem>>, vector<16xi32>,
    %add3A_1097 = arith.addi %add3A_1094, %get3A_1096 : vector<16xi32>
    %get3A_1098 = arith.constant 1904 : index
    %get3A_1099 = tpu.vector_load %arg7[%get3A_1098] {strides = array<i32>} : memref<2304xi32, #tpu.memory_space<vmem>>, vector<16xi32>,
    %add3A_1100 = arith.addi %add3A_1097, %get3A_1099 : vector<16xi32>
    %get3A_1101 = arith.constant 2048 : index
    %get3A_1102 = tpu.vector_load %arg7[%get3A_1101] {strides = array<i32>} : memref<2304xi32, #tpu.memory_space<vmem>>, vector<16xi32>,
    %add3A_1103 = arith.addi %add3A_1100, %get3A_1102 : vector<16xi32>
    %get3A_1104 = arith.constant 2192 : index
    %get3A_1105 = tpu.vector_load %arg7[%get3A_1104] {strides = array<i32>} : memref<2304xi32, #tpu.memory_space<vmem>>, vector<16xi32>,
    %add3A_1106 = arith.addi %add3A_1103, %get3A_1105 : vector<16xi32>
    %mul3A_1107 = arith.constant 2048 : i32
    %mul3A_1108 = vector.broadcast %mul3A_1107 : i32 to vector<16xi32>
    %mul3A_1109 = arith.muli %add3A_1106, %mul3A_1108 : vector<16xi32>
    %add3A_1110 = arith.constant 32 : i32
    %add3A_1111 = vector.broadcast %add3A_1110 : i32 to vector<16xi32>
    %add3A_1112 = arith.addi %iota3A, %add3A_1111 : vector<16xi32>
    %sub3A_1113 = arith.constant 2047 : i32
    %sub3A_1114 = vector.broadcast %sub3A_1113 : i32 to vector<16xi32>
    %sub3A_1115 = arith.subi %sub3A_1114, %add3A_1112 : vector<16xi32>
    %add3A_1116 = arith.addi %mul3A_1109, %sub3A_1115 : vector<16xi32>
    %max3A_1117 = arith.maxsi %max3A_1059, %add3A_1116 : vector<16xi32>
    %get3A_1118 = arith.constant 48 : index
    %get3A_1119 = tpu.vector_load %arg7[%get3A_1118] {strides = array<i32>} : memref<2304xi32, #tpu.memory_space<vmem>>, vector<16xi32>,
    %get3A_1120 = arith.constant 192 : index
    %get3A_1121 = tpu.vector_load %arg7[%get3A_1120] {strides = array<i32>} : memref<2304xi32, #tpu.memory_space<vmem>>, vector<16xi32>,
    %add3A_1122 = arith.addi %get3A_1119, %get3A_1121 : vector<16xi32>
    %get3A_1123 = arith.constant 336 : index
    %get3A_1124 = tpu.vector_load %arg7[%get3A_1123] {strides = array<i32>} : memref<2304xi32, #tpu.memory_space<vmem>>, vector<16xi32>,
    %add3A_1125 = arith.addi %add3A_1122, %get3A_1124 : vector<16xi32>
    %get3A_1126 = arith.constant 480 : index
    %get3A_1127 = tpu.vector_load %arg7[%get3A_1126] {strides = array<i32>} : memref<2304xi32, #tpu.memory_space<vmem>>, vector<16xi32>,
    %add3A_1128 = arith.addi %add3A_1125, %get3A_1127 : vector<16xi32>
    %get3A_1129 = arith.constant 624 : index
    %get3A_1130 = tpu.vector_load %arg7[%get3A_1129] {strides = array<i32>} : memref<2304xi32, #tpu.memory_space<vmem>>, vector<16xi32>,
    %add3A_1131 = arith.addi %add3A_1128, %get3A_1130 : vector<16xi32>
    %get3A_1132 = arith.constant 768 : index
    %get3A_1133 = tpu.vector_load %arg7[%get3A_1132] {strides = array<i32>} : memref<2304xi32, #tpu.memory_space<vmem>>, vector<16xi32>,
    %add3A_1134 = arith.addi %add3A_1131, %get3A_1133 : vector<16xi32>
    %get3A_1135 = arith.constant 912 : index
    %get3A_1136 = tpu.vector_load %arg7[%get3A_1135] {strides = array<i32>} : memref<2304xi32, #tpu.memory_space<vmem>>, vector<16xi32>,
    %add3A_1137 = arith.addi %add3A_1134, %get3A_1136 : vector<16xi32>
    %get3A_1138 = arith.constant 1056 : index
    %get3A_1139 = tpu.vector_load %arg7[%get3A_1138] {strides = array<i32>} : memref<2304xi32, #tpu.memory_space<vmem>>, vector<16xi32>,
    %add3A_1140 = arith.addi %add3A_1137, %get3A_1139 : vector<16xi32>
    %get3A_1141 = arith.constant 1200 : index
    %get3A_1142 = tpu.vector_load %arg7[%get3A_1141] {strides = array<i32>} : memref<2304xi32, #tpu.memory_space<vmem>>, vector<16xi32>,
    %add3A_1143 = arith.addi %add3A_1140, %get3A_1142 : vector<16xi32>
    %get3A_1144 = arith.constant 1344 : index
    %get3A_1145 = tpu.vector_load %arg7[%get3A_1144] {strides = array<i32>} : memref<2304xi32, #tpu.memory_space<vmem>>, vector<16xi32>,
    %add3A_1146 = arith.addi %add3A_1143, %get3A_1145 : vector<16xi32>
    %get3A_1147 = arith.constant 1488 : index
    %get3A_1148 = tpu.vector_load %arg7[%get3A_1147] {strides = array<i32>} : memref<2304xi32, #tpu.memory_space<vmem>>, vector<16xi32>,
    %add3A_1149 = arith.addi %add3A_1146, %get3A_1148 : vector<16xi32>
    %get3A_1150 = arith.constant 1632 : index
    %get3A_1151 = tpu.vector_load %arg7[%get3A_1150] {strides = array<i32>} : memref<2304xi32, #tpu.memory_space<vmem>>, vector<16xi32>,
    %add3A_1152 = arith.addi %add3A_1149, %get3A_1151 : vector<16xi32>
    %get3A_1153 = arith.constant 1776 : index
    %get3A_1154 = tpu.vector_load %arg7[%get3A_1153] {strides = array<i32>} : memref<2304xi32, #tpu.memory_space<vmem>>, vector<16xi32>,
    %add3A_1155 = arith.addi %add3A_1152, %get3A_1154 : vector<16xi32>
    %get3A_1156 = arith.constant 1920 : index
    %get3A_1157 = tpu.vector_load %arg7[%get3A_1156] {strides = array<i32>} : memref<2304xi32, #tpu.memory_space<vmem>>, vector<16xi32>,
    %add3A_1158 = arith.addi %add3A_1155, %get3A_1157 : vector<16xi32>
    %get3A_1159 = arith.constant 2064 : index
    %get3A_1160 = tpu.vector_load %arg7[%get3A_1159] {strides = array<i32>} : memref<2304xi32, #tpu.memory_space<vmem>>, vector<16xi32>,
    %add3A_1161 = arith.addi %add3A_1158, %get3A_1160 : vector<16xi32>
    %get3A_1162 = arith.constant 2208 : index
    %get3A_1163 = tpu.vector_load %arg7[%get3A_1162] {strides = array<i32>} : memref<2304xi32, #tpu.memory_space<vmem>>, vector<16xi32>,
    %add3A_1164 = arith.addi %add3A_1161, %get3A_1163 : vector<16xi32>
    %mul3A_1165 = arith.constant 2048 : i32
    %mul3A_1166 = vector.broadcast %mul3A_1165 : i32 to vector<16xi32>
    %mul3A_1167 = arith.muli %add3A_1164, %mul3A_1166 : vector<16xi32>
    %add3A_1168 = arith.constant 48 : i32
    %add3A_1169 = vector.broadcast %add3A_1168 : i32 to vector<16xi32>
    %add3A_1170 = arith.addi %iota3A, %add3A_1169 : vector<16xi32>
    %sub3A_1171 = arith.constant 2047 : i32
    %sub3A_1172 = vector.broadcast %sub3A_1171 : i32 to vector<16xi32>
    %sub3A_1173 = arith.subi %sub3A_1172, %add3A_1170 : vector<16xi32>
    %add3A_1174 = arith.addi %mul3A_1167, %sub3A_1173 : vector<16xi32>
    %max3A_1175 = arith.maxsi %max3A_1117, %add3A_1174 : vector<16xi32>
    %get3A_1176 = arith.constant 64 : index
    %get3A_1177 = tpu.vector_load %arg7[%get3A_1176] {strides = array<i32>} : memref<2304xi32, #tpu.memory_space<vmem>>, vector<16xi32>,
    %get3A_1178 = arith.constant 208 : index
    %get3A_1179 = tpu.vector_load %arg7[%get3A_1178] {strides = array<i32>} : memref<2304xi32, #tpu.memory_space<vmem>>, vector<16xi32>,
    %add3A_1180 = arith.addi %get3A_1177, %get3A_1179 : vector<16xi32>
    %get3A_1181 = arith.constant 352 : index
    %get3A_1182 = tpu.vector_load %arg7[%get3A_1181] {strides = array<i32>} : memref<2304xi32, #tpu.memory_space<vmem>>, vector<16xi32>,
    %add3A_1183 = arith.addi %add3A_1180, %get3A_1182 : vector<16xi32>
    %get3A_1184 = arith.constant 496 : index
    %get3A_1185 = tpu.vector_load %arg7[%get3A_1184] {strides = array<i32>} : memref<2304xi32, #tpu.memory_space<vmem>>, vector<16xi32>,
    %add3A_1186 = arith.addi %add3A_1183, %get3A_1185 : vector<16xi32>
    %get3A_1187 = arith.constant 640 : index
    %get3A_1188 = tpu.vector_load %arg7[%get3A_1187] {strides = array<i32>} : memref<2304xi32, #tpu.memory_space<vmem>>, vector<16xi32>,
    %add3A_1189 = arith.addi %add3A_1186, %get3A_1188 : vector<16xi32>
    %get3A_1190 = arith.constant 784 : index
    %get3A_1191 = tpu.vector_load %arg7[%get3A_1190] {strides = array<i32>} : memref<2304xi32, #tpu.memory_space<vmem>>, vector<16xi32>,
    %add3A_1192 = arith.addi %add3A_1189, %get3A_1191 : vector<16xi32>
    %get3A_1193 = arith.constant 928 : index
    %get3A_1194 = tpu.vector_load %arg7[%get3A_1193] {strides = array<i32>} : memref<2304xi32, #tpu.memory_space<vmem>>, vector<16xi32>,
    %add3A_1195 = arith.addi %add3A_1192, %get3A_1194 : vector<16xi32>
    %get3A_1196 = arith.constant 1072 : index
    %get3A_1197 = tpu.vector_load %arg7[%get3A_1196] {strides = array<i32>} : memref<2304xi32, #tpu.memory_space<vmem>>, vector<16xi32>,
    %add3A_1198 = arith.addi %add3A_1195, %get3A_1197 : vector<16xi32>
    %get3A_1199 = arith.constant 1216 : index
    %get3A_1200 = tpu.vector_load %arg7[%get3A_1199] {strides = array<i32>} : memref<2304xi32, #tpu.memory_space<vmem>>, vector<16xi32>,
    %add3A_1201 = arith.addi %add3A_1198, %get3A_1200 : vector<16xi32>
    %get3A_1202 = arith.constant 1360 : index
    %get3A_1203 = tpu.vector_load %arg7[%get3A_1202] {strides = array<i32>} : memref<2304xi32, #tpu.memory_space<vmem>>, vector<16xi32>,
    %add3A_1204 = arith.addi %add3A_1201, %get3A_1203 : vector<16xi32>
    %get3A_1205 = arith.constant 1504 : index
    %get3A_1206 = tpu.vector_load %arg7[%get3A_1205] {strides = array<i32>} : memref<2304xi32, #tpu.memory_space<vmem>>, vector<16xi32>,
    %add3A_1207 = arith.addi %add3A_1204, %get3A_1206 : vector<16xi32>
    %get3A_1208 = arith.constant 1648 : index
    %get3A_1209 = tpu.vector_load %arg7[%get3A_1208] {strides = array<i32>} : memref<2304xi32, #tpu.memory_space<vmem>>, vector<16xi32>,
    %add3A_1210 = arith.addi %add3A_1207, %get3A_1209 : vector<16xi32>
    %get3A_1211 = arith.constant 1792 : index
    %get3A_1212 = tpu.vector_load %arg7[%get3A_1211] {strides = array<i32>} : memref<2304xi32, #tpu.memory_space<vmem>>, vector<16xi32>,
    %add3A_1213 = arith.addi %add3A_1210, %get3A_1212 : vector<16xi32>
    %get3A_1214 = arith.constant 1936 : index
    %get3A_1215 = tpu.vector_load %arg7[%get3A_1214] {strides = array<i32>} : memref<2304xi32, #tpu.memory_space<vmem>>, vector<16xi32>,
    %add3A_1216 = arith.addi %add3A_1213, %get3A_1215 : vector<16xi32>
    %get3A_1217 = arith.constant 2080 : index
    %get3A_1218 = tpu.vector_load %arg7[%get3A_1217] {strides = array<i32>} : memref<2304xi32, #tpu.memory_space<vmem>>, vector<16xi32>,
    %add3A_1219 = arith.addi %add3A_1216, %get3A_1218 : vector<16xi32>
    %get3A_1220 = arith.constant 2224 : index
    %get3A_1221 = tpu.vector_load %arg7[%get3A_1220] {strides = array<i32>} : memref<2304xi32, #tpu.memory_space<vmem>>, vector<16xi32>,
    %add3A_1222 = arith.addi %add3A_1219, %get3A_1221 : vector<16xi32>
    %mul3A_1223 = arith.constant 2048 : i32
    %mul3A_1224 = vector.broadcast %mul3A_1223 : i32 to vector<16xi32>
    %mul3A_1225 = arith.muli %add3A_1222, %mul3A_1224 : vector<16xi32>
    %add3A_1226 = arith.constant 64 : i32
    %add3A_1227 = vector.broadcast %add3A_1226 : i32 to vector<16xi32>
    %add3A_1228 = arith.addi %iota3A, %add3A_1227 : vector<16xi32>
    %sub3A_1229 = arith.constant 2047 : i32
    %sub3A_1230 = vector.broadcast %sub3A_1229 : i32 to vector<16xi32>
    %sub3A_1231 = arith.subi %sub3A_1230, %add3A_1228 : vector<16xi32>
    %add3A_1232 = arith.addi %mul3A_1225, %sub3A_1231 : vector<16xi32>
    %max3A_1233 = arith.maxsi %max3A_1175, %add3A_1232 : vector<16xi32>
    %get3A_1234 = arith.constant 80 : index
    %get3A_1235 = tpu.vector_load %arg7[%get3A_1234] {strides = array<i32>} : memref<2304xi32, #tpu.memory_space<vmem>>, vector<16xi32>,
    %get3A_1236 = arith.constant 224 : index
    %get3A_1237 = tpu.vector_load %arg7[%get3A_1236] {strides = array<i32>} : memref<2304xi32, #tpu.memory_space<vmem>>, vector<16xi32>,
    %add3A_1238 = arith.addi %get3A_1235, %get3A_1237 : vector<16xi32>
    %get3A_1239 = arith.constant 368 : index
    %get3A_1240 = tpu.vector_load %arg7[%get3A_1239] {strides = array<i32>} : memref<2304xi32, #tpu.memory_space<vmem>>, vector<16xi32>,
    %add3A_1241 = arith.addi %add3A_1238, %get3A_1240 : vector<16xi32>
    %get3A_1242 = arith.constant 512 : index
    %get3A_1243 = tpu.vector_load %arg7[%get3A_1242] {strides = array<i32>} : memref<2304xi32, #tpu.memory_space<vmem>>, vector<16xi32>,
    %add3A_1244 = arith.addi %add3A_1241, %get3A_1243 : vector<16xi32>
    %get3A_1245 = arith.constant 656 : index
    %get3A_1246 = tpu.vector_load %arg7[%get3A_1245] {strides = array<i32>} : memref<2304xi32, #tpu.memory_space<vmem>>, vector<16xi32>,
    %add3A_1247 = arith.addi %add3A_1244, %get3A_1246 : vector<16xi32>
    %get3A_1248 = arith.constant 800 : index
    %get3A_1249 = tpu.vector_load %arg7[%get3A_1248] {strides = array<i32>} : memref<2304xi32, #tpu.memory_space<vmem>>, vector<16xi32>,
    %add3A_1250 = arith.addi %add3A_1247, %get3A_1249 : vector<16xi32>
    %get3A_1251 = arith.constant 944 : index
    %get3A_1252 = tpu.vector_load %arg7[%get3A_1251] {strides = array<i32>} : memref<2304xi32, #tpu.memory_space<vmem>>, vector<16xi32>,
    %add3A_1253 = arith.addi %add3A_1250, %get3A_1252 : vector<16xi32>
    %get3A_1254 = arith.constant 1088 : index
    %get3A_1255 = tpu.vector_load %arg7[%get3A_1254] {strides = array<i32>} : memref<2304xi32, #tpu.memory_space<vmem>>, vector<16xi32>,
    %add3A_1256 = arith.addi %add3A_1253, %get3A_1255 : vector<16xi32>
    %get3A_1257 = arith.constant 1232 : index
    %get3A_1258 = tpu.vector_load %arg7[%get3A_1257] {strides = array<i32>} : memref<2304xi32, #tpu.memory_space<vmem>>, vector<16xi32>,
    %add3A_1259 = arith.addi %add3A_1256, %get3A_1258 : vector<16xi32>
    %get3A_1260 = arith.constant 1376 : index
    %get3A_1261 = tpu.vector_load %arg7[%get3A_1260] {strides = array<i32>} : memref<2304xi32, #tpu.memory_space<vmem>>, vector<16xi32>,
    %add3A_1262 = arith.addi %add3A_1259, %get3A_1261 : vector<16xi32>
    %get3A_1263 = arith.constant 1520 : index
    %get3A_1264 = tpu.vector_load %arg7[%get3A_1263] {strides = array<i32>} : memref<2304xi32, #tpu.memory_space<vmem>>, vector<16xi32>,
    %add3A_1265 = arith.addi %add3A_1262, %get3A_1264 : vector<16xi32>
    %get3A_1266 = arith.constant 1664 : index
    %get3A_1267 = tpu.vector_load %arg7[%get3A_1266] {strides = array<i32>} : memref<2304xi32, #tpu.memory_space<vmem>>, vector<16xi32>,
    %add3A_1268 = arith.addi %add3A_1265, %get3A_1267 : vector<16xi32>
    %get3A_1269 = arith.constant 1808 : index
    %get3A_1270 = tpu.vector_load %arg7[%get3A_1269] {strides = array<i32>} : memref<2304xi32, #tpu.memory_space<vmem>>, vector<16xi32>,
    %add3A_1271 = arith.addi %add3A_1268, %get3A_1270 : vector<16xi32>
    %get3A_1272 = arith.constant 1952 : index
    %get3A_1273 = tpu.vector_load %arg7[%get3A_1272] {strides = array<i32>} : memref<2304xi32, #tpu.memory_space<vmem>>, vector<16xi32>,
    %add3A_1274 = arith.addi %add3A_1271, %get3A_1273 : vector<16xi32>
    %get3A_1275 = arith.constant 2096 : index
    %get3A_1276 = tpu.vector_load %arg7[%get3A_1275] {strides = array<i32>} : memref<2304xi32, #tpu.memory_space<vmem>>, vector<16xi32>,
    %add3A_1277 = arith.addi %add3A_1274, %get3A_1276 : vector<16xi32>
    %get3A_1278 = arith.constant 2240 : index
    %get3A_1279 = tpu.vector_load %arg7[%get3A_1278] {strides = array<i32>} : memref<2304xi32, #tpu.memory_space<vmem>>, vector<16xi32>,
    %add3A_1280 = arith.addi %add3A_1277, %get3A_1279 : vector<16xi32>
    %mul3A_1281 = arith.constant 2048 : i32
    %mul3A_1282 = vector.broadcast %mul3A_1281 : i32 to vector<16xi32>
    %mul3A_1283 = arith.muli %add3A_1280, %mul3A_1282 : vector<16xi32>
    %add3A_1284 = arith.constant 80 : i32
    %add3A_1285 = vector.broadcast %add3A_1284 : i32 to vector<16xi32>
    %add3A_1286 = arith.addi %iota3A, %add3A_1285 : vector<16xi32>
    %sub3A_1287 = arith.constant 2047 : i32
    %sub3A_1288 = vector.broadcast %sub3A_1287 : i32 to vector<16xi32>
    %sub3A_1289 = arith.subi %sub3A_1288, %add3A_1286 : vector<16xi32>
    %add3A_1290 = arith.addi %mul3A_1283, %sub3A_1289 : vector<16xi32>
    %max3A_1291 = arith.maxsi %max3A_1233, %add3A_1290 : vector<16xi32>
    %get3A_1292 = arith.constant 96 : index
    %get3A_1293 = tpu.vector_load %arg7[%get3A_1292] {strides = array<i32>} : memref<2304xi32, #tpu.memory_space<vmem>>, vector<16xi32>,
    %get3A_1294 = arith.constant 240 : index
    %get3A_1295 = tpu.vector_load %arg7[%get3A_1294] {strides = array<i32>} : memref<2304xi32, #tpu.memory_space<vmem>>, vector<16xi32>,
    %add3A_1296 = arith.addi %get3A_1293, %get3A_1295 : vector<16xi32>
    %get3A_1297 = arith.constant 384 : index
    %get3A_1298 = tpu.vector_load %arg7[%get3A_1297] {strides = array<i32>} : memref<2304xi32, #tpu.memory_space<vmem>>, vector<16xi32>,
    %add3A_1299 = arith.addi %add3A_1296, %get3A_1298 : vector<16xi32>
    %get3A_1300 = arith.constant 528 : index
    %get3A_1301 = tpu.vector_load %arg7[%get3A_1300] {strides = array<i32>} : memref<2304xi32, #tpu.memory_space<vmem>>, vector<16xi32>,
    %add3A_1302 = arith.addi %add3A_1299, %get3A_1301 : vector<16xi32>
    %get3A_1303 = arith.constant 672 : index
    %get3A_1304 = tpu.vector_load %arg7[%get3A_1303] {strides = array<i32>} : memref<2304xi32, #tpu.memory_space<vmem>>, vector<16xi32>,
    %add3A_1305 = arith.addi %add3A_1302, %get3A_1304 : vector<16xi32>
    %get3A_1306 = arith.constant 816 : index
    %get3A_1307 = tpu.vector_load %arg7[%get3A_1306] {strides = array<i32>} : memref<2304xi32, #tpu.memory_space<vmem>>, vector<16xi32>,
    %add3A_1308 = arith.addi %add3A_1305, %get3A_1307 : vector<16xi32>
    %get3A_1309 = arith.constant 960 : index
    %get3A_1310 = tpu.vector_load %arg7[%get3A_1309] {strides = array<i32>} : memref<2304xi32, #tpu.memory_space<vmem>>, vector<16xi32>,
    %add3A_1311 = arith.addi %add3A_1308, %get3A_1310 : vector<16xi32>
    %get3A_1312 = arith.constant 1104 : index
    %get3A_1313 = tpu.vector_load %arg7[%get3A_1312] {strides = array<i32>} : memref<2304xi32, #tpu.memory_space<vmem>>, vector<16xi32>,
    %add3A_1314 = arith.addi %add3A_1311, %get3A_1313 : vector<16xi32>
    %get3A_1315 = arith.constant 1248 : index
    %get3A_1316 = tpu.vector_load %arg7[%get3A_1315] {strides = array<i32>} : memref<2304xi32, #tpu.memory_space<vmem>>, vector<16xi32>,
    %add3A_1317 = arith.addi %add3A_1314, %get3A_1316 : vector<16xi32>
    %get3A_1318 = arith.constant 1392 : index
    %get3A_1319 = tpu.vector_load %arg7[%get3A_1318] {strides = array<i32>} : memref<2304xi32, #tpu.memory_space<vmem>>, vector<16xi32>,
    %add3A_1320 = arith.addi %add3A_1317, %get3A_1319 : vector<16xi32>
    %get3A_1321 = arith.constant 1536 : index
    %get3A_1322 = tpu.vector_load %arg7[%get3A_1321] {strides = array<i32>} : memref<2304xi32, #tpu.memory_space<vmem>>, vector<16xi32>,
    %add3A_1323 = arith.addi %add3A_1320, %get3A_1322 : vector<16xi32>
    %get3A_1324 = arith.constant 1680 : index
    %get3A_1325 = tpu.vector_load %arg7[%get3A_1324] {strides = array<i32>} : memref<2304xi32, #tpu.memory_space<vmem>>, vector<16xi32>,
    %add3A_1326 = arith.addi %add3A_1323, %get3A_1325 : vector<16xi32>
    %get3A_1327 = arith.constant 1824 : index
    %get3A_1328 = tpu.vector_load %arg7[%get3A_1327] {strides = array<i32>} : memref<2304xi32, #tpu.memory_space<vmem>>, vector<16xi32>,
    %add3A_1329 = arith.addi %add3A_1326, %get3A_1328 : vector<16xi32>
    %get3A_1330 = arith.constant 1968 : index
    %get3A_1331 = tpu.vector_load %arg7[%get3A_1330] {strides = array<i32>} : memref<2304xi32, #tpu.memory_space<vmem>>, vector<16xi32>,
    %add3A_1332 = arith.addi %add3A_1329, %get3A_1331 : vector<16xi32>
    %get3A_1333 = arith.constant 2112 : index
    %get3A_1334 = tpu.vector_load %arg7[%get3A_1333] {strides = array<i32>} : memref<2304xi32, #tpu.memory_space<vmem>>, vector<16xi32>,
    %add3A_1335 = arith.addi %add3A_1332, %get3A_1334 : vector<16xi32>
    %get3A_1336 = arith.constant 2256 : index
    %get3A_1337 = tpu.vector_load %arg7[%get3A_1336] {strides = array<i32>} : memref<2304xi32, #tpu.memory_space<vmem>>, vector<16xi32>,
    %add3A_1338 = arith.addi %add3A_1335, %get3A_1337 : vector<16xi32>
    %mul3A_1339 = arith.constant 2048 : i32
    %mul3A_1340 = vector.broadcast %mul3A_1339 : i32 to vector<16xi32>
    %mul3A_1341 = arith.muli %add3A_1338, %mul3A_1340 : vector<16xi32>
    %add3A_1342 = arith.constant 96 : i32
    %add3A_1343 = vector.broadcast %add3A_1342 : i32 to vector<16xi32>
    %add3A_1344 = arith.addi %iota3A, %add3A_1343 : vector<16xi32>
    %sub3A_1345 = arith.constant 2047 : i32
    %sub3A_1346 = vector.broadcast %sub3A_1345 : i32 to vector<16xi32>
    %sub3A_1347 = arith.subi %sub3A_1346, %add3A_1344 : vector<16xi32>
    %add3A_1348 = arith.addi %mul3A_1341, %sub3A_1347 : vector<16xi32>
    %max3A_1349 = arith.maxsi %max3A_1291, %add3A_1348 : vector<16xi32>
    %get3A_1350 = arith.constant 112 : index
    %get3A_1351 = tpu.vector_load %arg7[%get3A_1350] {strides = array<i32>} : memref<2304xi32, #tpu.memory_space<vmem>>, vector<16xi32>,
    %get3A_1352 = arith.constant 256 : index
    %get3A_1353 = tpu.vector_load %arg7[%get3A_1352] {strides = array<i32>} : memref<2304xi32, #tpu.memory_space<vmem>>, vector<16xi32>,
    %add3A_1354 = arith.addi %get3A_1351, %get3A_1353 : vector<16xi32>
    %get3A_1355 = arith.constant 400 : index
    %get3A_1356 = tpu.vector_load %arg7[%get3A_1355] {strides = array<i32>} : memref<2304xi32, #tpu.memory_space<vmem>>, vector<16xi32>,
    %add3A_1357 = arith.addi %add3A_1354, %get3A_1356 : vector<16xi32>
    %get3A_1358 = arith.constant 544 : index
    %get3A_1359 = tpu.vector_load %arg7[%get3A_1358] {strides = array<i32>} : memref<2304xi32, #tpu.memory_space<vmem>>, vector<16xi32>,
    %add3A_1360 = arith.addi %add3A_1357, %get3A_1359 : vector<16xi32>
    %get3A_1361 = arith.constant 688 : index
    %get3A_1362 = tpu.vector_load %arg7[%get3A_1361] {strides = array<i32>} : memref<2304xi32, #tpu.memory_space<vmem>>, vector<16xi32>,
    %add3A_1363 = arith.addi %add3A_1360, %get3A_1362 : vector<16xi32>
    %get3A_1364 = arith.constant 832 : index
    %get3A_1365 = tpu.vector_load %arg7[%get3A_1364] {strides = array<i32>} : memref<2304xi32, #tpu.memory_space<vmem>>, vector<16xi32>,
    %add3A_1366 = arith.addi %add3A_1363, %get3A_1365 : vector<16xi32>
    %get3A_1367 = arith.constant 976 : index
    %get3A_1368 = tpu.vector_load %arg7[%get3A_1367] {strides = array<i32>} : memref<2304xi32, #tpu.memory_space<vmem>>, vector<16xi32>,
    %add3A_1369 = arith.addi %add3A_1366, %get3A_1368 : vector<16xi32>
    %get3A_1370 = arith.constant 1120 : index
    %get3A_1371 = tpu.vector_load %arg7[%get3A_1370] {strides = array<i32>} : memref<2304xi32, #tpu.memory_space<vmem>>, vector<16xi32>,
    %add3A_1372 = arith.addi %add3A_1369, %get3A_1371 : vector<16xi32>
    %get3A_1373 = arith.constant 1264 : index
    %get3A_1374 = tpu.vector_load %arg7[%get3A_1373] {strides = array<i32>} : memref<2304xi32, #tpu.memory_space<vmem>>, vector<16xi32>,
    %add3A_1375 = arith.addi %add3A_1372, %get3A_1374 : vector<16xi32>
    %get3A_1376 = arith.constant 1408 : index
    %get3A_1377 = tpu.vector_load %arg7[%get3A_1376] {strides = array<i32>} : memref<2304xi32, #tpu.memory_space<vmem>>, vector<16xi32>,
    %add3A_1378 = arith.addi %add3A_1375, %get3A_1377 : vector<16xi32>
    %get3A_1379 = arith.constant 1552 : index
    %get3A_1380 = tpu.vector_load %arg7[%get3A_1379] {strides = array<i32>} : memref<2304xi32, #tpu.memory_space<vmem>>, vector<16xi32>,
    %add3A_1381 = arith.addi %add3A_1378, %get3A_1380 : vector<16xi32>
    %get3A_1382 = arith.constant 1696 : index
    %get3A_1383 = tpu.vector_load %arg7[%get3A_1382] {strides = array<i32>} : memref<2304xi32, #tpu.memory_space<vmem>>, vector<16xi32>,
    %add3A_1384 = arith.addi %add3A_1381, %get3A_1383 : vector<16xi32>
    %get3A_1385 = arith.constant 1840 : index
    %get3A_1386 = tpu.vector_load %arg7[%get3A_1385] {strides = array<i32>} : memref<2304xi32, #tpu.memory_space<vmem>>, vector<16xi32>,
    %add3A_1387 = arith.addi %add3A_1384, %get3A_1386 : vector<16xi32>
    %get3A_1388 = arith.constant 1984 : index
    %get3A_1389 = tpu.vector_load %arg7[%get3A_1388] {strides = array<i32>} : memref<2304xi32, #tpu.memory_space<vmem>>, vector<16xi32>,
    %add3A_1390 = arith.addi %add3A_1387, %get3A_1389 : vector<16xi32>
    %get3A_1391 = arith.constant 2128 : index
    %get3A_1392 = tpu.vector_load %arg7[%get3A_1391] {strides = array<i32>} : memref<2304xi32, #tpu.memory_space<vmem>>, vector<16xi32>,
    %add3A_1393 = arith.addi %add3A_1390, %get3A_1392 : vector<16xi32>
    %get3A_1394 = arith.constant 2272 : index
    %get3A_1395 = tpu.vector_load %arg7[%get3A_1394] {strides = array<i32>} : memref<2304xi32, #tpu.memory_space<vmem>>, vector<16xi32>,
    %add3A_1396 = arith.addi %add3A_1393, %get3A_1395 : vector<16xi32>
    %mul3A_1397 = arith.constant 2048 : i32
    %mul3A_1398 = vector.broadcast %mul3A_1397 : i32 to vector<16xi32>
    %mul3A_1399 = arith.muli %add3A_1396, %mul3A_1398 : vector<16xi32>
    %add3A_1400 = arith.constant 112 : i32
    %add3A_1401 = vector.broadcast %add3A_1400 : i32 to vector<16xi32>
    %add3A_1402 = arith.addi %iota3A, %add3A_1401 : vector<16xi32>
    %sub3A_1403 = arith.constant 2047 : i32
    %sub3A_1404 = vector.broadcast %sub3A_1403 : i32 to vector<16xi32>
    %sub3A_1405 = arith.subi %sub3A_1404, %add3A_1402 : vector<16xi32>
    %add3A_1406 = arith.addi %mul3A_1399, %sub3A_1405 : vector<16xi32>
    %max3A_1407 = arith.maxsi %max3A_1349, %add3A_1406 : vector<16xi32>
    %get3A_1408 = arith.constant 128 : index
    %get3A_1409 = tpu.vector_load %arg7[%get3A_1408] {strides = array<i32>} : memref<2304xi32, #tpu.memory_space<vmem>>, vector<16xi32>,
    %get3A_1410 = arith.constant 272 : index
    %get3A_1411 = tpu.vector_load %arg7[%get3A_1410] {strides = array<i32>} : memref<2304xi32, #tpu.memory_space<vmem>>, vector<16xi32>,
    %add3A_1412 = arith.addi %get3A_1409, %get3A_1411 : vector<16xi32>
    %get3A_1413 = arith.constant 416 : index
    %get3A_1414 = tpu.vector_load %arg7[%get3A_1413] {strides = array<i32>} : memref<2304xi32, #tpu.memory_space<vmem>>, vector<16xi32>,
    %add3A_1415 = arith.addi %add3A_1412, %get3A_1414 : vector<16xi32>
    %get3A_1416 = arith.constant 560 : index
    %get3A_1417 = tpu.vector_load %arg7[%get3A_1416] {strides = array<i32>} : memref<2304xi32, #tpu.memory_space<vmem>>, vector<16xi32>,
    %add3A_1418 = arith.addi %add3A_1415, %get3A_1417 : vector<16xi32>
    %get3A_1419 = arith.constant 704 : index
    %get3A_1420 = tpu.vector_load %arg7[%get3A_1419] {strides = array<i32>} : memref<2304xi32, #tpu.memory_space<vmem>>, vector<16xi32>,
    %add3A_1421 = arith.addi %add3A_1418, %get3A_1420 : vector<16xi32>
    %get3A_1422 = arith.constant 848 : index
    %get3A_1423 = tpu.vector_load %arg7[%get3A_1422] {strides = array<i32>} : memref<2304xi32, #tpu.memory_space<vmem>>, vector<16xi32>,
    %add3A_1424 = arith.addi %add3A_1421, %get3A_1423 : vector<16xi32>
    %get3A_1425 = arith.constant 992 : index
    %get3A_1426 = tpu.vector_load %arg7[%get3A_1425] {strides = array<i32>} : memref<2304xi32, #tpu.memory_space<vmem>>, vector<16xi32>,
    %add3A_1427 = arith.addi %add3A_1424, %get3A_1426 : vector<16xi32>
    %get3A_1428 = arith.constant 1136 : index
    %get3A_1429 = tpu.vector_load %arg7[%get3A_1428] {strides = array<i32>} : memref<2304xi32, #tpu.memory_space<vmem>>, vector<16xi32>,
    %add3A_1430 = arith.addi %add3A_1427, %get3A_1429 : vector<16xi32>
    %get3A_1431 = arith.constant 1280 : index
    %get3A_1432 = tpu.vector_load %arg7[%get3A_1431] {strides = array<i32>} : memref<2304xi32, #tpu.memory_space<vmem>>, vector<16xi32>,
    %add3A_1433 = arith.addi %add3A_1430, %get3A_1432 : vector<16xi32>
    %get3A_1434 = arith.constant 1424 : index
    %get3A_1435 = tpu.vector_load %arg7[%get3A_1434] {strides = array<i32>} : memref<2304xi32, #tpu.memory_space<vmem>>, vector<16xi32>,
    %add3A_1436 = arith.addi %add3A_1433, %get3A_1435 : vector<16xi32>
    %get3A_1437 = arith.constant 1568 : index
    %get3A_1438 = tpu.vector_load %arg7[%get3A_1437] {strides = array<i32>} : memref<2304xi32, #tpu.memory_space<vmem>>, vector<16xi32>,
    %add3A_1439 = arith.addi %add3A_1436, %get3A_1438 : vector<16xi32>
    %get3A_1440 = arith.constant 1712 : index
    %get3A_1441 = tpu.vector_load %arg7[%get3A_1440] {strides = array<i32>} : memref<2304xi32, #tpu.memory_space<vmem>>, vector<16xi32>,
    %add3A_1442 = arith.addi %add3A_1439, %get3A_1441 : vector<16xi32>
    %get3A_1443 = arith.constant 1856 : index
    %get3A_1444 = tpu.vector_load %arg7[%get3A_1443] {strides = array<i32>} : memref<2304xi32, #tpu.memory_space<vmem>>, vector<16xi32>,
    %add3A_1445 = arith.addi %add3A_1442, %get3A_1444 : vector<16xi32>
    %get3A_1446 = arith.constant 2000 : index
    %get3A_1447 = tpu.vector_load %arg7[%get3A_1446] {strides = array<i32>} : memref<2304xi32, #tpu.memory_space<vmem>>, vector<16xi32>,
    %add3A_1448 = arith.addi %add3A_1445, %get3A_1447 : vector<16xi32>
    %get3A_1449 = arith.constant 2144 : index
    %get3A_1450 = tpu.vector_load %arg7[%get3A_1449] {strides = array<i32>} : memref<2304xi32, #tpu.memory_space<vmem>>, vector<16xi32>,
    %add3A_1451 = arith.addi %add3A_1448, %get3A_1450 : vector<16xi32>
    %get3A_1452 = arith.constant 2288 : index
    %get3A_1453 = tpu.vector_load %arg7[%get3A_1452] {strides = array<i32>} : memref<2304xi32, #tpu.memory_space<vmem>>, vector<16xi32>,
    %add3A_1454 = arith.addi %add3A_1451, %get3A_1453 : vector<16xi32>
    %mul3A_1455 = arith.constant 2048 : i32
    %mul3A_1456 = vector.broadcast %mul3A_1455 : i32 to vector<16xi32>
    %mul3A_1457 = arith.muli %add3A_1454, %mul3A_1456 : vector<16xi32>
    %add3A_1458 = arith.constant 128 : i32
    %add3A_1459 = vector.broadcast %add3A_1458 : i32 to vector<16xi32>
    %add3A_1460 = arith.addi %iota3A, %add3A_1459 : vector<16xi32>
    %sub3A_1461 = arith.constant 2047 : i32
    %sub3A_1462 = vector.broadcast %sub3A_1461 : i32 to vector<16xi32>
    %sub3A_1463 = arith.subi %sub3A_1462, %add3A_1460 : vector<16xi32>
    %add3A_1464 = arith.addi %mul3A_1457, %sub3A_1463 : vector<16xi32>
    %max3A_1465 = arith.maxsi %max3A_1407, %add3A_1464 : vector<16xi32>
    %reduce_max3A = arith.constant true
    %reduce_max3A_1466 = vector.broadcast %reduce_max3A : i1 to vector<16xi1>
    %reduce_max3A_1467 = arith.constant -2147483648 : i32
    %reduce_max3A_1468 = vector.broadcast %reduce_max3A_1467 : i32 to vector<16xi32>
    %reduce_max3A_1469 = arith.xori %max3A_1465, %reduce_max3A_1468 : vector<16xi32>
    %reduce_max3A_1470 = tpu.scan <max>, %reduce_max3A_1469 masked %reduce_max3A_1466 : vector<16xi32>, vector<16xi1> -> vector<16xi32>
    %reduce_max3A_1471 = arith.xori %reduce_max3A_1470, %reduce_max3A_1468 : vector<16xi32>
    %reduce_max3A_1472 = vector.extract %reduce_max3A_1471[15] : i32 from vector<16xi32>
    %and3A_1473 = arith.constant 2047 : i32
    %and3A_1474 = arith.andi %reduce_max3A_1472, %and3A_1473 : i32
    %sub3A_1475 = arith.constant 2047 : i32
    %sub3A_1476 = arith.subi %sub3A_1475, %and3A_1474 : i32
    %add3A_1477 = arith.constant 0 : i32
    %add3A_1478 = vector.broadcast %add3A_1477 : i32 to vector<16xi32>
    %add3A_1479 = arith.addi %iota3A, %add3A_1478 : vector<16xi32>
    %eq3A = vector.broadcast %sub3A_1476 : i32 to vector<16xi32>
    %eq3A_1480 = arith.cmpi eq, %add3A_1479, %eq3A : vector<16xi32>
    %jit3A = arith.constant 1.000000e+00 : f32
    %jit3A_1481 = arith.constant 0.000000e+00 : f32
    %broadcast_in_dim3A_1482 = vector.broadcast %jit3A : f32 to vector<16xf32>
    %broadcast_in_dim3A_1483 = vector.broadcast %jit3A_1481 : f32 to vector<16xf32>
    %select_n3A = arith.select %eq3A_1480, %broadcast_in_dim3A_1482, %broadcast_in_dim3A_1483 : vector<16xi1>, vector<16xf32>
    %swap3A_1484 = arith.constant 0 : index
    %swap3A_1485 = tpu.vector_load %arg8[%swap3A_1484] {strides = array<i32>} : memref<144xf32, #tpu.memory_space<vmem>>, vector<16xf32>,
    tpu.vector_store %arg8[%swap3A_1484], %select_n3A {strides = array<i32>} : memref<144xf32, #tpu.memory_space<vmem>>, vector<16xf32>,
    %add3A_1486 = arith.constant 16 : i32
    %add3A_1487 = vector.broadcast %add3A_1486 : i32 to vector<16xi32>
    %add3A_1488 = arith.addi %iota3A, %add3A_1487 : vector<16xi32>
    %eq3A_1489 = vector.broadcast %sub3A_1476 : i32 to vector<16xi32>
    %eq3A_1490 = arith.cmpi eq, %add3A_1488, %eq3A_1489 : vector<16xi32>
    %jit3A_1491 = arith.constant 1.000000e+00 : f32
    %jit3A_1492 = arith.constant 0.000000e+00 : f32
    %broadcast_in_dim3A_1493 = vector.broadcast %jit3A_1491 : f32 to vector<16xf32>
    %broadcast_in_dim3A_1494 = vector.broadcast %jit3A_1492 : f32 to vector<16xf32>
    %select_n3A_1495 = arith.select %eq3A_1490, %broadcast_in_dim3A_1493, %broadcast_in_dim3A_1494 : vector<16xi1>, vector<16xf32>
    %swap3A_1496 = arith.constant 16 : index
    %swap3A_1497 = tpu.vector_load %arg8[%swap3A_1496] {strides = array<i32>} : memref<144xf32, #tpu.memory_space<vmem>>, vector<16xf32>,
    tpu.vector_store %arg8[%swap3A_1496], %select_n3A_1495 {strides = array<i32>} : memref<144xf32, #tpu.memory_space<vmem>>, vector<16xf32>,
    %add3A_1498 = arith.constant 32 : i32
    %add3A_1499 = vector.broadcast %add3A_1498 : i32 to vector<16xi32>
    %add3A_1500 = arith.addi %iota3A, %add3A_1499 : vector<16xi32>
    %eq3A_1501 = vector.broadcast %sub3A_1476 : i32 to vector<16xi32>
    %eq3A_1502 = arith.cmpi eq, %add3A_1500, %eq3A_1501 : vector<16xi32>
    %jit3A_1503 = arith.constant 1.000000e+00 : f32
    %jit3A_1504 = arith.constant 0.000000e+00 : f32
    %broadcast_in_dim3A_1505 = vector.broadcast %jit3A_1503 : f32 to vector<16xf32>
    %broadcast_in_dim3A_1506 = vector.broadcast %jit3A_1504 : f32 to vector<16xf32>
    %select_n3A_1507 = arith.select %eq3A_1502, %broadcast_in_dim3A_1505, %broadcast_in_dim3A_1506 : vector<16xi1>, vector<16xf32>
    %swap3A_1508 = arith.constant 32 : index
    %swap3A_1509 = tpu.vector_load %arg8[%swap3A_1508] {strides = array<i32>} : memref<144xf32, #tpu.memory_space<vmem>>, vector<16xf32>,
    tpu.vector_store %arg8[%swap3A_1508], %select_n3A_1507 {strides = array<i32>} : memref<144xf32, #tpu.memory_space<vmem>>, vector<16xf32>,
    %add3A_1510 = arith.constant 48 : i32
    %add3A_1511 = vector.broadcast %add3A_1510 : i32 to vector<16xi32>
    %add3A_1512 = arith.addi %iota3A, %add3A_1511 : vector<16xi32>
    %eq3A_1513 = vector.broadcast %sub3A_1476 : i32 to vector<16xi32>
    %eq3A_1514 = arith.cmpi eq, %add3A_1512, %eq3A_1513 : vector<16xi32>
    %jit3A_1515 = arith.constant 1.000000e+00 : f32
    %jit3A_1516 = arith.constant 0.000000e+00 : f32
    %broadcast_in_dim3A_1517 = vector.broadcast %jit3A_1515 : f32 to vector<16xf32>
    %broadcast_in_dim3A_1518 = vector.broadcast %jit3A_1516 : f32 to vector<16xf32>
    %select_n3A_1519 = arith.select %eq3A_1514, %broadcast_in_dim3A_1517, %broadcast_in_dim3A_1518 : vector<16xi1>, vector<16xf32>
    %swap3A_1520 = arith.constant 48 : index
    %swap3A_1521 = tpu.vector_load %arg8[%swap3A_1520] {strides = array<i32>} : memref<144xf32, #tpu.memory_space<vmem>>, vector<16xf32>,
    tpu.vector_store %arg8[%swap3A_1520], %select_n3A_1519 {strides = array<i32>} : memref<144xf32, #tpu.memory_space<vmem>>, vector<16xf32>,
    %add3A_1522 = arith.constant 64 : i32
    %add3A_1523 = vector.broadcast %add3A_1522 : i32 to vector<16xi32>
    %add3A_1524 = arith.addi %iota3A, %add3A_1523 : vector<16xi32>
    %eq3A_1525 = vector.broadcast %sub3A_1476 : i32 to vector<16xi32>
    %eq3A_1526 = arith.cmpi eq, %add3A_1524, %eq3A_1525 : vector<16xi32>
    %jit3A_1527 = arith.constant 1.000000e+00 : f32
    %jit3A_1528 = arith.constant 0.000000e+00 : f32
    %broadcast_in_dim3A_1529 = vector.broadcast %jit3A_1527 : f32 to vector<16xf32>
    %broadcast_in_dim3A_1530 = vector.broadcast %jit3A_1528 : f32 to vector<16xf32>
    %select_n3A_1531 = arith.select %eq3A_1526, %broadcast_in_dim3A_1529, %broadcast_in_dim3A_1530 : vector<16xi1>, vector<16xf32>
    %swap3A_1532 = arith.constant 64 : index
    %swap3A_1533 = tpu.vector_load %arg8[%swap3A_1532] {strides = array<i32>} : memref<144xf32, #tpu.memory_space<vmem>>, vector<16xf32>,
    tpu.vector_store %arg8[%swap3A_1532], %select_n3A_1531 {strides = array<i32>} : memref<144xf32, #tpu.memory_space<vmem>>, vector<16xf32>,
    %add3A_1534 = arith.constant 80 : i32
    %add3A_1535 = vector.broadcast %add3A_1534 : i32 to vector<16xi32>
    %add3A_1536 = arith.addi %iota3A, %add3A_1535 : vector<16xi32>
    %eq3A_1537 = vector.broadcast %sub3A_1476 : i32 to vector<16xi32>
    %eq3A_1538 = arith.cmpi eq, %add3A_1536, %eq3A_1537 : vector<16xi32>
    %jit3A_1539 = arith.constant 1.000000e+00 : f32
    %jit3A_1540 = arith.constant 0.000000e+00 : f32
    %broadcast_in_dim3A_1541 = vector.broadcast %jit3A_1539 : f32 to vector<16xf32>
    %broadcast_in_dim3A_1542 = vector.broadcast %jit3A_1540 : f32 to vector<16xf32>
    %select_n3A_1543 = arith.select %eq3A_1538, %broadcast_in_dim3A_1541, %broadcast_in_dim3A_1542 : vector<16xi1>, vector<16xf32>
    %swap3A_1544 = arith.constant 80 : index
    %swap3A_1545 = tpu.vector_load %arg8[%swap3A_1544] {strides = array<i32>} : memref<144xf32, #tpu.memory_space<vmem>>, vector<16xf32>,
    tpu.vector_store %arg8[%swap3A_1544], %select_n3A_1543 {strides = array<i32>} : memref<144xf32, #tpu.memory_space<vmem>>, vector<16xf32>,
    %add3A_1546 = arith.constant 96 : i32
    %add3A_1547 = vector.broadcast %add3A_1546 : i32 to vector<16xi32>
    %add3A_1548 = arith.addi %iota3A, %add3A_1547 : vector<16xi32>
    %eq3A_1549 = vector.broadcast %sub3A_1476 : i32 to vector<16xi32>
    %eq3A_1550 = arith.cmpi eq, %add3A_1548, %eq3A_1549 : vector<16xi32>
    %jit3A_1551 = arith.constant 1.000000e+00 : f32
    %jit3A_1552 = arith.constant 0.000000e+00 : f32
    %broadcast_in_dim3A_1553 = vector.broadcast %jit3A_1551 : f32 to vector<16xf32>
    %broadcast_in_dim3A_1554 = vector.broadcast %jit3A_1552 : f32 to vector<16xf32>
    %select_n3A_1555 = arith.select %eq3A_1550, %broadcast_in_dim3A_1553, %broadcast_in_dim3A_1554 : vector<16xi1>, vector<16xf32>
    %swap3A_1556 = arith.constant 96 : index
    %swap3A_1557 = tpu.vector_load %arg8[%swap3A_1556] {strides = array<i32>} : memref<144xf32, #tpu.memory_space<vmem>>, vector<16xf32>,
    tpu.vector_store %arg8[%swap3A_1556], %select_n3A_1555 {strides = array<i32>} : memref<144xf32, #tpu.memory_space<vmem>>, vector<16xf32>,
    %add3A_1558 = arith.constant 112 : i32
    %add3A_1559 = vector.broadcast %add3A_1558 : i32 to vector<16xi32>
    %add3A_1560 = arith.addi %iota3A, %add3A_1559 : vector<16xi32>
    %eq3A_1561 = vector.broadcast %sub3A_1476 : i32 to vector<16xi32>
    %eq3A_1562 = arith.cmpi eq, %add3A_1560, %eq3A_1561 : vector<16xi32>
    %jit3A_1563 = arith.constant 1.000000e+00 : f32
    %jit3A_1564 = arith.constant 0.000000e+00 : f32
    %broadcast_in_dim3A_1565 = vector.broadcast %jit3A_1563 : f32 to vector<16xf32>
    %broadcast_in_dim3A_1566 = vector.broadcast %jit3A_1564 : f32 to vector<16xf32>
    %select_n3A_1567 = arith.select %eq3A_1562, %broadcast_in_dim3A_1565, %broadcast_in_dim3A_1566 : vector<16xi1>, vector<16xf32>
    %swap3A_1568 = arith.constant 112 : index
    %swap3A_1569 = tpu.vector_load %arg8[%swap3A_1568] {strides = array<i32>} : memref<144xf32, #tpu.memory_space<vmem>>, vector<16xf32>,
    tpu.vector_store %arg8[%swap3A_1568], %select_n3A_1567 {strides = array<i32>} : memref<144xf32, #tpu.memory_space<vmem>>, vector<16xf32>,
    %add3A_1570 = arith.constant 128 : i32
    %add3A_1571 = vector.broadcast %add3A_1570 : i32 to vector<16xi32>
    %add3A_1572 = arith.addi %iota3A, %add3A_1571 : vector<16xi32>
    %eq3A_1573 = vector.broadcast %sub3A_1476 : i32 to vector<16xi32>
    %eq3A_1574 = arith.cmpi eq, %add3A_1572, %eq3A_1573 : vector<16xi32>
    %jit3A_1575 = arith.constant 1.000000e+00 : f32
    %jit3A_1576 = arith.constant 0.000000e+00 : f32
    %broadcast_in_dim3A_1577 = vector.broadcast %jit3A_1575 : f32 to vector<16xf32>
    %broadcast_in_dim3A_1578 = vector.broadcast %jit3A_1576 : f32 to vector<16xf32>
    %select_n3A_1579 = arith.select %eq3A_1574, %broadcast_in_dim3A_1577, %broadcast_in_dim3A_1578 : vector<16xi1>, vector<16xf32>
    %swap3A_1580 = arith.constant 128 : index
    %swap3A_1581 = tpu.vector_load %arg8[%swap3A_1580] {strides = array<i32>} : memref<144xf32, #tpu.memory_space<vmem>>, vector<16xf32>,
    tpu.vector_store %arg8[%swap3A_1580], %select_n3A_1579 {strides = array<i32>} : memref<144xf32, #tpu.memory_space<vmem>>, vector<16xf32>,
    %mul3A_1582 = arith.constant 2 : i32
    %mul3A_1583 = arith.muli %add3A, %mul3A_1582 : i32
    %add3A_1584 = arith.constant 0 : i32
    %add3A_1585 = arith.addi %mul3A_1583, %add3A_1584 : i32
    "tpu.region"() ({
      %run_scoped3A = tpu.sem_alloc : memref<!tpu.dma_semaphore, #tpu.memory_space<semaphore_mem>>
      %dma_start3A_3113 = arith.constant 0 : i32
      %dma_start3A_3114 = tpu.memref_slice %arg4[%add3A_1585, %dma_start3A_3113] : memref<64x144xf32, #tpu.memory_space<hbm>> -> memref<1x144xf32, #tpu.memory_space<hbm>>
      %dma_start3A_3115 = tpu.memref_squeeze %dma_start3A_3114 : memref<1x144xf32, #tpu.memory_space<hbm>> -> memref<144xf32, #tpu.memory_space<hbm>>
      %dma_start3A_3116 = arith.constant 0 : i32
      %dma_start3A_3117 = tpu.memref_slice %arg4[%add3A_1585, %dma_start3A_3116] : memref<64x144xf32, #tpu.memory_space<hbm>> -> memref<1x144xf32, #tpu.memory_space<hbm>>
      %dma_start3A_3118 = tpu.memref_squeeze %dma_start3A_3117 : memref<1x144xf32, #tpu.memory_space<hbm>> -> memref<144xf32, #tpu.memory_space<hbm>>
      tpu.enqueue_dma source(%arg8 : memref<144xf32, #tpu.memory_space<vmem>>) target(%dma_start3A_3118 : memref<144xf32, #tpu.memory_space<hbm>>) target_semaphore(%run_scoped3A : memref<!tpu.dma_semaphore, #tpu.memory_space<semaphore_mem>>)
      %dma_wait3A_3119 = arith.constant 0 : i32
      %dma_wait3A_3120 = tpu.memref_slice %arg4[%add3A_1585, %dma_wait3A_3119] : memref<64x144xf32, #tpu.memory_space<hbm>> -> memref<1x144xf32, #tpu.memory_space<hbm>>
      %dma_wait3A_3121 = tpu.memref_squeeze %dma_wait3A_3120 : memref<1x144xf32, #tpu.memory_space<hbm>> -> memref<144xf32, #tpu.memory_space<hbm>>
      %dma_wait3A_3122 = arith.constant 0 : i32
      %dma_wait3A_3123 = tpu.memref_slice %arg4[%add3A_1585, %dma_wait3A_3122] : memref<64x144xf32, #tpu.memory_space<hbm>> -> memref<1x144xf32, #tpu.memory_space<hbm>>
      %dma_wait3A_3124 = tpu.memref_squeeze %dma_wait3A_3123 : memref<1x144xf32, #tpu.memory_space<hbm>> -> memref<144xf32, #tpu.memory_space<hbm>>
      tpu.wait_dma2 semaphore(%run_scoped3A : memref<!tpu.dma_semaphore, #tpu.memory_space<semaphore_mem>>) src(%arg8 : memref<144xf32, #tpu.memory_space<vmem>>) dst(%dma_wait3A_3124 : memref<144xf32, #tpu.memory_space<hbm>>)
      tpu.yield
    }) : () -> ()
    %broadcast_in_dim3A_1586 = arith.constant 0 : i32
    %broadcast_in_dim3A_1587 = vector.broadcast %broadcast_in_dim3A_1586 : i32 to vector<16xi32>
    %swap3A_1588 = arith.constant 0 : index
    %swap3A_1589 = tpu.vector_load %arg7[%swap3A_1588] {strides = array<i32>} : memref<2304xi32, #tpu.memory_space<vmem>>, vector<16xi32>,
    tpu.vector_store %arg7[%swap3A_1588], %broadcast_in_dim3A_1587 {strides = array<i32>} : memref<2304xi32, #tpu.memory_space<vmem>>, vector<16xi32>,
    %swap3A_1590 = arith.constant 16 : index
    %swap3A_1591 = tpu.vector_load %arg7[%swap3A_1590] {strides = array<i32>} : memref<2304xi32, #tpu.memory_space<vmem>>, vector<16xi32>,
    tpu.vector_store %arg7[%swap3A_1590], %broadcast_in_dim3A_1587 {strides = array<i32>} : memref<2304xi32, #tpu.memory_space<vmem>>, vector<16xi32>,
    %swap3A_1592 = arith.constant 32 : index
    %swap3A_1593 = tpu.vector_load %arg7[%swap3A_1592] {strides = array<i32>} : memref<2304xi32, #tpu.memory_space<vmem>>, vector<16xi32>,
    tpu.vector_store %arg7[%swap3A_1592], %broadcast_in_dim3A_1587 {strides = array<i32>} : memref<2304xi32, #tpu.memory_space<vmem>>, vector<16xi32>,
    %swap3A_1594 = arith.constant 48 : index
    %swap3A_1595 = tpu.vector_load %arg7[%swap3A_1594] {strides = array<i32>} : memref<2304xi32, #tpu.memory_space<vmem>>, vector<16xi32>,
    tpu.vector_store %arg7[%swap3A_1594], %broadcast_in_dim3A_1587 {strides = array<i32>} : memref<2304xi32, #tpu.memory_space<vmem>>, vector<16xi32>,
    %swap3A_1596 = arith.constant 64 : index
    %swap3A_1597 = tpu.vector_load %arg7[%swap3A_1596] {strides = array<i32>} : memref<2304xi32, #tpu.memory_space<vmem>>, vector<16xi32>,
    tpu.vector_store %arg7[%swap3A_1596], %broadcast_in_dim3A_1587 {strides = array<i32>} : memref<2304xi32, #tpu.memory_space<vmem>>, vector<16xi32>,
    %swap3A_1598 = arith.constant 80 : index
    %swap3A_1599 = tpu.vector_load %arg7[%swap3A_1598] {strides = array<i32>} : memref<2304xi32, #tpu.memory_space<vmem>>, vector<16xi32>,
    tpu.vector_store %arg7[%swap3A_1598], %broadcast_in_dim3A_1587 {strides = array<i32>} : memref<2304xi32, #tpu.memory_space<vmem>>, vector<16xi32>,
    %swap3A_1600 = arith.constant 96 : index
    %swap3A_1601 = tpu.vector_load %arg7[%swap3A_1600] {strides = array<i32>} : memref<2304xi32, #tpu.memory_space<vmem>>, vector<16xi32>,
    tpu.vector_store %arg7[%swap3A_1600], %broadcast_in_dim3A_1587 {strides = array<i32>} : memref<2304xi32, #tpu.memory_space<vmem>>, vector<16xi32>,
    %swap3A_1602 = arith.constant 112 : index
    %swap3A_1603 = tpu.vector_load %arg7[%swap3A_1602] {strides = array<i32>} : memref<2304xi32, #tpu.memory_space<vmem>>, vector<16xi32>,
    tpu.vector_store %arg7[%swap3A_1602], %broadcast_in_dim3A_1587 {strides = array<i32>} : memref<2304xi32, #tpu.memory_space<vmem>>, vector<16xi32>,
    %swap3A_1604 = arith.constant 128 : index
    %swap3A_1605 = tpu.vector_load %arg7[%swap3A_1604] {strides = array<i32>} : memref<2304xi32, #tpu.memory_space<vmem>>, vector<16xi32>,
    tpu.vector_store %arg7[%swap3A_1604], %broadcast_in_dim3A_1587 {strides = array<i32>} : memref<2304xi32, #tpu.memory_space<vmem>>, vector<16xi32>,
    %swap3A_1606 = arith.constant 144 : index
    %swap3A_1607 = tpu.vector_load %arg7[%swap3A_1606] {strides = array<i32>} : memref<2304xi32, #tpu.memory_space<vmem>>, vector<16xi32>,
    tpu.vector_store %arg7[%swap3A_1606], %broadcast_in_dim3A_1587 {strides = array<i32>} : memref<2304xi32, #tpu.memory_space<vmem>>, vector<16xi32>,
    %swap3A_1608 = arith.constant 160 : index
    %swap3A_1609 = tpu.vector_load %arg7[%swap3A_1608] {strides = array<i32>} : memref<2304xi32, #tpu.memory_space<vmem>>, vector<16xi32>,
    tpu.vector_store %arg7[%swap3A_1608], %broadcast_in_dim3A_1587 {strides = array<i32>} : memref<2304xi32, #tpu.memory_space<vmem>>, vector<16xi32>,
    %swap3A_1610 = arith.constant 176 : index
    %swap3A_1611 = tpu.vector_load %arg7[%swap3A_1610] {strides = array<i32>} : memref<2304xi32, #tpu.memory_space<vmem>>, vector<16xi32>,
    tpu.vector_store %arg7[%swap3A_1610], %broadcast_in_dim3A_1587 {strides = array<i32>} : memref<2304xi32, #tpu.memory_space<vmem>>, vector<16xi32>,
    %swap3A_1612 = arith.constant 192 : index
    %swap3A_1613 = tpu.vector_load %arg7[%swap3A_1612] {strides = array<i32>} : memref<2304xi32, #tpu.memory_space<vmem>>, vector<16xi32>,
    tpu.vector_store %arg7[%swap3A_1612], %broadcast_in_dim3A_1587 {strides = array<i32>} : memref<2304xi32, #tpu.memory_space<vmem>>, vector<16xi32>,
    %swap3A_1614 = arith.constant 208 : index
    %swap3A_1615 = tpu.vector_load %arg7[%swap3A_1614] {strides = array<i32>} : memref<2304xi32, #tpu.memory_space<vmem>>, vector<16xi32>,
    tpu.vector_store %arg7[%swap3A_1614], %broadcast_in_dim3A_1587 {strides = array<i32>} : memref<2304xi32, #tpu.memory_space<vmem>>, vector<16xi32>,
    %swap3A_1616 = arith.constant 224 : index
    %swap3A_1617 = tpu.vector_load %arg7[%swap3A_1616] {strides = array<i32>} : memref<2304xi32, #tpu.memory_space<vmem>>, vector<16xi32>,
    tpu.vector_store %arg7[%swap3A_1616], %broadcast_in_dim3A_1587 {strides = array<i32>} : memref<2304xi32, #tpu.memory_space<vmem>>, vector<16xi32>,
    %swap3A_1618 = arith.constant 240 : index
    %swap3A_1619 = tpu.vector_load %arg7[%swap3A_1618] {strides = array<i32>} : memref<2304xi32, #tpu.memory_space<vmem>>, vector<16xi32>,
    tpu.vector_store %arg7[%swap3A_1618], %broadcast_in_dim3A_1587 {strides = array<i32>} : memref<2304xi32, #tpu.memory_space<vmem>>, vector<16xi32>,
    %swap3A_1620 = arith.constant 256 : index
    %swap3A_1621 = tpu.vector_load %arg7[%swap3A_1620] {strides = array<i32>} : memref<2304xi32, #tpu.memory_space<vmem>>, vector<16xi32>,
    tpu.vector_store %arg7[%swap3A_1620], %broadcast_in_dim3A_1587 {strides = array<i32>} : memref<2304xi32, #tpu.memory_space<vmem>>, vector<16xi32>,
    %swap3A_1622 = arith.constant 272 : index
    %swap3A_1623 = tpu.vector_load %arg7[%swap3A_1622] {strides = array<i32>} : memref<2304xi32, #tpu.memory_space<vmem>>, vector<16xi32>,
    tpu.vector_store %arg7[%swap3A_1622], %broadcast_in_dim3A_1587 {strides = array<i32>} : memref<2304xi32, #tpu.memory_space<vmem>>, vector<16xi32>,
    %swap3A_1624 = arith.constant 288 : index
    %swap3A_1625 = tpu.vector_load %arg7[%swap3A_1624] {strides = array<i32>} : memref<2304xi32, #tpu.memory_space<vmem>>, vector<16xi32>,
    tpu.vector_store %arg7[%swap3A_1624], %broadcast_in_dim3A_1587 {strides = array<i32>} : memref<2304xi32, #tpu.memory_space<vmem>>, vector<16xi32>,
    %swap3A_1626 = arith.constant 304 : index
    %swap3A_1627 = tpu.vector_load %arg7[%swap3A_1626] {strides = array<i32>} : memref<2304xi32, #tpu.memory_space<vmem>>, vector<16xi32>,
    tpu.vector_store %arg7[%swap3A_1626], %broadcast_in_dim3A_1587 {strides = array<i32>} : memref<2304xi32, #tpu.memory_space<vmem>>, vector<16xi32>,
    %swap3A_1628 = arith.constant 320 : index
    %swap3A_1629 = tpu.vector_load %arg7[%swap3A_1628] {strides = array<i32>} : memref<2304xi32, #tpu.memory_space<vmem>>, vector<16xi32>,
    tpu.vector_store %arg7[%swap3A_1628], %broadcast_in_dim3A_1587 {strides = array<i32>} : memref<2304xi32, #tpu.memory_space<vmem>>, vector<16xi32>,
    %swap3A_1630 = arith.constant 336 : index
    %swap3A_1631 = tpu.vector_load %arg7[%swap3A_1630] {strides = array<i32>} : memref<2304xi32, #tpu.memory_space<vmem>>, vector<16xi32>,
    tpu.vector_store %arg7[%swap3A_1630], %broadcast_in_dim3A_1587 {strides = array<i32>} : memref<2304xi32, #tpu.memory_space<vmem>>, vector<16xi32>,
    %swap3A_1632 = arith.constant 352 : index
    %swap3A_1633 = tpu.vector_load %arg7[%swap3A_1632] {strides = array<i32>} : memref<2304xi32, #tpu.memory_space<vmem>>, vector<16xi32>,
    tpu.vector_store %arg7[%swap3A_1632], %broadcast_in_dim3A_1587 {strides = array<i32>} : memref<2304xi32, #tpu.memory_space<vmem>>, vector<16xi32>,
    %swap3A_1634 = arith.constant 368 : index
    %swap3A_1635 = tpu.vector_load %arg7[%swap3A_1634] {strides = array<i32>} : memref<2304xi32, #tpu.memory_space<vmem>>, vector<16xi32>,
    tpu.vector_store %arg7[%swap3A_1634], %broadcast_in_dim3A_1587 {strides = array<i32>} : memref<2304xi32, #tpu.memory_space<vmem>>, vector<16xi32>,
    %swap3A_1636 = arith.constant 384 : index
    %swap3A_1637 = tpu.vector_load %arg7[%swap3A_1636] {strides = array<i32>} : memref<2304xi32, #tpu.memory_space<vmem>>, vector<16xi32>,
    tpu.vector_store %arg7[%swap3A_1636], %broadcast_in_dim3A_1587 {strides = array<i32>} : memref<2304xi32, #tpu.memory_space<vmem>>, vector<16xi32>,
    %swap3A_1638 = arith.constant 400 : index
    %swap3A_1639 = tpu.vector_load %arg7[%swap3A_1638] {strides = array<i32>} : memref<2304xi32, #tpu.memory_space<vmem>>, vector<16xi32>,
    tpu.vector_store %arg7[%swap3A_1638], %broadcast_in_dim3A_1587 {strides = array<i32>} : memref<2304xi32, #tpu.memory_space<vmem>>, vector<16xi32>,
    %swap3A_1640 = arith.constant 416 : index
    %swap3A_1641 = tpu.vector_load %arg7[%swap3A_1640] {strides = array<i32>} : memref<2304xi32, #tpu.memory_space<vmem>>, vector<16xi32>,
    tpu.vector_store %arg7[%swap3A_1640], %broadcast_in_dim3A_1587 {strides = array<i32>} : memref<2304xi32, #tpu.memory_space<vmem>>, vector<16xi32>,
    %swap3A_1642 = arith.constant 432 : index
    %swap3A_1643 = tpu.vector_load %arg7[%swap3A_1642] {strides = array<i32>} : memref<2304xi32, #tpu.memory_space<vmem>>, vector<16xi32>,
    tpu.vector_store %arg7[%swap3A_1642], %broadcast_in_dim3A_1587 {strides = array<i32>} : memref<2304xi32, #tpu.memory_space<vmem>>, vector<16xi32>,
    %swap3A_1644 = arith.constant 448 : index
    %swap3A_1645 = tpu.vector_load %arg7[%swap3A_1644] {strides = array<i32>} : memref<2304xi32, #tpu.memory_space<vmem>>, vector<16xi32>,
    tpu.vector_store %arg7[%swap3A_1644], %broadcast_in_dim3A_1587 {strides = array<i32>} : memref<2304xi32, #tpu.memory_space<vmem>>, vector<16xi32>,
    %swap3A_1646 = arith.constant 464 : index
    %swap3A_1647 = tpu.vector_load %arg7[%swap3A_1646] {strides = array<i32>} : memref<2304xi32, #tpu.memory_space<vmem>>, vector<16xi32>,
    tpu.vector_store %arg7[%swap3A_1646], %broadcast_in_dim3A_1587 {strides = array<i32>} : memref<2304xi32, #tpu.memory_space<vmem>>, vector<16xi32>,
    %swap3A_1648 = arith.constant 480 : index
    %swap3A_1649 = tpu.vector_load %arg7[%swap3A_1648] {strides = array<i32>} : memref<2304xi32, #tpu.memory_space<vmem>>, vector<16xi32>,
    tpu.vector_store %arg7[%swap3A_1648], %broadcast_in_dim3A_1587 {strides = array<i32>} : memref<2304xi32, #tpu.memory_space<vmem>>, vector<16xi32>,
    %swap3A_1650 = arith.constant 496 : index
    %swap3A_1651 = tpu.vector_load %arg7[%swap3A_1650] {strides = array<i32>} : memref<2304xi32, #tpu.memory_space<vmem>>, vector<16xi32>,
    tpu.vector_store %arg7[%swap3A_1650], %broadcast_in_dim3A_1587 {strides = array<i32>} : memref<2304xi32, #tpu.memory_space<vmem>>, vector<16xi32>,
    %swap3A_1652 = arith.constant 512 : index
    %swap3A_1653 = tpu.vector_load %arg7[%swap3A_1652] {strides = array<i32>} : memref<2304xi32, #tpu.memory_space<vmem>>, vector<16xi32>,
    tpu.vector_store %arg7[%swap3A_1652], %broadcast_in_dim3A_1587 {strides = array<i32>} : memref<2304xi32, #tpu.memory_space<vmem>>, vector<16xi32>,
    %swap3A_1654 = arith.constant 528 : index
    %swap3A_1655 = tpu.vector_load %arg7[%swap3A_1654] {strides = array<i32>} : memref<2304xi32, #tpu.memory_space<vmem>>, vector<16xi32>,
    tpu.vector_store %arg7[%swap3A_1654], %broadcast_in_dim3A_1587 {strides = array<i32>} : memref<2304xi32, #tpu.memory_space<vmem>>, vector<16xi32>,
    %swap3A_1656 = arith.constant 544 : index
    %swap3A_1657 = tpu.vector_load %arg7[%swap3A_1656] {strides = array<i32>} : memref<2304xi32, #tpu.memory_space<vmem>>, vector<16xi32>,
    tpu.vector_store %arg7[%swap3A_1656], %broadcast_in_dim3A_1587 {strides = array<i32>} : memref<2304xi32, #tpu.memory_space<vmem>>, vector<16xi32>,
    %swap3A_1658 = arith.constant 560 : index
    %swap3A_1659 = tpu.vector_load %arg7[%swap3A_1658] {strides = array<i32>} : memref<2304xi32, #tpu.memory_space<vmem>>, vector<16xi32>,
    tpu.vector_store %arg7[%swap3A_1658], %broadcast_in_dim3A_1587 {strides = array<i32>} : memref<2304xi32, #tpu.memory_space<vmem>>, vector<16xi32>,
    %swap3A_1660 = arith.constant 576 : index
    %swap3A_1661 = tpu.vector_load %arg7[%swap3A_1660] {strides = array<i32>} : memref<2304xi32, #tpu.memory_space<vmem>>, vector<16xi32>,
    tpu.vector_store %arg7[%swap3A_1660], %broadcast_in_dim3A_1587 {strides = array<i32>} : memref<2304xi32, #tpu.memory_space<vmem>>, vector<16xi32>,
    %swap3A_1662 = arith.constant 592 : index
    %swap3A_1663 = tpu.vector_load %arg7[%swap3A_1662] {strides = array<i32>} : memref<2304xi32, #tpu.memory_space<vmem>>, vector<16xi32>,
    tpu.vector_store %arg7[%swap3A_1662], %broadcast_in_dim3A_1587 {strides = array<i32>} : memref<2304xi32, #tpu.memory_space<vmem>>, vector<16xi32>,
    %swap3A_1664 = arith.constant 608 : index
    %swap3A_1665 = tpu.vector_load %arg7[%swap3A_1664] {strides = array<i32>} : memref<2304xi32, #tpu.memory_space<vmem>>, vector<16xi32>,
    tpu.vector_store %arg7[%swap3A_1664], %broadcast_in_dim3A_1587 {strides = array<i32>} : memref<2304xi32, #tpu.memory_space<vmem>>, vector<16xi32>,
    %swap3A_1666 = arith.constant 624 : index
    %swap3A_1667 = tpu.vector_load %arg7[%swap3A_1666] {strides = array<i32>} : memref<2304xi32, #tpu.memory_space<vmem>>, vector<16xi32>,
    tpu.vector_store %arg7[%swap3A_1666], %broadcast_in_dim3A_1587 {strides = array<i32>} : memref<2304xi32, #tpu.memory_space<vmem>>, vector<16xi32>,
    %swap3A_1668 = arith.constant 640 : index
    %swap3A_1669 = tpu.vector_load %arg7[%swap3A_1668] {strides = array<i32>} : memref<2304xi32, #tpu.memory_space<vmem>>, vector<16xi32>,
    tpu.vector_store %arg7[%swap3A_1668], %broadcast_in_dim3A_1587 {strides = array<i32>} : memref<2304xi32, #tpu.memory_space<vmem>>, vector<16xi32>,
    %swap3A_1670 = arith.constant 656 : index
    %swap3A_1671 = tpu.vector_load %arg7[%swap3A_1670] {strides = array<i32>} : memref<2304xi32, #tpu.memory_space<vmem>>, vector<16xi32>,
    tpu.vector_store %arg7[%swap3A_1670], %broadcast_in_dim3A_1587 {strides = array<i32>} : memref<2304xi32, #tpu.memory_space<vmem>>, vector<16xi32>,
    %swap3A_1672 = arith.constant 672 : index
    %swap3A_1673 = tpu.vector_load %arg7[%swap3A_1672] {strides = array<i32>} : memref<2304xi32, #tpu.memory_space<vmem>>, vector<16xi32>,
    tpu.vector_store %arg7[%swap3A_1672], %broadcast_in_dim3A_1587 {strides = array<i32>} : memref<2304xi32, #tpu.memory_space<vmem>>, vector<16xi32>,
    %swap3A_1674 = arith.constant 688 : index
    %swap3A_1675 = tpu.vector_load %arg7[%swap3A_1674] {strides = array<i32>} : memref<2304xi32, #tpu.memory_space<vmem>>, vector<16xi32>,
    tpu.vector_store %arg7[%swap3A_1674], %broadcast_in_dim3A_1587 {strides = array<i32>} : memref<2304xi32, #tpu.memory_space<vmem>>, vector<16xi32>,
    %swap3A_1676 = arith.constant 704 : index
    %swap3A_1677 = tpu.vector_load %arg7[%swap3A_1676] {strides = array<i32>} : memref<2304xi32, #tpu.memory_space<vmem>>, vector<16xi32>,
    tpu.vector_store %arg7[%swap3A_1676], %broadcast_in_dim3A_1587 {strides = array<i32>} : memref<2304xi32, #tpu.memory_space<vmem>>, vector<16xi32>,
    %swap3A_1678 = arith.constant 720 : index
    %swap3A_1679 = tpu.vector_load %arg7[%swap3A_1678] {strides = array<i32>} : memref<2304xi32, #tpu.memory_space<vmem>>, vector<16xi32>,
    tpu.vector_store %arg7[%swap3A_1678], %broadcast_in_dim3A_1587 {strides = array<i32>} : memref<2304xi32, #tpu.memory_space<vmem>>, vector<16xi32>,
    %swap3A_1680 = arith.constant 736 : index
    %swap3A_1681 = tpu.vector_load %arg7[%swap3A_1680] {strides = array<i32>} : memref<2304xi32, #tpu.memory_space<vmem>>, vector<16xi32>,
    tpu.vector_store %arg7[%swap3A_1680], %broadcast_in_dim3A_1587 {strides = array<i32>} : memref<2304xi32, #tpu.memory_space<vmem>>, vector<16xi32>,
    %swap3A_1682 = arith.constant 752 : index
    %swap3A_1683 = tpu.vector_load %arg7[%swap3A_1682] {strides = array<i32>} : memref<2304xi32, #tpu.memory_space<vmem>>, vector<16xi32>,
    tpu.vector_store %arg7[%swap3A_1682], %broadcast_in_dim3A_1587 {strides = array<i32>} : memref<2304xi32, #tpu.memory_space<vmem>>, vector<16xi32>,
    %swap3A_1684 = arith.constant 768 : index
    %swap3A_1685 = tpu.vector_load %arg7[%swap3A_1684] {strides = array<i32>} : memref<2304xi32, #tpu.memory_space<vmem>>, vector<16xi32>,
    tpu.vector_store %arg7[%swap3A_1684], %broadcast_in_dim3A_1587 {strides = array<i32>} : memref<2304xi32, #tpu.memory_space<vmem>>, vector<16xi32>,
    %swap3A_1686 = arith.constant 784 : index
    %swap3A_1687 = tpu.vector_load %arg7[%swap3A_1686] {strides = array<i32>} : memref<2304xi32, #tpu.memory_space<vmem>>, vector<16xi32>,
    tpu.vector_store %arg7[%swap3A_1686], %broadcast_in_dim3A_1587 {strides = array<i32>} : memref<2304xi32, #tpu.memory_space<vmem>>, vector<16xi32>,
    %swap3A_1688 = arith.constant 800 : index
    %swap3A_1689 = tpu.vector_load %arg7[%swap3A_1688] {strides = array<i32>} : memref<2304xi32, #tpu.memory_space<vmem>>, vector<16xi32>,
    tpu.vector_store %arg7[%swap3A_1688], %broadcast_in_dim3A_1587 {strides = array<i32>} : memref<2304xi32, #tpu.memory_space<vmem>>, vector<16xi32>,
    %swap3A_1690 = arith.constant 816 : index
    %swap3A_1691 = tpu.vector_load %arg7[%swap3A_1690] {strides = array<i32>} : memref<2304xi32, #tpu.memory_space<vmem>>, vector<16xi32>,
    tpu.vector_store %arg7[%swap3A_1690], %broadcast_in_dim3A_1587 {strides = array<i32>} : memref<2304xi32, #tpu.memory_space<vmem>>, vector<16xi32>,
    %swap3A_1692 = arith.constant 832 : index
    %swap3A_1693 = tpu.vector_load %arg7[%swap3A_1692] {strides = array<i32>} : memref<2304xi32, #tpu.memory_space<vmem>>, vector<16xi32>,
    tpu.vector_store %arg7[%swap3A_1692], %broadcast_in_dim3A_1587 {strides = array<i32>} : memref<2304xi32, #tpu.memory_space<vmem>>, vector<16xi32>,
    %swap3A_1694 = arith.constant 848 : index
    %swap3A_1695 = tpu.vector_load %arg7[%swap3A_1694] {strides = array<i32>} : memref<2304xi32, #tpu.memory_space<vmem>>, vector<16xi32>,
    tpu.vector_store %arg7[%swap3A_1694], %broadcast_in_dim3A_1587 {strides = array<i32>} : memref<2304xi32, #tpu.memory_space<vmem>>, vector<16xi32>,
    %swap3A_1696 = arith.constant 864 : index
    %swap3A_1697 = tpu.vector_load %arg7[%swap3A_1696] {strides = array<i32>} : memref<2304xi32, #tpu.memory_space<vmem>>, vector<16xi32>,
    tpu.vector_store %arg7[%swap3A_1696], %broadcast_in_dim3A_1587 {strides = array<i32>} : memref<2304xi32, #tpu.memory_space<vmem>>, vector<16xi32>,
    %swap3A_1698 = arith.constant 880 : index
    %swap3A_1699 = tpu.vector_load %arg7[%swap3A_1698] {strides = array<i32>} : memref<2304xi32, #tpu.memory_space<vmem>>, vector<16xi32>,
    tpu.vector_store %arg7[%swap3A_1698], %broadcast_in_dim3A_1587 {strides = array<i32>} : memref<2304xi32, #tpu.memory_space<vmem>>, vector<16xi32>,
    %swap3A_1700 = arith.constant 896 : index
    %swap3A_1701 = tpu.vector_load %arg7[%swap3A_1700] {strides = array<i32>} : memref<2304xi32, #tpu.memory_space<vmem>>, vector<16xi32>,
    tpu.vector_store %arg7[%swap3A_1700], %broadcast_in_dim3A_1587 {strides = array<i32>} : memref<2304xi32, #tpu.memory_space<vmem>>, vector<16xi32>,
    %swap3A_1702 = arith.constant 912 : index
    %swap3A_1703 = tpu.vector_load %arg7[%swap3A_1702] {strides = array<i32>} : memref<2304xi32, #tpu.memory_space<vmem>>, vector<16xi32>,
    tpu.vector_store %arg7[%swap3A_1702], %broadcast_in_dim3A_1587 {strides = array<i32>} : memref<2304xi32, #tpu.memory_space<vmem>>, vector<16xi32>,
    %swap3A_1704 = arith.constant 928 : index
    %swap3A_1705 = tpu.vector_load %arg7[%swap3A_1704] {strides = array<i32>} : memref<2304xi32, #tpu.memory_space<vmem>>, vector<16xi32>,
    tpu.vector_store %arg7[%swap3A_1704], %broadcast_in_dim3A_1587 {strides = array<i32>} : memref<2304xi32, #tpu.memory_space<vmem>>, vector<16xi32>,
    %swap3A_1706 = arith.constant 944 : index
    %swap3A_1707 = tpu.vector_load %arg7[%swap3A_1706] {strides = array<i32>} : memref<2304xi32, #tpu.memory_space<vmem>>, vector<16xi32>,
    tpu.vector_store %arg7[%swap3A_1706], %broadcast_in_dim3A_1587 {strides = array<i32>} : memref<2304xi32, #tpu.memory_space<vmem>>, vector<16xi32>,
    %swap3A_1708 = arith.constant 960 : index
    %swap3A_1709 = tpu.vector_load %arg7[%swap3A_1708] {strides = array<i32>} : memref<2304xi32, #tpu.memory_space<vmem>>, vector<16xi32>,
    tpu.vector_store %arg7[%swap3A_1708], %broadcast_in_dim3A_1587 {strides = array<i32>} : memref<2304xi32, #tpu.memory_space<vmem>>, vector<16xi32>,
    %swap3A_1710 = arith.constant 976 : index
    %swap3A_1711 = tpu.vector_load %arg7[%swap3A_1710] {strides = array<i32>} : memref<2304xi32, #tpu.memory_space<vmem>>, vector<16xi32>,
    tpu.vector_store %arg7[%swap3A_1710], %broadcast_in_dim3A_1587 {strides = array<i32>} : memref<2304xi32, #tpu.memory_space<vmem>>, vector<16xi32>,
    %swap3A_1712 = arith.constant 992 : index
    %swap3A_1713 = tpu.vector_load %arg7[%swap3A_1712] {strides = array<i32>} : memref<2304xi32, #tpu.memory_space<vmem>>, vector<16xi32>,
    tpu.vector_store %arg7[%swap3A_1712], %broadcast_in_dim3A_1587 {strides = array<i32>} : memref<2304xi32, #tpu.memory_space<vmem>>, vector<16xi32>,
    %swap3A_1714 = arith.constant 1008 : index
    %swap3A_1715 = tpu.vector_load %arg7[%swap3A_1714] {strides = array<i32>} : memref<2304xi32, #tpu.memory_space<vmem>>, vector<16xi32>,
    tpu.vector_store %arg7[%swap3A_1714], %broadcast_in_dim3A_1587 {strides = array<i32>} : memref<2304xi32, #tpu.memory_space<vmem>>, vector<16xi32>,
    %swap3A_1716 = arith.constant 1024 : index
    %swap3A_1717 = tpu.vector_load %arg7[%swap3A_1716] {strides = array<i32>} : memref<2304xi32, #tpu.memory_space<vmem>>, vector<16xi32>,
    tpu.vector_store %arg7[%swap3A_1716], %broadcast_in_dim3A_1587 {strides = array<i32>} : memref<2304xi32, #tpu.memory_space<vmem>>, vector<16xi32>,
    %swap3A_1718 = arith.constant 1040 : index
    %swap3A_1719 = tpu.vector_load %arg7[%swap3A_1718] {strides = array<i32>} : memref<2304xi32, #tpu.memory_space<vmem>>, vector<16xi32>,
    tpu.vector_store %arg7[%swap3A_1718], %broadcast_in_dim3A_1587 {strides = array<i32>} : memref<2304xi32, #tpu.memory_space<vmem>>, vector<16xi32>,
    %swap3A_1720 = arith.constant 1056 : index
    %swap3A_1721 = tpu.vector_load %arg7[%swap3A_1720] {strides = array<i32>} : memref<2304xi32, #tpu.memory_space<vmem>>, vector<16xi32>,
    tpu.vector_store %arg7[%swap3A_1720], %broadcast_in_dim3A_1587 {strides = array<i32>} : memref<2304xi32, #tpu.memory_space<vmem>>, vector<16xi32>,
    %swap3A_1722 = arith.constant 1072 : index
    %swap3A_1723 = tpu.vector_load %arg7[%swap3A_1722] {strides = array<i32>} : memref<2304xi32, #tpu.memory_space<vmem>>, vector<16xi32>,
    tpu.vector_store %arg7[%swap3A_1722], %broadcast_in_dim3A_1587 {strides = array<i32>} : memref<2304xi32, #tpu.memory_space<vmem>>, vector<16xi32>,
    %swap3A_1724 = arith.constant 1088 : index
    %swap3A_1725 = tpu.vector_load %arg7[%swap3A_1724] {strides = array<i32>} : memref<2304xi32, #tpu.memory_space<vmem>>, vector<16xi32>,
    tpu.vector_store %arg7[%swap3A_1724], %broadcast_in_dim3A_1587 {strides = array<i32>} : memref<2304xi32, #tpu.memory_space<vmem>>, vector<16xi32>,
    %swap3A_1726 = arith.constant 1104 : index
    %swap3A_1727 = tpu.vector_load %arg7[%swap3A_1726] {strides = array<i32>} : memref<2304xi32, #tpu.memory_space<vmem>>, vector<16xi32>,
    tpu.vector_store %arg7[%swap3A_1726], %broadcast_in_dim3A_1587 {strides = array<i32>} : memref<2304xi32, #tpu.memory_space<vmem>>, vector<16xi32>,
    %swap3A_1728 = arith.constant 1120 : index
    %swap3A_1729 = tpu.vector_load %arg7[%swap3A_1728] {strides = array<i32>} : memref<2304xi32, #tpu.memory_space<vmem>>, vector<16xi32>,
    tpu.vector_store %arg7[%swap3A_1728], %broadcast_in_dim3A_1587 {strides = array<i32>} : memref<2304xi32, #tpu.memory_space<vmem>>, vector<16xi32>,
    %swap3A_1730 = arith.constant 1136 : index
    %swap3A_1731 = tpu.vector_load %arg7[%swap3A_1730] {strides = array<i32>} : memref<2304xi32, #tpu.memory_space<vmem>>, vector<16xi32>,
    tpu.vector_store %arg7[%swap3A_1730], %broadcast_in_dim3A_1587 {strides = array<i32>} : memref<2304xi32, #tpu.memory_space<vmem>>, vector<16xi32>,
    %swap3A_1732 = arith.constant 1152 : index
    %swap3A_1733 = tpu.vector_load %arg7[%swap3A_1732] {strides = array<i32>} : memref<2304xi32, #tpu.memory_space<vmem>>, vector<16xi32>,
    tpu.vector_store %arg7[%swap3A_1732], %broadcast_in_dim3A_1587 {strides = array<i32>} : memref<2304xi32, #tpu.memory_space<vmem>>, vector<16xi32>,
    %swap3A_1734 = arith.constant 1168 : index
    %swap3A_1735 = tpu.vector_load %arg7[%swap3A_1734] {strides = array<i32>} : memref<2304xi32, #tpu.memory_space<vmem>>, vector<16xi32>,
    tpu.vector_store %arg7[%swap3A_1734], %broadcast_in_dim3A_1587 {strides = array<i32>} : memref<2304xi32, #tpu.memory_space<vmem>>, vector<16xi32>,
    %swap3A_1736 = arith.constant 1184 : index
    %swap3A_1737 = tpu.vector_load %arg7[%swap3A_1736] {strides = array<i32>} : memref<2304xi32, #tpu.memory_space<vmem>>, vector<16xi32>,
    tpu.vector_store %arg7[%swap3A_1736], %broadcast_in_dim3A_1587 {strides = array<i32>} : memref<2304xi32, #tpu.memory_space<vmem>>, vector<16xi32>,
    %swap3A_1738 = arith.constant 1200 : index
    %swap3A_1739 = tpu.vector_load %arg7[%swap3A_1738] {strides = array<i32>} : memref<2304xi32, #tpu.memory_space<vmem>>, vector<16xi32>,
    tpu.vector_store %arg7[%swap3A_1738], %broadcast_in_dim3A_1587 {strides = array<i32>} : memref<2304xi32, #tpu.memory_space<vmem>>, vector<16xi32>,
    %swap3A_1740 = arith.constant 1216 : index
    %swap3A_1741 = tpu.vector_load %arg7[%swap3A_1740] {strides = array<i32>} : memref<2304xi32, #tpu.memory_space<vmem>>, vector<16xi32>,
    tpu.vector_store %arg7[%swap3A_1740], %broadcast_in_dim3A_1587 {strides = array<i32>} : memref<2304xi32, #tpu.memory_space<vmem>>, vector<16xi32>,
    %swap3A_1742 = arith.constant 1232 : index
    %swap3A_1743 = tpu.vector_load %arg7[%swap3A_1742] {strides = array<i32>} : memref<2304xi32, #tpu.memory_space<vmem>>, vector<16xi32>,
    tpu.vector_store %arg7[%swap3A_1742], %broadcast_in_dim3A_1587 {strides = array<i32>} : memref<2304xi32, #tpu.memory_space<vmem>>, vector<16xi32>,
    %swap3A_1744 = arith.constant 1248 : index
    %swap3A_1745 = tpu.vector_load %arg7[%swap3A_1744] {strides = array<i32>} : memref<2304xi32, #tpu.memory_space<vmem>>, vector<16xi32>,
    tpu.vector_store %arg7[%swap3A_1744], %broadcast_in_dim3A_1587 {strides = array<i32>} : memref<2304xi32, #tpu.memory_space<vmem>>, vector<16xi32>,
    %swap3A_1746 = arith.constant 1264 : index
    %swap3A_1747 = tpu.vector_load %arg7[%swap3A_1746] {strides = array<i32>} : memref<2304xi32, #tpu.memory_space<vmem>>, vector<16xi32>,
    tpu.vector_store %arg7[%swap3A_1746], %broadcast_in_dim3A_1587 {strides = array<i32>} : memref<2304xi32, #tpu.memory_space<vmem>>, vector<16xi32>,
    %swap3A_1748 = arith.constant 1280 : index
    %swap3A_1749 = tpu.vector_load %arg7[%swap3A_1748] {strides = array<i32>} : memref<2304xi32, #tpu.memory_space<vmem>>, vector<16xi32>,
    tpu.vector_store %arg7[%swap3A_1748], %broadcast_in_dim3A_1587 {strides = array<i32>} : memref<2304xi32, #tpu.memory_space<vmem>>, vector<16xi32>,
    %swap3A_1750 = arith.constant 1296 : index
    %swap3A_1751 = tpu.vector_load %arg7[%swap3A_1750] {strides = array<i32>} : memref<2304xi32, #tpu.memory_space<vmem>>, vector<16xi32>,
    tpu.vector_store %arg7[%swap3A_1750], %broadcast_in_dim3A_1587 {strides = array<i32>} : memref<2304xi32, #tpu.memory_space<vmem>>, vector<16xi32>,
    %swap3A_1752 = arith.constant 1312 : index
    %swap3A_1753 = tpu.vector_load %arg7[%swap3A_1752] {strides = array<i32>} : memref<2304xi32, #tpu.memory_space<vmem>>, vector<16xi32>,
    tpu.vector_store %arg7[%swap3A_1752], %broadcast_in_dim3A_1587 {strides = array<i32>} : memref<2304xi32, #tpu.memory_space<vmem>>, vector<16xi32>,
    %swap3A_1754 = arith.constant 1328 : index
    %swap3A_1755 = tpu.vector_load %arg7[%swap3A_1754] {strides = array<i32>} : memref<2304xi32, #tpu.memory_space<vmem>>, vector<16xi32>,
    tpu.vector_store %arg7[%swap3A_1754], %broadcast_in_dim3A_1587 {strides = array<i32>} : memref<2304xi32, #tpu.memory_space<vmem>>, vector<16xi32>,
    %swap3A_1756 = arith.constant 1344 : index
    %swap3A_1757 = tpu.vector_load %arg7[%swap3A_1756] {strides = array<i32>} : memref<2304xi32, #tpu.memory_space<vmem>>, vector<16xi32>,
    tpu.vector_store %arg7[%swap3A_1756], %broadcast_in_dim3A_1587 {strides = array<i32>} : memref<2304xi32, #tpu.memory_space<vmem>>, vector<16xi32>,
    %swap3A_1758 = arith.constant 1360 : index
    %swap3A_1759 = tpu.vector_load %arg7[%swap3A_1758] {strides = array<i32>} : memref<2304xi32, #tpu.memory_space<vmem>>, vector<16xi32>,
    tpu.vector_store %arg7[%swap3A_1758], %broadcast_in_dim3A_1587 {strides = array<i32>} : memref<2304xi32, #tpu.memory_space<vmem>>, vector<16xi32>,
    %swap3A_1760 = arith.constant 1376 : index
    %swap3A_1761 = tpu.vector_load %arg7[%swap3A_1760] {strides = array<i32>} : memref<2304xi32, #tpu.memory_space<vmem>>, vector<16xi32>,
    tpu.vector_store %arg7[%swap3A_1760], %broadcast_in_dim3A_1587 {strides = array<i32>} : memref<2304xi32, #tpu.memory_space<vmem>>, vector<16xi32>,
    %swap3A_1762 = arith.constant 1392 : index
    %swap3A_1763 = tpu.vector_load %arg7[%swap3A_1762] {strides = array<i32>} : memref<2304xi32, #tpu.memory_space<vmem>>, vector<16xi32>,
    tpu.vector_store %arg7[%swap3A_1762], %broadcast_in_dim3A_1587 {strides = array<i32>} : memref<2304xi32, #tpu.memory_space<vmem>>, vector<16xi32>,
    %swap3A_1764 = arith.constant 1408 : index
    %swap3A_1765 = tpu.vector_load %arg7[%swap3A_1764] {strides = array<i32>} : memref<2304xi32, #tpu.memory_space<vmem>>, vector<16xi32>,
    tpu.vector_store %arg7[%swap3A_1764], %broadcast_in_dim3A_1587 {strides = array<i32>} : memref<2304xi32, #tpu.memory_space<vmem>>, vector<16xi32>,
    %swap3A_1766 = arith.constant 1424 : index
    %swap3A_1767 = tpu.vector_load %arg7[%swap3A_1766] {strides = array<i32>} : memref<2304xi32, #tpu.memory_space<vmem>>, vector<16xi32>,
    tpu.vector_store %arg7[%swap3A_1766], %broadcast_in_dim3A_1587 {strides = array<i32>} : memref<2304xi32, #tpu.memory_space<vmem>>, vector<16xi32>,
    %swap3A_1768 = arith.constant 1440 : index
    %swap3A_1769 = tpu.vector_load %arg7[%swap3A_1768] {strides = array<i32>} : memref<2304xi32, #tpu.memory_space<vmem>>, vector<16xi32>,
    tpu.vector_store %arg7[%swap3A_1768], %broadcast_in_dim3A_1587 {strides = array<i32>} : memref<2304xi32, #tpu.memory_space<vmem>>, vector<16xi32>,
    %swap3A_1770 = arith.constant 1456 : index
    %swap3A_1771 = tpu.vector_load %arg7[%swap3A_1770] {strides = array<i32>} : memref<2304xi32, #tpu.memory_space<vmem>>, vector<16xi32>,
    tpu.vector_store %arg7[%swap3A_1770], %broadcast_in_dim3A_1587 {strides = array<i32>} : memref<2304xi32, #tpu.memory_space<vmem>>, vector<16xi32>,
    %swap3A_1772 = arith.constant 1472 : index
    %swap3A_1773 = tpu.vector_load %arg7[%swap3A_1772] {strides = array<i32>} : memref<2304xi32, #tpu.memory_space<vmem>>, vector<16xi32>,
    tpu.vector_store %arg7[%swap3A_1772], %broadcast_in_dim3A_1587 {strides = array<i32>} : memref<2304xi32, #tpu.memory_space<vmem>>, vector<16xi32>,
    %swap3A_1774 = arith.constant 1488 : index
    %swap3A_1775 = tpu.vector_load %arg7[%swap3A_1774] {strides = array<i32>} : memref<2304xi32, #tpu.memory_space<vmem>>, vector<16xi32>,
    tpu.vector_store %arg7[%swap3A_1774], %broadcast_in_dim3A_1587 {strides = array<i32>} : memref<2304xi32, #tpu.memory_space<vmem>>, vector<16xi32>,
    %swap3A_1776 = arith.constant 1504 : index
    %swap3A_1777 = tpu.vector_load %arg7[%swap3A_1776] {strides = array<i32>} : memref<2304xi32, #tpu.memory_space<vmem>>, vector<16xi32>,
    tpu.vector_store %arg7[%swap3A_1776], %broadcast_in_dim3A_1587 {strides = array<i32>} : memref<2304xi32, #tpu.memory_space<vmem>>, vector<16xi32>,
    %swap3A_1778 = arith.constant 1520 : index
    %swap3A_1779 = tpu.vector_load %arg7[%swap3A_1778] {strides = array<i32>} : memref<2304xi32, #tpu.memory_space<vmem>>, vector<16xi32>,
    tpu.vector_store %arg7[%swap3A_1778], %broadcast_in_dim3A_1587 {strides = array<i32>} : memref<2304xi32, #tpu.memory_space<vmem>>, vector<16xi32>,
    %swap3A_1780 = arith.constant 1536 : index
    %swap3A_1781 = tpu.vector_load %arg7[%swap3A_1780] {strides = array<i32>} : memref<2304xi32, #tpu.memory_space<vmem>>, vector<16xi32>,
    tpu.vector_store %arg7[%swap3A_1780], %broadcast_in_dim3A_1587 {strides = array<i32>} : memref<2304xi32, #tpu.memory_space<vmem>>, vector<16xi32>,
    %swap3A_1782 = arith.constant 1552 : index
    %swap3A_1783 = tpu.vector_load %arg7[%swap3A_1782] {strides = array<i32>} : memref<2304xi32, #tpu.memory_space<vmem>>, vector<16xi32>,
    tpu.vector_store %arg7[%swap3A_1782], %broadcast_in_dim3A_1587 {strides = array<i32>} : memref<2304xi32, #tpu.memory_space<vmem>>, vector<16xi32>,
    %swap3A_1784 = arith.constant 1568 : index
    %swap3A_1785 = tpu.vector_load %arg7[%swap3A_1784] {strides = array<i32>} : memref<2304xi32, #tpu.memory_space<vmem>>, vector<16xi32>,
    tpu.vector_store %arg7[%swap3A_1784], %broadcast_in_dim3A_1587 {strides = array<i32>} : memref<2304xi32, #tpu.memory_space<vmem>>, vector<16xi32>,
    %swap3A_1786 = arith.constant 1584 : index
    %swap3A_1787 = tpu.vector_load %arg7[%swap3A_1786] {strides = array<i32>} : memref<2304xi32, #tpu.memory_space<vmem>>, vector<16xi32>,
    tpu.vector_store %arg7[%swap3A_1786], %broadcast_in_dim3A_1587 {strides = array<i32>} : memref<2304xi32, #tpu.memory_space<vmem>>, vector<16xi32>,
    %swap3A_1788 = arith.constant 1600 : index
    %swap3A_1789 = tpu.vector_load %arg7[%swap3A_1788] {strides = array<i32>} : memref<2304xi32, #tpu.memory_space<vmem>>, vector<16xi32>,
    tpu.vector_store %arg7[%swap3A_1788], %broadcast_in_dim3A_1587 {strides = array<i32>} : memref<2304xi32, #tpu.memory_space<vmem>>, vector<16xi32>,
    %swap3A_1790 = arith.constant 1616 : index
    %swap3A_1791 = tpu.vector_load %arg7[%swap3A_1790] {strides = array<i32>} : memref<2304xi32, #tpu.memory_space<vmem>>, vector<16xi32>,
    tpu.vector_store %arg7[%swap3A_1790], %broadcast_in_dim3A_1587 {strides = array<i32>} : memref<2304xi32, #tpu.memory_space<vmem>>, vector<16xi32>,
    %swap3A_1792 = arith.constant 1632 : index
    %swap3A_1793 = tpu.vector_load %arg7[%swap3A_1792] {strides = array<i32>} : memref<2304xi32, #tpu.memory_space<vmem>>, vector<16xi32>,
    tpu.vector_store %arg7[%swap3A_1792], %broadcast_in_dim3A_1587 {strides = array<i32>} : memref<2304xi32, #tpu.memory_space<vmem>>, vector<16xi32>,
    %swap3A_1794 = arith.constant 1648 : index
    %swap3A_1795 = tpu.vector_load %arg7[%swap3A_1794] {strides = array<i32>} : memref<2304xi32, #tpu.memory_space<vmem>>, vector<16xi32>,
    tpu.vector_store %arg7[%swap3A_1794], %broadcast_in_dim3A_1587 {strides = array<i32>} : memref<2304xi32, #tpu.memory_space<vmem>>, vector<16xi32>,
    %swap3A_1796 = arith.constant 1664 : index
    %swap3A_1797 = tpu.vector_load %arg7[%swap3A_1796] {strides = array<i32>} : memref<2304xi32, #tpu.memory_space<vmem>>, vector<16xi32>,
    tpu.vector_store %arg7[%swap3A_1796], %broadcast_in_dim3A_1587 {strides = array<i32>} : memref<2304xi32, #tpu.memory_space<vmem>>, vector<16xi32>,
    %swap3A_1798 = arith.constant 1680 : index
    %swap3A_1799 = tpu.vector_load %arg7[%swap3A_1798] {strides = array<i32>} : memref<2304xi32, #tpu.memory_space<vmem>>, vector<16xi32>,
    tpu.vector_store %arg7[%swap3A_1798], %broadcast_in_dim3A_1587 {strides = array<i32>} : memref<2304xi32, #tpu.memory_space<vmem>>, vector<16xi32>,
    %swap3A_1800 = arith.constant 1696 : index
    %swap3A_1801 = tpu.vector_load %arg7[%swap3A_1800] {strides = array<i32>} : memref<2304xi32, #tpu.memory_space<vmem>>, vector<16xi32>,
    tpu.vector_store %arg7[%swap3A_1800], %broadcast_in_dim3A_1587 {strides = array<i32>} : memref<2304xi32, #tpu.memory_space<vmem>>, vector<16xi32>,
    %swap3A_1802 = arith.constant 1712 : index
    %swap3A_1803 = tpu.vector_load %arg7[%swap3A_1802] {strides = array<i32>} : memref<2304xi32, #tpu.memory_space<vmem>>, vector<16xi32>,
    tpu.vector_store %arg7[%swap3A_1802], %broadcast_in_dim3A_1587 {strides = array<i32>} : memref<2304xi32, #tpu.memory_space<vmem>>, vector<16xi32>,
    %swap3A_1804 = arith.constant 1728 : index
    %swap3A_1805 = tpu.vector_load %arg7[%swap3A_1804] {strides = array<i32>} : memref<2304xi32, #tpu.memory_space<vmem>>, vector<16xi32>,
    tpu.vector_store %arg7[%swap3A_1804], %broadcast_in_dim3A_1587 {strides = array<i32>} : memref<2304xi32, #tpu.memory_space<vmem>>, vector<16xi32>,
    %swap3A_1806 = arith.constant 1744 : index
    %swap3A_1807 = tpu.vector_load %arg7[%swap3A_1806] {strides = array<i32>} : memref<2304xi32, #tpu.memory_space<vmem>>, vector<16xi32>,
    tpu.vector_store %arg7[%swap3A_1806], %broadcast_in_dim3A_1587 {strides = array<i32>} : memref<2304xi32, #tpu.memory_space<vmem>>, vector<16xi32>,
    %swap3A_1808 = arith.constant 1760 : index
    %swap3A_1809 = tpu.vector_load %arg7[%swap3A_1808] {strides = array<i32>} : memref<2304xi32, #tpu.memory_space<vmem>>, vector<16xi32>,
    tpu.vector_store %arg7[%swap3A_1808], %broadcast_in_dim3A_1587 {strides = array<i32>} : memref<2304xi32, #tpu.memory_space<vmem>>, vector<16xi32>,
    %swap3A_1810 = arith.constant 1776 : index
    %swap3A_1811 = tpu.vector_load %arg7[%swap3A_1810] {strides = array<i32>} : memref<2304xi32, #tpu.memory_space<vmem>>, vector<16xi32>,
    tpu.vector_store %arg7[%swap3A_1810], %broadcast_in_dim3A_1587 {strides = array<i32>} : memref<2304xi32, #tpu.memory_space<vmem>>, vector<16xi32>,
    %swap3A_1812 = arith.constant 1792 : index
    %swap3A_1813 = tpu.vector_load %arg7[%swap3A_1812] {strides = array<i32>} : memref<2304xi32, #tpu.memory_space<vmem>>, vector<16xi32>,
    tpu.vector_store %arg7[%swap3A_1812], %broadcast_in_dim3A_1587 {strides = array<i32>} : memref<2304xi32, #tpu.memory_space<vmem>>, vector<16xi32>,
    %swap3A_1814 = arith.constant 1808 : index
    %swap3A_1815 = tpu.vector_load %arg7[%swap3A_1814] {strides = array<i32>} : memref<2304xi32, #tpu.memory_space<vmem>>, vector<16xi32>,
    tpu.vector_store %arg7[%swap3A_1814], %broadcast_in_dim3A_1587 {strides = array<i32>} : memref<2304xi32, #tpu.memory_space<vmem>>, vector<16xi32>,
    %swap3A_1816 = arith.constant 1824 : index
    %swap3A_1817 = tpu.vector_load %arg7[%swap3A_1816] {strides = array<i32>} : memref<2304xi32, #tpu.memory_space<vmem>>, vector<16xi32>,
    tpu.vector_store %arg7[%swap3A_1816], %broadcast_in_dim3A_1587 {strides = array<i32>} : memref<2304xi32, #tpu.memory_space<vmem>>, vector<16xi32>,
    %swap3A_1818 = arith.constant 1840 : index
    %swap3A_1819 = tpu.vector_load %arg7[%swap3A_1818] {strides = array<i32>} : memref<2304xi32, #tpu.memory_space<vmem>>, vector<16xi32>,
    tpu.vector_store %arg7[%swap3A_1818], %broadcast_in_dim3A_1587 {strides = array<i32>} : memref<2304xi32, #tpu.memory_space<vmem>>, vector<16xi32>,
    %swap3A_1820 = arith.constant 1856 : index
    %swap3A_1821 = tpu.vector_load %arg7[%swap3A_1820] {strides = array<i32>} : memref<2304xi32, #tpu.memory_space<vmem>>, vector<16xi32>,
    tpu.vector_store %arg7[%swap3A_1820], %broadcast_in_dim3A_1587 {strides = array<i32>} : memref<2304xi32, #tpu.memory_space<vmem>>, vector<16xi32>,
    %swap3A_1822 = arith.constant 1872 : index
    %swap3A_1823 = tpu.vector_load %arg7[%swap3A_1822] {strides = array<i32>} : memref<2304xi32, #tpu.memory_space<vmem>>, vector<16xi32>,
    tpu.vector_store %arg7[%swap3A_1822], %broadcast_in_dim3A_1587 {strides = array<i32>} : memref<2304xi32, #tpu.memory_space<vmem>>, vector<16xi32>,
    %swap3A_1824 = arith.constant 1888 : index
    %swap3A_1825 = tpu.vector_load %arg7[%swap3A_1824] {strides = array<i32>} : memref<2304xi32, #tpu.memory_space<vmem>>, vector<16xi32>,
    tpu.vector_store %arg7[%swap3A_1824], %broadcast_in_dim3A_1587 {strides = array<i32>} : memref<2304xi32, #tpu.memory_space<vmem>>, vector<16xi32>,
    %swap3A_1826 = arith.constant 1904 : index
    %swap3A_1827 = tpu.vector_load %arg7[%swap3A_1826] {strides = array<i32>} : memref<2304xi32, #tpu.memory_space<vmem>>, vector<16xi32>,
    tpu.vector_store %arg7[%swap3A_1826], %broadcast_in_dim3A_1587 {strides = array<i32>} : memref<2304xi32, #tpu.memory_space<vmem>>, vector<16xi32>,
    %swap3A_1828 = arith.constant 1920 : index
    %swap3A_1829 = tpu.vector_load %arg7[%swap3A_1828] {strides = array<i32>} : memref<2304xi32, #tpu.memory_space<vmem>>, vector<16xi32>,
    tpu.vector_store %arg7[%swap3A_1828], %broadcast_in_dim3A_1587 {strides = array<i32>} : memref<2304xi32, #tpu.memory_space<vmem>>, vector<16xi32>,
    %swap3A_1830 = arith.constant 1936 : index
    %swap3A_1831 = tpu.vector_load %arg7[%swap3A_1830] {strides = array<i32>} : memref<2304xi32, #tpu.memory_space<vmem>>, vector<16xi32>,
    tpu.vector_store %arg7[%swap3A_1830], %broadcast_in_dim3A_1587 {strides = array<i32>} : memref<2304xi32, #tpu.memory_space<vmem>>, vector<16xi32>,
    %swap3A_1832 = arith.constant 1952 : index
    %swap3A_1833 = tpu.vector_load %arg7[%swap3A_1832] {strides = array<i32>} : memref<2304xi32, #tpu.memory_space<vmem>>, vector<16xi32>,
    tpu.vector_store %arg7[%swap3A_1832], %broadcast_in_dim3A_1587 {strides = array<i32>} : memref<2304xi32, #tpu.memory_space<vmem>>, vector<16xi32>,
    %swap3A_1834 = arith.constant 1968 : index
    %swap3A_1835 = tpu.vector_load %arg7[%swap3A_1834] {strides = array<i32>} : memref<2304xi32, #tpu.memory_space<vmem>>, vector<16xi32>,
    tpu.vector_store %arg7[%swap3A_1834], %broadcast_in_dim3A_1587 {strides = array<i32>} : memref<2304xi32, #tpu.memory_space<vmem>>, vector<16xi32>,
    %swap3A_1836 = arith.constant 1984 : index
    %swap3A_1837 = tpu.vector_load %arg7[%swap3A_1836] {strides = array<i32>} : memref<2304xi32, #tpu.memory_space<vmem>>, vector<16xi32>,
    tpu.vector_store %arg7[%swap3A_1836], %broadcast_in_dim3A_1587 {strides = array<i32>} : memref<2304xi32, #tpu.memory_space<vmem>>, vector<16xi32>,
    %swap3A_1838 = arith.constant 2000 : index
    %swap3A_1839 = tpu.vector_load %arg7[%swap3A_1838] {strides = array<i32>} : memref<2304xi32, #tpu.memory_space<vmem>>, vector<16xi32>,
    tpu.vector_store %arg7[%swap3A_1838], %broadcast_in_dim3A_1587 {strides = array<i32>} : memref<2304xi32, #tpu.memory_space<vmem>>, vector<16xi32>,
    %swap3A_1840 = arith.constant 2016 : index
    %swap3A_1841 = tpu.vector_load %arg7[%swap3A_1840] {strides = array<i32>} : memref<2304xi32, #tpu.memory_space<vmem>>, vector<16xi32>,
    tpu.vector_store %arg7[%swap3A_1840], %broadcast_in_dim3A_1587 {strides = array<i32>} : memref<2304xi32, #tpu.memory_space<vmem>>, vector<16xi32>,
    %swap3A_1842 = arith.constant 2032 : index
    %swap3A_1843 = tpu.vector_load %arg7[%swap3A_1842] {strides = array<i32>} : memref<2304xi32, #tpu.memory_space<vmem>>, vector<16xi32>,
    tpu.vector_store %arg7[%swap3A_1842], %broadcast_in_dim3A_1587 {strides = array<i32>} : memref<2304xi32, #tpu.memory_space<vmem>>, vector<16xi32>,
    %swap3A_1844 = arith.constant 2048 : index
    %swap3A_1845 = tpu.vector_load %arg7[%swap3A_1844] {strides = array<i32>} : memref<2304xi32, #tpu.memory_space<vmem>>, vector<16xi32>,
    tpu.vector_store %arg7[%swap3A_1844], %broadcast_in_dim3A_1587 {strides = array<i32>} : memref<2304xi32, #tpu.memory_space<vmem>>, vector<16xi32>,
    %swap3A_1846 = arith.constant 2064 : index
    %swap3A_1847 = tpu.vector_load %arg7[%swap3A_1846] {strides = array<i32>} : memref<2304xi32, #tpu.memory_space<vmem>>, vector<16xi32>,
    tpu.vector_store %arg7[%swap3A_1846], %broadcast_in_dim3A_1587 {strides = array<i32>} : memref<2304xi32, #tpu.memory_space<vmem>>, vector<16xi32>,
    %swap3A_1848 = arith.constant 2080 : index
    %swap3A_1849 = tpu.vector_load %arg7[%swap3A_1848] {strides = array<i32>} : memref<2304xi32, #tpu.memory_space<vmem>>, vector<16xi32>,
    tpu.vector_store %arg7[%swap3A_1848], %broadcast_in_dim3A_1587 {strides = array<i32>} : memref<2304xi32, #tpu.memory_space<vmem>>, vector<16xi32>,
    %swap3A_1850 = arith.constant 2096 : index
    %swap3A_1851 = tpu.vector_load %arg7[%swap3A_1850] {strides = array<i32>} : memref<2304xi32, #tpu.memory_space<vmem>>, vector<16xi32>,
    tpu.vector_store %arg7[%swap3A_1850], %broadcast_in_dim3A_1587 {strides = array<i32>} : memref<2304xi32, #tpu.memory_space<vmem>>, vector<16xi32>,
    %swap3A_1852 = arith.constant 2112 : index
    %swap3A_1853 = tpu.vector_load %arg7[%swap3A_1852] {strides = array<i32>} : memref<2304xi32, #tpu.memory_space<vmem>>, vector<16xi32>,
    tpu.vector_store %arg7[%swap3A_1852], %broadcast_in_dim3A_1587 {strides = array<i32>} : memref<2304xi32, #tpu.memory_space<vmem>>, vector<16xi32>,
    %swap3A_1854 = arith.constant 2128 : index
    %swap3A_1855 = tpu.vector_load %arg7[%swap3A_1854] {strides = array<i32>} : memref<2304xi32, #tpu.memory_space<vmem>>, vector<16xi32>,
    tpu.vector_store %arg7[%swap3A_1854], %broadcast_in_dim3A_1587 {strides = array<i32>} : memref<2304xi32, #tpu.memory_space<vmem>>, vector<16xi32>,
    %swap3A_1856 = arith.constant 2144 : index
    %swap3A_1857 = tpu.vector_load %arg7[%swap3A_1856] {strides = array<i32>} : memref<2304xi32, #tpu.memory_space<vmem>>, vector<16xi32>,
    tpu.vector_store %arg7[%swap3A_1856], %broadcast_in_dim3A_1587 {strides = array<i32>} : memref<2304xi32, #tpu.memory_space<vmem>>, vector<16xi32>,
    %swap3A_1858 = arith.constant 2160 : index
    %swap3A_1859 = tpu.vector_load %arg7[%swap3A_1858] {strides = array<i32>} : memref<2304xi32, #tpu.memory_space<vmem>>, vector<16xi32>,
    tpu.vector_store %arg7[%swap3A_1858], %broadcast_in_dim3A_1587 {strides = array<i32>} : memref<2304xi32, #tpu.memory_space<vmem>>, vector<16xi32>,
    %swap3A_1860 = arith.constant 2176 : index
    %swap3A_1861 = tpu.vector_load %arg7[%swap3A_1860] {strides = array<i32>} : memref<2304xi32, #tpu.memory_space<vmem>>, vector<16xi32>,
    tpu.vector_store %arg7[%swap3A_1860], %broadcast_in_dim3A_1587 {strides = array<i32>} : memref<2304xi32, #tpu.memory_space<vmem>>, vector<16xi32>,
    %swap3A_1862 = arith.constant 2192 : index
    %swap3A_1863 = tpu.vector_load %arg7[%swap3A_1862] {strides = array<i32>} : memref<2304xi32, #tpu.memory_space<vmem>>, vector<16xi32>,
    tpu.vector_store %arg7[%swap3A_1862], %broadcast_in_dim3A_1587 {strides = array<i32>} : memref<2304xi32, #tpu.memory_space<vmem>>, vector<16xi32>,
    %swap3A_1864 = arith.constant 2208 : index
    %swap3A_1865 = tpu.vector_load %arg7[%swap3A_1864] {strides = array<i32>} : memref<2304xi32, #tpu.memory_space<vmem>>, vector<16xi32>,
    tpu.vector_store %arg7[%swap3A_1864], %broadcast_in_dim3A_1587 {strides = array<i32>} : memref<2304xi32, #tpu.memory_space<vmem>>, vector<16xi32>,
    %swap3A_1866 = arith.constant 2224 : index
    %swap3A_1867 = tpu.vector_load %arg7[%swap3A_1866] {strides = array<i32>} : memref<2304xi32, #tpu.memory_space<vmem>>, vector<16xi32>,
    tpu.vector_store %arg7[%swap3A_1866], %broadcast_in_dim3A_1587 {strides = array<i32>} : memref<2304xi32, #tpu.memory_space<vmem>>, vector<16xi32>,
    %swap3A_1868 = arith.constant 2240 : index
    %swap3A_1869 = tpu.vector_load %arg7[%swap3A_1868] {strides = array<i32>} : memref<2304xi32, #tpu.memory_space<vmem>>, vector<16xi32>,
    tpu.vector_store %arg7[%swap3A_1868], %broadcast_in_dim3A_1587 {strides = array<i32>} : memref<2304xi32, #tpu.memory_space<vmem>>, vector<16xi32>,
    %swap3A_1870 = arith.constant 2256 : index
    %swap3A_1871 = tpu.vector_load %arg7[%swap3A_1870] {strides = array<i32>} : memref<2304xi32, #tpu.memory_space<vmem>>, vector<16xi32>,
    tpu.vector_store %arg7[%swap3A_1870], %broadcast_in_dim3A_1587 {strides = array<i32>} : memref<2304xi32, #tpu.memory_space<vmem>>, vector<16xi32>,
    %swap3A_1872 = arith.constant 2272 : index
    %swap3A_1873 = tpu.vector_load %arg7[%swap3A_1872] {strides = array<i32>} : memref<2304xi32, #tpu.memory_space<vmem>>, vector<16xi32>,
    tpu.vector_store %arg7[%swap3A_1872], %broadcast_in_dim3A_1587 {strides = array<i32>} : memref<2304xi32, #tpu.memory_space<vmem>>, vector<16xi32>,
    %swap3A_1874 = arith.constant 2288 : index
    %swap3A_1875 = tpu.vector_load %arg7[%swap3A_1874] {strides = array<i32>} : memref<2304xi32, #tpu.memory_space<vmem>>, vector<16xi32>,
    tpu.vector_store %arg7[%swap3A_1874], %broadcast_in_dim3A_1587 {strides = array<i32>} : memref<2304xi32, #tpu.memory_space<vmem>>, vector<16xi32>,
    %dma_wait3A_1876 = arith.constant 1 : i32
    %dma_wait3A_1877 = arith.constant 0 : i32
    %dma_wait3A_1878 = arith.constant 0 : i32
    %dma_wait3A_1879 = tpu.memref_slice %arg6[%dma_wait3A_1876, %dma_wait3A_1877, %dma_wait3A_1878] : memref<2x32x128xi32, #tpu.memory_space<vmem>> -> memref<1x32x128xi32, #tpu.memory_space<vmem>>
    %dma_wait3A_1880 = tpu.memref_squeeze %dma_wait3A_1879 : memref<1x32x128xi32, #tpu.memory_space<vmem>> -> memref<32x128xi32, #tpu.memory_space<vmem>>
    %dma_wait3A_1881 = tpu.memref_slice %arg2[%shift_right_arithmetic3A_37, %mul3A_47, %mul3A_53] : memref<4x512x512xi32, #tpu.memory_space<hbm>> -> memref<1x32x128xi32, #tpu.memory_space<hbm>>
    %dma_wait3A_1882 = tpu.memref_squeeze %dma_wait3A_1881 : memref<1x32x128xi32, #tpu.memory_space<hbm>> -> memref<32x128xi32, #tpu.memory_space<hbm>>
    %dma_wait3A_1883 = arith.constant 0 : i32
    %dma_wait3A_1884 = arith.constant 0 : i32
    %dma_wait3A_1885 = tpu.memref_slice %arg6[%dma_wait3A_1876, %dma_wait3A_1883, %dma_wait3A_1884] : memref<2x32x128xi32, #tpu.memory_space<vmem>> -> memref<1x32x128xi32, #tpu.memory_space<vmem>>
    %dma_wait3A_1886 = tpu.memref_squeeze %dma_wait3A_1885 : memref<1x32x128xi32, #tpu.memory_space<vmem>> -> memref<32x128xi32, #tpu.memory_space<vmem>>
    %dma_wait3A_1887 = tpu.memref_slice %arg2[%shift_right_arithmetic3A_37, %mul3A_47, %mul3A_53] : memref<4x512x512xi32, #tpu.memory_space<hbm>> -> memref<1x32x128xi32, #tpu.memory_space<hbm>>
    %dma_wait3A_1888 = tpu.memref_squeeze %dma_wait3A_1887 : memref<1x32x128xi32, #tpu.memory_space<hbm>> -> memref<32x128xi32, #tpu.memory_space<hbm>>
    tpu.wait_dma2 semaphore(%arg9 : memref<!tpu.dma_semaphore, #tpu.memory_space<semaphore_mem>>) src(%dma_wait3A_1888 : memref<32x128xi32, #tpu.memory_space<hbm>>) dst(%dma_wait3A_1886 : memref<32x128xi32, #tpu.memory_space<vmem>>)
    %add3A_1889 = arith.constant 0 : i32
    %add3A_1890 = arith.addi %mul3A_43, %add3A_1889 : i32
    %get3A_1891 = arith.constant 1 : i32
    %get3A_1892 = arith.constant 0 : i32
    %get3A_1893 = arith.index_cast %get3A_1891 : i32 to index
    %get3A_1894 = arith.index_cast %get3A_1892 : i32 to index
    %get3A_1895 = arith.index_cast %add3A_1890 : i32 to index
    %get3A_1896 = tpu.vector_load %arg6[%get3A_1893, %get3A_1894, %get3A_1895] {strides = array<i32>} : memref<2x32x128xi32, #tpu.memory_space<vmem>>, vector<16xi32>,
    %add3A_1897 = arith.addi %mul3A_5, %get3A_1896 : vector<16xi32>
    tpu.vector_store_idx %arg7[%add3A_1897], %broadcast_in_dim3A_2 {add = true} : memref<2304xi32, #tpu.memory_space<vmem>>[vector<16xi32>], vector<16xi32>,
    %add3A_1898 = arith.constant 16 : i32
    %add3A_1899 = arith.addi %mul3A_43, %add3A_1898 : i32
    %get3A_1900 = arith.constant 1 : i32
    %get3A_1901 = arith.constant 0 : i32
    %get3A_1902 = arith.index_cast %get3A_1900 : i32 to index
    %get3A_1903 = arith.index_cast %get3A_1901 : i32 to index
    %get3A_1904 = arith.index_cast %add3A_1899 : i32 to index
    %get3A_1905 = tpu.vector_load %arg6[%get3A_1902, %get3A_1903, %get3A_1904] {strides = array<i32>} : memref<2x32x128xi32, #tpu.memory_space<vmem>>, vector<16xi32>,
    %add3A_1906 = arith.addi %mul3A_5, %get3A_1905 : vector<16xi32>
    tpu.vector_store_idx %arg7[%add3A_1906], %broadcast_in_dim3A_2 {add = true} : memref<2304xi32, #tpu.memory_space<vmem>>[vector<16xi32>], vector<16xi32>,
    %add3A_1907 = arith.constant 0 : i32
    %add3A_1908 = arith.addi %mul3A_43, %add3A_1907 : i32
    %get3A_1909 = arith.constant 1 : i32
    %get3A_1910 = arith.constant 1 : i32
    %get3A_1911 = arith.index_cast %get3A_1909 : i32 to index
    %get3A_1912 = arith.index_cast %get3A_1910 : i32 to index
    %get3A_1913 = arith.index_cast %add3A_1908 : i32 to index
    %get3A_1914 = tpu.vector_load %arg6[%get3A_1911, %get3A_1912, %get3A_1913] {strides = array<i32>} : memref<2x32x128xi32, #tpu.memory_space<vmem>>, vector<16xi32>,
    %add3A_1915 = arith.addi %mul3A_5, %get3A_1914 : vector<16xi32>
    tpu.vector_store_idx %arg7[%add3A_1915], %broadcast_in_dim3A_2 {add = true} : memref<2304xi32, #tpu.memory_space<vmem>>[vector<16xi32>], vector<16xi32>,
    %add3A_1916 = arith.constant 16 : i32
    %add3A_1917 = arith.addi %mul3A_43, %add3A_1916 : i32
    %get3A_1918 = arith.constant 1 : i32
    %get3A_1919 = arith.constant 1 : i32
    %get3A_1920 = arith.index_cast %get3A_1918 : i32 to index
    %get3A_1921 = arith.index_cast %get3A_1919 : i32 to index
    %get3A_1922 = arith.index_cast %add3A_1917 : i32 to index
    %get3A_1923 = tpu.vector_load %arg6[%get3A_1920, %get3A_1921, %get3A_1922] {strides = array<i32>} : memref<2x32x128xi32, #tpu.memory_space<vmem>>, vector<16xi32>,
    %add3A_1924 = arith.addi %mul3A_5, %get3A_1923 : vector<16xi32>
    tpu.vector_store_idx %arg7[%add3A_1924], %broadcast_in_dim3A_2 {add = true} : memref<2304xi32, #tpu.memory_space<vmem>>[vector<16xi32>], vector<16xi32>,
    %add3A_1925 = arith.constant 0 : i32
    %add3A_1926 = arith.addi %mul3A_43, %add3A_1925 : i32
    %get3A_1927 = arith.constant 1 : i32
    %get3A_1928 = arith.constant 2 : i32
    %get3A_1929 = arith.index_cast %get3A_1927 : i32 to index
    %get3A_1930 = arith.index_cast %get3A_1928 : i32 to index
    %get3A_1931 = arith.index_cast %add3A_1926 : i32 to index
    %get3A_1932 = tpu.vector_load %arg6[%get3A_1929, %get3A_1930, %get3A_1931] {strides = array<i32>} : memref<2x32x128xi32, #tpu.memory_space<vmem>>, vector<16xi32>,
    %add3A_1933 = arith.addi %mul3A_5, %get3A_1932 : vector<16xi32>
    tpu.vector_store_idx %arg7[%add3A_1933], %broadcast_in_dim3A_2 {add = true} : memref<2304xi32, #tpu.memory_space<vmem>>[vector<16xi32>], vector<16xi32>,
    %add3A_1934 = arith.constant 16 : i32
    %add3A_1935 = arith.addi %mul3A_43, %add3A_1934 : i32
    %get3A_1936 = arith.constant 1 : i32
    %get3A_1937 = arith.constant 2 : i32
    %get3A_1938 = arith.index_cast %get3A_1936 : i32 to index
    %get3A_1939 = arith.index_cast %get3A_1937 : i32 to index
    %get3A_1940 = arith.index_cast %add3A_1935 : i32 to index
    %get3A_1941 = tpu.vector_load %arg6[%get3A_1938, %get3A_1939, %get3A_1940] {strides = array<i32>} : memref<2x32x128xi32, #tpu.memory_space<vmem>>, vector<16xi32>,
    %add3A_1942 = arith.addi %mul3A_5, %get3A_1941 : vector<16xi32>
    tpu.vector_store_idx %arg7[%add3A_1942], %broadcast_in_dim3A_2 {add = true} : memref<2304xi32, #tpu.memory_space<vmem>>[vector<16xi32>], vector<16xi32>,
    %add3A_1943 = arith.constant 0 : i32
    %add3A_1944 = arith.addi %mul3A_43, %add3A_1943 : i32
    %get3A_1945 = arith.constant 1 : i32
    %get3A_1946 = arith.constant 3 : i32
    %get3A_1947 = arith.index_cast %get3A_1945 : i32 to index
    %get3A_1948 = arith.index_cast %get3A_1946 : i32 to index
    %get3A_1949 = arith.index_cast %add3A_1944 : i32 to index
    %get3A_1950 = tpu.vector_load %arg6[%get3A_1947, %get3A_1948, %get3A_1949] {strides = array<i32>} : memref<2x32x128xi32, #tpu.memory_space<vmem>>, vector<16xi32>,
    %add3A_1951 = arith.addi %mul3A_5, %get3A_1950 : vector<16xi32>
    tpu.vector_store_idx %arg7[%add3A_1951], %broadcast_in_dim3A_2 {add = true} : memref<2304xi32, #tpu.memory_space<vmem>>[vector<16xi32>], vector<16xi32>,
    %add3A_1952 = arith.constant 16 : i32
    %add3A_1953 = arith.addi %mul3A_43, %add3A_1952 : i32
    %get3A_1954 = arith.constant 1 : i32
    %get3A_1955 = arith.constant 3 : i32
    %get3A_1956 = arith.index_cast %get3A_1954 : i32 to index
    %get3A_1957 = arith.index_cast %get3A_1955 : i32 to index
    %get3A_1958 = arith.index_cast %add3A_1953 : i32 to index
    %get3A_1959 = tpu.vector_load %arg6[%get3A_1956, %get3A_1957, %get3A_1958] {strides = array<i32>} : memref<2x32x128xi32, #tpu.memory_space<vmem>>, vector<16xi32>,
    %add3A_1960 = arith.addi %mul3A_5, %get3A_1959 : vector<16xi32>
    tpu.vector_store_idx %arg7[%add3A_1960], %broadcast_in_dim3A_2 {add = true} : memref<2304xi32, #tpu.memory_space<vmem>>[vector<16xi32>], vector<16xi32>,
    %add3A_1961 = arith.constant 0 : i32
    %add3A_1962 = arith.addi %mul3A_43, %add3A_1961 : i32
    %get3A_1963 = arith.constant 1 : i32
    %get3A_1964 = arith.constant 4 : i32
    %get3A_1965 = arith.index_cast %get3A_1963 : i32 to index
    %get3A_1966 = arith.index_cast %get3A_1964 : i32 to index
    %get3A_1967 = arith.index_cast %add3A_1962 : i32 to index
    %get3A_1968 = tpu.vector_load %arg6[%get3A_1965, %get3A_1966, %get3A_1967] {strides = array<i32>} : memref<2x32x128xi32, #tpu.memory_space<vmem>>, vector<16xi32>,
    %add3A_1969 = arith.addi %mul3A_5, %get3A_1968 : vector<16xi32>
    tpu.vector_store_idx %arg7[%add3A_1969], %broadcast_in_dim3A_2 {add = true} : memref<2304xi32, #tpu.memory_space<vmem>>[vector<16xi32>], vector<16xi32>,
    %add3A_1970 = arith.constant 16 : i32
    %add3A_1971 = arith.addi %mul3A_43, %add3A_1970 : i32
    %get3A_1972 = arith.constant 1 : i32
    %get3A_1973 = arith.constant 4 : i32
    %get3A_1974 = arith.index_cast %get3A_1972 : i32 to index
    %get3A_1975 = arith.index_cast %get3A_1973 : i32 to index
    %get3A_1976 = arith.index_cast %add3A_1971 : i32 to index
    %get3A_1977 = tpu.vector_load %arg6[%get3A_1974, %get3A_1975, %get3A_1976] {strides = array<i32>} : memref<2x32x128xi32, #tpu.memory_space<vmem>>, vector<16xi32>,
    %add3A_1978 = arith.addi %mul3A_5, %get3A_1977 : vector<16xi32>
    tpu.vector_store_idx %arg7[%add3A_1978], %broadcast_in_dim3A_2 {add = true} : memref<2304xi32, #tpu.memory_space<vmem>>[vector<16xi32>], vector<16xi32>,
    %add3A_1979 = arith.constant 0 : i32
    %add3A_1980 = arith.addi %mul3A_43, %add3A_1979 : i32
    %get3A_1981 = arith.constant 1 : i32
    %get3A_1982 = arith.constant 5 : i32
    %get3A_1983 = arith.index_cast %get3A_1981 : i32 to index
    %get3A_1984 = arith.index_cast %get3A_1982 : i32 to index
    %get3A_1985 = arith.index_cast %add3A_1980 : i32 to index
    %get3A_1986 = tpu.vector_load %arg6[%get3A_1983, %get3A_1984, %get3A_1985] {strides = array<i32>} : memref<2x32x128xi32, #tpu.memory_space<vmem>>, vector<16xi32>,
    %add3A_1987 = arith.addi %mul3A_5, %get3A_1986 : vector<16xi32>
    tpu.vector_store_idx %arg7[%add3A_1987], %broadcast_in_dim3A_2 {add = true} : memref<2304xi32, #tpu.memory_space<vmem>>[vector<16xi32>], vector<16xi32>,
    %add3A_1988 = arith.constant 16 : i32
    %add3A_1989 = arith.addi %mul3A_43, %add3A_1988 : i32
    %get3A_1990 = arith.constant 1 : i32
    %get3A_1991 = arith.constant 5 : i32
    %get3A_1992 = arith.index_cast %get3A_1990 : i32 to index
    %get3A_1993 = arith.index_cast %get3A_1991 : i32 to index
    %get3A_1994 = arith.index_cast %add3A_1989 : i32 to index
    %get3A_1995 = tpu.vector_load %arg6[%get3A_1992, %get3A_1993, %get3A_1994] {strides = array<i32>} : memref<2x32x128xi32, #tpu.memory_space<vmem>>, vector<16xi32>,
    %add3A_1996 = arith.addi %mul3A_5, %get3A_1995 : vector<16xi32>
    tpu.vector_store_idx %arg7[%add3A_1996], %broadcast_in_dim3A_2 {add = true} : memref<2304xi32, #tpu.memory_space<vmem>>[vector<16xi32>], vector<16xi32>,
    %add3A_1997 = arith.constant 0 : i32
    %add3A_1998 = arith.addi %mul3A_43, %add3A_1997 : i32
    %get3A_1999 = arith.constant 1 : i32
    %get3A_2000 = arith.constant 6 : i32
    %get3A_2001 = arith.index_cast %get3A_1999 : i32 to index
    %get3A_2002 = arith.index_cast %get3A_2000 : i32 to index
    %get3A_2003 = arith.index_cast %add3A_1998 : i32 to index
    %get3A_2004 = tpu.vector_load %arg6[%get3A_2001, %get3A_2002, %get3A_2003] {strides = array<i32>} : memref<2x32x128xi32, #tpu.memory_space<vmem>>, vector<16xi32>,
    %add3A_2005 = arith.addi %mul3A_5, %get3A_2004 : vector<16xi32>
    tpu.vector_store_idx %arg7[%add3A_2005], %broadcast_in_dim3A_2 {add = true} : memref<2304xi32, #tpu.memory_space<vmem>>[vector<16xi32>], vector<16xi32>,
    %add3A_2006 = arith.constant 16 : i32
    %add3A_2007 = arith.addi %mul3A_43, %add3A_2006 : i32
    %get3A_2008 = arith.constant 1 : i32
    %get3A_2009 = arith.constant 6 : i32
    %get3A_2010 = arith.index_cast %get3A_2008 : i32 to index
    %get3A_2011 = arith.index_cast %get3A_2009 : i32 to index
    %get3A_2012 = arith.index_cast %add3A_2007 : i32 to index
    %get3A_2013 = tpu.vector_load %arg6[%get3A_2010, %get3A_2011, %get3A_2012] {strides = array<i32>} : memref<2x32x128xi32, #tpu.memory_space<vmem>>, vector<16xi32>,
    %add3A_2014 = arith.addi %mul3A_5, %get3A_2013 : vector<16xi32>
    tpu.vector_store_idx %arg7[%add3A_2014], %broadcast_in_dim3A_2 {add = true} : memref<2304xi32, #tpu.memory_space<vmem>>[vector<16xi32>], vector<16xi32>,
    %add3A_2015 = arith.constant 0 : i32
    %add3A_2016 = arith.addi %mul3A_43, %add3A_2015 : i32
    %get3A_2017 = arith.constant 1 : i32
    %get3A_2018 = arith.constant 7 : i32
    %get3A_2019 = arith.index_cast %get3A_2017 : i32 to index
    %get3A_2020 = arith.index_cast %get3A_2018 : i32 to index
    %get3A_2021 = arith.index_cast %add3A_2016 : i32 to index
    %get3A_2022 = tpu.vector_load %arg6[%get3A_2019, %get3A_2020, %get3A_2021] {strides = array<i32>} : memref<2x32x128xi32, #tpu.memory_space<vmem>>, vector<16xi32>,
    %add3A_2023 = arith.addi %mul3A_5, %get3A_2022 : vector<16xi32>
    tpu.vector_store_idx %arg7[%add3A_2023], %broadcast_in_dim3A_2 {add = true} : memref<2304xi32, #tpu.memory_space<vmem>>[vector<16xi32>], vector<16xi32>,
    %add3A_2024 = arith.constant 16 : i32
    %add3A_2025 = arith.addi %mul3A_43, %add3A_2024 : i32
    %get3A_2026 = arith.constant 1 : i32
    %get3A_2027 = arith.constant 7 : i32
    %get3A_2028 = arith.index_cast %get3A_2026 : i32 to index
    %get3A_2029 = arith.index_cast %get3A_2027 : i32 to index
    %get3A_2030 = arith.index_cast %add3A_2025 : i32 to index
    %get3A_2031 = tpu.vector_load %arg6[%get3A_2028, %get3A_2029, %get3A_2030] {strides = array<i32>} : memref<2x32x128xi32, #tpu.memory_space<vmem>>, vector<16xi32>,
    %add3A_2032 = arith.addi %mul3A_5, %get3A_2031 : vector<16xi32>
    tpu.vector_store_idx %arg7[%add3A_2032], %broadcast_in_dim3A_2 {add = true} : memref<2304xi32, #tpu.memory_space<vmem>>[vector<16xi32>], vector<16xi32>,
    %add3A_2033 = arith.constant 0 : i32
    %add3A_2034 = arith.addi %mul3A_43, %add3A_2033 : i32
    %get3A_2035 = arith.constant 1 : i32
    %get3A_2036 = arith.constant 8 : i32
    %get3A_2037 = arith.index_cast %get3A_2035 : i32 to index
    %get3A_2038 = arith.index_cast %get3A_2036 : i32 to index
    %get3A_2039 = arith.index_cast %add3A_2034 : i32 to index
    %get3A_2040 = tpu.vector_load %arg6[%get3A_2037, %get3A_2038, %get3A_2039] {strides = array<i32>} : memref<2x32x128xi32, #tpu.memory_space<vmem>>, vector<16xi32>,
    %add3A_2041 = arith.addi %mul3A_5, %get3A_2040 : vector<16xi32>
    tpu.vector_store_idx %arg7[%add3A_2041], %broadcast_in_dim3A_2 {add = true} : memref<2304xi32, #tpu.memory_space<vmem>>[vector<16xi32>], vector<16xi32>,
    %add3A_2042 = arith.constant 16 : i32
    %add3A_2043 = arith.addi %mul3A_43, %add3A_2042 : i32
    %get3A_2044 = arith.constant 1 : i32
    %get3A_2045 = arith.constant 8 : i32
    %get3A_2046 = arith.index_cast %get3A_2044 : i32 to index
    %get3A_2047 = arith.index_cast %get3A_2045 : i32 to index
    %get3A_2048 = arith.index_cast %add3A_2043 : i32 to index
    %get3A_2049 = tpu.vector_load %arg6[%get3A_2046, %get3A_2047, %get3A_2048] {strides = array<i32>} : memref<2x32x128xi32, #tpu.memory_space<vmem>>, vector<16xi32>,
    %add3A_2050 = arith.addi %mul3A_5, %get3A_2049 : vector<16xi32>
    tpu.vector_store_idx %arg7[%add3A_2050], %broadcast_in_dim3A_2 {add = true} : memref<2304xi32, #tpu.memory_space<vmem>>[vector<16xi32>], vector<16xi32>,
    %add3A_2051 = arith.constant 0 : i32
    %add3A_2052 = arith.addi %mul3A_43, %add3A_2051 : i32
    %get3A_2053 = arith.constant 1 : i32
    %get3A_2054 = arith.constant 9 : i32
    %get3A_2055 = arith.index_cast %get3A_2053 : i32 to index
    %get3A_2056 = arith.index_cast %get3A_2054 : i32 to index
    %get3A_2057 = arith.index_cast %add3A_2052 : i32 to index
    %get3A_2058 = tpu.vector_load %arg6[%get3A_2055, %get3A_2056, %get3A_2057] {strides = array<i32>} : memref<2x32x128xi32, #tpu.memory_space<vmem>>, vector<16xi32>,
    %add3A_2059 = arith.addi %mul3A_5, %get3A_2058 : vector<16xi32>
    tpu.vector_store_idx %arg7[%add3A_2059], %broadcast_in_dim3A_2 {add = true} : memref<2304xi32, #tpu.memory_space<vmem>>[vector<16xi32>], vector<16xi32>,
    %add3A_2060 = arith.constant 16 : i32
    %add3A_2061 = arith.addi %mul3A_43, %add3A_2060 : i32
    %get3A_2062 = arith.constant 1 : i32
    %get3A_2063 = arith.constant 9 : i32
    %get3A_2064 = arith.index_cast %get3A_2062 : i32 to index
    %get3A_2065 = arith.index_cast %get3A_2063 : i32 to index
    %get3A_2066 = arith.index_cast %add3A_2061 : i32 to index
    %get3A_2067 = tpu.vector_load %arg6[%get3A_2064, %get3A_2065, %get3A_2066] {strides = array<i32>} : memref<2x32x128xi32, #tpu.memory_space<vmem>>, vector<16xi32>,
    %add3A_2068 = arith.addi %mul3A_5, %get3A_2067 : vector<16xi32>
    tpu.vector_store_idx %arg7[%add3A_2068], %broadcast_in_dim3A_2 {add = true} : memref<2304xi32, #tpu.memory_space<vmem>>[vector<16xi32>], vector<16xi32>,
    %add3A_2069 = arith.constant 0 : i32
    %add3A_2070 = arith.addi %mul3A_43, %add3A_2069 : i32
    %get3A_2071 = arith.constant 1 : i32
    %get3A_2072 = arith.constant 10 : i32
    %get3A_2073 = arith.index_cast %get3A_2071 : i32 to index
    %get3A_2074 = arith.index_cast %get3A_2072 : i32 to index
    %get3A_2075 = arith.index_cast %add3A_2070 : i32 to index
    %get3A_2076 = tpu.vector_load %arg6[%get3A_2073, %get3A_2074, %get3A_2075] {strides = array<i32>} : memref<2x32x128xi32, #tpu.memory_space<vmem>>, vector<16xi32>,
    %add3A_2077 = arith.addi %mul3A_5, %get3A_2076 : vector<16xi32>
    tpu.vector_store_idx %arg7[%add3A_2077], %broadcast_in_dim3A_2 {add = true} : memref<2304xi32, #tpu.memory_space<vmem>>[vector<16xi32>], vector<16xi32>,
    %add3A_2078 = arith.constant 16 : i32
    %add3A_2079 = arith.addi %mul3A_43, %add3A_2078 : i32
    %get3A_2080 = arith.constant 1 : i32
    %get3A_2081 = arith.constant 10 : i32
    %get3A_2082 = arith.index_cast %get3A_2080 : i32 to index
    %get3A_2083 = arith.index_cast %get3A_2081 : i32 to index
    %get3A_2084 = arith.index_cast %add3A_2079 : i32 to index
    %get3A_2085 = tpu.vector_load %arg6[%get3A_2082, %get3A_2083, %get3A_2084] {strides = array<i32>} : memref<2x32x128xi32, #tpu.memory_space<vmem>>, vector<16xi32>,
    %add3A_2086 = arith.addi %mul3A_5, %get3A_2085 : vector<16xi32>
    tpu.vector_store_idx %arg7[%add3A_2086], %broadcast_in_dim3A_2 {add = true} : memref<2304xi32, #tpu.memory_space<vmem>>[vector<16xi32>], vector<16xi32>,
    %add3A_2087 = arith.constant 0 : i32
    %add3A_2088 = arith.addi %mul3A_43, %add3A_2087 : i32
    %get3A_2089 = arith.constant 1 : i32
    %get3A_2090 = arith.constant 11 : i32
    %get3A_2091 = arith.index_cast %get3A_2089 : i32 to index
    %get3A_2092 = arith.index_cast %get3A_2090 : i32 to index
    %get3A_2093 = arith.index_cast %add3A_2088 : i32 to index
    %get3A_2094 = tpu.vector_load %arg6[%get3A_2091, %get3A_2092, %get3A_2093] {strides = array<i32>} : memref<2x32x128xi32, #tpu.memory_space<vmem>>, vector<16xi32>,
    %add3A_2095 = arith.addi %mul3A_5, %get3A_2094 : vector<16xi32>
    tpu.vector_store_idx %arg7[%add3A_2095], %broadcast_in_dim3A_2 {add = true} : memref<2304xi32, #tpu.memory_space<vmem>>[vector<16xi32>], vector<16xi32>,
    %add3A_2096 = arith.constant 16 : i32
    %add3A_2097 = arith.addi %mul3A_43, %add3A_2096 : i32
    %get3A_2098 = arith.constant 1 : i32
    %get3A_2099 = arith.constant 11 : i32
    %get3A_2100 = arith.index_cast %get3A_2098 : i32 to index
    %get3A_2101 = arith.index_cast %get3A_2099 : i32 to index
    %get3A_2102 = arith.index_cast %add3A_2097 : i32 to index
    %get3A_2103 = tpu.vector_load %arg6[%get3A_2100, %get3A_2101, %get3A_2102] {strides = array<i32>} : memref<2x32x128xi32, #tpu.memory_space<vmem>>, vector<16xi32>,
    %add3A_2104 = arith.addi %mul3A_5, %get3A_2103 : vector<16xi32>
    tpu.vector_store_idx %arg7[%add3A_2104], %broadcast_in_dim3A_2 {add = true} : memref<2304xi32, #tpu.memory_space<vmem>>[vector<16xi32>], vector<16xi32>,
    %add3A_2105 = arith.constant 0 : i32
    %add3A_2106 = arith.addi %mul3A_43, %add3A_2105 : i32
    %get3A_2107 = arith.constant 1 : i32
    %get3A_2108 = arith.constant 12 : i32
    %get3A_2109 = arith.index_cast %get3A_2107 : i32 to index
    %get3A_2110 = arith.index_cast %get3A_2108 : i32 to index
    %get3A_2111 = arith.index_cast %add3A_2106 : i32 to index
    %get3A_2112 = tpu.vector_load %arg6[%get3A_2109, %get3A_2110, %get3A_2111] {strides = array<i32>} : memref<2x32x128xi32, #tpu.memory_space<vmem>>, vector<16xi32>,
    %add3A_2113 = arith.addi %mul3A_5, %get3A_2112 : vector<16xi32>
    tpu.vector_store_idx %arg7[%add3A_2113], %broadcast_in_dim3A_2 {add = true} : memref<2304xi32, #tpu.memory_space<vmem>>[vector<16xi32>], vector<16xi32>,
    %add3A_2114 = arith.constant 16 : i32
    %add3A_2115 = arith.addi %mul3A_43, %add3A_2114 : i32
    %get3A_2116 = arith.constant 1 : i32
    %get3A_2117 = arith.constant 12 : i32
    %get3A_2118 = arith.index_cast %get3A_2116 : i32 to index
    %get3A_2119 = arith.index_cast %get3A_2117 : i32 to index
    %get3A_2120 = arith.index_cast %add3A_2115 : i32 to index
    %get3A_2121 = tpu.vector_load %arg6[%get3A_2118, %get3A_2119, %get3A_2120] {strides = array<i32>} : memref<2x32x128xi32, #tpu.memory_space<vmem>>, vector<16xi32>,
    %add3A_2122 = arith.addi %mul3A_5, %get3A_2121 : vector<16xi32>
    tpu.vector_store_idx %arg7[%add3A_2122], %broadcast_in_dim3A_2 {add = true} : memref<2304xi32, #tpu.memory_space<vmem>>[vector<16xi32>], vector<16xi32>,
    %add3A_2123 = arith.constant 0 : i32
    %add3A_2124 = arith.addi %mul3A_43, %add3A_2123 : i32
    %get3A_2125 = arith.constant 1 : i32
    %get3A_2126 = arith.constant 13 : i32
    %get3A_2127 = arith.index_cast %get3A_2125 : i32 to index
    %get3A_2128 = arith.index_cast %get3A_2126 : i32 to index
    %get3A_2129 = arith.index_cast %add3A_2124 : i32 to index
    %get3A_2130 = tpu.vector_load %arg6[%get3A_2127, %get3A_2128, %get3A_2129] {strides = array<i32>} : memref<2x32x128xi32, #tpu.memory_space<vmem>>, vector<16xi32>,
    %add3A_2131 = arith.addi %mul3A_5, %get3A_2130 : vector<16xi32>
    tpu.vector_store_idx %arg7[%add3A_2131], %broadcast_in_dim3A_2 {add = true} : memref<2304xi32, #tpu.memory_space<vmem>>[vector<16xi32>], vector<16xi32>,
    %add3A_2132 = arith.constant 16 : i32
    %add3A_2133 = arith.addi %mul3A_43, %add3A_2132 : i32
    %get3A_2134 = arith.constant 1 : i32
    %get3A_2135 = arith.constant 13 : i32
    %get3A_2136 = arith.index_cast %get3A_2134 : i32 to index
    %get3A_2137 = arith.index_cast %get3A_2135 : i32 to index
    %get3A_2138 = arith.index_cast %add3A_2133 : i32 to index
    %get3A_2139 = tpu.vector_load %arg6[%get3A_2136, %get3A_2137, %get3A_2138] {strides = array<i32>} : memref<2x32x128xi32, #tpu.memory_space<vmem>>, vector<16xi32>,
    %add3A_2140 = arith.addi %mul3A_5, %get3A_2139 : vector<16xi32>
    tpu.vector_store_idx %arg7[%add3A_2140], %broadcast_in_dim3A_2 {add = true} : memref<2304xi32, #tpu.memory_space<vmem>>[vector<16xi32>], vector<16xi32>,
    %add3A_2141 = arith.constant 0 : i32
    %add3A_2142 = arith.addi %mul3A_43, %add3A_2141 : i32
    %get3A_2143 = arith.constant 1 : i32
    %get3A_2144 = arith.constant 14 : i32
    %get3A_2145 = arith.index_cast %get3A_2143 : i32 to index
    %get3A_2146 = arith.index_cast %get3A_2144 : i32 to index
    %get3A_2147 = arith.index_cast %add3A_2142 : i32 to index
    %get3A_2148 = tpu.vector_load %arg6[%get3A_2145, %get3A_2146, %get3A_2147] {strides = array<i32>} : memref<2x32x128xi32, #tpu.memory_space<vmem>>, vector<16xi32>,
    %add3A_2149 = arith.addi %mul3A_5, %get3A_2148 : vector<16xi32>
    tpu.vector_store_idx %arg7[%add3A_2149], %broadcast_in_dim3A_2 {add = true} : memref<2304xi32, #tpu.memory_space<vmem>>[vector<16xi32>], vector<16xi32>,
    %add3A_2150 = arith.constant 16 : i32
    %add3A_2151 = arith.addi %mul3A_43, %add3A_2150 : i32
    %get3A_2152 = arith.constant 1 : i32
    %get3A_2153 = arith.constant 14 : i32
    %get3A_2154 = arith.index_cast %get3A_2152 : i32 to index
    %get3A_2155 = arith.index_cast %get3A_2153 : i32 to index
    %get3A_2156 = arith.index_cast %add3A_2151 : i32 to index
    %get3A_2157 = tpu.vector_load %arg6[%get3A_2154, %get3A_2155, %get3A_2156] {strides = array<i32>} : memref<2x32x128xi32, #tpu.memory_space<vmem>>, vector<16xi32>,
    %add3A_2158 = arith.addi %mul3A_5, %get3A_2157 : vector<16xi32>
    tpu.vector_store_idx %arg7[%add3A_2158], %broadcast_in_dim3A_2 {add = true} : memref<2304xi32, #tpu.memory_space<vmem>>[vector<16xi32>], vector<16xi32>,
    %add3A_2159 = arith.constant 0 : i32
    %add3A_2160 = arith.addi %mul3A_43, %add3A_2159 : i32
    %get3A_2161 = arith.constant 1 : i32
    %get3A_2162 = arith.constant 15 : i32
    %get3A_2163 = arith.index_cast %get3A_2161 : i32 to index
    %get3A_2164 = arith.index_cast %get3A_2162 : i32 to index
    %get3A_2165 = arith.index_cast %add3A_2160 : i32 to index
    %get3A_2166 = tpu.vector_load %arg6[%get3A_2163, %get3A_2164, %get3A_2165] {strides = array<i32>} : memref<2x32x128xi32, #tpu.memory_space<vmem>>, vector<16xi32>,
    %add3A_2167 = arith.addi %mul3A_5, %get3A_2166 : vector<16xi32>
    tpu.vector_store_idx %arg7[%add3A_2167], %broadcast_in_dim3A_2 {add = true} : memref<2304xi32, #tpu.memory_space<vmem>>[vector<16xi32>], vector<16xi32>,
    %add3A_2168 = arith.constant 16 : i32
    %add3A_2169 = arith.addi %mul3A_43, %add3A_2168 : i32
    %get3A_2170 = arith.constant 1 : i32
    %get3A_2171 = arith.constant 15 : i32
    %get3A_2172 = arith.index_cast %get3A_2170 : i32 to index
    %get3A_2173 = arith.index_cast %get3A_2171 : i32 to index
    %get3A_2174 = arith.index_cast %add3A_2169 : i32 to index
    %get3A_2175 = tpu.vector_load %arg6[%get3A_2172, %get3A_2173, %get3A_2174] {strides = array<i32>} : memref<2x32x128xi32, #tpu.memory_space<vmem>>, vector<16xi32>,
    %add3A_2176 = arith.addi %mul3A_5, %get3A_2175 : vector<16xi32>
    tpu.vector_store_idx %arg7[%add3A_2176], %broadcast_in_dim3A_2 {add = true} : memref<2304xi32, #tpu.memory_space<vmem>>[vector<16xi32>], vector<16xi32>,
    %add3A_2177 = arith.constant 0 : i32
    %add3A_2178 = arith.addi %mul3A_43, %add3A_2177 : i32
    %get3A_2179 = arith.constant 1 : i32
    %get3A_2180 = arith.constant 16 : i32
    %get3A_2181 = arith.index_cast %get3A_2179 : i32 to index
    %get3A_2182 = arith.index_cast %get3A_2180 : i32 to index
    %get3A_2183 = arith.index_cast %add3A_2178 : i32 to index
    %get3A_2184 = tpu.vector_load %arg6[%get3A_2181, %get3A_2182, %get3A_2183] {strides = array<i32>} : memref<2x32x128xi32, #tpu.memory_space<vmem>>, vector<16xi32>,
    %add3A_2185 = arith.addi %mul3A_5, %get3A_2184 : vector<16xi32>
    tpu.vector_store_idx %arg7[%add3A_2185], %broadcast_in_dim3A_2 {add = true} : memref<2304xi32, #tpu.memory_space<vmem>>[vector<16xi32>], vector<16xi32>,
    %add3A_2186 = arith.constant 16 : i32
    %add3A_2187 = arith.addi %mul3A_43, %add3A_2186 : i32
    %get3A_2188 = arith.constant 1 : i32
    %get3A_2189 = arith.constant 16 : i32
    %get3A_2190 = arith.index_cast %get3A_2188 : i32 to index
    %get3A_2191 = arith.index_cast %get3A_2189 : i32 to index
    %get3A_2192 = arith.index_cast %add3A_2187 : i32 to index
    %get3A_2193 = tpu.vector_load %arg6[%get3A_2190, %get3A_2191, %get3A_2192] {strides = array<i32>} : memref<2x32x128xi32, #tpu.memory_space<vmem>>, vector<16xi32>,
    %add3A_2194 = arith.addi %mul3A_5, %get3A_2193 : vector<16xi32>
    tpu.vector_store_idx %arg7[%add3A_2194], %broadcast_in_dim3A_2 {add = true} : memref<2304xi32, #tpu.memory_space<vmem>>[vector<16xi32>], vector<16xi32>,
    %add3A_2195 = arith.constant 0 : i32
    %add3A_2196 = arith.addi %mul3A_43, %add3A_2195 : i32
    %get3A_2197 = arith.constant 1 : i32
    %get3A_2198 = arith.constant 17 : i32
    %get3A_2199 = arith.index_cast %get3A_2197 : i32 to index
    %get3A_2200 = arith.index_cast %get3A_2198 : i32 to index
    %get3A_2201 = arith.index_cast %add3A_2196 : i32 to index
    %get3A_2202 = tpu.vector_load %arg6[%get3A_2199, %get3A_2200, %get3A_2201] {strides = array<i32>} : memref<2x32x128xi32, #tpu.memory_space<vmem>>, vector<16xi32>,
    %add3A_2203 = arith.addi %mul3A_5, %get3A_2202 : vector<16xi32>
    tpu.vector_store_idx %arg7[%add3A_2203], %broadcast_in_dim3A_2 {add = true} : memref<2304xi32, #tpu.memory_space<vmem>>[vector<16xi32>], vector<16xi32>,
    %add3A_2204 = arith.constant 16 : i32
    %add3A_2205 = arith.addi %mul3A_43, %add3A_2204 : i32
    %get3A_2206 = arith.constant 1 : i32
    %get3A_2207 = arith.constant 17 : i32
    %get3A_2208 = arith.index_cast %get3A_2206 : i32 to index
    %get3A_2209 = arith.index_cast %get3A_2207 : i32 to index
    %get3A_2210 = arith.index_cast %add3A_2205 : i32 to index
    %get3A_2211 = tpu.vector_load %arg6[%get3A_2208, %get3A_2209, %get3A_2210] {strides = array<i32>} : memref<2x32x128xi32, #tpu.memory_space<vmem>>, vector<16xi32>,
    %add3A_2212 = arith.addi %mul3A_5, %get3A_2211 : vector<16xi32>
    tpu.vector_store_idx %arg7[%add3A_2212], %broadcast_in_dim3A_2 {add = true} : memref<2304xi32, #tpu.memory_space<vmem>>[vector<16xi32>], vector<16xi32>,
    %add3A_2213 = arith.constant 0 : i32
    %add3A_2214 = arith.addi %mul3A_43, %add3A_2213 : i32
    %get3A_2215 = arith.constant 1 : i32
    %get3A_2216 = arith.constant 18 : i32
    %get3A_2217 = arith.index_cast %get3A_2215 : i32 to index
    %get3A_2218 = arith.index_cast %get3A_2216 : i32 to index
    %get3A_2219 = arith.index_cast %add3A_2214 : i32 to index
    %get3A_2220 = tpu.vector_load %arg6[%get3A_2217, %get3A_2218, %get3A_2219] {strides = array<i32>} : memref<2x32x128xi32, #tpu.memory_space<vmem>>, vector<16xi32>,
    %add3A_2221 = arith.addi %mul3A_5, %get3A_2220 : vector<16xi32>
    tpu.vector_store_idx %arg7[%add3A_2221], %broadcast_in_dim3A_2 {add = true} : memref<2304xi32, #tpu.memory_space<vmem>>[vector<16xi32>], vector<16xi32>,
    %add3A_2222 = arith.constant 16 : i32
    %add3A_2223 = arith.addi %mul3A_43, %add3A_2222 : i32
    %get3A_2224 = arith.constant 1 : i32
    %get3A_2225 = arith.constant 18 : i32
    %get3A_2226 = arith.index_cast %get3A_2224 : i32 to index
    %get3A_2227 = arith.index_cast %get3A_2225 : i32 to index
    %get3A_2228 = arith.index_cast %add3A_2223 : i32 to index
    %get3A_2229 = tpu.vector_load %arg6[%get3A_2226, %get3A_2227, %get3A_2228] {strides = array<i32>} : memref<2x32x128xi32, #tpu.memory_space<vmem>>, vector<16xi32>,
    %add3A_2230 = arith.addi %mul3A_5, %get3A_2229 : vector<16xi32>
    tpu.vector_store_idx %arg7[%add3A_2230], %broadcast_in_dim3A_2 {add = true} : memref<2304xi32, #tpu.memory_space<vmem>>[vector<16xi32>], vector<16xi32>,
    %add3A_2231 = arith.constant 0 : i32
    %add3A_2232 = arith.addi %mul3A_43, %add3A_2231 : i32
    %get3A_2233 = arith.constant 1 : i32
    %get3A_2234 = arith.constant 19 : i32
    %get3A_2235 = arith.index_cast %get3A_2233 : i32 to index
    %get3A_2236 = arith.index_cast %get3A_2234 : i32 to index
    %get3A_2237 = arith.index_cast %add3A_2232 : i32 to index
    %get3A_2238 = tpu.vector_load %arg6[%get3A_2235, %get3A_2236, %get3A_2237] {strides = array<i32>} : memref<2x32x128xi32, #tpu.memory_space<vmem>>, vector<16xi32>,
    %add3A_2239 = arith.addi %mul3A_5, %get3A_2238 : vector<16xi32>
    tpu.vector_store_idx %arg7[%add3A_2239], %broadcast_in_dim3A_2 {add = true} : memref<2304xi32, #tpu.memory_space<vmem>>[vector<16xi32>], vector<16xi32>,
    %add3A_2240 = arith.constant 16 : i32
    %add3A_2241 = arith.addi %mul3A_43, %add3A_2240 : i32
    %get3A_2242 = arith.constant 1 : i32
    %get3A_2243 = arith.constant 19 : i32
    %get3A_2244 = arith.index_cast %get3A_2242 : i32 to index
    %get3A_2245 = arith.index_cast %get3A_2243 : i32 to index
    %get3A_2246 = arith.index_cast %add3A_2241 : i32 to index
    %get3A_2247 = tpu.vector_load %arg6[%get3A_2244, %get3A_2245, %get3A_2246] {strides = array<i32>} : memref<2x32x128xi32, #tpu.memory_space<vmem>>, vector<16xi32>,
    %add3A_2248 = arith.addi %mul3A_5, %get3A_2247 : vector<16xi32>
    tpu.vector_store_idx %arg7[%add3A_2248], %broadcast_in_dim3A_2 {add = true} : memref<2304xi32, #tpu.memory_space<vmem>>[vector<16xi32>], vector<16xi32>,
    %add3A_2249 = arith.constant 0 : i32
    %add3A_2250 = arith.addi %mul3A_43, %add3A_2249 : i32
    %get3A_2251 = arith.constant 1 : i32
    %get3A_2252 = arith.constant 20 : i32
    %get3A_2253 = arith.index_cast %get3A_2251 : i32 to index
    %get3A_2254 = arith.index_cast %get3A_2252 : i32 to index
    %get3A_2255 = arith.index_cast %add3A_2250 : i32 to index
    %get3A_2256 = tpu.vector_load %arg6[%get3A_2253, %get3A_2254, %get3A_2255] {strides = array<i32>} : memref<2x32x128xi32, #tpu.memory_space<vmem>>, vector<16xi32>,
    %add3A_2257 = arith.addi %mul3A_5, %get3A_2256 : vector<16xi32>
    tpu.vector_store_idx %arg7[%add3A_2257], %broadcast_in_dim3A_2 {add = true} : memref<2304xi32, #tpu.memory_space<vmem>>[vector<16xi32>], vector<16xi32>,
    %add3A_2258 = arith.constant 16 : i32
    %add3A_2259 = arith.addi %mul3A_43, %add3A_2258 : i32
    %get3A_2260 = arith.constant 1 : i32
    %get3A_2261 = arith.constant 20 : i32
    %get3A_2262 = arith.index_cast %get3A_2260 : i32 to index
    %get3A_2263 = arith.index_cast %get3A_2261 : i32 to index
    %get3A_2264 = arith.index_cast %add3A_2259 : i32 to index
    %get3A_2265 = tpu.vector_load %arg6[%get3A_2262, %get3A_2263, %get3A_2264] {strides = array<i32>} : memref<2x32x128xi32, #tpu.memory_space<vmem>>, vector<16xi32>,
    %add3A_2266 = arith.addi %mul3A_5, %get3A_2265 : vector<16xi32>
    tpu.vector_store_idx %arg7[%add3A_2266], %broadcast_in_dim3A_2 {add = true} : memref<2304xi32, #tpu.memory_space<vmem>>[vector<16xi32>], vector<16xi32>,
    %add3A_2267 = arith.constant 0 : i32
    %add3A_2268 = arith.addi %mul3A_43, %add3A_2267 : i32
    %get3A_2269 = arith.constant 1 : i32
    %get3A_2270 = arith.constant 21 : i32
    %get3A_2271 = arith.index_cast %get3A_2269 : i32 to index
    %get3A_2272 = arith.index_cast %get3A_2270 : i32 to index
    %get3A_2273 = arith.index_cast %add3A_2268 : i32 to index
    %get3A_2274 = tpu.vector_load %arg6[%get3A_2271, %get3A_2272, %get3A_2273] {strides = array<i32>} : memref<2x32x128xi32, #tpu.memory_space<vmem>>, vector<16xi32>,
    %add3A_2275 = arith.addi %mul3A_5, %get3A_2274 : vector<16xi32>
    tpu.vector_store_idx %arg7[%add3A_2275], %broadcast_in_dim3A_2 {add = true} : memref<2304xi32, #tpu.memory_space<vmem>>[vector<16xi32>], vector<16xi32>,
    %add3A_2276 = arith.constant 16 : i32
    %add3A_2277 = arith.addi %mul3A_43, %add3A_2276 : i32
    %get3A_2278 = arith.constant 1 : i32
    %get3A_2279 = arith.constant 21 : i32
    %get3A_2280 = arith.index_cast %get3A_2278 : i32 to index
    %get3A_2281 = arith.index_cast %get3A_2279 : i32 to index
    %get3A_2282 = arith.index_cast %add3A_2277 : i32 to index
    %get3A_2283 = tpu.vector_load %arg6[%get3A_2280, %get3A_2281, %get3A_2282] {strides = array<i32>} : memref<2x32x128xi32, #tpu.memory_space<vmem>>, vector<16xi32>,
    %add3A_2284 = arith.addi %mul3A_5, %get3A_2283 : vector<16xi32>
    tpu.vector_store_idx %arg7[%add3A_2284], %broadcast_in_dim3A_2 {add = true} : memref<2304xi32, #tpu.memory_space<vmem>>[vector<16xi32>], vector<16xi32>,
    %add3A_2285 = arith.constant 0 : i32
    %add3A_2286 = arith.addi %mul3A_43, %add3A_2285 : i32
    %get3A_2287 = arith.constant 1 : i32
    %get3A_2288 = arith.constant 22 : i32
    %get3A_2289 = arith.index_cast %get3A_2287 : i32 to index
    %get3A_2290 = arith.index_cast %get3A_2288 : i32 to index
    %get3A_2291 = arith.index_cast %add3A_2286 : i32 to index
    %get3A_2292 = tpu.vector_load %arg6[%get3A_2289, %get3A_2290, %get3A_2291] {strides = array<i32>} : memref<2x32x128xi32, #tpu.memory_space<vmem>>, vector<16xi32>,
    %add3A_2293 = arith.addi %mul3A_5, %get3A_2292 : vector<16xi32>
    tpu.vector_store_idx %arg7[%add3A_2293], %broadcast_in_dim3A_2 {add = true} : memref<2304xi32, #tpu.memory_space<vmem>>[vector<16xi32>], vector<16xi32>,
    %add3A_2294 = arith.constant 16 : i32
    %add3A_2295 = arith.addi %mul3A_43, %add3A_2294 : i32
    %get3A_2296 = arith.constant 1 : i32
    %get3A_2297 = arith.constant 22 : i32
    %get3A_2298 = arith.index_cast %get3A_2296 : i32 to index
    %get3A_2299 = arith.index_cast %get3A_2297 : i32 to index
    %get3A_2300 = arith.index_cast %add3A_2295 : i32 to index
    %get3A_2301 = tpu.vector_load %arg6[%get3A_2298, %get3A_2299, %get3A_2300] {strides = array<i32>} : memref<2x32x128xi32, #tpu.memory_space<vmem>>, vector<16xi32>,
    %add3A_2302 = arith.addi %mul3A_5, %get3A_2301 : vector<16xi32>
    tpu.vector_store_idx %arg7[%add3A_2302], %broadcast_in_dim3A_2 {add = true} : memref<2304xi32, #tpu.memory_space<vmem>>[vector<16xi32>], vector<16xi32>,
    %add3A_2303 = arith.constant 0 : i32
    %add3A_2304 = arith.addi %mul3A_43, %add3A_2303 : i32
    %get3A_2305 = arith.constant 1 : i32
    %get3A_2306 = arith.constant 23 : i32
    %get3A_2307 = arith.index_cast %get3A_2305 : i32 to index
    %get3A_2308 = arith.index_cast %get3A_2306 : i32 to index
    %get3A_2309 = arith.index_cast %add3A_2304 : i32 to index
    %get3A_2310 = tpu.vector_load %arg6[%get3A_2307, %get3A_2308, %get3A_2309] {strides = array<i32>} : memref<2x32x128xi32, #tpu.memory_space<vmem>>, vector<16xi32>,
    %add3A_2311 = arith.addi %mul3A_5, %get3A_2310 : vector<16xi32>
    tpu.vector_store_idx %arg7[%add3A_2311], %broadcast_in_dim3A_2 {add = true} : memref<2304xi32, #tpu.memory_space<vmem>>[vector<16xi32>], vector<16xi32>,
    %add3A_2312 = arith.constant 16 : i32
    %add3A_2313 = arith.addi %mul3A_43, %add3A_2312 : i32
    %get3A_2314 = arith.constant 1 : i32
    %get3A_2315 = arith.constant 23 : i32
    %get3A_2316 = arith.index_cast %get3A_2314 : i32 to index
    %get3A_2317 = arith.index_cast %get3A_2315 : i32 to index
    %get3A_2318 = arith.index_cast %add3A_2313 : i32 to index
    %get3A_2319 = tpu.vector_load %arg6[%get3A_2316, %get3A_2317, %get3A_2318] {strides = array<i32>} : memref<2x32x128xi32, #tpu.memory_space<vmem>>, vector<16xi32>,
    %add3A_2320 = arith.addi %mul3A_5, %get3A_2319 : vector<16xi32>
    tpu.vector_store_idx %arg7[%add3A_2320], %broadcast_in_dim3A_2 {add = true} : memref<2304xi32, #tpu.memory_space<vmem>>[vector<16xi32>], vector<16xi32>,
    %add3A_2321 = arith.constant 0 : i32
    %add3A_2322 = arith.addi %mul3A_43, %add3A_2321 : i32
    %get3A_2323 = arith.constant 1 : i32
    %get3A_2324 = arith.constant 24 : i32
    %get3A_2325 = arith.index_cast %get3A_2323 : i32 to index
    %get3A_2326 = arith.index_cast %get3A_2324 : i32 to index
    %get3A_2327 = arith.index_cast %add3A_2322 : i32 to index
    %get3A_2328 = tpu.vector_load %arg6[%get3A_2325, %get3A_2326, %get3A_2327] {strides = array<i32>} : memref<2x32x128xi32, #tpu.memory_space<vmem>>, vector<16xi32>,
    %add3A_2329 = arith.addi %mul3A_5, %get3A_2328 : vector<16xi32>
    tpu.vector_store_idx %arg7[%add3A_2329], %broadcast_in_dim3A_2 {add = true} : memref<2304xi32, #tpu.memory_space<vmem>>[vector<16xi32>], vector<16xi32>,
    %add3A_2330 = arith.constant 16 : i32
    %add3A_2331 = arith.addi %mul3A_43, %add3A_2330 : i32
    %get3A_2332 = arith.constant 1 : i32
    %get3A_2333 = arith.constant 24 : i32
    %get3A_2334 = arith.index_cast %get3A_2332 : i32 to index
    %get3A_2335 = arith.index_cast %get3A_2333 : i32 to index
    %get3A_2336 = arith.index_cast %add3A_2331 : i32 to index
    %get3A_2337 = tpu.vector_load %arg6[%get3A_2334, %get3A_2335, %get3A_2336] {strides = array<i32>} : memref<2x32x128xi32, #tpu.memory_space<vmem>>, vector<16xi32>,
    %add3A_2338 = arith.addi %mul3A_5, %get3A_2337 : vector<16xi32>
    tpu.vector_store_idx %arg7[%add3A_2338], %broadcast_in_dim3A_2 {add = true} : memref<2304xi32, #tpu.memory_space<vmem>>[vector<16xi32>], vector<16xi32>,
    %add3A_2339 = arith.constant 0 : i32
    %add3A_2340 = arith.addi %mul3A_43, %add3A_2339 : i32
    %get3A_2341 = arith.constant 1 : i32
    %get3A_2342 = arith.constant 25 : i32
    %get3A_2343 = arith.index_cast %get3A_2341 : i32 to index
    %get3A_2344 = arith.index_cast %get3A_2342 : i32 to index
    %get3A_2345 = arith.index_cast %add3A_2340 : i32 to index
    %get3A_2346 = tpu.vector_load %arg6[%get3A_2343, %get3A_2344, %get3A_2345] {strides = array<i32>} : memref<2x32x128xi32, #tpu.memory_space<vmem>>, vector<16xi32>,
    %add3A_2347 = arith.addi %mul3A_5, %get3A_2346 : vector<16xi32>
    tpu.vector_store_idx %arg7[%add3A_2347], %broadcast_in_dim3A_2 {add = true} : memref<2304xi32, #tpu.memory_space<vmem>>[vector<16xi32>], vector<16xi32>,
    %add3A_2348 = arith.constant 16 : i32
    %add3A_2349 = arith.addi %mul3A_43, %add3A_2348 : i32
    %get3A_2350 = arith.constant 1 : i32
    %get3A_2351 = arith.constant 25 : i32
    %get3A_2352 = arith.index_cast %get3A_2350 : i32 to index
    %get3A_2353 = arith.index_cast %get3A_2351 : i32 to index
    %get3A_2354 = arith.index_cast %add3A_2349 : i32 to index
    %get3A_2355 = tpu.vector_load %arg6[%get3A_2352, %get3A_2353, %get3A_2354] {strides = array<i32>} : memref<2x32x128xi32, #tpu.memory_space<vmem>>, vector<16xi32>,
    %add3A_2356 = arith.addi %mul3A_5, %get3A_2355 : vector<16xi32>
    tpu.vector_store_idx %arg7[%add3A_2356], %broadcast_in_dim3A_2 {add = true} : memref<2304xi32, #tpu.memory_space<vmem>>[vector<16xi32>], vector<16xi32>,
    %add3A_2357 = arith.constant 0 : i32
    %add3A_2358 = arith.addi %mul3A_43, %add3A_2357 : i32
    %get3A_2359 = arith.constant 1 : i32
    %get3A_2360 = arith.constant 26 : i32
    %get3A_2361 = arith.index_cast %get3A_2359 : i32 to index
    %get3A_2362 = arith.index_cast %get3A_2360 : i32 to index
    %get3A_2363 = arith.index_cast %add3A_2358 : i32 to index
    %get3A_2364 = tpu.vector_load %arg6[%get3A_2361, %get3A_2362, %get3A_2363] {strides = array<i32>} : memref<2x32x128xi32, #tpu.memory_space<vmem>>, vector<16xi32>,
    %add3A_2365 = arith.addi %mul3A_5, %get3A_2364 : vector<16xi32>
    tpu.vector_store_idx %arg7[%add3A_2365], %broadcast_in_dim3A_2 {add = true} : memref<2304xi32, #tpu.memory_space<vmem>>[vector<16xi32>], vector<16xi32>,
    %add3A_2366 = arith.constant 16 : i32
    %add3A_2367 = arith.addi %mul3A_43, %add3A_2366 : i32
    %get3A_2368 = arith.constant 1 : i32
    %get3A_2369 = arith.constant 26 : i32
    %get3A_2370 = arith.index_cast %get3A_2368 : i32 to index
    %get3A_2371 = arith.index_cast %get3A_2369 : i32 to index
    %get3A_2372 = arith.index_cast %add3A_2367 : i32 to index
    %get3A_2373 = tpu.vector_load %arg6[%get3A_2370, %get3A_2371, %get3A_2372] {strides = array<i32>} : memref<2x32x128xi32, #tpu.memory_space<vmem>>, vector<16xi32>,
    %add3A_2374 = arith.addi %mul3A_5, %get3A_2373 : vector<16xi32>
    tpu.vector_store_idx %arg7[%add3A_2374], %broadcast_in_dim3A_2 {add = true} : memref<2304xi32, #tpu.memory_space<vmem>>[vector<16xi32>], vector<16xi32>,
    %add3A_2375 = arith.constant 0 : i32
    %add3A_2376 = arith.addi %mul3A_43, %add3A_2375 : i32
    %get3A_2377 = arith.constant 1 : i32
    %get3A_2378 = arith.constant 27 : i32
    %get3A_2379 = arith.index_cast %get3A_2377 : i32 to index
    %get3A_2380 = arith.index_cast %get3A_2378 : i32 to index
    %get3A_2381 = arith.index_cast %add3A_2376 : i32 to index
    %get3A_2382 = tpu.vector_load %arg6[%get3A_2379, %get3A_2380, %get3A_2381] {strides = array<i32>} : memref<2x32x128xi32, #tpu.memory_space<vmem>>, vector<16xi32>,
    %add3A_2383 = arith.addi %mul3A_5, %get3A_2382 : vector<16xi32>
    tpu.vector_store_idx %arg7[%add3A_2383], %broadcast_in_dim3A_2 {add = true} : memref<2304xi32, #tpu.memory_space<vmem>>[vector<16xi32>], vector<16xi32>,
    %add3A_2384 = arith.constant 16 : i32
    %add3A_2385 = arith.addi %mul3A_43, %add3A_2384 : i32
    %get3A_2386 = arith.constant 1 : i32
    %get3A_2387 = arith.constant 27 : i32
    %get3A_2388 = arith.index_cast %get3A_2386 : i32 to index
    %get3A_2389 = arith.index_cast %get3A_2387 : i32 to index
    %get3A_2390 = arith.index_cast %add3A_2385 : i32 to index
    %get3A_2391 = tpu.vector_load %arg6[%get3A_2388, %get3A_2389, %get3A_2390] {strides = array<i32>} : memref<2x32x128xi32, #tpu.memory_space<vmem>>, vector<16xi32>,
    %add3A_2392 = arith.addi %mul3A_5, %get3A_2391 : vector<16xi32>
    tpu.vector_store_idx %arg7[%add3A_2392], %broadcast_in_dim3A_2 {add = true} : memref<2304xi32, #tpu.memory_space<vmem>>[vector<16xi32>], vector<16xi32>,
    %add3A_2393 = arith.constant 0 : i32
    %add3A_2394 = arith.addi %mul3A_43, %add3A_2393 : i32
    %get3A_2395 = arith.constant 1 : i32
    %get3A_2396 = arith.constant 28 : i32
    %get3A_2397 = arith.index_cast %get3A_2395 : i32 to index
    %get3A_2398 = arith.index_cast %get3A_2396 : i32 to index
    %get3A_2399 = arith.index_cast %add3A_2394 : i32 to index
    %get3A_2400 = tpu.vector_load %arg6[%get3A_2397, %get3A_2398, %get3A_2399] {strides = array<i32>} : memref<2x32x128xi32, #tpu.memory_space<vmem>>, vector<16xi32>,
    %add3A_2401 = arith.addi %mul3A_5, %get3A_2400 : vector<16xi32>
    tpu.vector_store_idx %arg7[%add3A_2401], %broadcast_in_dim3A_2 {add = true} : memref<2304xi32, #tpu.memory_space<vmem>>[vector<16xi32>], vector<16xi32>,
    %add3A_2402 = arith.constant 16 : i32
    %add3A_2403 = arith.addi %mul3A_43, %add3A_2402 : i32
    %get3A_2404 = arith.constant 1 : i32
    %get3A_2405 = arith.constant 28 : i32
    %get3A_2406 = arith.index_cast %get3A_2404 : i32 to index
    %get3A_2407 = arith.index_cast %get3A_2405 : i32 to index
    %get3A_2408 = arith.index_cast %add3A_2403 : i32 to index
    %get3A_2409 = tpu.vector_load %arg6[%get3A_2406, %get3A_2407, %get3A_2408] {strides = array<i32>} : memref<2x32x128xi32, #tpu.memory_space<vmem>>, vector<16xi32>,
    %add3A_2410 = arith.addi %mul3A_5, %get3A_2409 : vector<16xi32>
    tpu.vector_store_idx %arg7[%add3A_2410], %broadcast_in_dim3A_2 {add = true} : memref<2304xi32, #tpu.memory_space<vmem>>[vector<16xi32>], vector<16xi32>,
    %add3A_2411 = arith.constant 0 : i32
    %add3A_2412 = arith.addi %mul3A_43, %add3A_2411 : i32
    %get3A_2413 = arith.constant 1 : i32
    %get3A_2414 = arith.constant 29 : i32
    %get3A_2415 = arith.index_cast %get3A_2413 : i32 to index
    %get3A_2416 = arith.index_cast %get3A_2414 : i32 to index
    %get3A_2417 = arith.index_cast %add3A_2412 : i32 to index
    %get3A_2418 = tpu.vector_load %arg6[%get3A_2415, %get3A_2416, %get3A_2417] {strides = array<i32>} : memref<2x32x128xi32, #tpu.memory_space<vmem>>, vector<16xi32>,
    %add3A_2419 = arith.addi %mul3A_5, %get3A_2418 : vector<16xi32>
    tpu.vector_store_idx %arg7[%add3A_2419], %broadcast_in_dim3A_2 {add = true} : memref<2304xi32, #tpu.memory_space<vmem>>[vector<16xi32>], vector<16xi32>,
    %add3A_2420 = arith.constant 16 : i32
    %add3A_2421 = arith.addi %mul3A_43, %add3A_2420 : i32
    %get3A_2422 = arith.constant 1 : i32
    %get3A_2423 = arith.constant 29 : i32
    %get3A_2424 = arith.index_cast %get3A_2422 : i32 to index
    %get3A_2425 = arith.index_cast %get3A_2423 : i32 to index
    %get3A_2426 = arith.index_cast %add3A_2421 : i32 to index
    %get3A_2427 = tpu.vector_load %arg6[%get3A_2424, %get3A_2425, %get3A_2426] {strides = array<i32>} : memref<2x32x128xi32, #tpu.memory_space<vmem>>, vector<16xi32>,
    %add3A_2428 = arith.addi %mul3A_5, %get3A_2427 : vector<16xi32>
    tpu.vector_store_idx %arg7[%add3A_2428], %broadcast_in_dim3A_2 {add = true} : memref<2304xi32, #tpu.memory_space<vmem>>[vector<16xi32>], vector<16xi32>,
    %add3A_2429 = arith.constant 0 : i32
    %add3A_2430 = arith.addi %mul3A_43, %add3A_2429 : i32
    %get3A_2431 = arith.constant 1 : i32
    %get3A_2432 = arith.constant 30 : i32
    %get3A_2433 = arith.index_cast %get3A_2431 : i32 to index
    %get3A_2434 = arith.index_cast %get3A_2432 : i32 to index
    %get3A_2435 = arith.index_cast %add3A_2430 : i32 to index
    %get3A_2436 = tpu.vector_load %arg6[%get3A_2433, %get3A_2434, %get3A_2435] {strides = array<i32>} : memref<2x32x128xi32, #tpu.memory_space<vmem>>, vector<16xi32>,
    %add3A_2437 = arith.addi %mul3A_5, %get3A_2436 : vector<16xi32>
    tpu.vector_store_idx %arg7[%add3A_2437], %broadcast_in_dim3A_2 {add = true} : memref<2304xi32, #tpu.memory_space<vmem>>[vector<16xi32>], vector<16xi32>,
    %add3A_2438 = arith.constant 16 : i32
    %add3A_2439 = arith.addi %mul3A_43, %add3A_2438 : i32
    %get3A_2440 = arith.constant 1 : i32
    %get3A_2441 = arith.constant 30 : i32
    %get3A_2442 = arith.index_cast %get3A_2440 : i32 to index
    %get3A_2443 = arith.index_cast %get3A_2441 : i32 to index
    %get3A_2444 = arith.index_cast %add3A_2439 : i32 to index
    %get3A_2445 = tpu.vector_load %arg6[%get3A_2442, %get3A_2443, %get3A_2444] {strides = array<i32>} : memref<2x32x128xi32, #tpu.memory_space<vmem>>, vector<16xi32>,
    %add3A_2446 = arith.addi %mul3A_5, %get3A_2445 : vector<16xi32>
    tpu.vector_store_idx %arg7[%add3A_2446], %broadcast_in_dim3A_2 {add = true} : memref<2304xi32, #tpu.memory_space<vmem>>[vector<16xi32>], vector<16xi32>,
    %add3A_2447 = arith.constant 0 : i32
    %add3A_2448 = arith.addi %mul3A_43, %add3A_2447 : i32
    %get3A_2449 = arith.constant 1 : i32
    %get3A_2450 = arith.constant 31 : i32
    %get3A_2451 = arith.index_cast %get3A_2449 : i32 to index
    %get3A_2452 = arith.index_cast %get3A_2450 : i32 to index
    %get3A_2453 = arith.index_cast %add3A_2448 : i32 to index
    %get3A_2454 = tpu.vector_load %arg6[%get3A_2451, %get3A_2452, %get3A_2453] {strides = array<i32>} : memref<2x32x128xi32, #tpu.memory_space<vmem>>, vector<16xi32>,
    %add3A_2455 = arith.addi %mul3A_5, %get3A_2454 : vector<16xi32>
    tpu.vector_store_idx %arg7[%add3A_2455], %broadcast_in_dim3A_2 {add = true} : memref<2304xi32, #tpu.memory_space<vmem>>[vector<16xi32>], vector<16xi32>,
    %add3A_2456 = arith.constant 16 : i32
    %add3A_2457 = arith.addi %mul3A_43, %add3A_2456 : i32
    %get3A_2458 = arith.constant 1 : i32
    %get3A_2459 = arith.constant 31 : i32
    %get3A_2460 = arith.index_cast %get3A_2458 : i32 to index
    %get3A_2461 = arith.index_cast %get3A_2459 : i32 to index
    %get3A_2462 = arith.index_cast %add3A_2457 : i32 to index
    %get3A_2463 = tpu.vector_load %arg6[%get3A_2460, %get3A_2461, %get3A_2462] {strides = array<i32>} : memref<2x32x128xi32, #tpu.memory_space<vmem>>, vector<16xi32>,
    %add3A_2464 = arith.addi %mul3A_5, %get3A_2463 : vector<16xi32>
    tpu.vector_store_idx %arg7[%add3A_2464], %broadcast_in_dim3A_2 {add = true} : memref<2304xi32, #tpu.memory_space<vmem>>[vector<16xi32>], vector<16xi32>,
    %broadcast_in_dim3A_2465 = arith.constant -1 : i32
    %broadcast_in_dim3A_2466 = vector.broadcast %broadcast_in_dim3A_2465 : i32 to vector<16xi32>
    %get3A_2467 = arith.constant 0 : index
    %get3A_2468 = tpu.vector_load %arg7[%get3A_2467] {strides = array<i32>} : memref<2304xi32, #tpu.memory_space<vmem>>, vector<16xi32>,
    %get3A_2469 = arith.constant 144 : index
    %get3A_2470 = tpu.vector_load %arg7[%get3A_2469] {strides = array<i32>} : memref<2304xi32, #tpu.memory_space<vmem>>, vector<16xi32>,
    %add3A_2471 = arith.addi %get3A_2468, %get3A_2470 : vector<16xi32>
    %get3A_2472 = arith.constant 288 : index
    %get3A_2473 = tpu.vector_load %arg7[%get3A_2472] {strides = array<i32>} : memref<2304xi32, #tpu.memory_space<vmem>>, vector<16xi32>,
    %add3A_2474 = arith.addi %add3A_2471, %get3A_2473 : vector<16xi32>
    %get3A_2475 = arith.constant 432 : index
    %get3A_2476 = tpu.vector_load %arg7[%get3A_2475] {strides = array<i32>} : memref<2304xi32, #tpu.memory_space<vmem>>, vector<16xi32>,
    %add3A_2477 = arith.addi %add3A_2474, %get3A_2476 : vector<16xi32>
    %get3A_2478 = arith.constant 576 : index
    %get3A_2479 = tpu.vector_load %arg7[%get3A_2478] {strides = array<i32>} : memref<2304xi32, #tpu.memory_space<vmem>>, vector<16xi32>,
    %add3A_2480 = arith.addi %add3A_2477, %get3A_2479 : vector<16xi32>
    %get3A_2481 = arith.constant 720 : index
    %get3A_2482 = tpu.vector_load %arg7[%get3A_2481] {strides = array<i32>} : memref<2304xi32, #tpu.memory_space<vmem>>, vector<16xi32>,
    %add3A_2483 = arith.addi %add3A_2480, %get3A_2482 : vector<16xi32>
    %get3A_2484 = arith.constant 864 : index
    %get3A_2485 = tpu.vector_load %arg7[%get3A_2484] {strides = array<i32>} : memref<2304xi32, #tpu.memory_space<vmem>>, vector<16xi32>,
    %add3A_2486 = arith.addi %add3A_2483, %get3A_2485 : vector<16xi32>
    %get3A_2487 = arith.constant 1008 : index
    %get3A_2488 = tpu.vector_load %arg7[%get3A_2487] {strides = array<i32>} : memref<2304xi32, #tpu.memory_space<vmem>>, vector<16xi32>,
    %add3A_2489 = arith.addi %add3A_2486, %get3A_2488 : vector<16xi32>
    %get3A_2490 = arith.constant 1152 : index
    %get3A_2491 = tpu.vector_load %arg7[%get3A_2490] {strides = array<i32>} : memref<2304xi32, #tpu.memory_space<vmem>>, vector<16xi32>,
    %add3A_2492 = arith.addi %add3A_2489, %get3A_2491 : vector<16xi32>
    %get3A_2493 = arith.constant 1296 : index
    %get3A_2494 = tpu.vector_load %arg7[%get3A_2493] {strides = array<i32>} : memref<2304xi32, #tpu.memory_space<vmem>>, vector<16xi32>,
    %add3A_2495 = arith.addi %add3A_2492, %get3A_2494 : vector<16xi32>
    %get3A_2496 = arith.constant 1440 : index
    %get3A_2497 = tpu.vector_load %arg7[%get3A_2496] {strides = array<i32>} : memref<2304xi32, #tpu.memory_space<vmem>>, vector<16xi32>,
    %add3A_2498 = arith.addi %add3A_2495, %get3A_2497 : vector<16xi32>
    %get3A_2499 = arith.constant 1584 : index
    %get3A_2500 = tpu.vector_load %arg7[%get3A_2499] {strides = array<i32>} : memref<2304xi32, #tpu.memory_space<vmem>>, vector<16xi32>,
    %add3A_2501 = arith.addi %add3A_2498, %get3A_2500 : vector<16xi32>
    %get3A_2502 = arith.constant 1728 : index
    %get3A_2503 = tpu.vector_load %arg7[%get3A_2502] {strides = array<i32>} : memref<2304xi32, #tpu.memory_space<vmem>>, vector<16xi32>,
    %add3A_2504 = arith.addi %add3A_2501, %get3A_2503 : vector<16xi32>
    %get3A_2505 = arith.constant 1872 : index
    %get3A_2506 = tpu.vector_load %arg7[%get3A_2505] {strides = array<i32>} : memref<2304xi32, #tpu.memory_space<vmem>>, vector<16xi32>,
    %add3A_2507 = arith.addi %add3A_2504, %get3A_2506 : vector<16xi32>
    %get3A_2508 = arith.constant 2016 : index
    %get3A_2509 = tpu.vector_load %arg7[%get3A_2508] {strides = array<i32>} : memref<2304xi32, #tpu.memory_space<vmem>>, vector<16xi32>,
    %add3A_2510 = arith.addi %add3A_2507, %get3A_2509 : vector<16xi32>
    %get3A_2511 = arith.constant 2160 : index
    %get3A_2512 = tpu.vector_load %arg7[%get3A_2511] {strides = array<i32>} : memref<2304xi32, #tpu.memory_space<vmem>>, vector<16xi32>,
    %add3A_2513 = arith.addi %add3A_2510, %get3A_2512 : vector<16xi32>
    %mul3A_2514 = arith.constant 2048 : i32
    %mul3A_2515 = vector.broadcast %mul3A_2514 : i32 to vector<16xi32>
    %mul3A_2516 = arith.muli %add3A_2513, %mul3A_2515 : vector<16xi32>
    %add3A_2517 = arith.constant 0 : i32
    %add3A_2518 = vector.broadcast %add3A_2517 : i32 to vector<16xi32>
    %add3A_2519 = arith.addi %iota3A, %add3A_2518 : vector<16xi32>
    %sub3A_2520 = arith.constant 2047 : i32
    %sub3A_2521 = vector.broadcast %sub3A_2520 : i32 to vector<16xi32>
    %sub3A_2522 = arith.subi %sub3A_2521, %add3A_2519 : vector<16xi32>
    %add3A_2523 = arith.addi %mul3A_2516, %sub3A_2522 : vector<16xi32>
    %max3A_2524 = arith.maxsi %broadcast_in_dim3A_2466, %add3A_2523 : vector<16xi32>
    %get3A_2525 = arith.constant 16 : index
    %get3A_2526 = tpu.vector_load %arg7[%get3A_2525] {strides = array<i32>} : memref<2304xi32, #tpu.memory_space<vmem>>, vector<16xi32>,
    %get3A_2527 = arith.constant 160 : index
    %get3A_2528 = tpu.vector_load %arg7[%get3A_2527] {strides = array<i32>} : memref<2304xi32, #tpu.memory_space<vmem>>, vector<16xi32>,
    %add3A_2529 = arith.addi %get3A_2526, %get3A_2528 : vector<16xi32>
    %get3A_2530 = arith.constant 304 : index
    %get3A_2531 = tpu.vector_load %arg7[%get3A_2530] {strides = array<i32>} : memref<2304xi32, #tpu.memory_space<vmem>>, vector<16xi32>,
    %add3A_2532 = arith.addi %add3A_2529, %get3A_2531 : vector<16xi32>
    %get3A_2533 = arith.constant 448 : index
    %get3A_2534 = tpu.vector_load %arg7[%get3A_2533] {strides = array<i32>} : memref<2304xi32, #tpu.memory_space<vmem>>, vector<16xi32>,
    %add3A_2535 = arith.addi %add3A_2532, %get3A_2534 : vector<16xi32>
    %get3A_2536 = arith.constant 592 : index
    %get3A_2537 = tpu.vector_load %arg7[%get3A_2536] {strides = array<i32>} : memref<2304xi32, #tpu.memory_space<vmem>>, vector<16xi32>,
    %add3A_2538 = arith.addi %add3A_2535, %get3A_2537 : vector<16xi32>
    %get3A_2539 = arith.constant 736 : index
    %get3A_2540 = tpu.vector_load %arg7[%get3A_2539] {strides = array<i32>} : memref<2304xi32, #tpu.memory_space<vmem>>, vector<16xi32>,
    %add3A_2541 = arith.addi %add3A_2538, %get3A_2540 : vector<16xi32>
    %get3A_2542 = arith.constant 880 : index
    %get3A_2543 = tpu.vector_load %arg7[%get3A_2542] {strides = array<i32>} : memref<2304xi32, #tpu.memory_space<vmem>>, vector<16xi32>,
    %add3A_2544 = arith.addi %add3A_2541, %get3A_2543 : vector<16xi32>
    %get3A_2545 = arith.constant 1024 : index
    %get3A_2546 = tpu.vector_load %arg7[%get3A_2545] {strides = array<i32>} : memref<2304xi32, #tpu.memory_space<vmem>>, vector<16xi32>,
    %add3A_2547 = arith.addi %add3A_2544, %get3A_2546 : vector<16xi32>
    %get3A_2548 = arith.constant 1168 : index
    %get3A_2549 = tpu.vector_load %arg7[%get3A_2548] {strides = array<i32>} : memref<2304xi32, #tpu.memory_space<vmem>>, vector<16xi32>,
    %add3A_2550 = arith.addi %add3A_2547, %get3A_2549 : vector<16xi32>
    %get3A_2551 = arith.constant 1312 : index
    %get3A_2552 = tpu.vector_load %arg7[%get3A_2551] {strides = array<i32>} : memref<2304xi32, #tpu.memory_space<vmem>>, vector<16xi32>,
    %add3A_2553 = arith.addi %add3A_2550, %get3A_2552 : vector<16xi32>
    %get3A_2554 = arith.constant 1456 : index
    %get3A_2555 = tpu.vector_load %arg7[%get3A_2554] {strides = array<i32>} : memref<2304xi32, #tpu.memory_space<vmem>>, vector<16xi32>,
    %add3A_2556 = arith.addi %add3A_2553, %get3A_2555 : vector<16xi32>
    %get3A_2557 = arith.constant 1600 : index
    %get3A_2558 = tpu.vector_load %arg7[%get3A_2557] {strides = array<i32>} : memref<2304xi32, #tpu.memory_space<vmem>>, vector<16xi32>,
    %add3A_2559 = arith.addi %add3A_2556, %get3A_2558 : vector<16xi32>
    %get3A_2560 = arith.constant 1744 : index
    %get3A_2561 = tpu.vector_load %arg7[%get3A_2560] {strides = array<i32>} : memref<2304xi32, #tpu.memory_space<vmem>>, vector<16xi32>,
    %add3A_2562 = arith.addi %add3A_2559, %get3A_2561 : vector<16xi32>
    %get3A_2563 = arith.constant 1888 : index
    %get3A_2564 = tpu.vector_load %arg7[%get3A_2563] {strides = array<i32>} : memref<2304xi32, #tpu.memory_space<vmem>>, vector<16xi32>,
    %add3A_2565 = arith.addi %add3A_2562, %get3A_2564 : vector<16xi32>
    %get3A_2566 = arith.constant 2032 : index
    %get3A_2567 = tpu.vector_load %arg7[%get3A_2566] {strides = array<i32>} : memref<2304xi32, #tpu.memory_space<vmem>>, vector<16xi32>,
    %add3A_2568 = arith.addi %add3A_2565, %get3A_2567 : vector<16xi32>
    %get3A_2569 = arith.constant 2176 : index
    %get3A_2570 = tpu.vector_load %arg7[%get3A_2569] {strides = array<i32>} : memref<2304xi32, #tpu.memory_space<vmem>>, vector<16xi32>,
    %add3A_2571 = arith.addi %add3A_2568, %get3A_2570 : vector<16xi32>
    %mul3A_2572 = arith.constant 2048 : i32
    %mul3A_2573 = vector.broadcast %mul3A_2572 : i32 to vector<16xi32>
    %mul3A_2574 = arith.muli %add3A_2571, %mul3A_2573 : vector<16xi32>
    %add3A_2575 = arith.constant 16 : i32
    %add3A_2576 = vector.broadcast %add3A_2575 : i32 to vector<16xi32>
    %add3A_2577 = arith.addi %iota3A, %add3A_2576 : vector<16xi32>
    %sub3A_2578 = arith.constant 2047 : i32
    %sub3A_2579 = vector.broadcast %sub3A_2578 : i32 to vector<16xi32>
    %sub3A_2580 = arith.subi %sub3A_2579, %add3A_2577 : vector<16xi32>
    %add3A_2581 = arith.addi %mul3A_2574, %sub3A_2580 : vector<16xi32>
    %max3A_2582 = arith.maxsi %max3A_2524, %add3A_2581 : vector<16xi32>
    %get3A_2583 = arith.constant 32 : index
    %get3A_2584 = tpu.vector_load %arg7[%get3A_2583] {strides = array<i32>} : memref<2304xi32, #tpu.memory_space<vmem>>, vector<16xi32>,
    %get3A_2585 = arith.constant 176 : index
    %get3A_2586 = tpu.vector_load %arg7[%get3A_2585] {strides = array<i32>} : memref<2304xi32, #tpu.memory_space<vmem>>, vector<16xi32>,
    %add3A_2587 = arith.addi %get3A_2584, %get3A_2586 : vector<16xi32>
    %get3A_2588 = arith.constant 320 : index
    %get3A_2589 = tpu.vector_load %arg7[%get3A_2588] {strides = array<i32>} : memref<2304xi32, #tpu.memory_space<vmem>>, vector<16xi32>,
    %add3A_2590 = arith.addi %add3A_2587, %get3A_2589 : vector<16xi32>
    %get3A_2591 = arith.constant 464 : index
    %get3A_2592 = tpu.vector_load %arg7[%get3A_2591] {strides = array<i32>} : memref<2304xi32, #tpu.memory_space<vmem>>, vector<16xi32>,
    %add3A_2593 = arith.addi %add3A_2590, %get3A_2592 : vector<16xi32>
    %get3A_2594 = arith.constant 608 : index
    %get3A_2595 = tpu.vector_load %arg7[%get3A_2594] {strides = array<i32>} : memref<2304xi32, #tpu.memory_space<vmem>>, vector<16xi32>,
    %add3A_2596 = arith.addi %add3A_2593, %get3A_2595 : vector<16xi32>
    %get3A_2597 = arith.constant 752 : index
    %get3A_2598 = tpu.vector_load %arg7[%get3A_2597] {strides = array<i32>} : memref<2304xi32, #tpu.memory_space<vmem>>, vector<16xi32>,
    %add3A_2599 = arith.addi %add3A_2596, %get3A_2598 : vector<16xi32>
    %get3A_2600 = arith.constant 896 : index
    %get3A_2601 = tpu.vector_load %arg7[%get3A_2600] {strides = array<i32>} : memref<2304xi32, #tpu.memory_space<vmem>>, vector<16xi32>,
    %add3A_2602 = arith.addi %add3A_2599, %get3A_2601 : vector<16xi32>
    %get3A_2603 = arith.constant 1040 : index
    %get3A_2604 = tpu.vector_load %arg7[%get3A_2603] {strides = array<i32>} : memref<2304xi32, #tpu.memory_space<vmem>>, vector<16xi32>,
    %add3A_2605 = arith.addi %add3A_2602, %get3A_2604 : vector<16xi32>
    %get3A_2606 = arith.constant 1184 : index
    %get3A_2607 = tpu.vector_load %arg7[%get3A_2606] {strides = array<i32>} : memref<2304xi32, #tpu.memory_space<vmem>>, vector<16xi32>,
    %add3A_2608 = arith.addi %add3A_2605, %get3A_2607 : vector<16xi32>
    %get3A_2609 = arith.constant 1328 : index
    %get3A_2610 = tpu.vector_load %arg7[%get3A_2609] {strides = array<i32>} : memref<2304xi32, #tpu.memory_space<vmem>>, vector<16xi32>,
    %add3A_2611 = arith.addi %add3A_2608, %get3A_2610 : vector<16xi32>
    %get3A_2612 = arith.constant 1472 : index
    %get3A_2613 = tpu.vector_load %arg7[%get3A_2612] {strides = array<i32>} : memref<2304xi32, #tpu.memory_space<vmem>>, vector<16xi32>,
    %add3A_2614 = arith.addi %add3A_2611, %get3A_2613 : vector<16xi32>
    %get3A_2615 = arith.constant 1616 : index
    %get3A_2616 = tpu.vector_load %arg7[%get3A_2615] {strides = array<i32>} : memref<2304xi32, #tpu.memory_space<vmem>>, vector<16xi32>,
    %add3A_2617 = arith.addi %add3A_2614, %get3A_2616 : vector<16xi32>
    %get3A_2618 = arith.constant 1760 : index
    %get3A_2619 = tpu.vector_load %arg7[%get3A_2618] {strides = array<i32>} : memref<2304xi32, #tpu.memory_space<vmem>>, vector<16xi32>,
    %add3A_2620 = arith.addi %add3A_2617, %get3A_2619 : vector<16xi32>
    %get3A_2621 = arith.constant 1904 : index
    %get3A_2622 = tpu.vector_load %arg7[%get3A_2621] {strides = array<i32>} : memref<2304xi32, #tpu.memory_space<vmem>>, vector<16xi32>,
    %add3A_2623 = arith.addi %add3A_2620, %get3A_2622 : vector<16xi32>
    %get3A_2624 = arith.constant 2048 : index
    %get3A_2625 = tpu.vector_load %arg7[%get3A_2624] {strides = array<i32>} : memref<2304xi32, #tpu.memory_space<vmem>>, vector<16xi32>,
    %add3A_2626 = arith.addi %add3A_2623, %get3A_2625 : vector<16xi32>
    %get3A_2627 = arith.constant 2192 : index
    %get3A_2628 = tpu.vector_load %arg7[%get3A_2627] {strides = array<i32>} : memref<2304xi32, #tpu.memory_space<vmem>>, vector<16xi32>,
    %add3A_2629 = arith.addi %add3A_2626, %get3A_2628 : vector<16xi32>
    %mul3A_2630 = arith.constant 2048 : i32
    %mul3A_2631 = vector.broadcast %mul3A_2630 : i32 to vector<16xi32>
    %mul3A_2632 = arith.muli %add3A_2629, %mul3A_2631 : vector<16xi32>
    %add3A_2633 = arith.constant 32 : i32
    %add3A_2634 = vector.broadcast %add3A_2633 : i32 to vector<16xi32>
    %add3A_2635 = arith.addi %iota3A, %add3A_2634 : vector<16xi32>
    %sub3A_2636 = arith.constant 2047 : i32
    %sub3A_2637 = vector.broadcast %sub3A_2636 : i32 to vector<16xi32>
    %sub3A_2638 = arith.subi %sub3A_2637, %add3A_2635 : vector<16xi32>
    %add3A_2639 = arith.addi %mul3A_2632, %sub3A_2638 : vector<16xi32>
    %max3A_2640 = arith.maxsi %max3A_2582, %add3A_2639 : vector<16xi32>
    %get3A_2641 = arith.constant 48 : index
    %get3A_2642 = tpu.vector_load %arg7[%get3A_2641] {strides = array<i32>} : memref<2304xi32, #tpu.memory_space<vmem>>, vector<16xi32>,
    %get3A_2643 = arith.constant 192 : index
    %get3A_2644 = tpu.vector_load %arg7[%get3A_2643] {strides = array<i32>} : memref<2304xi32, #tpu.memory_space<vmem>>, vector<16xi32>,
    %add3A_2645 = arith.addi %get3A_2642, %get3A_2644 : vector<16xi32>
    %get3A_2646 = arith.constant 336 : index
    %get3A_2647 = tpu.vector_load %arg7[%get3A_2646] {strides = array<i32>} : memref<2304xi32, #tpu.memory_space<vmem>>, vector<16xi32>,
    %add3A_2648 = arith.addi %add3A_2645, %get3A_2647 : vector<16xi32>
    %get3A_2649 = arith.constant 480 : index
    %get3A_2650 = tpu.vector_load %arg7[%get3A_2649] {strides = array<i32>} : memref<2304xi32, #tpu.memory_space<vmem>>, vector<16xi32>,
    %add3A_2651 = arith.addi %add3A_2648, %get3A_2650 : vector<16xi32>
    %get3A_2652 = arith.constant 624 : index
    %get3A_2653 = tpu.vector_load %arg7[%get3A_2652] {strides = array<i32>} : memref<2304xi32, #tpu.memory_space<vmem>>, vector<16xi32>,
    %add3A_2654 = arith.addi %add3A_2651, %get3A_2653 : vector<16xi32>
    %get3A_2655 = arith.constant 768 : index
    %get3A_2656 = tpu.vector_load %arg7[%get3A_2655] {strides = array<i32>} : memref<2304xi32, #tpu.memory_space<vmem>>, vector<16xi32>,
    %add3A_2657 = arith.addi %add3A_2654, %get3A_2656 : vector<16xi32>
    %get3A_2658 = arith.constant 912 : index
    %get3A_2659 = tpu.vector_load %arg7[%get3A_2658] {strides = array<i32>} : memref<2304xi32, #tpu.memory_space<vmem>>, vector<16xi32>,
    %add3A_2660 = arith.addi %add3A_2657, %get3A_2659 : vector<16xi32>
    %get3A_2661 = arith.constant 1056 : index
    %get3A_2662 = tpu.vector_load %arg7[%get3A_2661] {strides = array<i32>} : memref<2304xi32, #tpu.memory_space<vmem>>, vector<16xi32>,
    %add3A_2663 = arith.addi %add3A_2660, %get3A_2662 : vector<16xi32>
    %get3A_2664 = arith.constant 1200 : index
    %get3A_2665 = tpu.vector_load %arg7[%get3A_2664] {strides = array<i32>} : memref<2304xi32, #tpu.memory_space<vmem>>, vector<16xi32>,
    %add3A_2666 = arith.addi %add3A_2663, %get3A_2665 : vector<16xi32>
    %get3A_2667 = arith.constant 1344 : index
    %get3A_2668 = tpu.vector_load %arg7[%get3A_2667] {strides = array<i32>} : memref<2304xi32, #tpu.memory_space<vmem>>, vector<16xi32>,
    %add3A_2669 = arith.addi %add3A_2666, %get3A_2668 : vector<16xi32>
    %get3A_2670 = arith.constant 1488 : index
    %get3A_2671 = tpu.vector_load %arg7[%get3A_2670] {strides = array<i32>} : memref<2304xi32, #tpu.memory_space<vmem>>, vector<16xi32>,
    %add3A_2672 = arith.addi %add3A_2669, %get3A_2671 : vector<16xi32>
    %get3A_2673 = arith.constant 1632 : index
    %get3A_2674 = tpu.vector_load %arg7[%get3A_2673] {strides = array<i32>} : memref<2304xi32, #tpu.memory_space<vmem>>, vector<16xi32>,
    %add3A_2675 = arith.addi %add3A_2672, %get3A_2674 : vector<16xi32>
    %get3A_2676 = arith.constant 1776 : index
    %get3A_2677 = tpu.vector_load %arg7[%get3A_2676] {strides = array<i32>} : memref<2304xi32, #tpu.memory_space<vmem>>, vector<16xi32>,
    %add3A_2678 = arith.addi %add3A_2675, %get3A_2677 : vector<16xi32>
    %get3A_2679 = arith.constant 1920 : index
    %get3A_2680 = tpu.vector_load %arg7[%get3A_2679] {strides = array<i32>} : memref<2304xi32, #tpu.memory_space<vmem>>, vector<16xi32>,
    %add3A_2681 = arith.addi %add3A_2678, %get3A_2680 : vector<16xi32>
    %get3A_2682 = arith.constant 2064 : index
    %get3A_2683 = tpu.vector_load %arg7[%get3A_2682] {strides = array<i32>} : memref<2304xi32, #tpu.memory_space<vmem>>, vector<16xi32>,
    %add3A_2684 = arith.addi %add3A_2681, %get3A_2683 : vector<16xi32>
    %get3A_2685 = arith.constant 2208 : index
    %get3A_2686 = tpu.vector_load %arg7[%get3A_2685] {strides = array<i32>} : memref<2304xi32, #tpu.memory_space<vmem>>, vector<16xi32>,
    %add3A_2687 = arith.addi %add3A_2684, %get3A_2686 : vector<16xi32>
    %mul3A_2688 = arith.constant 2048 : i32
    %mul3A_2689 = vector.broadcast %mul3A_2688 : i32 to vector<16xi32>
    %mul3A_2690 = arith.muli %add3A_2687, %mul3A_2689 : vector<16xi32>
    %add3A_2691 = arith.constant 48 : i32
    %add3A_2692 = vector.broadcast %add3A_2691 : i32 to vector<16xi32>
    %add3A_2693 = arith.addi %iota3A, %add3A_2692 : vector<16xi32>
    %sub3A_2694 = arith.constant 2047 : i32
    %sub3A_2695 = vector.broadcast %sub3A_2694 : i32 to vector<16xi32>
    %sub3A_2696 = arith.subi %sub3A_2695, %add3A_2693 : vector<16xi32>
    %add3A_2697 = arith.addi %mul3A_2690, %sub3A_2696 : vector<16xi32>
    %max3A_2698 = arith.maxsi %max3A_2640, %add3A_2697 : vector<16xi32>
    %get3A_2699 = arith.constant 64 : index
    %get3A_2700 = tpu.vector_load %arg7[%get3A_2699] {strides = array<i32>} : memref<2304xi32, #tpu.memory_space<vmem>>, vector<16xi32>,
    %get3A_2701 = arith.constant 208 : index
    %get3A_2702 = tpu.vector_load %arg7[%get3A_2701] {strides = array<i32>} : memref<2304xi32, #tpu.memory_space<vmem>>, vector<16xi32>,
    %add3A_2703 = arith.addi %get3A_2700, %get3A_2702 : vector<16xi32>
    %get3A_2704 = arith.constant 352 : index
    %get3A_2705 = tpu.vector_load %arg7[%get3A_2704] {strides = array<i32>} : memref<2304xi32, #tpu.memory_space<vmem>>, vector<16xi32>,
    %add3A_2706 = arith.addi %add3A_2703, %get3A_2705 : vector<16xi32>
    %get3A_2707 = arith.constant 496 : index
    %get3A_2708 = tpu.vector_load %arg7[%get3A_2707] {strides = array<i32>} : memref<2304xi32, #tpu.memory_space<vmem>>, vector<16xi32>,
    %add3A_2709 = arith.addi %add3A_2706, %get3A_2708 : vector<16xi32>
    %get3A_2710 = arith.constant 640 : index
    %get3A_2711 = tpu.vector_load %arg7[%get3A_2710] {strides = array<i32>} : memref<2304xi32, #tpu.memory_space<vmem>>, vector<16xi32>,
    %add3A_2712 = arith.addi %add3A_2709, %get3A_2711 : vector<16xi32>
    %get3A_2713 = arith.constant 784 : index
    %get3A_2714 = tpu.vector_load %arg7[%get3A_2713] {strides = array<i32>} : memref<2304xi32, #tpu.memory_space<vmem>>, vector<16xi32>,
    %add3A_2715 = arith.addi %add3A_2712, %get3A_2714 : vector<16xi32>
    %get3A_2716 = arith.constant 928 : index
    %get3A_2717 = tpu.vector_load %arg7[%get3A_2716] {strides = array<i32>} : memref<2304xi32, #tpu.memory_space<vmem>>, vector<16xi32>,
    %add3A_2718 = arith.addi %add3A_2715, %get3A_2717 : vector<16xi32>
    %get3A_2719 = arith.constant 1072 : index
    %get3A_2720 = tpu.vector_load %arg7[%get3A_2719] {strides = array<i32>} : memref<2304xi32, #tpu.memory_space<vmem>>, vector<16xi32>,
    %add3A_2721 = arith.addi %add3A_2718, %get3A_2720 : vector<16xi32>
    %get3A_2722 = arith.constant 1216 : index
    %get3A_2723 = tpu.vector_load %arg7[%get3A_2722] {strides = array<i32>} : memref<2304xi32, #tpu.memory_space<vmem>>, vector<16xi32>,
    %add3A_2724 = arith.addi %add3A_2721, %get3A_2723 : vector<16xi32>
    %get3A_2725 = arith.constant 1360 : index
    %get3A_2726 = tpu.vector_load %arg7[%get3A_2725] {strides = array<i32>} : memref<2304xi32, #tpu.memory_space<vmem>>, vector<16xi32>,
    %add3A_2727 = arith.addi %add3A_2724, %get3A_2726 : vector<16xi32>
    %get3A_2728 = arith.constant 1504 : index
    %get3A_2729 = tpu.vector_load %arg7[%get3A_2728] {strides = array<i32>} : memref<2304xi32, #tpu.memory_space<vmem>>, vector<16xi32>,
    %add3A_2730 = arith.addi %add3A_2727, %get3A_2729 : vector<16xi32>
    %get3A_2731 = arith.constant 1648 : index
    %get3A_2732 = tpu.vector_load %arg7[%get3A_2731] {strides = array<i32>} : memref<2304xi32, #tpu.memory_space<vmem>>, vector<16xi32>,
    %add3A_2733 = arith.addi %add3A_2730, %get3A_2732 : vector<16xi32>
    %get3A_2734 = arith.constant 1792 : index
    %get3A_2735 = tpu.vector_load %arg7[%get3A_2734] {strides = array<i32>} : memref<2304xi32, #tpu.memory_space<vmem>>, vector<16xi32>,
    %add3A_2736 = arith.addi %add3A_2733, %get3A_2735 : vector<16xi32>
    %get3A_2737 = arith.constant 1936 : index
    %get3A_2738 = tpu.vector_load %arg7[%get3A_2737] {strides = array<i32>} : memref<2304xi32, #tpu.memory_space<vmem>>, vector<16xi32>,
    %add3A_2739 = arith.addi %add3A_2736, %get3A_2738 : vector<16xi32>
    %get3A_2740 = arith.constant 2080 : index
    %get3A_2741 = tpu.vector_load %arg7[%get3A_2740] {strides = array<i32>} : memref<2304xi32, #tpu.memory_space<vmem>>, vector<16xi32>,
    %add3A_2742 = arith.addi %add3A_2739, %get3A_2741 : vector<16xi32>
    %get3A_2743 = arith.constant 2224 : index
    %get3A_2744 = tpu.vector_load %arg7[%get3A_2743] {strides = array<i32>} : memref<2304xi32, #tpu.memory_space<vmem>>, vector<16xi32>,
    %add3A_2745 = arith.addi %add3A_2742, %get3A_2744 : vector<16xi32>
    %mul3A_2746 = arith.constant 2048 : i32
    %mul3A_2747 = vector.broadcast %mul3A_2746 : i32 to vector<16xi32>
    %mul3A_2748 = arith.muli %add3A_2745, %mul3A_2747 : vector<16xi32>
    %add3A_2749 = arith.constant 64 : i32
    %add3A_2750 = vector.broadcast %add3A_2749 : i32 to vector<16xi32>
    %add3A_2751 = arith.addi %iota3A, %add3A_2750 : vector<16xi32>
    %sub3A_2752 = arith.constant 2047 : i32
    %sub3A_2753 = vector.broadcast %sub3A_2752 : i32 to vector<16xi32>
    %sub3A_2754 = arith.subi %sub3A_2753, %add3A_2751 : vector<16xi32>
    %add3A_2755 = arith.addi %mul3A_2748, %sub3A_2754 : vector<16xi32>
    %max3A_2756 = arith.maxsi %max3A_2698, %add3A_2755 : vector<16xi32>
    %get3A_2757 = arith.constant 80 : index
    %get3A_2758 = tpu.vector_load %arg7[%get3A_2757] {strides = array<i32>} : memref<2304xi32, #tpu.memory_space<vmem>>, vector<16xi32>,
    %get3A_2759 = arith.constant 224 : index
    %get3A_2760 = tpu.vector_load %arg7[%get3A_2759] {strides = array<i32>} : memref<2304xi32, #tpu.memory_space<vmem>>, vector<16xi32>,
    %add3A_2761 = arith.addi %get3A_2758, %get3A_2760 : vector<16xi32>
    %get3A_2762 = arith.constant 368 : index
    %get3A_2763 = tpu.vector_load %arg7[%get3A_2762] {strides = array<i32>} : memref<2304xi32, #tpu.memory_space<vmem>>, vector<16xi32>,
    %add3A_2764 = arith.addi %add3A_2761, %get3A_2763 : vector<16xi32>
    %get3A_2765 = arith.constant 512 : index
    %get3A_2766 = tpu.vector_load %arg7[%get3A_2765] {strides = array<i32>} : memref<2304xi32, #tpu.memory_space<vmem>>, vector<16xi32>,
    %add3A_2767 = arith.addi %add3A_2764, %get3A_2766 : vector<16xi32>
    %get3A_2768 = arith.constant 656 : index
    %get3A_2769 = tpu.vector_load %arg7[%get3A_2768] {strides = array<i32>} : memref<2304xi32, #tpu.memory_space<vmem>>, vector<16xi32>,
    %add3A_2770 = arith.addi %add3A_2767, %get3A_2769 : vector<16xi32>
    %get3A_2771 = arith.constant 800 : index
    %get3A_2772 = tpu.vector_load %arg7[%get3A_2771] {strides = array<i32>} : memref<2304xi32, #tpu.memory_space<vmem>>, vector<16xi32>,
    %add3A_2773 = arith.addi %add3A_2770, %get3A_2772 : vector<16xi32>
    %get3A_2774 = arith.constant 944 : index
    %get3A_2775 = tpu.vector_load %arg7[%get3A_2774] {strides = array<i32>} : memref<2304xi32, #tpu.memory_space<vmem>>, vector<16xi32>,
    %add3A_2776 = arith.addi %add3A_2773, %get3A_2775 : vector<16xi32>
    %get3A_2777 = arith.constant 1088 : index
    %get3A_2778 = tpu.vector_load %arg7[%get3A_2777] {strides = array<i32>} : memref<2304xi32, #tpu.memory_space<vmem>>, vector<16xi32>,
    %add3A_2779 = arith.addi %add3A_2776, %get3A_2778 : vector<16xi32>
    %get3A_2780 = arith.constant 1232 : index
    %get3A_2781 = tpu.vector_load %arg7[%get3A_2780] {strides = array<i32>} : memref<2304xi32, #tpu.memory_space<vmem>>, vector<16xi32>,
    %add3A_2782 = arith.addi %add3A_2779, %get3A_2781 : vector<16xi32>
    %get3A_2783 = arith.constant 1376 : index
    %get3A_2784 = tpu.vector_load %arg7[%get3A_2783] {strides = array<i32>} : memref<2304xi32, #tpu.memory_space<vmem>>, vector<16xi32>,
    %add3A_2785 = arith.addi %add3A_2782, %get3A_2784 : vector<16xi32>
    %get3A_2786 = arith.constant 1520 : index
    %get3A_2787 = tpu.vector_load %arg7[%get3A_2786] {strides = array<i32>} : memref<2304xi32, #tpu.memory_space<vmem>>, vector<16xi32>,
    %add3A_2788 = arith.addi %add3A_2785, %get3A_2787 : vector<16xi32>
    %get3A_2789 = arith.constant 1664 : index
    %get3A_2790 = tpu.vector_load %arg7[%get3A_2789] {strides = array<i32>} : memref<2304xi32, #tpu.memory_space<vmem>>, vector<16xi32>,
    %add3A_2791 = arith.addi %add3A_2788, %get3A_2790 : vector<16xi32>
    %get3A_2792 = arith.constant 1808 : index
    %get3A_2793 = tpu.vector_load %arg7[%get3A_2792] {strides = array<i32>} : memref<2304xi32, #tpu.memory_space<vmem>>, vector<16xi32>,
    %add3A_2794 = arith.addi %add3A_2791, %get3A_2793 : vector<16xi32>
    %get3A_2795 = arith.constant 1952 : index
    %get3A_2796 = tpu.vector_load %arg7[%get3A_2795] {strides = array<i32>} : memref<2304xi32, #tpu.memory_space<vmem>>, vector<16xi32>,
    %add3A_2797 = arith.addi %add3A_2794, %get3A_2796 : vector<16xi32>
    %get3A_2798 = arith.constant 2096 : index
    %get3A_2799 = tpu.vector_load %arg7[%get3A_2798] {strides = array<i32>} : memref<2304xi32, #tpu.memory_space<vmem>>, vector<16xi32>,
    %add3A_2800 = arith.addi %add3A_2797, %get3A_2799 : vector<16xi32>
    %get3A_2801 = arith.constant 2240 : index
    %get3A_2802 = tpu.vector_load %arg7[%get3A_2801] {strides = array<i32>} : memref<2304xi32, #tpu.memory_space<vmem>>, vector<16xi32>,
    %add3A_2803 = arith.addi %add3A_2800, %get3A_2802 : vector<16xi32>
    %mul3A_2804 = arith.constant 2048 : i32
    %mul3A_2805 = vector.broadcast %mul3A_2804 : i32 to vector<16xi32>
    %mul3A_2806 = arith.muli %add3A_2803, %mul3A_2805 : vector<16xi32>
    %add3A_2807 = arith.constant 80 : i32
    %add3A_2808 = vector.broadcast %add3A_2807 : i32 to vector<16xi32>
    %add3A_2809 = arith.addi %iota3A, %add3A_2808 : vector<16xi32>
    %sub3A_2810 = arith.constant 2047 : i32
    %sub3A_2811 = vector.broadcast %sub3A_2810 : i32 to vector<16xi32>
    %sub3A_2812 = arith.subi %sub3A_2811, %add3A_2809 : vector<16xi32>
    %add3A_2813 = arith.addi %mul3A_2806, %sub3A_2812 : vector<16xi32>
    %max3A_2814 = arith.maxsi %max3A_2756, %add3A_2813 : vector<16xi32>
    %get3A_2815 = arith.constant 96 : index
    %get3A_2816 = tpu.vector_load %arg7[%get3A_2815] {strides = array<i32>} : memref<2304xi32, #tpu.memory_space<vmem>>, vector<16xi32>,
    %get3A_2817 = arith.constant 240 : index
    %get3A_2818 = tpu.vector_load %arg7[%get3A_2817] {strides = array<i32>} : memref<2304xi32, #tpu.memory_space<vmem>>, vector<16xi32>,
    %add3A_2819 = arith.addi %get3A_2816, %get3A_2818 : vector<16xi32>
    %get3A_2820 = arith.constant 384 : index
    %get3A_2821 = tpu.vector_load %arg7[%get3A_2820] {strides = array<i32>} : memref<2304xi32, #tpu.memory_space<vmem>>, vector<16xi32>,
    %add3A_2822 = arith.addi %add3A_2819, %get3A_2821 : vector<16xi32>
    %get3A_2823 = arith.constant 528 : index
    %get3A_2824 = tpu.vector_load %arg7[%get3A_2823] {strides = array<i32>} : memref<2304xi32, #tpu.memory_space<vmem>>, vector<16xi32>,
    %add3A_2825 = arith.addi %add3A_2822, %get3A_2824 : vector<16xi32>
    %get3A_2826 = arith.constant 672 : index
    %get3A_2827 = tpu.vector_load %arg7[%get3A_2826] {strides = array<i32>} : memref<2304xi32, #tpu.memory_space<vmem>>, vector<16xi32>,
    %add3A_2828 = arith.addi %add3A_2825, %get3A_2827 : vector<16xi32>
    %get3A_2829 = arith.constant 816 : index
    %get3A_2830 = tpu.vector_load %arg7[%get3A_2829] {strides = array<i32>} : memref<2304xi32, #tpu.memory_space<vmem>>, vector<16xi32>,
    %add3A_2831 = arith.addi %add3A_2828, %get3A_2830 : vector<16xi32>
    %get3A_2832 = arith.constant 960 : index
    %get3A_2833 = tpu.vector_load %arg7[%get3A_2832] {strides = array<i32>} : memref<2304xi32, #tpu.memory_space<vmem>>, vector<16xi32>,
    %add3A_2834 = arith.addi %add3A_2831, %get3A_2833 : vector<16xi32>
    %get3A_2835 = arith.constant 1104 : index
    %get3A_2836 = tpu.vector_load %arg7[%get3A_2835] {strides = array<i32>} : memref<2304xi32, #tpu.memory_space<vmem>>, vector<16xi32>,
    %add3A_2837 = arith.addi %add3A_2834, %get3A_2836 : vector<16xi32>
    %get3A_2838 = arith.constant 1248 : index
    %get3A_2839 = tpu.vector_load %arg7[%get3A_2838] {strides = array<i32>} : memref<2304xi32, #tpu.memory_space<vmem>>, vector<16xi32>,
    %add3A_2840 = arith.addi %add3A_2837, %get3A_2839 : vector<16xi32>
    %get3A_2841 = arith.constant 1392 : index
    %get3A_2842 = tpu.vector_load %arg7[%get3A_2841] {strides = array<i32>} : memref<2304xi32, #tpu.memory_space<vmem>>, vector<16xi32>,
    %add3A_2843 = arith.addi %add3A_2840, %get3A_2842 : vector<16xi32>
    %get3A_2844 = arith.constant 1536 : index
    %get3A_2845 = tpu.vector_load %arg7[%get3A_2844] {strides = array<i32>} : memref<2304xi32, #tpu.memory_space<vmem>>, vector<16xi32>,
    %add3A_2846 = arith.addi %add3A_2843, %get3A_2845 : vector<16xi32>
    %get3A_2847 = arith.constant 1680 : index
    %get3A_2848 = tpu.vector_load %arg7[%get3A_2847] {strides = array<i32>} : memref<2304xi32, #tpu.memory_space<vmem>>, vector<16xi32>,
    %add3A_2849 = arith.addi %add3A_2846, %get3A_2848 : vector<16xi32>
    %get3A_2850 = arith.constant 1824 : index
    %get3A_2851 = tpu.vector_load %arg7[%get3A_2850] {strides = array<i32>} : memref<2304xi32, #tpu.memory_space<vmem>>, vector<16xi32>,
    %add3A_2852 = arith.addi %add3A_2849, %get3A_2851 : vector<16xi32>
    %get3A_2853 = arith.constant 1968 : index
    %get3A_2854 = tpu.vector_load %arg7[%get3A_2853] {strides = array<i32>} : memref<2304xi32, #tpu.memory_space<vmem>>, vector<16xi32>,
    %add3A_2855 = arith.addi %add3A_2852, %get3A_2854 : vector<16xi32>
    %get3A_2856 = arith.constant 2112 : index
    %get3A_2857 = tpu.vector_load %arg7[%get3A_2856] {strides = array<i32>} : memref<2304xi32, #tpu.memory_space<vmem>>, vector<16xi32>,
    %add3A_2858 = arith.addi %add3A_2855, %get3A_2857 : vector<16xi32>
    %get3A_2859 = arith.constant 2256 : index
    %get3A_2860 = tpu.vector_load %arg7[%get3A_2859] {strides = array<i32>} : memref<2304xi32, #tpu.memory_space<vmem>>, vector<16xi32>,
    %add3A_2861 = arith.addi %add3A_2858, %get3A_2860 : vector<16xi32>
    %mul3A_2862 = arith.constant 2048 : i32
    %mul3A_2863 = vector.broadcast %mul3A_2862 : i32 to vector<16xi32>
    %mul3A_2864 = arith.muli %add3A_2861, %mul3A_2863 : vector<16xi32>
    %add3A_2865 = arith.constant 96 : i32
    %add3A_2866 = vector.broadcast %add3A_2865 : i32 to vector<16xi32>
    %add3A_2867 = arith.addi %iota3A, %add3A_2866 : vector<16xi32>
    %sub3A_2868 = arith.constant 2047 : i32
    %sub3A_2869 = vector.broadcast %sub3A_2868 : i32 to vector<16xi32>
    %sub3A_2870 = arith.subi %sub3A_2869, %add3A_2867 : vector<16xi32>
    %add3A_2871 = arith.addi %mul3A_2864, %sub3A_2870 : vector<16xi32>
    %max3A_2872 = arith.maxsi %max3A_2814, %add3A_2871 : vector<16xi32>
    %get3A_2873 = arith.constant 112 : index
    %get3A_2874 = tpu.vector_load %arg7[%get3A_2873] {strides = array<i32>} : memref<2304xi32, #tpu.memory_space<vmem>>, vector<16xi32>,
    %get3A_2875 = arith.constant 256 : index
    %get3A_2876 = tpu.vector_load %arg7[%get3A_2875] {strides = array<i32>} : memref<2304xi32, #tpu.memory_space<vmem>>, vector<16xi32>,
    %add3A_2877 = arith.addi %get3A_2874, %get3A_2876 : vector<16xi32>
    %get3A_2878 = arith.constant 400 : index
    %get3A_2879 = tpu.vector_load %arg7[%get3A_2878] {strides = array<i32>} : memref<2304xi32, #tpu.memory_space<vmem>>, vector<16xi32>,
    %add3A_2880 = arith.addi %add3A_2877, %get3A_2879 : vector<16xi32>
    %get3A_2881 = arith.constant 544 : index
    %get3A_2882 = tpu.vector_load %arg7[%get3A_2881] {strides = array<i32>} : memref<2304xi32, #tpu.memory_space<vmem>>, vector<16xi32>,
    %add3A_2883 = arith.addi %add3A_2880, %get3A_2882 : vector<16xi32>
    %get3A_2884 = arith.constant 688 : index
    %get3A_2885 = tpu.vector_load %arg7[%get3A_2884] {strides = array<i32>} : memref<2304xi32, #tpu.memory_space<vmem>>, vector<16xi32>,
    %add3A_2886 = arith.addi %add3A_2883, %get3A_2885 : vector<16xi32>
    %get3A_2887 = arith.constant 832 : index
    %get3A_2888 = tpu.vector_load %arg7[%get3A_2887] {strides = array<i32>} : memref<2304xi32, #tpu.memory_space<vmem>>, vector<16xi32>,
    %add3A_2889 = arith.addi %add3A_2886, %get3A_2888 : vector<16xi32>
    %get3A_2890 = arith.constant 976 : index
    %get3A_2891 = tpu.vector_load %arg7[%get3A_2890] {strides = array<i32>} : memref<2304xi32, #tpu.memory_space<vmem>>, vector<16xi32>,
    %add3A_2892 = arith.addi %add3A_2889, %get3A_2891 : vector<16xi32>
    %get3A_2893 = arith.constant 1120 : index
    %get3A_2894 = tpu.vector_load %arg7[%get3A_2893] {strides = array<i32>} : memref<2304xi32, #tpu.memory_space<vmem>>, vector<16xi32>,
    %add3A_2895 = arith.addi %add3A_2892, %get3A_2894 : vector<16xi32>
    %get3A_2896 = arith.constant 1264 : index
    %get3A_2897 = tpu.vector_load %arg7[%get3A_2896] {strides = array<i32>} : memref<2304xi32, #tpu.memory_space<vmem>>, vector<16xi32>,
    %add3A_2898 = arith.addi %add3A_2895, %get3A_2897 : vector<16xi32>
    %get3A_2899 = arith.constant 1408 : index
    %get3A_2900 = tpu.vector_load %arg7[%get3A_2899] {strides = array<i32>} : memref<2304xi32, #tpu.memory_space<vmem>>, vector<16xi32>,
    %add3A_2901 = arith.addi %add3A_2898, %get3A_2900 : vector<16xi32>
    %get3A_2902 = arith.constant 1552 : index
    %get3A_2903 = tpu.vector_load %arg7[%get3A_2902] {strides = array<i32>} : memref<2304xi32, #tpu.memory_space<vmem>>, vector<16xi32>,
    %add3A_2904 = arith.addi %add3A_2901, %get3A_2903 : vector<16xi32>
    %get3A_2905 = arith.constant 1696 : index
    %get3A_2906 = tpu.vector_load %arg7[%get3A_2905] {strides = array<i32>} : memref<2304xi32, #tpu.memory_space<vmem>>, vector<16xi32>,
    %add3A_2907 = arith.addi %add3A_2904, %get3A_2906 : vector<16xi32>
    %get3A_2908 = arith.constant 1840 : index
    %get3A_2909 = tpu.vector_load %arg7[%get3A_2908] {strides = array<i32>} : memref<2304xi32, #tpu.memory_space<vmem>>, vector<16xi32>,
    %add3A_2910 = arith.addi %add3A_2907, %get3A_2909 : vector<16xi32>
    %get3A_2911 = arith.constant 1984 : index
    %get3A_2912 = tpu.vector_load %arg7[%get3A_2911] {strides = array<i32>} : memref<2304xi32, #tpu.memory_space<vmem>>, vector<16xi32>,
    %add3A_2913 = arith.addi %add3A_2910, %get3A_2912 : vector<16xi32>
    %get3A_2914 = arith.constant 2128 : index
    %get3A_2915 = tpu.vector_load %arg7[%get3A_2914] {strides = array<i32>} : memref<2304xi32, #tpu.memory_space<vmem>>, vector<16xi32>,
    %add3A_2916 = arith.addi %add3A_2913, %get3A_2915 : vector<16xi32>
    %get3A_2917 = arith.constant 2272 : index
    %get3A_2918 = tpu.vector_load %arg7[%get3A_2917] {strides = array<i32>} : memref<2304xi32, #tpu.memory_space<vmem>>, vector<16xi32>,
    %add3A_2919 = arith.addi %add3A_2916, %get3A_2918 : vector<16xi32>
    %mul3A_2920 = arith.constant 2048 : i32
    %mul3A_2921 = vector.broadcast %mul3A_2920 : i32 to vector<16xi32>
    %mul3A_2922 = arith.muli %add3A_2919, %mul3A_2921 : vector<16xi32>
    %add3A_2923 = arith.constant 112 : i32
    %add3A_2924 = vector.broadcast %add3A_2923 : i32 to vector<16xi32>
    %add3A_2925 = arith.addi %iota3A, %add3A_2924 : vector<16xi32>
    %sub3A_2926 = arith.constant 2047 : i32
    %sub3A_2927 = vector.broadcast %sub3A_2926 : i32 to vector<16xi32>
    %sub3A_2928 = arith.subi %sub3A_2927, %add3A_2925 : vector<16xi32>
    %add3A_2929 = arith.addi %mul3A_2922, %sub3A_2928 : vector<16xi32>
    %max3A_2930 = arith.maxsi %max3A_2872, %add3A_2929 : vector<16xi32>
    %get3A_2931 = arith.constant 128 : index
    %get3A_2932 = tpu.vector_load %arg7[%get3A_2931] {strides = array<i32>} : memref<2304xi32, #tpu.memory_space<vmem>>, vector<16xi32>,
    %get3A_2933 = arith.constant 272 : index
    %get3A_2934 = tpu.vector_load %arg7[%get3A_2933] {strides = array<i32>} : memref<2304xi32, #tpu.memory_space<vmem>>, vector<16xi32>,
    %add3A_2935 = arith.addi %get3A_2932, %get3A_2934 : vector<16xi32>
    %get3A_2936 = arith.constant 416 : index
    %get3A_2937 = tpu.vector_load %arg7[%get3A_2936] {strides = array<i32>} : memref<2304xi32, #tpu.memory_space<vmem>>, vector<16xi32>,
    %add3A_2938 = arith.addi %add3A_2935, %get3A_2937 : vector<16xi32>
    %get3A_2939 = arith.constant 560 : index
    %get3A_2940 = tpu.vector_load %arg7[%get3A_2939] {strides = array<i32>} : memref<2304xi32, #tpu.memory_space<vmem>>, vector<16xi32>,
    %add3A_2941 = arith.addi %add3A_2938, %get3A_2940 : vector<16xi32>
    %get3A_2942 = arith.constant 704 : index
    %get3A_2943 = tpu.vector_load %arg7[%get3A_2942] {strides = array<i32>} : memref<2304xi32, #tpu.memory_space<vmem>>, vector<16xi32>,
    %add3A_2944 = arith.addi %add3A_2941, %get3A_2943 : vector<16xi32>
    %get3A_2945 = arith.constant 848 : index
    %get3A_2946 = tpu.vector_load %arg7[%get3A_2945] {strides = array<i32>} : memref<2304xi32, #tpu.memory_space<vmem>>, vector<16xi32>,
    %add3A_2947 = arith.addi %add3A_2944, %get3A_2946 : vector<16xi32>
    %get3A_2948 = arith.constant 992 : index
    %get3A_2949 = tpu.vector_load %arg7[%get3A_2948] {strides = array<i32>} : memref<2304xi32, #tpu.memory_space<vmem>>, vector<16xi32>,
    %add3A_2950 = arith.addi %add3A_2947, %get3A_2949 : vector<16xi32>
    %get3A_2951 = arith.constant 1136 : index
    %get3A_2952 = tpu.vector_load %arg7[%get3A_2951] {strides = array<i32>} : memref<2304xi32, #tpu.memory_space<vmem>>, vector<16xi32>,
    %add3A_2953 = arith.addi %add3A_2950, %get3A_2952 : vector<16xi32>
    %get3A_2954 = arith.constant 1280 : index
    %get3A_2955 = tpu.vector_load %arg7[%get3A_2954] {strides = array<i32>} : memref<2304xi32, #tpu.memory_space<vmem>>, vector<16xi32>,
    %add3A_2956 = arith.addi %add3A_2953, %get3A_2955 : vector<16xi32>
    %get3A_2957 = arith.constant 1424 : index
    %get3A_2958 = tpu.vector_load %arg7[%get3A_2957] {strides = array<i32>} : memref<2304xi32, #tpu.memory_space<vmem>>, vector<16xi32>,
    %add3A_2959 = arith.addi %add3A_2956, %get3A_2958 : vector<16xi32>
    %get3A_2960 = arith.constant 1568 : index
    %get3A_2961 = tpu.vector_load %arg7[%get3A_2960] {strides = array<i32>} : memref<2304xi32, #tpu.memory_space<vmem>>, vector<16xi32>,
    %add3A_2962 = arith.addi %add3A_2959, %get3A_2961 : vector<16xi32>
    %get3A_2963 = arith.constant 1712 : index
    %get3A_2964 = tpu.vector_load %arg7[%get3A_2963] {strides = array<i32>} : memref<2304xi32, #tpu.memory_space<vmem>>, vector<16xi32>,
    %add3A_2965 = arith.addi %add3A_2962, %get3A_2964 : vector<16xi32>
    %get3A_2966 = arith.constant 1856 : index
    %get3A_2967 = tpu.vector_load %arg7[%get3A_2966] {strides = array<i32>} : memref<2304xi32, #tpu.memory_space<vmem>>, vector<16xi32>,
    %add3A_2968 = arith.addi %add3A_2965, %get3A_2967 : vector<16xi32>
    %get3A_2969 = arith.constant 2000 : index
    %get3A_2970 = tpu.vector_load %arg7[%get3A_2969] {strides = array<i32>} : memref<2304xi32, #tpu.memory_space<vmem>>, vector<16xi32>,
    %add3A_2971 = arith.addi %add3A_2968, %get3A_2970 : vector<16xi32>
    %get3A_2972 = arith.constant 2144 : index
    %get3A_2973 = tpu.vector_load %arg7[%get3A_2972] {strides = array<i32>} : memref<2304xi32, #tpu.memory_space<vmem>>, vector<16xi32>,
    %add3A_2974 = arith.addi %add3A_2971, %get3A_2973 : vector<16xi32>
    %get3A_2975 = arith.constant 2288 : index
    %get3A_2976 = tpu.vector_load %arg7[%get3A_2975] {strides = array<i32>} : memref<2304xi32, #tpu.memory_space<vmem>>, vector<16xi32>,
    %add3A_2977 = arith.addi %add3A_2974, %get3A_2976 : vector<16xi32>
    %mul3A_2978 = arith.constant 2048 : i32
    %mul3A_2979 = vector.broadcast %mul3A_2978 : i32 to vector<16xi32>
    %mul3A_2980 = arith.muli %add3A_2977, %mul3A_2979 : vector<16xi32>
    %add3A_2981 = arith.constant 128 : i32
    %add3A_2982 = vector.broadcast %add3A_2981 : i32 to vector<16xi32>
    %add3A_2983 = arith.addi %iota3A, %add3A_2982 : vector<16xi32>
    %sub3A_2984 = arith.constant 2047 : i32
    %sub3A_2985 = vector.broadcast %sub3A_2984 : i32 to vector<16xi32>
    %sub3A_2986 = arith.subi %sub3A_2985, %add3A_2983 : vector<16xi32>
    %add3A_2987 = arith.addi %mul3A_2980, %sub3A_2986 : vector<16xi32>
    %max3A_2988 = arith.maxsi %max3A_2930, %add3A_2987 : vector<16xi32>
    %reduce_max3A_2989 = arith.constant true
    %reduce_max3A_2990 = vector.broadcast %reduce_max3A_2989 : i1 to vector<16xi1>
    %reduce_max3A_2991 = arith.constant -2147483648 : i32
    %reduce_max3A_2992 = vector.broadcast %reduce_max3A_2991 : i32 to vector<16xi32>
    %reduce_max3A_2993 = arith.xori %max3A_2988, %reduce_max3A_2992 : vector<16xi32>
    %reduce_max3A_2994 = tpu.scan <max>, %reduce_max3A_2993 masked %reduce_max3A_2990 : vector<16xi32>, vector<16xi1> -> vector<16xi32>
    %reduce_max3A_2995 = arith.xori %reduce_max3A_2994, %reduce_max3A_2992 : vector<16xi32>
    %reduce_max3A_2996 = vector.extract %reduce_max3A_2995[15] : i32 from vector<16xi32>
    %and3A_2997 = arith.constant 2047 : i32
    %and3A_2998 = arith.andi %reduce_max3A_2996, %and3A_2997 : i32
    %sub3A_2999 = arith.constant 2047 : i32
    %sub3A_3000 = arith.subi %sub3A_2999, %and3A_2998 : i32
    %add3A_3001 = arith.constant 0 : i32
    %add3A_3002 = vector.broadcast %add3A_3001 : i32 to vector<16xi32>
    %add3A_3003 = arith.addi %iota3A, %add3A_3002 : vector<16xi32>
    %eq3A_3004 = vector.broadcast %sub3A_3000 : i32 to vector<16xi32>
    %eq3A_3005 = arith.cmpi eq, %add3A_3003, %eq3A_3004 : vector<16xi32>
    %jit3A_3006 = arith.constant 1.000000e+00 : f32
    %jit3A_3007 = arith.constant 0.000000e+00 : f32
    %broadcast_in_dim3A_3008 = vector.broadcast %jit3A_3006 : f32 to vector<16xf32>
    %broadcast_in_dim3A_3009 = vector.broadcast %jit3A_3007 : f32 to vector<16xf32>
    %select_n3A_3010 = arith.select %eq3A_3005, %broadcast_in_dim3A_3008, %broadcast_in_dim3A_3009 : vector<16xi1>, vector<16xf32>
    %swap3A_3011 = arith.constant 0 : index
    %swap3A_3012 = tpu.vector_load %arg8[%swap3A_3011] {strides = array<i32>} : memref<144xf32, #tpu.memory_space<vmem>>, vector<16xf32>,
    tpu.vector_store %arg8[%swap3A_3011], %select_n3A_3010 {strides = array<i32>} : memref<144xf32, #tpu.memory_space<vmem>>, vector<16xf32>,
    %add3A_3013 = arith.constant 16 : i32
    %add3A_3014 = vector.broadcast %add3A_3013 : i32 to vector<16xi32>
    %add3A_3015 = arith.addi %iota3A, %add3A_3014 : vector<16xi32>
    %eq3A_3016 = vector.broadcast %sub3A_3000 : i32 to vector<16xi32>
    %eq3A_3017 = arith.cmpi eq, %add3A_3015, %eq3A_3016 : vector<16xi32>
    %jit3A_3018 = arith.constant 1.000000e+00 : f32
    %jit3A_3019 = arith.constant 0.000000e+00 : f32
    %broadcast_in_dim3A_3020 = vector.broadcast %jit3A_3018 : f32 to vector<16xf32>
    %broadcast_in_dim3A_3021 = vector.broadcast %jit3A_3019 : f32 to vector<16xf32>
    %select_n3A_3022 = arith.select %eq3A_3017, %broadcast_in_dim3A_3020, %broadcast_in_dim3A_3021 : vector<16xi1>, vector<16xf32>
    %swap3A_3023 = arith.constant 16 : index
    %swap3A_3024 = tpu.vector_load %arg8[%swap3A_3023] {strides = array<i32>} : memref<144xf32, #tpu.memory_space<vmem>>, vector<16xf32>,
    tpu.vector_store %arg8[%swap3A_3023], %select_n3A_3022 {strides = array<i32>} : memref<144xf32, #tpu.memory_space<vmem>>, vector<16xf32>,
    %add3A_3025 = arith.constant 32 : i32
    %add3A_3026 = vector.broadcast %add3A_3025 : i32 to vector<16xi32>
    %add3A_3027 = arith.addi %iota3A, %add3A_3026 : vector<16xi32>
    %eq3A_3028 = vector.broadcast %sub3A_3000 : i32 to vector<16xi32>
    %eq3A_3029 = arith.cmpi eq, %add3A_3027, %eq3A_3028 : vector<16xi32>
    %jit3A_3030 = arith.constant 1.000000e+00 : f32
    %jit3A_3031 = arith.constant 0.000000e+00 : f32
    %broadcast_in_dim3A_3032 = vector.broadcast %jit3A_3030 : f32 to vector<16xf32>
    %broadcast_in_dim3A_3033 = vector.broadcast %jit3A_3031 : f32 to vector<16xf32>
    %select_n3A_3034 = arith.select %eq3A_3029, %broadcast_in_dim3A_3032, %broadcast_in_dim3A_3033 : vector<16xi1>, vector<16xf32>
    %swap3A_3035 = arith.constant 32 : index
    %swap3A_3036 = tpu.vector_load %arg8[%swap3A_3035] {strides = array<i32>} : memref<144xf32, #tpu.memory_space<vmem>>, vector<16xf32>,
    tpu.vector_store %arg8[%swap3A_3035], %select_n3A_3034 {strides = array<i32>} : memref<144xf32, #tpu.memory_space<vmem>>, vector<16xf32>,
    %add3A_3037 = arith.constant 48 : i32
    %add3A_3038 = vector.broadcast %add3A_3037 : i32 to vector<16xi32>
    %add3A_3039 = arith.addi %iota3A, %add3A_3038 : vector<16xi32>
    %eq3A_3040 = vector.broadcast %sub3A_3000 : i32 to vector<16xi32>
    %eq3A_3041 = arith.cmpi eq, %add3A_3039, %eq3A_3040 : vector<16xi32>
    %jit3A_3042 = arith.constant 1.000000e+00 : f32
    %jit3A_3043 = arith.constant 0.000000e+00 : f32
    %broadcast_in_dim3A_3044 = vector.broadcast %jit3A_3042 : f32 to vector<16xf32>
    %broadcast_in_dim3A_3045 = vector.broadcast %jit3A_3043 : f32 to vector<16xf32>
    %select_n3A_3046 = arith.select %eq3A_3041, %broadcast_in_dim3A_3044, %broadcast_in_dim3A_3045 : vector<16xi1>, vector<16xf32>
    %swap3A_3047 = arith.constant 48 : index
    %swap3A_3048 = tpu.vector_load %arg8[%swap3A_3047] {strides = array<i32>} : memref<144xf32, #tpu.memory_space<vmem>>, vector<16xf32>,
    tpu.vector_store %arg8[%swap3A_3047], %select_n3A_3046 {strides = array<i32>} : memref<144xf32, #tpu.memory_space<vmem>>, vector<16xf32>,
    %add3A_3049 = arith.constant 64 : i32
    %add3A_3050 = vector.broadcast %add3A_3049 : i32 to vector<16xi32>
    %add3A_3051 = arith.addi %iota3A, %add3A_3050 : vector<16xi32>
    %eq3A_3052 = vector.broadcast %sub3A_3000 : i32 to vector<16xi32>
    %eq3A_3053 = arith.cmpi eq, %add3A_3051, %eq3A_3052 : vector<16xi32>
    %jit3A_3054 = arith.constant 1.000000e+00 : f32
    %jit3A_3055 = arith.constant 0.000000e+00 : f32
    %broadcast_in_dim3A_3056 = vector.broadcast %jit3A_3054 : f32 to vector<16xf32>
    %broadcast_in_dim3A_3057 = vector.broadcast %jit3A_3055 : f32 to vector<16xf32>
    %select_n3A_3058 = arith.select %eq3A_3053, %broadcast_in_dim3A_3056, %broadcast_in_dim3A_3057 : vector<16xi1>, vector<16xf32>
    %swap3A_3059 = arith.constant 64 : index
    %swap3A_3060 = tpu.vector_load %arg8[%swap3A_3059] {strides = array<i32>} : memref<144xf32, #tpu.memory_space<vmem>>, vector<16xf32>,
    tpu.vector_store %arg8[%swap3A_3059], %select_n3A_3058 {strides = array<i32>} : memref<144xf32, #tpu.memory_space<vmem>>, vector<16xf32>,
    %add3A_3061 = arith.constant 80 : i32
    %add3A_3062 = vector.broadcast %add3A_3061 : i32 to vector<16xi32>
    %add3A_3063 = arith.addi %iota3A, %add3A_3062 : vector<16xi32>
    %eq3A_3064 = vector.broadcast %sub3A_3000 : i32 to vector<16xi32>
    %eq3A_3065 = arith.cmpi eq, %add3A_3063, %eq3A_3064 : vector<16xi32>
    %jit3A_3066 = arith.constant 1.000000e+00 : f32
    %jit3A_3067 = arith.constant 0.000000e+00 : f32
    %broadcast_in_dim3A_3068 = vector.broadcast %jit3A_3066 : f32 to vector<16xf32>
    %broadcast_in_dim3A_3069 = vector.broadcast %jit3A_3067 : f32 to vector<16xf32>
    %select_n3A_3070 = arith.select %eq3A_3065, %broadcast_in_dim3A_3068, %broadcast_in_dim3A_3069 : vector<16xi1>, vector<16xf32>
    %swap3A_3071 = arith.constant 80 : index
    %swap3A_3072 = tpu.vector_load %arg8[%swap3A_3071] {strides = array<i32>} : memref<144xf32, #tpu.memory_space<vmem>>, vector<16xf32>,
    tpu.vector_store %arg8[%swap3A_3071], %select_n3A_3070 {strides = array<i32>} : memref<144xf32, #tpu.memory_space<vmem>>, vector<16xf32>,
    %add3A_3073 = arith.constant 96 : i32
    %add3A_3074 = vector.broadcast %add3A_3073 : i32 to vector<16xi32>
    %add3A_3075 = arith.addi %iota3A, %add3A_3074 : vector<16xi32>
    %eq3A_3076 = vector.broadcast %sub3A_3000 : i32 to vector<16xi32>
    %eq3A_3077 = arith.cmpi eq, %add3A_3075, %eq3A_3076 : vector<16xi32>
    %jit3A_3078 = arith.constant 1.000000e+00 : f32
    %jit3A_3079 = arith.constant 0.000000e+00 : f32
    %broadcast_in_dim3A_3080 = vector.broadcast %jit3A_3078 : f32 to vector<16xf32>
    %broadcast_in_dim3A_3081 = vector.broadcast %jit3A_3079 : f32 to vector<16xf32>
    %select_n3A_3082 = arith.select %eq3A_3077, %broadcast_in_dim3A_3080, %broadcast_in_dim3A_3081 : vector<16xi1>, vector<16xf32>
    %swap3A_3083 = arith.constant 96 : index
    %swap3A_3084 = tpu.vector_load %arg8[%swap3A_3083] {strides = array<i32>} : memref<144xf32, #tpu.memory_space<vmem>>, vector<16xf32>,
    tpu.vector_store %arg8[%swap3A_3083], %select_n3A_3082 {strides = array<i32>} : memref<144xf32, #tpu.memory_space<vmem>>, vector<16xf32>,
    %add3A_3085 = arith.constant 112 : i32
    %add3A_3086 = vector.broadcast %add3A_3085 : i32 to vector<16xi32>
    %add3A_3087 = arith.addi %iota3A, %add3A_3086 : vector<16xi32>
    %eq3A_3088 = vector.broadcast %sub3A_3000 : i32 to vector<16xi32>
    %eq3A_3089 = arith.cmpi eq, %add3A_3087, %eq3A_3088 : vector<16xi32>
    %jit3A_3090 = arith.constant 1.000000e+00 : f32
    %jit3A_3091 = arith.constant 0.000000e+00 : f32
    %broadcast_in_dim3A_3092 = vector.broadcast %jit3A_3090 : f32 to vector<16xf32>
    %broadcast_in_dim3A_3093 = vector.broadcast %jit3A_3091 : f32 to vector<16xf32>
    %select_n3A_3094 = arith.select %eq3A_3089, %broadcast_in_dim3A_3092, %broadcast_in_dim3A_3093 : vector<16xi1>, vector<16xf32>
    %swap3A_3095 = arith.constant 112 : index
    %swap3A_3096 = tpu.vector_load %arg8[%swap3A_3095] {strides = array<i32>} : memref<144xf32, #tpu.memory_space<vmem>>, vector<16xf32>,
    tpu.vector_store %arg8[%swap3A_3095], %select_n3A_3094 {strides = array<i32>} : memref<144xf32, #tpu.memory_space<vmem>>, vector<16xf32>,
    %add3A_3097 = arith.constant 128 : i32
    %add3A_3098 = vector.broadcast %add3A_3097 : i32 to vector<16xi32>
    %add3A_3099 = arith.addi %iota3A, %add3A_3098 : vector<16xi32>
    %eq3A_3100 = vector.broadcast %sub3A_3000 : i32 to vector<16xi32>
    %eq3A_3101 = arith.cmpi eq, %add3A_3099, %eq3A_3100 : vector<16xi32>
    %jit3A_3102 = arith.constant 1.000000e+00 : f32
    %jit3A_3103 = arith.constant 0.000000e+00 : f32
    %broadcast_in_dim3A_3104 = vector.broadcast %jit3A_3102 : f32 to vector<16xf32>
    %broadcast_in_dim3A_3105 = vector.broadcast %jit3A_3103 : f32 to vector<16xf32>
    %select_n3A_3106 = arith.select %eq3A_3101, %broadcast_in_dim3A_3104, %broadcast_in_dim3A_3105 : vector<16xi1>, vector<16xf32>
    %swap3A_3107 = arith.constant 128 : index
    %swap3A_3108 = tpu.vector_load %arg8[%swap3A_3107] {strides = array<i32>} : memref<144xf32, #tpu.memory_space<vmem>>, vector<16xf32>,
    tpu.vector_store %arg8[%swap3A_3107], %select_n3A_3106 {strides = array<i32>} : memref<144xf32, #tpu.memory_space<vmem>>, vector<16xf32>,
    %mul3A_3109 = arith.constant 2 : i32
    %mul3A_3110 = arith.muli %add3A, %mul3A_3109 : i32
    %add3A_3111 = arith.constant 1 : i32
    %add3A_3112 = arith.addi %mul3A_3110, %add3A_3111 : i32
    "tpu.region"() ({
      %run_scoped3A = tpu.sem_alloc : memref<!tpu.dma_semaphore, #tpu.memory_space<semaphore_mem>>
      %dma_start3A_3113 = arith.constant 0 : i32
      %dma_start3A_3114 = tpu.memref_slice %arg4[%add3A_3112, %dma_start3A_3113] : memref<64x144xf32, #tpu.memory_space<hbm>> -> memref<1x144xf32, #tpu.memory_space<hbm>>
      %dma_start3A_3115 = tpu.memref_squeeze %dma_start3A_3114 : memref<1x144xf32, #tpu.memory_space<hbm>> -> memref<144xf32, #tpu.memory_space<hbm>>
      %dma_start3A_3116 = arith.constant 0 : i32
      %dma_start3A_3117 = tpu.memref_slice %arg4[%add3A_3112, %dma_start3A_3116] : memref<64x144xf32, #tpu.memory_space<hbm>> -> memref<1x144xf32, #tpu.memory_space<hbm>>
      %dma_start3A_3118 = tpu.memref_squeeze %dma_start3A_3117 : memref<1x144xf32, #tpu.memory_space<hbm>> -> memref<144xf32, #tpu.memory_space<hbm>>
      tpu.enqueue_dma source(%arg8 : memref<144xf32, #tpu.memory_space<vmem>>) target(%dma_start3A_3118 : memref<144xf32, #tpu.memory_space<hbm>>) target_semaphore(%run_scoped3A : memref<!tpu.dma_semaphore, #tpu.memory_space<semaphore_mem>>)
      %dma_wait3A_3119 = arith.constant 0 : i32
      %dma_wait3A_3120 = tpu.memref_slice %arg4[%add3A_3112, %dma_wait3A_3119] : memref<64x144xf32, #tpu.memory_space<hbm>> -> memref<1x144xf32, #tpu.memory_space<hbm>>
      %dma_wait3A_3121 = tpu.memref_squeeze %dma_wait3A_3120 : memref<1x144xf32, #tpu.memory_space<hbm>> -> memref<144xf32, #tpu.memory_space<hbm>>
      %dma_wait3A_3122 = arith.constant 0 : i32
      %dma_wait3A_3123 = tpu.memref_slice %arg4[%add3A_3112, %dma_wait3A_3122] : memref<64x144xf32, #tpu.memory_space<hbm>> -> memref<1x144xf32, #tpu.memory_space<hbm>>
      %dma_wait3A_3124 = tpu.memref_squeeze %dma_wait3A_3123 : memref<1x144xf32, #tpu.memory_space<hbm>> -> memref<144xf32, #tpu.memory_space<hbm>>
      tpu.wait_dma2 semaphore(%run_scoped3A : memref<!tpu.dma_semaphore, #tpu.memory_space<semaphore_mem>>) src(%arg8 : memref<144xf32, #tpu.memory_space<vmem>>) dst(%dma_wait3A_3124 : memref<144xf32, #tpu.memory_space<hbm>>)
      tpu.yield
    }) : () -> ()
    return
  }
}

</mosaic_0001>

<sc_bundles>
// kernel: _sc_call.3.cloned.1.call-start
scs
__scs_entry_jumppad:
0x0: {  	(pc) =	sbr.rel $0x88, $3  }
0x1: {  	(tag) =	ssettag $0x0;
	lr =	simm.s32 $0x1  }
0x2: {  	[smem:$0x3F9F] =	sst lr;
	_ =	strace $0xD0000000  }
0x3: {  	_ = 	snop  }
0x4: {  	_ = 	snop  }
0x5: {  	_ = 	snop  }
0x6: {  	_ = 	snop  }
0x7: {  	_ = 	snop  }
__scs_overlays_trampoline_lowered:
0x8: {  	[smem:$0x3FAE] =	sst s0  }
0x9: {  	[smem:$0x3FAF] =	sst s1  }
0xa: {  	[smem:$0x3FB0] =	sst s2  }
0xb: {  	[smem:$0x3FB1] =	sst s3  }
0xc: {  	[smem:$0x3FB2] =	sst s4  }
0xd: {  	[smem:$0x3FB3] =	sst s5  }
0xe: {  	[smem:$0x3FB4] =	sst s6  }
0xf: {  	[smem:$0x3FB5] =	sst s7  }
0x10: {  	[smem:$0x3FB6] =	sst s8  }
0x11: {  	[smem:$0x3FB7] =	sst s9;
	s0 =	simm.s32 @!p0 $0x0  }
0x12: {  	s1 =	sld [smem:$0x3F9D];
	s0 =	simm.s32 @p0 $0x1  }
0x13: {  	[smem:$0x3FB8] =	sst s0;
	s0 =	simm.s32 @!p1 $0x0  }
0x14: {  	s2 =	sld [smem:$0x3F9C];
	s0 =	simm.s32 @p1 $0x1  }
0x15: {  	[smem:$0x3FB9] =	sst s0;
	s0 =	simm.s32 @!p2 $0x0  }
0x16: {  	s3 =	sld [smem:$0x3FDB];
	s0 =	simm.s32 @p2 $0x1  }
0x17: {  	s4 =	simm.s32 $0x1BF5;
	[smem:$0x3FBB] =	sst s0  }
0x18: {  	s0 =	sld [smem:$0x3F9E];
	_ =	swait.ge [sflag:s4], $0x0  }
0x19: {  	s7 =	sld [smem:$0x3F9F]  }
0x1a: {  	s8 =	sadd.s32 $0xFFFFE003, lr  }
0x1b: {  	s9 =	sadd.s32 $0xFFFFFEF7, lr;
	s5 =	simm.s32 $0xFFFFFFFF;
	p2 =	slt.u32 s8, $0xFFFFF086  }
0x1c: {  	p1 =	slt.u32 s9, $0xF7A;
	s5 =	simm.s32 @!p2 $0x0  }
0x1d: {  	s5 =	simm.s32 @p1 $0x1;
	p0 =	seq.s32 s7, s2  }
0x1e: {  	s7 =	smul.u32 @!p0 $0xF7A, s2;
	p2 =	seq.s32 @!p0 s5, $0x0  }
0x1f: {  	s9 =	smul.u32 $0xF7A, s1;
	s8 =	simm.s32 @!p0 $0x1BF5;
	p2 =	por !p2, p0  }
0x20: {  	[sflag:s8] =	ssyncset.s32 @!p0 $0xFFFFF086;
	s6 =	sadd.s32 @!p0 s3, s7;
	s7 =	simm.s32 @!p0 $0x108  }
0x21: {  	s3 =	sadd.s32 s3, s9;
	s6 =	sadd.s32 @!p0 $0x88, s6;
	s7 =	simm.s32 @p2 $0x1082  }
0x22: {  	[simem:s7], [sflag:s8] =	dma.local @!p0 [hbm:s6], $0xF7A  }
0x23: {  	s9 =	sor.u32 $0xD0000000, s2;
	s6 =	simm.s32 $0x108;
	_ =	swait.ge @!p0 [sflag:s8], $0x0  }
0x24: {  	s3 =	sadd.s32 $0x88, s3;
	s6 =	simm.s32 @!p1 $0x1082;
	[sflag:s4] =	ssyncset.s32 $0xFFFFF086  }
0x25: {  	[simem:s6], [sflag:s4] =	dma.local [hbm:s3], $0xF7A  }
0x26: {  	[smem:$0x3F9F] =	sst s1;
	(tag) =	ssettag s2;
	_ =	strace s9  }
0x27: {  	s1 =	sld [smem:$0x3FAF]  }
0x28: {  	s2 =	sld [smem:$0x3FB0]  }
0x29: {  	s4 =	sld [smem:$0x3FB2]  }
0x2a: {  	p0 =	seq.s32 s5, $0x0;
	s5 =	sld [smem:$0x3FB3]  }
0x2b: {  	s6 =	sld [smem:$0x3FB4]  }
0x2c: {  	s7 =	sld [smem:$0x3FB5]  }
0x2d: {  	s3 =	simm.s32 $0x108;
	s8 =	sld [smem:$0x3FB6]  }
0x2e: {  	s3 =	simm.s32 @!p0 $0x1082;
	s9 =	sld [smem:$0x3FB7]  }
0x2f: {  	lr =	sadd.s32 s0, s3;
	s0 =	sld [smem:$0x3FAE]  }
0x30: {  	s3 =	sld [smem:$0x3FB1]  }
0x31: {  	[smem:$0x3FBA] =	sst s10  }
0x32: {  	s10 =	sld [smem:$0x3FB8];
	_ =	sdelay $0x3  }
0x33: {  	p0 =	seq.s32 s10, $0x1;
	s10 =	sld [smem:$0x3FBA];
	_ =	sdelay $0x3  }
0x34: {  	[smem:$0x3FBA] =	sst s10  }
0x35: {  	s10 =	sld [smem:$0x3FB9];
	_ =	sdelay $0x3  }
0x36: {  	p1 =	seq.s32 s10, $0x1;
	s10 =	sld [smem:$0x3FBA];
	_ =	sdelay $0x3  }
0x37: {  	[smem:$0x3FBA] =	sst s10  }
0x38: {  	s10 =	sld [smem:$0x3FBB]  }
0x39: {  	_ = 	snop;
	(pc) =	sbr.ind lr, $3  }
0x3a: {  	_ = 	snop  }
0x3b: {  	_ = 	snop  }
0x3c: {  	p2 =	seq.s32 s10, $0x1;
	s10 =	sld [smem:$0x3FBA]  }
0x3d: {  	_ =	shalt  }
0x3e: {  	_ =	shalt  }
0x3f: {  	_ =	shalt  }
0x40: {  	_ =	shalt  }
0x41: {  	_ =	shalt  }
0x42: {  	_ =	shalt  }
0x43: {  	_ =	shalt  }
0x44: {  	_ =	shalt  }
0x45: {  	_ =	shalt  }
0x46: {  	_ =	shalt  }
0x47: {  	_ =	shalt  }
0x48: {  	_ =	shalt  }
0x49: {  	_ =	shalt  }
0x4a: {  	_ =	shalt  }
0x4b: {  	_ =	shalt  }
0x4c: {  	_ =	shalt  }
0x4d: {  	_ =	shalt  }
0x4e: {  	_ =	shalt  }
0x4f: {  	_ =	shalt  }
0x50: {  	_ =	shalt  }
0x51: {  	_ =	shalt  }
0x52: {  	_ =	shalt  }
0x53: {  	_ =	shalt  }
0x54: {  	_ =	shalt  }
0x55: {  	_ =	shalt  }
0x56: {  	_ =	shalt  }
0x57: {  	_ =	shalt  }
0x58: {  	_ =	shalt  }
0x59: {  	_ =	shalt  }
0x5a: {  	_ =	shalt  }
0x5b: {  	_ =	shalt  }
0x5c: {  	_ =	shalt  }
0x5d: {  	_ =	shalt  }
0x5e: {  	_ =	shalt  }
0x5f: {  	_ =	shalt  }
0x60: {  	_ =	shalt  }
0x61: {  	_ =	shalt  }
0x62: {  	_ =	shalt  }
0x63: {  	_ =	shalt  }
0x64: {  	_ =	shalt  }
0x65: {  	_ =	shalt  }
0x66: {  	_ =	shalt  }
0x67: {  	_ =	shalt  }
0x68: {  	_ =	shalt  }
0x69: {  	_ =	shalt  }
0x6a: {  	_ =	shalt  }
0x6b: {  	_ =	shalt  }
0x6c: {  	_ =	shalt  }
0x6d: {  	_ =	shalt  }
0x6e: {  	_ =	shalt  }
0x6f: {  	_ =	shalt  }
0x70: {  	_ =	shalt  }
0x71: {  	_ =	shalt  }
0x72: {  	_ =	shalt  }
0x73: {  	_ =	shalt  }
0x74: {  	_ =	shalt  }
0x75: {  	_ =	shalt  }
0x76: {  	_ =	shalt  }
0x77: {  	_ =	shalt  }
0x78: {  	_ =	shalt  }
0x79: {  	_ =	shalt  }
0x7a: {  	_ =	shalt  }
0x7b: {  	_ =	shalt  }
0x7c: {  	_ =	shalt  }
0x7d: {  	_ =	shalt  }
0x7e: {  	_ =	shalt  }
0x7f: {  	_ =	shalt  }
0x80: {  	_ =	shalt  }
0x81: {  	_ =	shalt  }
0x82: {  	_ =	shalt  }
0x83: {  	_ =	shalt  }
0x84: {  	_ =	shalt  }
0x85: {  	_ =	shalt  }
0x86: {  	_ =	shalt  }
0x87: {  	_ =	shalt  }
.Lfunc_end0:
.L_simem_size_0:
called_computation_lowered:
.L_overlay_start_0:
0x88: {  	s2 =	sld [smem:$0x3FD9]  }
0x89: {  	s3 =	sld [smem:$0x3FFE];
	_ =	sdelay $0x1  }
0x8a: {  	s1 =	srdreg.scid  }
0x8b: {  	s0 =	sand.u32 $0x1, s1  }
0x8c: {  	s17 =	sshll.u32 s0, $0xA;
	s2 =	sadd.s32 s3, s2  }
0x8d: {  	s2 =	sadd.s32 s2, s17  }
0x8e: {  	[smem:$0x3FC6] =	sst s2  }
0x8f: {  	_ = 	snop  }
0x90: {  	s2 =	sld [smem:$0x3FC9]  }
0x91: {  	s18 =	sld [smem:$0x3FD0];
	(tm) =	ssettm $0x1  }
0x92: {  	s4 =	sld [smem:$0x3FFB];
	_ =	sdelay $0x3  }
0x93: {  	_ =	strace s4  }
0x94: {  	s4 =	sld [smem:$0x3FFC];
	_ =	sdelay $0x3  }
0x95: {  	_ =	strace s4  }
0x96: {  	s4 =	sld [smem:$0x3FFD];
	_ =	sdelay $0x3  }
0x97: {  	_ =	strace s4  }
0x98: {  	_ =	strace $0x8FFFFFFF  }
0x99: {  	s19 =	sld [smem:$0x3FDB];
	_ =	sdelay $0x1  }
0x9a: {  	s5 =	simm.s32 $_scs_section_size  }
0x9b: {  	s6 =	simm.s32 $_size__tile_overlayer_lowered;
	s7 =	simm.s32 $_tile_overlayer_lowered  }
0x9c: {  	s22 =	simm.s32 $0x1BFF;
	s21 =	sshll.u32 s7, $0x1;
	s4 =	sadd.s32 s5, s19  }
0x9d: {  	s8 =	simm.s32 $0x0;
	s20 =	sshll.u32 s6, $0x1;
	s6 =	sadd.s32 s21, s4  }
0x9e: {  	[timem:s8], [sflag:s22] =	dma.local [hbm:s6], s20  }
0x9f: {  	_ =	swait.ge [sflag:s22], s20  }
0xa0: {  	s5 =	ssub.s32 $0x0, s20;
	[sflag:s22] =	ssyncset.done $0x0  }
0xa1: {  	[sflag:s22] =	ssyncadd.s32 s5;
	_ =	sdelay $0x1  }
0xa2: {  	s23 =	simm.s32 $0x1B8B  }
0xa3: {  	_ =	swait.ge [sflag:s23], $0x1  }
0xa4: {  	[sflag:s23] =	ssyncset.done $0x0  }
0xa5: {  	s25 =	simm.s32 $0x1B8E;
	s24 =	sld [smem:$0x3FFE];
	[sflag:s23] =	ssyncadd.s32 $0xFFFFFFFF  }
0xa6: {  	s26 =	simm.s32 $execute0_lowered;
	[smem:$0x3FD2] =	sst s25  }
0xa7: {  	s6 =	sshll.u32 s26, $0x1;
	_ =	strace $0x80000046;
	[dreg:$0x1] =	wrdreg $0xFFFFFFFF  }
0xa8: {  	s28 =	simm.s32 $_size_execute0_lowered;
	s4 =	sadd.s32 s4, s6;
	[dreg:$0x0] =	wrdreg $0x0  }
0xa9: {  	s6 =	sshll.u32 s28, $0x1;
	[dreg:$0x2] =	wrdreg s4  }
0xaa: {  	[dreg:$0x3] =	wrdreg s6  }
0xab: {  	[dreg:$0x4] =	wrdreg $0xC0  }
0xac: {  	_ =	task [dreg:s8], $0x5FFFF  }
0xad: {  	[dreg:$0x1] =	wrdreg $0xFFFFFFFF  }
0xae: {  	[dreg:$0x0] =	wrdreg $0x60  }
0xaf: {  	[dreg:$0x2] =	wrdreg s2  }
0xb0: {  	[dreg:$0x3] =	wrdreg s24  }
0xb1: {  	[dreg:$0x4] =	wrdreg s18  }
0xb2: {  	[dreg:$0x5] =	wrdreg $0x9  }
0xb3: {  	_ =	task.clear_ibuf [dreg:s8], $0x6FFFF;
	_ =	strace $0x90000046  }
0xb4: {  	s29 =	simm.s32 $0x9;
	_ =	strace $0x80000048  }
0xb5: {  	_ =	swait.ge [sflag:s29], $0x1  }
0xb6: {  	[sflag:s29] =	ssyncadd.s32 $0xFFFFFFFF  }
0xb7: {  	_ =	strace $0x90000048  }
0xb8: {  	_ =	sfence  }
0xb9: {  	s30 =	sld [smem:$0x0];
	_ =	sdelay $0x2  }
0xba: {  	s31 =	sshll.u32 s1, $0xD;
	s1 =	sshrl.u32 s1, $0x2  }
0xbb: {  	s3 =	sand.u32 $0x4000, s31;
	s1 =	sadd.s32 s1, s30  }
0xbc: {  	s0 =	sor.u32 s3, s0;
	s1 =	sshll.u32 s1, $0x11  }
0xbd: {  	s0 =	sor.u32 s1, s0  }
0xbe: {  	s0 =	sadd.s32 $0x8F2B, s0  }
0xbf: {  	[sflag:s0] =	ssyncadd.remote.s32 $0x1  }
0xc0: {  	_ =	sfence.sel $0xFFFF  }
0xc1: {  	[dreg:$0x0] =	wrdreg $0xFFFFFFFF;
	(pc) =	sbr.abs _section_cstart, $3  }
0xc2: {  	[dreg:$0x1] =	wrdreg $0xFFFFFFFF  }
0xc3: {  	_ =	task.clear_ibuf [dreg:s8], $0x2FFFF;
	_ =	strace $0x9FFFFFFF  }
0xc4: {  	(tm) =	ssettm $0x7FFFFFFF  }
0xc5: {  	_ =	shalt  }
tec
execute0_lowered:
.L_overlay_start_1:
0x0: {  	(tag) =	ssettag $0x1  }
0x1: {  	s2 =	rddreg [dreg:$0x0];
	v0 =	vlaneseq.u32  }
0x2: {  	s4 =	rddreg [dreg:$0x1];
	v12 =	vmul.u32 $0xFFFFFFFF, v0  }
0x3: {  	s5 =	rddreg [dreg:$0x2];
	s3 =	simm.s32 $0x0  }
0x4: {  	[smem:$0x7FF] =	sst s3;
	v4 =	vadd.s32 $0x7FF, v12  }
0x5: {  	s0 =	rddreg [dreg:$0x3];
	_ =	strace $0x80000047;
	[tilespmem:$0x1FEF0] =	vst v4;
	v4 =	vadd.s32 $0x7EF, v12  }
0x6: {  	[tilespmem:$0x1FF00] =	vst v4;
	v4 =	vadd.s32 $0x7DF, v12  }
0x7: {  	[tilespmem:$0x1FF10] =	vst v4;
	v4 =	vadd.s32 $0x7CF, v12  }
0x8: {  	[tilespmem:$0x1FF20] =	vst v4;
	v4 =	vadd.s32 $0x7BF, v12  }
0x9: {  	[tilespmem:$0x1FF30] =	vst v4;
	v4 =	vadd.s32 $0x7AF, v12  }
0xa: {  	s1 =	stileid.u32;
	[tilespmem:$0x1FF40] =	vst v4;
	v4 =	vadd.s32 $0x79F, v12  }
0xb: {  	s6 =	srdreg.scid;
	s10 =	simm.s32 $0x1080;
	s11 =	simm.s32 $0x2080;
	[tilespmem:$0x1FF50] =	vst v4;
	v4 =	vadd.s32 $0x78F, v12  }
0xc: {  	s12 =	simm.s32 $0x2980;
	s7 =	sshll.u32 s1, $0x4;
	s6 =	sand.u32 $0x1, s6;
	[tilespmem:$0x1FF60] =	vst v4;
	v4 =	vadd.s32 $0x77F, v12  }
0xd: {  	s9 =	sshll.u32 s1, $0x5;
	s7 =	sand.u32 $0x70, s7;
	s8 =	sshll.u32 s6, $0x4;
	[tilespmem:$0x1FF70] =	vst v4;
	v4 =	vor.u32 $0x10, v0  }
0xe: {  	s9 =	sand.u32 $0x60, s9;
	s6 =	ssub.s32 $0x2, s6;
	[dreg:$0x5] =	wrdreg s10;
	[tilespmem:$0x1FF80] =	vst v4;
	v4 =	vor.u32 $0x20, v0  }
0xf: {  	s10 =	simm.s32 $0x1;
	s4 =	sadd.s32 s7, s4;
	s26 =	sor.u32 s1, s8;
	[tilespmem:$0x1FF90] =	vst v4;
	v4 =	vor.u32 $0x30, v0  }
0x10: {  	s28 =	sshrl.u32 s6, $0x1;
	s8 =	sshll.u32 s26, $0x4;
	s7 =	sshll.u32 s26, $0x6;
	[tilespmem:$0x1FFA0] =	vst v4;
	v4 =	vor.u32 $0x40, v0  }
0x11: {  	s30 =	ssub.s32 s6, s28;
	s8 =	sand.u32 $0x180, s8;
	s7 =	sand.u32 $0x700, s7;
	[tilespmem:$0x1FFB0] =	vst v4;
	v4 =	vor.u32 $0x50, v0  }
0x12: {  	s6 =	simm.s32 $0x2;
	s4 =	sadd.s32 s8, s4;
	s7 =	sor.u32 s9, s7;
	[tilespmem:$0x1FFC0] =	vst v4;
	v4 =	vor.u32 $0x60, v0  }
0x13: {  	s8 =	simm.s32 $0x1000;
	s29 =	sadd.s32 $0x400, s4;
	s4 =	sadd.s32 s5, s7;
	[tilespmem:$0x1FFD0] =	vst v4;
	v4 =	vor.u32 $0x70, v0  }
0x14: {  	v2 =	vmul.u32 $0x90, v0;
	s9 =	simm.s32 $0x80;
	[dreg:$0x4] =	wrdreg s29;
	s31 =	sadd.s32 $0x10, s4;
	v0 =	vor.u32 $0x80, v0;
	[tilespmem:$0x1FFE0] =	vst v4  }
0x15: {  	v1 =	vimm.s32 $0x0;
	v3 =	vimm.s32 $0x1;
	s5 =	smax.u32 s30, $0x1;
	s7 =	simm.s32 $0x400;
	[dreg:$0x6] =	wrdreg s31;
	[tilespmem:$0x1FFF0] =	vst v0  }
.LBB2_1:
0x16: {  	s13 =	rddreg [dreg:$0x4]  }
0x17: {  	[tilespmem:s3], [sflag:$0x2] =	stream.linear.gather [hbm4b:s13+s3], $0x80, $0x38;
	[tilespmem:$0x2A80] =	vst v63  }
0x18: {  	_ =	swait.ge [sflag:s6], $0x80  }
0x19: {  	[sflag:s6] =	ssyncset.done $0x0  }
0x1a: {  	[sflag:s6] =	ssyncadd.s32 $0xFFFFFF80  }
0x1b: {  	v22 =	vld [tilespmem:$0x0];
	_ =	sdelay $0x4  }
0x1c: {  	(v2sf) =	vpush v22, $0x0;
	_ =	sdelay $0x1  }
0x1d: {  	(v2sf) =	vpush v22, $0x1;
	_ =	sdelay $0xc  }
0x1e: {  	s14 =	spop (v2sf)  }
0x1f: {  	s24 =	sshll.u32 s14, $0xA  }
0x20: {  	s15 =	sshll.u32 s14, $0x8;
	s25 =	spop (v2sf);
	s13 =	sand.u32 $0xFFFFC000, s24  }
0x21: {  	s15 =	sand.u32 $0xC00, s15;
	s26 =	sshll.u32 s25, $0xA;
	s16 =	sshll.u32 s25, $0x8  }
0x22: {  	s13 =	sor.u32 s15, s13;
	s15 =	sand.u32 $0xFFFFC000, s26;
	s16 =	sand.u32 $0xC00, s16  }
0x23: {  	s13 =	sshrl.u32 s13, $0x3;
	s15 =	sor.u32 s16, s15  }
0x24: {  	s13 =	sadd.s32 s2, s13;
	s15 =	sshrl.u32 s15, $0x3  }
0x25: {  	[tilespmem:s9], [sflag:$0x1] =	stream.strided.gather [hbm4b:s13+s7], $0x1000, s8, s7, $0x38;
	[tilespmem:$0x2A80] =	vst v63  }
0x26: {  	s28 =	rddreg [dreg:$0x5];
	s15 =	sadd.s32 s2, s15  }
0x27: {  	[tilespmem:s28], [sflag:$0x1] =	stream.strided.gather [hbm4b:s15+s7], $0x1000, s8, s7, $0x38;
	[tilespmem:$0x2A80] =	vst v63  }
0x28: {  	[tilespmem:$0x2080] =	vst v1  }
0x29: {  	[tilespmem:$0x2090] =	vst v1  }
0x2a: {  	[tilespmem:$0x20A0] =	vst v1  }
0x2b: {  	[tilespmem:$0x20B0] =	vst v1  }
0x2c: {  	[tilespmem:$0x20C0] =	vst v1  }
0x2d: {  	[tilespmem:$0x20D0] =	vst v1  }
0x2e: {  	[tilespmem:$0x20E0] =	vst v1  }
0x2f: {  	[tilespmem:$0x20F0] =	vst v1  }
0x30: {  	[tilespmem:$0x2100] =	vst v1  }
0x31: {  	[tilespmem:$0x2110] =	vst v1  }
0x32: {  	[tilespmem:$0x2120] =	vst v1  }
0x33: {  	[tilespmem:$0x2130] =	vst v1  }
0x34: {  	[tilespmem:$0x2140] =	vst v1  }
0x35: {  	[tilespmem:$0x2150] =	vst v1  }
0x36: {  	[tilespmem:$0x2160] =	vst v1  }
0x37: {  	[tilespmem:$0x2170] =	vst v1  }
0x38: {  	[tilespmem:$0x2180] =	vst v1  }
0x39: {  	[tilespmem:$0x2190] =	vst v1  }
0x3a: {  	[tilespmem:$0x21A0] =	vst v1  }
0x3b: {  	[tilespmem:$0x21B0] =	vst v1  }
0x3c: {  	[tilespmem:$0x21C0] =	vst v1  }
0x3d: {  	[tilespmem:$0x21D0] =	vst v1  }
0x3e: {  	[tilespmem:$0x21E0] =	vst v1  }
0x3f: {  	[tilespmem:$0x21F0] =	vst v1  }
0x40: {  	[tilespmem:$0x2200] =	vst v1  }
0x41: {  	[tilespmem:$0x2210] =	vst v1  }
0x42: {  	[tilespmem:$0x2220] =	vst v1  }
0x43: {  	[tilespmem:$0x2230] =	vst v1  }
0x44: {  	[tilespmem:$0x2240] =	vst v1  }
0x45: {  	[tilespmem:$0x2250] =	vst v1  }
0x46: {  	[tilespmem:$0x2260] =	vst v1  }
0x47: {  	[tilespmem:$0x2270] =	vst v1  }
0x48: {  	[tilespmem:$0x2280] =	vst v1  }
0x49: {  	[tilespmem:$0x2290] =	vst v1  }
0x4a: {  	[tilespmem:$0x22A0] =	vst v1  }
0x4b: {  	[tilespmem:$0x22B0] =	vst v1  }
0x4c: {  	[tilespmem:$0x22C0] =	vst v1  }
0x4d: {  	[tilespmem:$0x22D0] =	vst v1  }
0x4e: {  	[tilespmem:$0x22E0] =	vst v1  }
0x4f: {  	[tilespmem:$0x22F0] =	vst v1  }
0x50: {  	[tilespmem:$0x2300] =	vst v1  }
0x51: {  	[tilespmem:$0x2310] =	vst v1  }
0x52: {  	[tilespmem:$0x2320] =	vst v1  }
0x53: {  	[tilespmem:$0x2330] =	vst v1  }
0x54: {  	[tilespmem:$0x2340] =	vst v1  }
0x55: {  	[tilespmem:$0x2350] =	vst v1  }
0x56: {  	[tilespmem:$0x2360] =	vst v1  }
0x57: {  	[tilespmem:$0x2370] =	vst v1  }
0x58: {  	[tilespmem:$0x2380] =	vst v1  }
0x59: {  	[tilespmem:$0x2390] =	vst v1  }
0x5a: {  	[tilespmem:$0x23A0] =	vst v1  }
0x5b: {  	[tilespmem:$0x23B0] =	vst v1  }
0x5c: {  	[tilespmem:$0x23C0] =	vst v1  }
0x5d: {  	[tilespmem:$0x23D0] =	vst v1  }
0x5e: {  	[tilespmem:$0x23E0] =	vst v1  }
0x5f: {  	[tilespmem:$0x23F0] =	vst v1  }
0x60: {  	[tilespmem:$0x2400] =	vst v1  }
0x61: {  	[tilespmem:$0x2410] =	vst v1  }
0x62: {  	[tilespmem:$0x2420] =	vst v1  }
0x63: {  	[tilespmem:$0x2430] =	vst v1  }
0x64: {  	[tilespmem:$0x2440] =	vst v1  }
0x65: {  	[tilespmem:$0x2450] =	vst v1  }
0x66: {  	[tilespmem:$0x2460] =	vst v1  }
0x67: {  	[tilespmem:$0x2470] =	vst v1  }
0x68: {  	[tilespmem:$0x2480] =	vst v1  }
0x69: {  	[tilespmem:$0x2490] =	vst v1  }
0x6a: {  	[tilespmem:$0x24A0] =	vst v1  }
0x6b: {  	[tilespmem:$0x24B0] =	vst v1  }
0x6c: {  	[tilespmem:$0x24C0] =	vst v1  }
0x6d: {  	[tilespmem:$0x24D0] =	vst v1  }
0x6e: {  	[tilespmem:$0x24E0] =	vst v1  }
0x6f: {  	[tilespmem:$0x24F0] =	vst v1  }
0x70: {  	[tilespmem:$0x2500] =	vst v1  }
0x71: {  	[tilespmem:$0x2510] =	vst v1  }
0x72: {  	[tilespmem:$0x2520] =	vst v1  }
0x73: {  	[tilespmem:$0x2530] =	vst v1  }
0x74: {  	[tilespmem:$0x2540] =	vst v1  }
0x75: {  	[tilespmem:$0x2550] =	vst v1  }
0x76: {  	[tilespmem:$0x2560] =	vst v1  }
0x77: {  	[tilespmem:$0x2570] =	vst v1  }
0x78: {  	[tilespmem:$0x2580] =	vst v1  }
0x79: {  	[tilespmem:$0x2590] =	vst v1  }
0x7a: {  	[tilespmem:$0x25A0] =	vst v1  }
0x7b: {  	[tilespmem:$0x25B0] =	vst v1  }
0x7c: {  	[tilespmem:$0x25C0] =	vst v1  }
0x7d: {  	[tilespmem:$0x25D0] =	vst v1  }
0x7e: {  	[tilespmem:$0x25E0] =	vst v1  }
0x7f: {  	[tilespmem:$0x25F0] =	vst v1  }
0x80: {  	[tilespmem:$0x2600] =	vst v1  }
0x81: {  	[tilespmem:$0x2610] =	vst v1  }
0x82: {  	[tilespmem:$0x2620] =	vst v1  }
0x83: {  	[tilespmem:$0x2630] =	vst v1  }
0x84: {  	[tilespmem:$0x2640] =	vst v1  }
0x85: {  	[tilespmem:$0x2650] =	vst v1  }
0x86: {  	[tilespmem:$0x2660] =	vst v1  }
0x87: {  	[tilespmem:$0x2670] =	vst v1  }
0x88: {  	[tilespmem:$0x2680] =	vst v1  }
0x89: {  	[tilespmem:$0x2690] =	vst v1  }
0x8a: {  	[tilespmem:$0x26A0] =	vst v1  }
0x8b: {  	[tilespmem:$0x26B0] =	vst v1  }
0x8c: {  	[tilespmem:$0x26C0] =	vst v1  }
0x8d: {  	[tilespmem:$0x26D0] =	vst v1  }
0x8e: {  	[tilespmem:$0x26E0] =	vst v1  }
0x8f: {  	[tilespmem:$0x26F0] =	vst v1  }
0x90: {  	[tilespmem:$0x2700] =	vst v1  }
0x91: {  	[tilespmem:$0x2710] =	vst v1  }
0x92: {  	[tilespmem:$0x2720] =	vst v1  }
0x93: {  	[tilespmem:$0x2730] =	vst v1  }
0x94: {  	[tilespmem:$0x2740] =	vst v1  }
0x95: {  	[tilespmem:$0x2750] =	vst v1  }
0x96: {  	[tilespmem:$0x2760] =	vst v1  }
0x97: {  	[tilespmem:$0x2770] =	vst v1  }
0x98: {  	[tilespmem:$0x2780] =	vst v1  }
0x99: {  	[tilespmem:$0x2790] =	vst v1  }
0x9a: {  	[tilespmem:$0x27A0] =	vst v1  }
0x9b: {  	[tilespmem:$0x27B0] =	vst v1  }
0x9c: {  	[tilespmem:$0x27C0] =	vst v1  }
0x9d: {  	[tilespmem:$0x27D0] =	vst v1  }
0x9e: {  	[tilespmem:$0x27E0] =	vst v1  }
0x9f: {  	[tilespmem:$0x27F0] =	vst v1  }
0xa0: {  	[tilespmem:$0x2800] =	vst v1  }
0xa1: {  	[tilespmem:$0x2810] =	vst v1  }
0xa2: {  	[tilespmem:$0x2820] =	vst v1  }
0xa3: {  	[tilespmem:$0x2830] =	vst v1  }
0xa4: {  	[tilespmem:$0x2840] =	vst v1  }
0xa5: {  	[tilespmem:$0x2850] =	vst v1  }
0xa6: {  	[tilespmem:$0x2860] =	vst v1  }
0xa7: {  	[tilespmem:$0x2870] =	vst v1  }
0xa8: {  	[tilespmem:$0x2880] =	vst v1  }
0xa9: {  	[tilespmem:$0x2890] =	vst v1  }
0xaa: {  	[tilespmem:$0x28A0] =	vst v1  }
0xab: {  	[tilespmem:$0x28B0] =	vst v1  }
0xac: {  	[tilespmem:$0x28C0] =	vst v1  }
0xad: {  	[tilespmem:$0x28D0] =	vst v1  }
0xae: {  	[tilespmem:$0x28E0] =	vst v1  }
0xaf: {  	[tilespmem:$0x28F0] =	vst v1  }
0xb0: {  	[tilespmem:$0x2900] =	vst v1  }
0xb1: {  	[tilespmem:$0x2910] =	vst v1  }
0xb2: {  	[tilespmem:$0x2920] =	vst v1  }
0xb3: {  	[tilespmem:$0x2930] =	vst v1  }
0xb4: {  	[tilespmem:$0x2940] =	vst v1  }
0xb5: {  	[tilespmem:$0x2950] =	vst v1  }
0xb6: {  	[tilespmem:$0x2960] =	vst v1  }
0xb7: {  	[tilespmem:$0x2970] =	vst v1  }
0xb8: {  	_ =	swait.ge [sflag:s10], $0x1000  }
0xb9: {  	s14 =	sshll.u32 s14, $0x5;
	[sflag:s10] =	ssyncset.done $0x0  }
0xba: {  	s14 =	sand.u32 $0x60, s14;
	[sflag:s10] =	ssyncadd.s32 $0xFFFFF000  }
0xbb: {  	v55 =	vld [tilespmem:s14+$0x80];
	_ =	sdelay $0x4  }
0xbc: {  	v22 =	vadd.s32 v2, v55;
	_ =	sdelay $0x4  }
0xbd: {  	[tilespmem:v22+s11+$0x0] =	vst.idx.add.s32.msk $0xffff, v3  }
0xbe: {  	v22 =	vld [tilespmem:s14+$0x90];
	_ =	sdelay $0x4  }
0xbf: {  	v22 =	vadd.s32 v2, v22;
	_ =	sdelay $0x4  }
0xc0: {  	[tilespmem:v22+s11+$0x0] =	vst.idx.add.s32.msk $0xffff, v3  }
0xc1: {  	v22 =	vld [tilespmem:s14+$0x100];
	_ =	sdelay $0x4  }
0xc2: {  	v22 =	vadd.s32 v2, v22;
	_ =	sdelay $0x4  }
0xc3: {  	[tilespmem:v22+s11+$0x0] =	vst.idx.add.s32.msk $0xffff, v3  }
0xc4: {  	v22 =	vld [tilespmem:s14+$0x110];
	_ =	sdelay $0x4  }
0xc5: {  	v22 =	vadd.s32 v2, v22;
	_ =	sdelay $0x4  }
0xc6: {  	[tilespmem:v22+s11+$0x0] =	vst.idx.add.s32.msk $0xffff, v3  }
0xc7: {  	v22 =	vld [tilespmem:s14+$0x180];
	_ =	sdelay $0x4  }
0xc8: {  	v22 =	vadd.s32 v2, v22;
	_ =	sdelay $0x4  }
0xc9: {  	[tilespmem:v22+s11+$0x0] =	vst.idx.add.s32.msk $0xffff, v3  }
0xca: {  	v22 =	vld [tilespmem:s14+$0x190];
	_ =	sdelay $0x4  }
0xcb: {  	v22 =	vadd.s32 v2, v22;
	_ =	sdelay $0x4  }
0xcc: {  	[tilespmem:v22+s11+$0x0] =	vst.idx.add.s32.msk $0xffff, v3  }
0xcd: {  	v22 =	vld [tilespmem:s14+$0x200];
	_ =	sdelay $0x4  }
0xce: {  	v22 =	vadd.s32 v2, v22;
	_ =	sdelay $0x4  }
0xcf: {  	[tilespmem:v22+s11+$0x0] =	vst.idx.add.s32.msk $0xffff, v3  }
0xd0: {  	v22 =	vld [tilespmem:s14+$0x210];
	_ =	sdelay $0x4  }
0xd1: {  	v22 =	vadd.s32 v2, v22;
	_ =	sdelay $0x4  }
0xd2: {  	[tilespmem:v22+s11+$0x0] =	vst.idx.add.s32.msk $0xffff, v3  }
0xd3: {  	v22 =	vld [tilespmem:s14+$0x280];
	_ =	sdelay $0x4  }
0xd4: {  	v22 =	vadd.s32 v2, v22;
	_ =	sdelay $0x4  }
0xd5: {  	[tilespmem:v22+s11+$0x0] =	vst.idx.add.s32.msk $0xffff, v3  }
0xd6: {  	v22 =	vld [tilespmem:s14+$0x290];
	_ =	sdelay $0x4  }
0xd7: {  	v22 =	vadd.s32 v2, v22;
	_ =	sdelay $0x4  }
0xd8: {  	[tilespmem:v22+s11+$0x0] =	vst.idx.add.s32.msk $0xffff, v3  }
0xd9: {  	v22 =	vld [tilespmem:s14+$0x300];
	_ =	sdelay $0x4  }
0xda: {  	v22 =	vadd.s32 v2, v22;
	_ =	sdelay $0x4  }
0xdb: {  	[tilespmem:v22+s11+$0x0] =	vst.idx.add.s32.msk $0xffff, v3  }
0xdc: {  	v22 =	vld [tilespmem:s14+$0x310];
	_ =	sdelay $0x4  }
0xdd: {  	v22 =	vadd.s32 v2, v22;
	_ =	sdelay $0x4  }
0xde: {  	[tilespmem:v22+s11+$0x0] =	vst.idx.add.s32.msk $0xffff, v3  }
0xdf: {  	v22 =	vld [tilespmem:s14+$0x380];
	_ =	sdelay $0x4  }
0xe0: {  	v22 =	vadd.s32 v2, v22;
	_ =	sdelay $0x4  }
0xe1: {  	[tilespmem:v22+s11+$0x0] =	vst.idx.add.s32.msk $0xffff, v3  }
0xe2: {  	v22 =	vld [tilespmem:s14+$0x390];
	_ =	sdelay $0x4  }
0xe3: {  	v22 =	vadd.s32 v2, v22;
	_ =	sdelay $0x4  }
0xe4: {  	[tilespmem:v22+s11+$0x0] =	vst.idx.add.s32.msk $0xffff, v3  }
0xe5: {  	v22 =	vld [tilespmem:s14+$0x400];
	_ =	sdelay $0x4  }
0xe6: {  	v22 =	vadd.s32 v2, v22;
	_ =	sdelay $0x4  }
0xe7: {  	[tilespmem:v22+s11+$0x0] =	vst.idx.add.s32.msk $0xffff, v3  }
0xe8: {  	v22 =	vld [tilespmem:s14+$0x410];
	_ =	sdelay $0x4  }
0xe9: {  	v22 =	vadd.s32 v2, v22;
	_ =	sdelay $0x4  }
0xea: {  	[tilespmem:v22+s11+$0x0] =	vst.idx.add.s32.msk $0xffff, v3  }
0xeb: {  	v22 =	vld [tilespmem:s14+$0x480];
	_ =	sdelay $0x4  }
0xec: {  	v22 =	vadd.s32 v2, v22;
	_ =	sdelay $0x4  }
0xed: {  	[tilespmem:v22+s11+$0x0] =	vst.idx.add.s32.msk $0xffff, v3  }
0xee: {  	v22 =	vld [tilespmem:s14+$0x490];
	_ =	sdelay $0x4  }
0xef: {  	v22 =	vadd.s32 v2, v22;
	_ =	sdelay $0x4  }
0xf0: {  	[tilespmem:v22+s11+$0x0] =	vst.idx.add.s32.msk $0xffff, v3  }
0xf1: {  	v22 =	vld [tilespmem:s14+$0x500];
	_ =	sdelay $0x4  }
0xf2: {  	v22 =	vadd.s32 v2, v22;
	_ =	sdelay $0x4  }
0xf3: {  	[tilespmem:v22+s11+$0x0] =	vst.idx.add.s32.msk $0xffff, v3  }
0xf4: {  	v22 =	vld [tilespmem:s14+$0x510];
	_ =	sdelay $0x4  }
0xf5: {  	v22 =	vadd.s32 v2, v22;
	_ =	sdelay $0x4  }
0xf6: {  	[tilespmem:v22+s11+$0x0] =	vst.idx.add.s32.msk $0xffff, v3  }
0xf7: {  	v22 =	vld [tilespmem:s14+$0x580];
	_ =	sdelay $0x4  }
0xf8: {  	v22 =	vadd.s32 v2, v22;
	_ =	sdelay $0x4  }
0xf9: {  	[tilespmem:v22+s11+$0x0] =	vst.idx.add.s32.msk $0xffff, v3  }
0xfa: {  	v22 =	vld [tilespmem:s14+$0x590];
	_ =	sdelay $0x4  }
0xfb: {  	v22 =	vadd.s32 v2, v22;
	_ =	sdelay $0x4  }
0xfc: {  	[tilespmem:v22+s11+$0x0] =	vst.idx.add.s32.msk $0xffff, v3  }
0xfd: {  	v22 =	vld [tilespmem:s14+$0x600];
	_ =	sdelay $0x4  }
0xfe: {  	v22 =	vadd.s32 v2, v22;
	_ =	sdelay $0x4  }
0xff: {  	[tilespmem:v22+s11+$0x0] =	vst.idx.add.s32.msk $0xffff, v3  }
0x100: {  	v22 =	vld [tilespmem:s14+$0x610];
	_ =	sdelay $0x4  }
0x101: {  	v22 =	vadd.s32 v2, v22;
	_ =	sdelay $0x4  }
0x102: {  	[tilespmem:v22+s11+$0x0] =	vst.idx.add.s32.msk $0xffff, v3  }
0x103: {  	v22 =	vld [tilespmem:s14+$0x680];
	_ =	sdelay $0x4  }
0x104: {  	v22 =	vadd.s32 v2, v22;
	_ =	sdelay $0x4  }
0x105: {  	[tilespmem:v22+s11+$0x0] =	vst.idx.add.s32.msk $0xffff, v3  }
0x106: {  	v22 =	vld [tilespmem:s14+$0x690];
	_ =	sdelay $0x4  }
0x107: {  	v22 =	vadd.s32 v2, v22;
	_ =	sdelay $0x4  }
0x108: {  	[tilespmem:v22+s11+$0x0] =	vst.idx.add.s32.msk $0xffff, v3  }
0x109: {  	v22 =	vld [tilespmem:s14+$0x700];
	_ =	sdelay $0x4  }
0x10a: {  	v22 =	vadd.s32 v2, v22;
	_ =	sdelay $0x4  }
0x10b: {  	[tilespmem:v22+s11+$0x0] =	vst.idx.add.s32.msk $0xffff, v3  }
0x10c: {  	v22 =	vld [tilespmem:s14+$0x710];
	_ =	sdelay $0x4  }
0x10d: {  	v22 =	vadd.s32 v2, v22;
	_ =	sdelay $0x4  }
0x10e: {  	[tilespmem:v22+s11+$0x0] =	vst.idx.add.s32.msk $0xffff, v3  }
0x10f: {  	v22 =	vld [tilespmem:s14+$0x780];
	_ =	sdelay $0x4  }
0x110: {  	v22 =	vadd.s32 v2, v22;
	_ =	sdelay $0x4  }
0x111: {  	[tilespmem:v22+s11+$0x0] =	vst.idx.add.s32.msk $0xffff, v3  }
0x112: {  	v22 =	vld [tilespmem:s14+$0x790];
	_ =	sdelay $0x4  }
0x113: {  	v22 =	vadd.s32 v2, v22;
	_ =	sdelay $0x4  }
0x114: {  	[tilespmem:v22+s11+$0x0] =	vst.idx.add.s32.msk $0xffff, v3  }
0x115: {  	v22 =	vld [tilespmem:s14+$0x800];
	_ =	sdelay $0x4  }
0x116: {  	v22 =	vadd.s32 v2, v22;
	_ =	sdelay $0x4  }
0x117: {  	[tilespmem:v22+s11+$0x0] =	vst.idx.add.s32.msk $0xffff, v3  }
0x118: {  	v22 =	vld [tilespmem:s14+$0x810];
	_ =	sdelay $0x4  }
0x119: {  	v22 =	vadd.s32 v2, v22;
	_ =	sdelay $0x4  }
0x11a: {  	[tilespmem:v22+s11+$0x0] =	vst.idx.add.s32.msk $0xffff, v3  }
0x11b: {  	v22 =	vld [tilespmem:s14+$0x880];
	_ =	sdelay $0x4  }
0x11c: {  	v22 =	vadd.s32 v2, v22;
	_ =	sdelay $0x4  }
0x11d: {  	[tilespmem:v22+s11+$0x0] =	vst.idx.add.s32.msk $0xffff, v3  }
0x11e: {  	v22 =	vld [tilespmem:s14+$0x890];
	_ =	sdelay $0x4  }
0x11f: {  	v22 =	vadd.s32 v2, v22;
	_ =	sdelay $0x4  }
0x120: {  	[tilespmem:v22+s11+$0x0] =	vst.idx.add.s32.msk $0xffff, v3  }
0x121: {  	v22 =	vld [tilespmem:s14+$0x900];
	_ =	sdelay $0x4  }
0x122: {  	v22 =	vadd.s32 v2, v22;
	_ =	sdelay $0x4  }
0x123: {  	[tilespmem:v22+s11+$0x0] =	vst.idx.add.s32.msk $0xffff, v3  }
0x124: {  	v22 =	vld [tilespmem:s14+$0x910];
	_ =	sdelay $0x4  }
0x125: {  	v22 =	vadd.s32 v2, v22;
	_ =	sdelay $0x4  }
0x126: {  	[tilespmem:v22+s11+$0x0] =	vst.idx.add.s32.msk $0xffff, v3  }
0x127: {  	v22 =	vld [tilespmem:s14+$0x980];
	_ =	sdelay $0x4  }
0x128: {  	v22 =	vadd.s32 v2, v22;
	_ =	sdelay $0x4  }
0x129: {  	[tilespmem:v22+s11+$0x0] =	vst.idx.add.s32.msk $0xffff, v3  }
0x12a: {  	v22 =	vld [tilespmem:s14+$0x990];
	_ =	sdelay $0x4  }
0x12b: {  	v22 =	vadd.s32 v2, v22;
	_ =	sdelay $0x4  }
0x12c: {  	[tilespmem:v22+s11+$0x0] =	vst.idx.add.s32.msk $0xffff, v3  }
0x12d: {  	v22 =	vld [tilespmem:s14+$0xA00];
	_ =	sdelay $0x4  }
0x12e: {  	v22 =	vadd.s32 v2, v22;
	_ =	sdelay $0x4  }
0x12f: {  	[tilespmem:v22+s11+$0x0] =	vst.idx.add.s32.msk $0xffff, v3  }
0x130: {  	v22 =	vld [tilespmem:s14+$0xA10];
	_ =	sdelay $0x4  }
0x131: {  	v22 =	vadd.s32 v2, v22;
	_ =	sdelay $0x4  }
0x132: {  	[tilespmem:v22+s11+$0x0] =	vst.idx.add.s32.msk $0xffff, v3  }
0x133: {  	v22 =	vld [tilespmem:s14+$0xA80];
	_ =	sdelay $0x4  }
0x134: {  	v22 =	vadd.s32 v2, v22;
	_ =	sdelay $0x4  }
0x135: {  	[tilespmem:v22+s11+$0x0] =	vst.idx.add.s32.msk $0xffff, v3  }
0x136: {  	v22 =	vld [tilespmem:s14+$0xA90];
	_ =	sdelay $0x4  }
0x137: {  	v22 =	vadd.s32 v2, v22;
	_ =	sdelay $0x4  }
0x138: {  	[tilespmem:v22+s11+$0x0] =	vst.idx.add.s32.msk $0xffff, v3  }
0x139: {  	v22 =	vld [tilespmem:s14+$0xB00];
	_ =	sdelay $0x4  }
0x13a: {  	v22 =	vadd.s32 v2, v22;
	_ =	sdelay $0x4  }
0x13b: {  	[tilespmem:v22+s11+$0x0] =	vst.idx.add.s32.msk $0xffff, v3  }
0x13c: {  	v22 =	vld [tilespmem:s14+$0xB10];
	_ =	sdelay $0x4  }
0x13d: {  	v22 =	vadd.s32 v2, v22;
	_ =	sdelay $0x4  }
0x13e: {  	[tilespmem:v22+s11+$0x0] =	vst.idx.add.s32.msk $0xffff, v3  }
0x13f: {  	v22 =	vld [tilespmem:s14+$0xB80];
	_ =	sdelay $0x4  }
0x140: {  	v22 =	vadd.s32 v2, v22;
	_ =	sdelay $0x4  }
0x141: {  	[tilespmem:v22+s11+$0x0] =	vst.idx.add.s32.msk $0xffff, v3  }
0x142: {  	v22 =	vld [tilespmem:s14+$0xB90];
	_ =	sdelay $0x4  }
0x143: {  	v22 =	vadd.s32 v2, v22;
	_ =	sdelay $0x4  }
0x144: {  	[tilespmem:v22+s11+$0x0] =	vst.idx.add.s32.msk $0xffff, v3  }
0x145: {  	v22 =	vld [tilespmem:s14+$0xC00];
	_ =	sdelay $0x4  }
0x146: {  	v22 =	vadd.s32 v2, v22;
	_ =	sdelay $0x4  }
0x147: {  	[tilespmem:v22+s11+$0x0] =	vst.idx.add.s32.msk $0xffff, v3  }
0x148: {  	v22 =	vld [tilespmem:s14+$0xC10];
	_ =	sdelay $0x4  }
0x149: {  	v22 =	vadd.s32 v2, v22;
	_ =	sdelay $0x4  }
0x14a: {  	[tilespmem:v22+s11+$0x0] =	vst.idx.add.s32.msk $0xffff, v3  }
0x14b: {  	v22 =	vld [tilespmem:s14+$0xC80];
	_ =	sdelay $0x4  }
0x14c: {  	v22 =	vadd.s32 v2, v22;
	_ =	sdelay $0x4  }
0x14d: {  	[tilespmem:v22+s11+$0x0] =	vst.idx.add.s32.msk $0xffff, v3  }
0x14e: {  	v22 =	vld [tilespmem:s14+$0xC90];
	_ =	sdelay $0x4  }
0x14f: {  	v22 =	vadd.s32 v2, v22;
	_ =	sdelay $0x4  }
0x150: {  	[tilespmem:v22+s11+$0x0] =	vst.idx.add.s32.msk $0xffff, v3  }
0x151: {  	v22 =	vld [tilespmem:s14+$0xD00];
	_ =	sdelay $0x4  }
0x152: {  	v22 =	vadd.s32 v2, v22;
	_ =	sdelay $0x4  }
0x153: {  	[tilespmem:v22+s11+$0x0] =	vst.idx.add.s32.msk $0xffff, v3  }
0x154: {  	v22 =	vld [tilespmem:s14+$0xD10];
	_ =	sdelay $0x4  }
0x155: {  	v22 =	vadd.s32 v2, v22;
	_ =	sdelay $0x4  }
0x156: {  	[tilespmem:v22+s11+$0x0] =	vst.idx.add.s32.msk $0xffff, v3  }
0x157: {  	v22 =	vld [tilespmem:s14+$0xD80];
	_ =	sdelay $0x4  }
0x158: {  	v22 =	vadd.s32 v2, v22;
	_ =	sdelay $0x4  }
0x159: {  	[tilespmem:v22+s11+$0x0] =	vst.idx.add.s32.msk $0xffff, v3  }
0x15a: {  	v22 =	vld [tilespmem:s14+$0xD90];
	_ =	sdelay $0x4  }
0x15b: {  	v22 =	vadd.s32 v2, v22;
	_ =	sdelay $0x4  }
0x15c: {  	[tilespmem:v22+s11+$0x0] =	vst.idx.add.s32.msk $0xffff, v3  }
0x15d: {  	v22 =	vld [tilespmem:s14+$0xE00];
	_ =	sdelay $0x4  }
0x15e: {  	v22 =	vadd.s32 v2, v22;
	_ =	sdelay $0x4  }
0x15f: {  	[tilespmem:v22+s11+$0x0] =	vst.idx.add.s32.msk $0xffff, v3  }
0x160: {  	v22 =	vld [tilespmem:s14+$0xE10];
	_ =	sdelay $0x4  }
0x161: {  	v22 =	vadd.s32 v2, v22;
	_ =	sdelay $0x4  }
0x162: {  	[tilespmem:v22+s11+$0x0] =	vst.idx.add.s32.msk $0xffff, v3  }
0x163: {  	v22 =	vld [tilespmem:s14+$0xE80];
	_ =	sdelay $0x4  }
0x164: {  	v22 =	vadd.s32 v2, v22;
	_ =	sdelay $0x4  }
0x165: {  	[tilespmem:v22+s11+$0x0] =	vst.idx.add.s32.msk $0xffff, v3  }
0x166: {  	v22 =	vld [tilespmem:s14+$0xE90];
	_ =	sdelay $0x4  }
0x167: {  	v22 =	vadd.s32 v2, v22;
	_ =	sdelay $0x4  }
0x168: {  	[tilespmem:v22+s11+$0x0] =	vst.idx.add.s32.msk $0xffff, v3  }
0x169: {  	v22 =	vld [tilespmem:s14+$0xF00];
	_ =	sdelay $0x4  }
0x16a: {  	v22 =	vadd.s32 v2, v22;
	_ =	sdelay $0x4  }
0x16b: {  	[tilespmem:v22+s11+$0x0] =	vst.idx.add.s32.msk $0xffff, v3  }
0x16c: {  	v22 =	vld [tilespmem:s14+$0xF10];
	_ =	sdelay $0x4  }
0x16d: {  	v22 =	vadd.s32 v2, v22;
	_ =	sdelay $0x4  }
0x16e: {  	[tilespmem:v22+s11+$0x0] =	vst.idx.add.s32.msk $0xffff, v3  }
0x16f: {  	v22 =	vld [tilespmem:s14+$0xF80];
	_ =	sdelay $0x4  }
0x170: {  	v22 =	vadd.s32 v2, v22;
	_ =	sdelay $0x4  }
0x171: {  	[tilespmem:v22+s11+$0x0] =	vst.idx.add.s32.msk $0xffff, v3  }
0x172: {  	v22 =	vld [tilespmem:s14+$0xF90];
	_ =	sdelay $0x4  }
0x173: {  	v22 =	vadd.s32 v2, v22;
	_ =	sdelay $0x4  }
0x174: {  	[tilespmem:v22+s11+$0x0] =	vst.idx.add.s32.msk $0xffff, v3  }
0x175: {  	v22 =	vld [tilespmem:s14+$0x1000];
	_ =	sdelay $0x4  }
0x176: {  	v22 =	vadd.s32 v2, v22;
	_ =	sdelay $0x4  }
0x177: {  	[tilespmem:v22+s11+$0x0] =	vst.idx.add.s32.msk $0xffff, v3  }
0x178: {  	v22 =	vld [tilespmem:s14+$0x1010];
	_ =	sdelay $0x4  }
0x179: {  	v22 =	vadd.s32 v2, v22;
	_ =	sdelay $0x4  }
0x17a: {  	[tilespmem:v22+s11+$0x0] =	vst.idx.add.s32.msk $0xffff, v3  }
0x17b: {  	v33 =	vld [tilespmem:$0x2080]  }
0x17c: {  	v34 =	vld [tilespmem:$0x2110]  }
0x17d: {  	v0 =	vld [tilespmem:$0x2620]  }
0x17e: {  	v41 =	vld [tilespmem:$0x21A0]  }
0x17f: {  	v42 =	vld [tilespmem:$0x2230]  }
0x180: {  	v45 =	vld [tilespmem:$0x22C0]  }
0x181: {  	v46 =	vld [tilespmem:$0x2350]  }
0x182: {  	[tilespmem:$0x1FAB0] =	vst v0;
	v0 =	vld [tilespmem:$0x26B0]  }
0x183: {  	v48 =	vld [tilespmem:$0x23E0]  }
0x184: {  	v49 =	vld [tilespmem:$0x2470]  }
0x185: {  	v50 =	vld [tilespmem:$0x2500]  }
0x186: {  	v51 =	vld [tilespmem:$0x2590]  }
0x187: {  	[tilespmem:$0x1FAC0] =	vst v0;
	v0 =	vld [tilespmem:$0x2740]  }
0x188: {  	v36 =	vld [tilespmem:$0x2090]  }
0x189: {  	v56 =	vld [tilespmem:$0x2120]  }
0x18a: {  	v57 =	vld [tilespmem:$0x21B0]  }
0x18b: {  	v58 =	vld [tilespmem:$0x2240]  }
0x18c: {  	[tilespmem:$0x1FAD0] =	vst v0;
	v0 =	vld [tilespmem:$0x27D0]  }
0x18d: {  	v59 =	vld [tilespmem:$0x22D0]  }
0x18e: {  	v60 =	vld [tilespmem:$0x2360]  }
0x18f: {  	v61 =	vld [tilespmem:$0x23F0]  }
0x190: {  	v62 =	vld [tilespmem:$0x2480]  }
0x191: {  	[tilespmem:$0x1FAE0] =	vst v0;
	v0 =	vld [tilespmem:$0x2860]  }
0x192: {  	v63 =	vld [tilespmem:$0x2510]  }
0x193: {  	v5 =	vld [tilespmem:$0x25A0]  }
0x194: {  	v8 =	vld [tilespmem:$0x2630]  }
0x195: {  	v25 =	vld [tilespmem:$0x26C0]  }
0x196: {  	[tilespmem:$0x1FAF0] =	vst v0;
	v0 =	vld [tilespmem:$0x28F0]  }
0x197: {  	v29 =	vld [tilespmem:$0x2750]  }
0x198: {  	v38 =	vld [tilespmem:$0x27E0]  }
0x199: {  	v43 =	vld [tilespmem:$0x2870]  }
0x19a: {  	v55 =	vld [tilespmem:$0x2900]  }
0x19b: {  	[tilespmem:$0x1FB00] =	vst v0;
	v0 =	vld [tilespmem:$0x22F0]  }
0x19c: {  	v10 =	vld [tilespmem:$0x20A0]  }
0x19d: {  	v11 =	vld [tilespmem:$0x2130]  }
0x19e: {  	v12 =	vld [tilespmem:$0x21C0]  }
0x19f: {  	v14 =	vld [tilespmem:$0x2250]  }
0x1a0: {  	[tilespmem:$0x1FB10] =	vst v0;
	v0 =	vld [tilespmem:$0x2380]  }
0x1a1: {  	v15 =	vld [tilespmem:$0x22E0]  }
0x1a2: {  	v16 =	vld [tilespmem:$0x2370]  }
0x1a3: {  	v17 =	vld [tilespmem:$0x2400]  }
0x1a4: {  	v18 =	vld [tilespmem:$0x2490]  }
0x1a5: {  	[tilespmem:$0x1FB20] =	vst v0;
	v0 =	vld [tilespmem:$0x2410]  }
0x1a6: {  	v19 =	vld [tilespmem:$0x2520]  }
0x1a7: {  	v20 =	vld [tilespmem:$0x25B0]  }
0x1a8: {  	v21 =	vld [tilespmem:$0x2640]  }
0x1a9: {  	v13 =	vld [tilespmem:$0x26D0]  }
0x1aa: {  	[tilespmem:$0x1FB30] =	vst v0;
	v0 =	vld [tilespmem:$0x24A0]  }
0x1ab: {  	v7 =	vld [tilespmem:$0x2760]  }
0x1ac: {  	v22 =	vld [tilespmem:$0x27F0]  }
0x1ad: {  	v26 =	vld [tilespmem:$0x2880]  }
0x1ae: {  	v30 =	vld [tilespmem:$0x2910]  }
0x1af: {  	[tilespmem:$0x1FB40] =	vst v0;
	v0 =	vld [tilespmem:$0x2530]  }
0x1b0: {  	v37 =	vld [tilespmem:$0x20B0]  }
0x1b1: {  	v35 =	vld [tilespmem:$0x2140]  }
0x1b2: {  	v44 =	vld [tilespmem:$0x21D0]  }
0x1b3: {  	v53 =	vld [tilespmem:$0x2260]  }
0x1b4: {  	[tilespmem:$0x1FB50] =	vst v0;
	v0 =	vld [tilespmem:$0x25C0]  }
0x1b5: {  	v24 =	vld [tilespmem:$0x20C0]  }
0x1b6: {  	v23 =	vld [tilespmem:$0x2150]  }
0x1b7: {  	v28 =	vld [tilespmem:$0x21E0]  }
0x1b8: {  	v32 =	vld [tilespmem:$0x2270]  }
0x1b9: {  	[tilespmem:$0x1FB70] =	vst v0;
	v0 =	vld [tilespmem:$0x2650]  }
0x1ba: {  	v40 =	vld [tilespmem:$0x2300]  }
0x1bb: {  	v52 =	vld [tilespmem:$0x2390]  }
0x1bc: {  	v4 =	vld [tilespmem:$0x20D0]  }
0x1bd: {  	v6 =	vld [tilespmem:$0x21F0]  }
0x1be: {  	[tilespmem:$0x1FB90] =	vst v0;
	v0 =	vld [tilespmem:$0x26E0]  }
0x1bf: {  	v9 =	vld [tilespmem:$0x2280]  }
0x1c0: {  	v27 =	vld [tilespmem:$0x2310]  }
0x1c1: {  	v54 =	vld [tilespmem:$0x2550]  }
0x1c2: {  	v31 =	vld [tilespmem:$0x23A0]  }
0x1c3: {  	[tilespmem:$0x1FBB0] =	vst v0;
	v0 =	vld [tilespmem:$0x2770]  }
0x1c4: {  	v39 =	vld [tilespmem:$0x2430]  }
0x1c5: {  	v47 =	vld [tilespmem:$0x24C0]  }
0x1c6: {  	[tilespmem:$0x1FBF0] =	vst v54;
	v54 =	vld [tilespmem:$0x25E0]  }
0x1c7: {  	v56 =	vadd.s32 v36, v56;
	v36 =	vld [tilespmem:$0x28B0]  }
0x1c8: {  	v33 =	vadd.s32 v33, v34;
	[tilespmem:$0x1FBD0] =	vst v0;
	v0 =	vld [tilespmem:$0x2800]  }
0x1c9: {  	v41 =	vadd.s32 v41, v33;
	v33 =	vld [tilespmem:$0x2940]  }
0x1ca: {  	v34 =	vadd.s32 v57, v56;
	v56 =	vld [tilespmem:$0x2950]  }
0x1cb: {  	v41 =	vadd.s32 v42, v41;
	v57 =	vadd.s32 v58, v34;
	v34 =	vld [tilespmem:$0x20E0]  }
0x1cc: {  	v58 =	vadd.s32 v45, v41;
	v41 =	vld [tilespmem:$0x2170]  }
0x1cd: {  	v10 =	vadd.s32 v10, v11;
	[tilespmem:$0x1FC00] =	vst v0;
	v0 =	vld [tilespmem:$0x2890]  }
0x1ce: {  	v10 =	vadd.s32 v12, v10;
	v42 =	vadd.s32 v59, v57;
	v45 =	vld [tilespmem:$0x2290]  }
0x1cf: {  	v10 =	vadd.s32 v14, v10;
	v60 =	vadd.s32 v60, v42;
	v42 =	vld [tilespmem:$0x2200]  }
0x1d0: {  	v10 =	vadd.s32 v15, v10;
	v11 =	vadd.s32 v46, v58;
	v46 =	vld [tilespmem:$0x2320]  }
0x1d1: {  	v10 =	vadd.s32 v16, v10;
	v16 =	vld [tilespmem:$0x1FAB0]  }
0x1d2: {  	[tilespmem:$0x1FC30] =	vst v0;
	v0 =	vld [tilespmem:$0x2920]  }
0x1d3: {  	[tilespmem:$0x1FC20] =	vst v54;
	v54 =	vld [tilespmem:$0x2670]  }
0x1d4: {  	v11 =	vadd.s32 v48, v11;
	v48 =	vld [tilespmem:$0x23B0]  }
0x1d5: {  	v10 =	vadd.s32 v17, v10;
	v11 =	vadd.s32 v49, v11;
	v49 =	vld [tilespmem:$0x2440]  }
0x1d6: {  	v10 =	vadd.s32 v18, v10;
	v18 =	vld [tilespmem:$0x1FAC0]  }
0x1d7: {  	v12 =	vadd.s32 v61, v60;
	[tilespmem:$0x1FC60] =	vst v0;
	v0 =	vld [tilespmem:$0x2420]  }
0x1d8: {  	v12 =	vadd.s32 v62, v12;
	v11 =	vadd.s32 v50, v11;
	v50 =	vld [tilespmem:$0x24D0]  }
0x1d9: {  	v12 =	vadd.s32 v63, v12;
	v11 =	vadd.s32 v51, v11;
	v51 =	vld [tilespmem:$0x2560]  }
0x1da: {  	v5 =	vadd.s32 v5, v12;
	v12 =	vld [tilespmem:$0x25F0]  }
0x1db: {  	v11 =	vadd.s32 v16, v11;
	v16 =	vld [tilespmem:$0x20F0]  }
0x1dc: {  	v17 =	vadd.s32 v19, v10;
	[tilespmem:$0x1FB60] =	vst v0;
	v0 =	vld [tilespmem:$0x24B0]  }
0x1dd: {  	v5 =	vadd.s32 v8, v5;
	v8 =	vadd.s32 v20, v17;
	v17 =	vld [tilespmem:$0x2210]  }
0x1de: {  	[tilespmem:$0x1FC50] =	vst v54;
	v54 =	vld [tilespmem:$0x2700]  }
0x1df: {  	v19 =	vld [tilespmem:$0x1FAD0]  }
0x1e0: {  	v10 =	vadd.s32 v18, v11;
	v11 =	vld [tilespmem:$0x2680]  }
0x1e1: {  	v5 =	vadd.s32 v25, v5;
	[tilespmem:$0x1FB80] =	vst v0;
	v0 =	vld [tilespmem:$0x2540]  }
0x1e2: {  	v8 =	vadd.s32 v21, v8;
	v5 =	vadd.s32 v29, v5;
	v29 =	vld [tilespmem:$0x1FEF0]  }
0x1e3: {  	v8 =	vadd.s32 v13, v8;
	v18 =	vld [tilespmem:$0x2180]  }
0x1e4: {  	v7 =	vadd.s32 v7, v8;
	v8 =	vld [tilespmem:$0x27A0]  }
0x1e5: {  	v5 =	vadd.s32 v38, v5;
	v38 =	vld [tilespmem:$0x1FF10]  }
0x1e6: {  	[tilespmem:$0x1FBA0] =	vst v0;
	v0 =	vld [tilespmem:$0x25D0]  }
0x1e7: {  	v7 =	vadd.s32 v22, v7;
	v22 =	vld [tilespmem:$0x2600]  }
0x1e8: {  	v5 =	vadd.s32 v43, v5;
	v43 =	vadd.s32 v24, v23;
	v23 =	vld [tilespmem:$0x2690]  }
0x1e9: {  	v26 =	vadd.s32 v26, v7;
	[tilespmem:$0x1FC80] =	vst v54;
	v54 =	vld [tilespmem:$0x2790]  }
0x1ea: {  	v14 =	vadd.s32 v30, v26;
	v30 =	vld [tilespmem:$0x1FF00]  }
0x1eb: {  	[tilespmem:$0x1FBC0] =	vst v0;
	v0 =	vld [tilespmem:$0x2660]  }
0x1ec: {  	v20 =	vld [tilespmem:$0x1FAE0]  }
0x1ed: {  	v21 =	vld [tilespmem:$0x1FAF0]  }
0x1ee: {  	v25 =	vld [tilespmem:$0x1FB00]  }
0x1ef: {  	v7 =	vld [tilespmem:$0x2830]  }
0x1f0: {  	v10 =	vadd.s32 v19, v10;
	[tilespmem:$0x1FBE0] =	vst v0;
	v0 =	vld [tilespmem:$0x26F0]  }
0x1f1: {  	v5 =	vadd.s32 v55, v5;
	v19 =	vld [tilespmem:$0x2450];
	v10 =	vadd.s32 v20, v10  }
0x1f2: {  	v5 =	vshll.u32 v5, $0xB;
	[tilespmem:$0x1FCA0] =	vst v54;
	v54 =	vld [tilespmem:$0x2820];
	v13 =	vadd.s32 v21, v10  }
0x1f3: {  	v15 =	vor.u32 v30, v5;
	v5 =	vld [tilespmem:$0x28C0];
	v13 =	vadd.s32 v25, v13  }
0x1f4: {  	v20 =	vld [tilespmem:$0x24E0];
	v13 =	vshll.u32 v13, $0xB  }
0x1f5: {  	v35 =	vadd.s32 v37, v35;
	v13 =	vor.u32 v29, v13;
	[tilespmem:$0x1FC10] =	vst v0;
	v0 =	vld [tilespmem:$0x2780]  }
0x1f6: {  	v37 =	vadd.s32 v44, v35;
	v44 =	vld [tilespmem:$0x1FB10];
	vm0 =	vgt.s32 v13, v15  }
0x1f7: {  	v13 =	vsel vm0, v13, v15;
	v15 =	vadd.s32 v53, v37;
	v53 =	vadd.s32 v28, v43;
	v28 =	vld [tilespmem:$0x1FBF0]  }
0x1f8: {  	v14 =	vshll.u32 v14, $0xB;
	v37 =	vld [tilespmem:$0x1FC50]  }
0x1f9: {  	v14 =	vor.u32 v38, v14;
	[tilespmem:$0x1FCC0] =	vst v54;
	v54 =	vld [tilespmem:$0x1FB20]  }
0x1fa: {  	vm0 =	vgt.s32 v13, v14;
	[tilespmem:$0x1FC40] =	vst v0;
	v0 =	vld [tilespmem:$0x2810]  }
0x1fb: {  	v13 =	vsel vm0, v13, v14;
	v14 =	vadd.s32 v44, v15;
	v44 =	vld [tilespmem:$0x1FCA0]  }
0x1fc: {  	v15 =	vadd.s32 v32, v53;
	v53 =	vld [tilespmem:$0x1FCC0]  }
0x1fd: {  	v15 =	vadd.s32 v40, v15;
	v40 =	vld [tilespmem:$0x1FC80]  }
0x1fe: {  	v55 =	vld [tilespmem:$0x1FB30]  }
0x1ff: {  	[tilespmem:$0x1FC70] =	vst v0;
	v0 =	vld [tilespmem:$0x28A0]  }
0x200: {  	v57 =	vld [tilespmem:$0x1FB40]  }
0x201: {  	v58 =	vld [tilespmem:$0x1FB50]  }
0x202: {  	v60 =	vld [tilespmem:$0x1FB70]  }
0x203: {  	v62 =	vld [tilespmem:$0x1FB90]  }
0x204: {  	[tilespmem:$0x1FC90] =	vst v0;
	v0 =	vld [tilespmem:$0x2930]  }
0x205: {  	v24 =	vld [tilespmem:$0x1FBB0]  }
0x206: {  	v26 =	vld [tilespmem:$0x1FBD0]  }
0x207: {  	v29 =	vld [tilespmem:$0x1FC00]  }
0x208: {  	v32 =	vld [tilespmem:$0x1FC30]  }
0x209: {  	[tilespmem:$0x1FCB0] =	vst v0;
	v0 =	vld [tilespmem:$0x2160]  }
0x20a: {  	v38 =	vld [tilespmem:$0x1FC60]  }
0x20b: {  	v59 =	vld [tilespmem:$0x1FB60]  }
0x20c: {  	v61 =	vld [tilespmem:$0x1FB80]  }
0x20d: {  	v63 =	vld [tilespmem:$0x1FBA0]  }
0x20e: {  	v14 =	vadd.s32 v54, v14;
	v25 =	vld [tilespmem:$0x1FBC0];
	v0 =	vadd.s32 v4, v0  }
0x20f: {  	v14 =	vadd.s32 v55, v14;
	v30 =	vld [tilespmem:$0x1FC10];
	v0 =	vadd.s32 v6, v0  }
0x210: {  	v14 =	vadd.s32 v57, v14;
	v35 =	vld [tilespmem:$0x1FC40];
	v0 =	vadd.s32 v9, v0  }
0x211: {  	v15 =	vadd.s32 v52, v15;
	v14 =	vadd.s32 v58, v14;
	v0 =	vadd.s32 v27, v0;
	v27 =	vld [tilespmem:$0x1FBE0]  }
0x212: {  	v14 =	vadd.s32 v60, v14;
	v15 =	vadd.s32 v59, v15;
	v0 =	vadd.s32 v31, v0;
	v31 =	vld [tilespmem:$0x1FC20]  }
0x213: {  	v14 =	vadd.s32 v62, v14;
	v15 =	vadd.s32 v61, v15;
	v43 =	vld [tilespmem:$0x1FC90]  }
0x214: {  	v14 =	vadd.s32 v24, v14;
	v15 =	vadd.s32 v63, v15;
	v0 =	vadd.s32 v39, v0;
	v39 =	vld [tilespmem:$0x1FC70]  }
0x215: {  	v14 =	vadd.s32 v26, v14;
	v15 =	vadd.s32 v25, v15;
	v52 =	vld [tilespmem:$0x1FCB0];
	v0 =	vadd.s32 v47, v0  }
0x216: {  	v14 =	vadd.s32 v29, v14;
	v47 =	vld [tilespmem:$0x1FF20];
	v0 =	vadd.s32 v28, v0;
	v15 =	vadd.s32 v27, v15  }
0x217: {  	v10 =	vld [tilespmem:$0x2710];
	v14 =	vadd.s32 v32, v14;
	v15 =	vadd.s32 v30, v15;
	v0 =	vadd.s32 v31, v0  }
0x218: {  	v57 =	vld [tilespmem:$0x1FF30];
	v14 =	vadd.s32 v38, v14;
	v15 =	vadd.s32 v35, v15;
	v0 =	vadd.s32 v37, v0  }
0x219: {  	v21 =	vld [tilespmem:$0x2570];
	v14 =	vshll.u32 v14, $0xB;
	v15 =	vadd.s32 v39, v15;
	v0 =	vadd.s32 v40, v0  }
0x21a: {  	v59 =	vadd.s32 v34, v41;
	v61 =	vld [tilespmem:$0x1FF40];
	v15 =	vadd.s32 v43, v15;
	v0 =	vadd.s32 v44, v0  }
0x21b: {  	v54 =	vld [tilespmem:$0x2960];
	v14 =	vor.u32 v47, v14;
	v15 =	vadd.s32 v52, v15;
	v0 =	vadd.s32 v53, v0  }
0x21c: {  	v55 =	vld [tilespmem:$0x2100];
	vm0 =	vgt.s32 v13, v14;
	v15 =	vshll.u32 v15, $0xB;
	v0 =	vadd.s32 v36, v0  }
0x21d: {  	v58 =	vld [tilespmem:$0x2190];
	v13 =	vsel vm0, v13, v14;
	v14 =	vor.u32 v57, v15;
	v0 =	vadd.s32 v33, v0  }
0x21e: {  	v60 =	vld [tilespmem:$0x2220];
	v62 =	vadd.s32 v42, v59;
	vm0 =	vgt.s32 v13, v14;
	v0 =	vshll.u32 v0, $0xB  }
0x21f: {  	v24 =	vld [tilespmem:$0x2720];
	v13 =	vsel vm0, v13, v14;
	v0 =	vor.u32 v61, v0;
	v14 =	vadd.s32 v45, v62  }
0x220: {  	v26 =	vld [tilespmem:$0x2840];
	vm0 =	vgt.s32 v13, v0;
	v34 =	vadd.s32 v46, v14  }
0x221: {  	v4 =	vld [tilespmem:$0x22A0];
	v0 =	vsel vm0, v13, v0;
	v13 =	vadd.s32 v48, v34  }
0x222: {  	v6 =	vld [tilespmem:$0x2330];
	v13 =	vadd.s32 v49, v13  }
0x223: {  	v9 =	vld [tilespmem:$0x23C0];
	v13 =	vadd.s32 v50, v13  }
0x224: {  	v16 =	vadd.s32 v16, v18;
	v38 =	vld [tilespmem:$0x2460];
	v13 =	vadd.s32 v51, v13  }
0x225: {  	v41 =	vld [tilespmem:$0x2580];
	v35 =	vadd.s32 v17, v16;
	v12 =	vadd.s32 v12, v13  }
0x226: {  	v63 =	vld [tilespmem:$0x22B0];
	v4 =	vadd.s32 v4, v35;
	v11 =	vadd.s32 v11, v12  }
0x227: {  	v25 =	vld [tilespmem:$0x27B0];
	v4 =	vadd.s32 v6, v4;
	v10 =	vadd.s32 v10, v11  }
0x228: {  	v4 =	vadd.s32 v9, v4;
	v49 =	vld [tilespmem:$0x1FF50];
	v8 =	vadd.s32 v8, v10  }
0x229: {  	v4 =	vadd.s32 v19, v4;
	v33 =	vld [tilespmem:$0x2340];
	v7 =	vadd.s32 v7, v8  }
0x22a: {  	v36 =	vld [tilespmem:$0x23D0];
	v4 =	vadd.s32 v20, v4;
	v5 =	vadd.s32 v5, v7  }
0x22b: {  	v27 =	vld [tilespmem:$0x28D0];
	v37 =	vadd.s32 v55, v58;
	v4 =	vadd.s32 v21, v4;
	v5 =	vadd.s32 v56, v5  }
0x22c: {  	v39 =	vadd.s32 v60, v37;
	v40 =	vld [tilespmem:$0x24F0];
	v4 =	vadd.s32 v22, v4;
	v5 =	vshll.u32 v5, $0xB  }
0x22d: {  	v42 =	vld [tilespmem:$0x2610];
	v6 =	vadd.s32 v63, v39;
	v4 =	vadd.s32 v23, v4;
	v5 =	vor.u32 v49, v5  }
0x22e: {  	v43 =	vld [tilespmem:$0x26A0];
	v4 =	vadd.s32 v24, v4;
	v6 =	vadd.s32 v33, v6;
	vm0 =	vgt.s32 v0, v5  }
0x22f: {  	v4 =	vadd.s32 v25, v4;
	v6 =	vadd.s32 v36, v6;
	v0 =	vsel vm0, v0, v5;
	v5 =	vld [tilespmem:$0x1FF60]  }
0x230: {  	v44 =	vld [tilespmem:$0x2730];
	v4 =	vadd.s32 v26, v4;
	v6 =	vadd.s32 v38, v6  }
0x231: {  	v45 =	vld [tilespmem:$0x27C0];
	v4 =	vadd.s32 v27, v4;
	v6 =	vadd.s32 v40, v6  }
0x232: {  	v46 =	vld [tilespmem:$0x2850];
	v4 =	vadd.s32 v54, v4;
	v6 =	vadd.s32 v41, v6  }
0x233: {  	v47 =	vld [tilespmem:$0x28E0];
	v4 =	vshll.u32 v4, $0xB;
	v6 =	vadd.s32 v42, v6  }
0x234: {  	v48 =	vld [tilespmem:$0x2970];
	v6 =	vadd.s32 v43, v6;
	v4 =	vor.u32 v5, v4  }
0x235: {  	v6 =	vadd.s32 v44, v6;
	vm0 =	vgt.s32 v0, v4  }
0x236: {  	v6 =	vadd.s32 v45, v6;
	v0 =	vsel vm0, v0, v4;
	v4 =	vld [tilespmem:$0x1FF70]  }
0x237: {  	v6 =	vadd.s32 v46, v6  }
0x238: {  	v6 =	vadd.s32 v47, v6  }
0x239: {  	v5 =	vadd.s32 v48, v6  }
0x23a: {  	v5 =	vshll.u32 v5, $0xB  }
0x23b: {  	v4 =	vor.u32 v4, v5  }
0x23c: {  	vm0 =	vgt.s32 v0, v4  }
0x23d: {  	v0 =	vsel vm0, v0, v4  }
0x23e: {  	v4 =	vshra.s32 v0, $0x1F  }
0x23f: {  	v0 =	vor.u32 v4, v0  }
0x240: {  	v0 =	vxor.u32 $0x80000000, v0  }
0x241: {  	(xrf0) =	vmax.scan.msk.u32 $0xffff, v0;
	_ =	sdelay $0x5  }
0x242: {  	v0, _, _ =	vpop (xrf0)  }
0x243: {  	(v2sf) =	vpush v0, $0xF;
	_ =	sdelay $0x9  }
0x244: {  	v55 =	vld [tilespmem:$0x1FFD0]  }
0x245: {  	v52 =	vld [tilespmem:$0x1FFA0]  }
0x246: {  	v53 =	vld [tilespmem:$0x1FFB0]  }
0x247: {  	v57 =	vld [tilespmem:$0x1FFF0]  }
0x248: {  	v50 =	vld [tilespmem:$0x1FF80]  }
0x249: {  	v51 =	vld [tilespmem:$0x1FF90];
	s29 =	spop (v2sf)  }
0x24a: {  	v54 =	vld [tilespmem:$0x1FFC0];
	s14 =	sxor.u32 $0xFFFFFFFF, s29  }
0x24b: {  	v56 =	vld [tilespmem:$0x1FFE0];
	s14 =	sand.u32 $0x7FF, s14  }
0x24c: {  	v4 =	vlaneseq.u32;
	v0 =	vmov s14  }
0x24d: {  	v5 =	vimm.f32 $0.0e+00;
	vm9 =	veq.s32 v0, v4;
	vm10 =	veq.s32 v0, v50  }
0x24e: {  	vm11 =	veq.s32 v0, v51;
	vm12 =	veq.s32 v0, v52;
	vm13 =	veq.s32 v0, v53  }
0x24f: {  	vm14 =	veq.s32 v0, v54;
	vm5 =	veq.s32 v0, v57;
	v4 =	vsel vm9, $0x3F800000, v5  }
0x250: {  	vm15 =	veq.s32 v0, v55;
	vm4 =	veq.s32 v0, v56;
	v0 =	vsel vm5, $0x3F800000, v5;
	[tilespmem:$0x2980] =	vst v4  }
0x251: {  	v4 =	vsel vm10, $0x3F800000, v5;
	[tilespmem:$0x2A00] =	vst v0  }
0x252: {  	[tilespmem:$0x2990] =	vst v4;
	v4 =	vsel vm11, $0x3F800000, v5  }
0x253: {  	[tilespmem:$0x29A0] =	vst v4;
	v4 =	vsel vm12, $0x3F800000, v5  }
0x254: {  	[tilespmem:$0x29B0] =	vst v4;
	v4 =	vsel vm13, $0x3F800000, v5  }
0x255: {  	[tilespmem:$0x29C0] =	vst v4;
	v4 =	vsel vm14, $0x3F800000, v5  }
0x256: {  	[tilespmem:$0x29D0] =	vst v4;
	v4 =	vsel vm15, $0x3F800000, v5  }
0x257: {  	[tilespmem:$0x29E0] =	vst v4;
	v4 =	vsel vm4, $0x3F800000, v5  }
0x258: {  	[tilespmem:$0x29F0] =	vst v4  }
0x259: {  	[hbm4b:s4+s9] =	stream.strided.scatter [tilespmem:s12], [sflag:$0x2], $0x100, s7, s9, $0x38;
	[tilespmem:$0x2A80] =	vst v63  }
0x25a: {  	_ =	swait.ge [sflag:s6], $0x100  }
0x25b: {  	[sflag:s6] =	ssyncset.done $0x0  }
0x25c: {  	[sflag:s6] =	ssyncadd.s32 $0xFFFFFF00  }
0x25d: {  	[tilespmem:$0x2080] =	vst v1  }
0x25e: {  	[tilespmem:$0x2090] =	vst v1  }
0x25f: {  	[tilespmem:$0x20A0] =	vst v1  }
0x260: {  	[tilespmem:$0x20B0] =	vst v1  }
0x261: {  	[tilespmem:$0x20C0] =	vst v1  }
0x262: {  	[tilespmem:$0x20D0] =	vst v1  }
0x263: {  	[tilespmem:$0x20E0] =	vst v1  }
0x264: {  	[tilespmem:$0x20F0] =	vst v1  }
0x265: {  	[tilespmem:$0x2100] =	vst v1  }
0x266: {  	[tilespmem:$0x2110] =	vst v1  }
0x267: {  	[tilespmem:$0x2120] =	vst v1  }
0x268: {  	[tilespmem:$0x2130] =	vst v1  }
0x269: {  	[tilespmem:$0x2140] =	vst v1  }
0x26a: {  	[tilespmem:$0x2150] =	vst v1  }
0x26b: {  	[tilespmem:$0x2160] =	vst v1  }
0x26c: {  	[tilespmem:$0x2170] =	vst v1  }
0x26d: {  	[tilespmem:$0x2180] =	vst v1  }
0x26e: {  	[tilespmem:$0x2190] =	vst v1  }
0x26f: {  	[tilespmem:$0x21A0] =	vst v1  }
0x270: {  	[tilespmem:$0x21B0] =	vst v1  }
0x271: {  	[tilespmem:$0x21C0] =	vst v1  }
0x272: {  	[tilespmem:$0x21D0] =	vst v1  }
0x273: {  	[tilespmem:$0x21E0] =	vst v1  }
0x274: {  	[tilespmem:$0x21F0] =	vst v1  }
0x275: {  	[tilespmem:$0x2200] =	vst v1  }
0x276: {  	[tilespmem:$0x2210] =	vst v1  }
0x277: {  	[tilespmem:$0x2220] =	vst v1  }
0x278: {  	[tilespmem:$0x2230] =	vst v1  }
0x279: {  	[tilespmem:$0x2240] =	vst v1  }
0x27a: {  	[tilespmem:$0x2250] =	vst v1  }
0x27b: {  	[tilespmem:$0x2260] =	vst v1  }
0x27c: {  	[tilespmem:$0x2270] =	vst v1  }
0x27d: {  	[tilespmem:$0x2280] =	vst v1  }
0x27e: {  	[tilespmem:$0x2290] =	vst v1  }
0x27f: {  	[tilespmem:$0x22A0] =	vst v1  }
0x280: {  	[tilespmem:$0x22B0] =	vst v1  }
0x281: {  	[tilespmem:$0x22C0] =	vst v1  }
0x282: {  	[tilespmem:$0x22D0] =	vst v1  }
0x283: {  	[tilespmem:$0x22E0] =	vst v1  }
0x284: {  	[tilespmem:$0x22F0] =	vst v1  }
0x285: {  	[tilespmem:$0x2300] =	vst v1  }
0x286: {  	[tilespmem:$0x2310] =	vst v1  }
0x287: {  	[tilespmem:$0x2320] =	vst v1  }
0x288: {  	[tilespmem:$0x2330] =	vst v1  }
0x289: {  	[tilespmem:$0x2340] =	vst v1  }
0x28a: {  	[tilespmem:$0x2350] =	vst v1  }
0x28b: {  	[tilespmem:$0x2360] =	vst v1  }
0x28c: {  	[tilespmem:$0x2370] =	vst v1  }
0x28d: {  	[tilespmem:$0x2380] =	vst v1  }
0x28e: {  	[tilespmem:$0x2390] =	vst v1  }
0x28f: {  	[tilespmem:$0x23A0] =	vst v1  }
0x290: {  	[tilespmem:$0x23B0] =	vst v1  }
0x291: {  	[tilespmem:$0x23C0] =	vst v1  }
0x292: {  	[tilespmem:$0x23D0] =	vst v1  }
0x293: {  	[tilespmem:$0x23E0] =	vst v1  }
0x294: {  	[tilespmem:$0x23F0] =	vst v1  }
0x295: {  	[tilespmem:$0x2400] =	vst v1  }
0x296: {  	[tilespmem:$0x2410] =	vst v1  }
0x297: {  	[tilespmem:$0x2420] =	vst v1  }
0x298: {  	[tilespmem:$0x2430] =	vst v1  }
0x299: {  	[tilespmem:$0x2440] =	vst v1  }
0x29a: {  	[tilespmem:$0x2450] =	vst v1  }
0x29b: {  	[tilespmem:$0x2460] =	vst v1  }
0x29c: {  	[tilespmem:$0x2470] =	vst v1  }
0x29d: {  	[tilespmem:$0x2480] =	vst v1  }
0x29e: {  	[tilespmem:$0x2490] =	vst v1  }
0x29f: {  	[tilespmem:$0x24A0] =	vst v1  }
0x2a0: {  	[tilespmem:$0x24B0] =	vst v1  }
0x2a1: {  	[tilespmem:$0x24C0] =	vst v1  }
0x2a2: {  	[tilespmem:$0x24D0] =	vst v1  }
0x2a3: {  	[tilespmem:$0x24E0] =	vst v1  }
0x2a4: {  	[tilespmem:$0x24F0] =	vst v1  }
0x2a5: {  	[tilespmem:$0x2500] =	vst v1  }
0x2a6: {  	[tilespmem:$0x2510] =	vst v1  }
0x2a7: {  	[tilespmem:$0x2520] =	vst v1  }
0x2a8: {  	[tilespmem:$0x2530] =	vst v1  }
0x2a9: {  	[tilespmem:$0x2540] =	vst v1  }
0x2aa: {  	[tilespmem:$0x2550] =	vst v1  }
0x2ab: {  	[tilespmem:$0x2560] =	vst v1  }
0x2ac: {  	[tilespmem:$0x2570] =	vst v1  }
0x2ad: {  	[tilespmem:$0x2580] =	vst v1  }
0x2ae: {  	[tilespmem:$0x2590] =	vst v1  }
0x2af: {  	[tilespmem:$0x25A0] =	vst v1  }
0x2b0: {  	[tilespmem:$0x25B0] =	vst v1  }
0x2b1: {  	[tilespmem:$0x25C0] =	vst v1  }
0x2b2: {  	[tilespmem:$0x25D0] =	vst v1  }
0x2b3: {  	[tilespmem:$0x25E0] =	vst v1  }
0x2b4: {  	[tilespmem:$0x25F0] =	vst v1  }
0x2b5: {  	[tilespmem:$0x2600] =	vst v1  }
0x2b6: {  	[tilespmem:$0x2610] =	vst v1  }
0x2b7: {  	[tilespmem:$0x2620] =	vst v1  }
0x2b8: {  	[tilespmem:$0x2630] =	vst v1  }
0x2b9: {  	[tilespmem:$0x2640] =	vst v1  }
0x2ba: {  	[tilespmem:$0x2650] =	vst v1  }
0x2bb: {  	[tilespmem:$0x2660] =	vst v1  }
0x2bc: {  	[tilespmem:$0x2670] =	vst v1  }
0x2bd: {  	[tilespmem:$0x2680] =	vst v1  }
0x2be: {  	[tilespmem:$0x2690] =	vst v1  }
0x2bf: {  	[tilespmem:$0x26A0] =	vst v1  }
0x2c0: {  	[tilespmem:$0x26B0] =	vst v1  }
0x2c1: {  	[tilespmem:$0x26C0] =	vst v1  }
0x2c2: {  	[tilespmem:$0x26D0] =	vst v1  }
0x2c3: {  	[tilespmem:$0x26E0] =	vst v1  }
0x2c4: {  	[tilespmem:$0x26F0] =	vst v1  }
0x2c5: {  	[tilespmem:$0x2700] =	vst v1  }
0x2c6: {  	[tilespmem:$0x2710] =	vst v1  }
0x2c7: {  	[tilespmem:$0x2720] =	vst v1  }
0x2c8: {  	[tilespmem:$0x2730] =	vst v1  }
0x2c9: {  	[tilespmem:$0x2740] =	vst v1  }
0x2ca: {  	[tilespmem:$0x2750] =	vst v1  }
0x2cb: {  	[tilespmem:$0x2760] =	vst v1  }
0x2cc: {  	[tilespmem:$0x2770] =	vst v1  }
0x2cd: {  	[tilespmem:$0x2780] =	vst v1  }
0x2ce: {  	[tilespmem:$0x2790] =	vst v1  }
0x2cf: {  	[tilespmem:$0x27A0] =	vst v1  }
0x2d0: {  	[tilespmem:$0x27B0] =	vst v1  }
0x2d1: {  	[tilespmem:$0x27C0] =	vst v1  }
0x2d2: {  	[tilespmem:$0x27D0] =	vst v1  }
0x2d3: {  	[tilespmem:$0x27E0] =	vst v1  }
0x2d4: {  	[tilespmem:$0x27F0] =	vst v1  }
0x2d5: {  	[tilespmem:$0x2800] =	vst v1  }
0x2d6: {  	[tilespmem:$0x2810] =	vst v1  }
0x2d7: {  	[tilespmem:$0x2820] =	vst v1  }
0x2d8: {  	[tilespmem:$0x2830] =	vst v1  }
0x2d9: {  	[tilespmem:$0x2840] =	vst v1  }
0x2da: {  	[tilespmem:$0x2850] =	vst v1  }
0x2db: {  	[tilespmem:$0x2860] =	vst v1  }
0x2dc: {  	[tilespmem:$0x2870] =	vst v1  }
0x2dd: {  	[tilespmem:$0x2880] =	vst v1  }
0x2de: {  	[tilespmem:$0x2890] =	vst v1  }
0x2df: {  	[tilespmem:$0x28A0] =	vst v1  }
0x2e0: {  	[tilespmem:$0x28B0] =	vst v1  }
0x2e1: {  	[tilespmem:$0x28C0] =	vst v1  }
0x2e2: {  	[tilespmem:$0x28D0] =	vst v1  }
0x2e3: {  	[tilespmem:$0x28E0] =	vst v1  }
0x2e4: {  	[tilespmem:$0x28F0] =	vst v1  }
0x2e5: {  	[tilespmem:$0x2900] =	vst v1  }
0x2e6: {  	[tilespmem:$0x2910] =	vst v1  }
0x2e7: {  	[tilespmem:$0x2920] =	vst v1  }
0x2e8: {  	[tilespmem:$0x2930] =	vst v1  }
0x2e9: {  	[tilespmem:$0x2940] =	vst v1  }
0x2ea: {  	[tilespmem:$0x2950] =	vst v1  }
0x2eb: {  	[tilespmem:$0x2960] =	vst v1  }
0x2ec: {  	[tilespmem:$0x2970] =	vst v1  }
0x2ed: {  	_ =	swait.ge [sflag:s10], $0x1000  }
0x2ee: {  	s13 =	sshll.u32 s25, $0x5;
	[sflag:s10] =	ssyncset.done $0x0  }
0x2ef: {  	s13 =	sand.u32 $0x60, s13;
	[sflag:s10] =	ssyncadd.s32 $0xFFFFF000  }
0x2f0: {  	v0 =	vld [tilespmem:s13+$0x1080];
	_ =	sdelay $0x4  }
0x2f1: {  	v0 =	vadd.s32 v2, v0;
	_ =	sdelay $0x4  }
0x2f2: {  	[tilespmem:v0+s11+$0x0] =	vst.idx.add.s32.msk $0xffff, v3  }
0x2f3: {  	v0 =	vld [tilespmem:s13+$0x1090];
	_ =	sdelay $0x4  }
0x2f4: {  	v0 =	vadd.s32 v2, v0;
	_ =	sdelay $0x4  }
0x2f5: {  	[tilespmem:v0+s11+$0x0] =	vst.idx.add.s32.msk $0xffff, v3  }
0x2f6: {  	v0 =	vld [tilespmem:s13+$0x1100];
	_ =	sdelay $0x4  }
0x2f7: {  	v0 =	vadd.s32 v2, v0;
	_ =	sdelay $0x4  }
0x2f8: {  	[tilespmem:v0+s11+$0x0] =	vst.idx.add.s32.msk $0xffff, v3  }
0x2f9: {  	v0 =	vld [tilespmem:s13+$0x1110];
	_ =	sdelay $0x4  }
0x2fa: {  	v0 =	vadd.s32 v2, v0;
	_ =	sdelay $0x4  }
0x2fb: {  	[tilespmem:v0+s11+$0x0] =	vst.idx.add.s32.msk $0xffff, v3  }
0x2fc: {  	v0 =	vld [tilespmem:s13+$0x1180];
	_ =	sdelay $0x4  }
0x2fd: {  	v0 =	vadd.s32 v2, v0;
	_ =	sdelay $0x4  }
0x2fe: {  	[tilespmem:v0+s11+$0x0] =	vst.idx.add.s32.msk $0xffff, v3  }
0x2ff: {  	v0 =	vld [tilespmem:s13+$0x1190];
	_ =	sdelay $0x4  }
0x300: {  	v0 =	vadd.s32 v2, v0;
	_ =	sdelay $0x4  }
0x301: {  	[tilespmem:v0+s11+$0x0] =	vst.idx.add.s32.msk $0xffff, v3  }
0x302: {  	v0 =	vld [tilespmem:s13+$0x1200];
	_ =	sdelay $0x4  }
0x303: {  	v0 =	vadd.s32 v2, v0;
	_ =	sdelay $0x4  }
0x304: {  	[tilespmem:v0+s11+$0x0] =	vst.idx.add.s32.msk $0xffff, v3  }
0x305: {  	v0 =	vld [tilespmem:s13+$0x1210];
	_ =	sdelay $0x4  }
0x306: {  	v0 =	vadd.s32 v2, v0;
	_ =	sdelay $0x4  }
0x307: {  	[tilespmem:v0+s11+$0x0] =	vst.idx.add.s32.msk $0xffff, v3  }
0x308: {  	v0 =	vld [tilespmem:s13+$0x1280];
	_ =	sdelay $0x4  }
0x309: {  	v0 =	vadd.s32 v2, v0;
	_ =	sdelay $0x4  }
0x30a: {  	[tilespmem:v0+s11+$0x0] =	vst.idx.add.s32.msk $0xffff, v3  }
0x30b: {  	v0 =	vld [tilespmem:s13+$0x1290];
	_ =	sdelay $0x4  }
0x30c: {  	v0 =	vadd.s32 v2, v0;
	_ =	sdelay $0x4  }
0x30d: {  	[tilespmem:v0+s11+$0x0] =	vst.idx.add.s32.msk $0xffff, v3  }
0x30e: {  	v0 =	vld [tilespmem:s13+$0x1300];
	_ =	sdelay $0x4  }
0x30f: {  	v0 =	vadd.s32 v2, v0;
	_ =	sdelay $0x4  }
0x310: {  	[tilespmem:v0+s11+$0x0] =	vst.idx.add.s32.msk $0xffff, v3  }
0x311: {  	v0 =	vld [tilespmem:s13+$0x1310];
	_ =	sdelay $0x4  }
0x312: {  	v0 =	vadd.s32 v2, v0;
	_ =	sdelay $0x4  }
0x313: {  	[tilespmem:v0+s11+$0x0] =	vst.idx.add.s32.msk $0xffff, v3  }
0x314: {  	v0 =	vld [tilespmem:s13+$0x1380];
	_ =	sdelay $0x4  }
0x315: {  	v0 =	vadd.s32 v2, v0;
	_ =	sdelay $0x4  }
0x316: {  	[tilespmem:v0+s11+$0x0] =	vst.idx.add.s32.msk $0xffff, v3  }
0x317: {  	v0 =	vld [tilespmem:s13+$0x1390];
	_ =	sdelay $0x4  }
0x318: {  	v0 =	vadd.s32 v2, v0;
	_ =	sdelay $0x4  }
0x319: {  	[tilespmem:v0+s11+$0x0] =	vst.idx.add.s32.msk $0xffff, v3  }
0x31a: {  	v0 =	vld [tilespmem:s13+$0x1400];
	_ =	sdelay $0x4  }
0x31b: {  	v0 =	vadd.s32 v2, v0;
	_ =	sdelay $0x4  }
0x31c: {  	[tilespmem:v0+s11+$0x0] =	vst.idx.add.s32.msk $0xffff, v3  }
0x31d: {  	v0 =	vld [tilespmem:s13+$0x1410];
	_ =	sdelay $0x4  }
0x31e: {  	v0 =	vadd.s32 v2, v0;
	_ =	sdelay $0x4  }
0x31f: {  	[tilespmem:v0+s11+$0x0] =	vst.idx.add.s32.msk $0xffff, v3  }
0x320: {  	v0 =	vld [tilespmem:s13+$0x1480];
	_ =	sdelay $0x4  }
0x321: {  	v0 =	vadd.s32 v2, v0;
	_ =	sdelay $0x4  }
0x322: {  	[tilespmem:v0+s11+$0x0] =	vst.idx.add.s32.msk $0xffff, v3  }
0x323: {  	v0 =	vld [tilespmem:s13+$0x1490];
	_ =	sdelay $0x4  }
0x324: {  	v0 =	vadd.s32 v2, v0;
	_ =	sdelay $0x4  }
0x325: {  	[tilespmem:v0+s11+$0x0] =	vst.idx.add.s32.msk $0xffff, v3  }
0x326: {  	v0 =	vld [tilespmem:s13+$0x1500];
	_ =	sdelay $0x4  }
0x327: {  	v0 =	vadd.s32 v2, v0;
	_ =	sdelay $0x4  }
0x328: {  	[tilespmem:v0+s11+$0x0] =	vst.idx.add.s32.msk $0xffff, v3  }
0x329: {  	v0 =	vld [tilespmem:s13+$0x1510];
	_ =	sdelay $0x4  }
0x32a: {  	v0 =	vadd.s32 v2, v0;
	_ =	sdelay $0x4  }
0x32b: {  	[tilespmem:v0+s11+$0x0] =	vst.idx.add.s32.msk $0xffff, v3  }
0x32c: {  	v0 =	vld [tilespmem:s13+$0x1580];
	_ =	sdelay $0x4  }
0x32d: {  	v0 =	vadd.s32 v2, v0;
	_ =	sdelay $0x4  }
0x32e: {  	[tilespmem:v0+s11+$0x0] =	vst.idx.add.s32.msk $0xffff, v3  }
0x32f: {  	v0 =	vld [tilespmem:s13+$0x1590];
	_ =	sdelay $0x4  }
0x330: {  	v0 =	vadd.s32 v2, v0;
	_ =	sdelay $0x4  }
0x331: {  	[tilespmem:v0+s11+$0x0] =	vst.idx.add.s32.msk $0xffff, v3  }
0x332: {  	v0 =	vld [tilespmem:s13+$0x1600];
	_ =	sdelay $0x4  }
0x333: {  	v0 =	vadd.s32 v2, v0;
	_ =	sdelay $0x4  }
0x334: {  	[tilespmem:v0+s11+$0x0] =	vst.idx.add.s32.msk $0xffff, v3  }
0x335: {  	v0 =	vld [tilespmem:s13+$0x1610];
	_ =	sdelay $0x4  }
0x336: {  	v0 =	vadd.s32 v2, v0;
	_ =	sdelay $0x4  }
0x337: {  	[tilespmem:v0+s11+$0x0] =	vst.idx.add.s32.msk $0xffff, v3  }
0x338: {  	v0 =	vld [tilespmem:s13+$0x1680];
	_ =	sdelay $0x4  }
0x339: {  	v0 =	vadd.s32 v2, v0;
	_ =	sdelay $0x4  }
0x33a: {  	[tilespmem:v0+s11+$0x0] =	vst.idx.add.s32.msk $0xffff, v3  }
0x33b: {  	v0 =	vld [tilespmem:s13+$0x1690];
	_ =	sdelay $0x4  }
0x33c: {  	v0 =	vadd.s32 v2, v0;
	_ =	sdelay $0x4  }
0x33d: {  	[tilespmem:v0+s11+$0x0] =	vst.idx.add.s32.msk $0xffff, v3  }
0x33e: {  	v0 =	vld [tilespmem:s13+$0x1700];
	_ =	sdelay $0x4  }
0x33f: {  	v0 =	vadd.s32 v2, v0;
	_ =	sdelay $0x4  }
0x340: {  	[tilespmem:v0+s11+$0x0] =	vst.idx.add.s32.msk $0xffff, v3  }
0x341: {  	v0 =	vld [tilespmem:s13+$0x1710];
	_ =	sdelay $0x4  }
0x342: {  	v0 =	vadd.s32 v2, v0;
	_ =	sdelay $0x4  }
0x343: {  	[tilespmem:v0+s11+$0x0] =	vst.idx.add.s32.msk $0xffff, v3  }
0x344: {  	v0 =	vld [tilespmem:s13+$0x1780];
	_ =	sdelay $0x4  }
0x345: {  	v0 =	vadd.s32 v2, v0;
	_ =	sdelay $0x4  }
0x346: {  	[tilespmem:v0+s11+$0x0] =	vst.idx.add.s32.msk $0xffff, v3  }
0x347: {  	v0 =	vld [tilespmem:s13+$0x1790];
	_ =	sdelay $0x4  }
0x348: {  	v0 =	vadd.s32 v2, v0;
	_ =	sdelay $0x4  }
0x349: {  	[tilespmem:v0+s11+$0x0] =	vst.idx.add.s32.msk $0xffff, v3  }
0x34a: {  	v0 =	vld [tilespmem:s13+$0x1800];
	_ =	sdelay $0x4  }
0x34b: {  	v0 =	vadd.s32 v2, v0;
	_ =	sdelay $0x4  }
0x34c: {  	[tilespmem:v0+s11+$0x0] =	vst.idx.add.s32.msk $0xffff, v3  }
0x34d: {  	v0 =	vld [tilespmem:s13+$0x1810];
	_ =	sdelay $0x4  }
0x34e: {  	v0 =	vadd.s32 v2, v0;
	_ =	sdelay $0x4  }
0x34f: {  	[tilespmem:v0+s11+$0x0] =	vst.idx.add.s32.msk $0xffff, v3  }
0x350: {  	v0 =	vld [tilespmem:s13+$0x1880];
	_ =	sdelay $0x4  }
0x351: {  	v0 =	vadd.s32 v2, v0;
	_ =	sdelay $0x4  }
0x352: {  	[tilespmem:v0+s11+$0x0] =	vst.idx.add.s32.msk $0xffff, v3  }
0x353: {  	v0 =	vld [tilespmem:s13+$0x1890];
	_ =	sdelay $0x4  }
0x354: {  	v0 =	vadd.s32 v2, v0;
	_ =	sdelay $0x4  }
0x355: {  	[tilespmem:v0+s11+$0x0] =	vst.idx.add.s32.msk $0xffff, v3  }
0x356: {  	v0 =	vld [tilespmem:s13+$0x1900];
	_ =	sdelay $0x4  }
0x357: {  	v0 =	vadd.s32 v2, v0;
	_ =	sdelay $0x4  }
0x358: {  	[tilespmem:v0+s11+$0x0] =	vst.idx.add.s32.msk $0xffff, v3  }
0x359: {  	v0 =	vld [tilespmem:s13+$0x1910];
	_ =	sdelay $0x4  }
0x35a: {  	v0 =	vadd.s32 v2, v0;
	_ =	sdelay $0x4  }
0x35b: {  	[tilespmem:v0+s11+$0x0] =	vst.idx.add.s32.msk $0xffff, v3  }
0x35c: {  	v0 =	vld [tilespmem:s13+$0x1980];
	_ =	sdelay $0x4  }
0x35d: {  	v0 =	vadd.s32 v2, v0;
	_ =	sdelay $0x4  }
0x35e: {  	[tilespmem:v0+s11+$0x0] =	vst.idx.add.s32.msk $0xffff, v3  }
0x35f: {  	v0 =	vld [tilespmem:s13+$0x1990];
	_ =	sdelay $0x4  }
0x360: {  	v0 =	vadd.s32 v2, v0;
	_ =	sdelay $0x4  }
0x361: {  	[tilespmem:v0+s11+$0x0] =	vst.idx.add.s32.msk $0xffff, v3  }
0x362: {  	v0 =	vld [tilespmem:s13+$0x1A00];
	_ =	sdelay $0x4  }
0x363: {  	v0 =	vadd.s32 v2, v0;
	_ =	sdelay $0x4  }
0x364: {  	[tilespmem:v0+s11+$0x0] =	vst.idx.add.s32.msk $0xffff, v3  }
0x365: {  	v0 =	vld [tilespmem:s13+$0x1A10];
	_ =	sdelay $0x4  }
0x366: {  	v0 =	vadd.s32 v2, v0;
	_ =	sdelay $0x4  }
0x367: {  	[tilespmem:v0+s11+$0x0] =	vst.idx.add.s32.msk $0xffff, v3  }
0x368: {  	v0 =	vld [tilespmem:s13+$0x1A80];
	_ =	sdelay $0x4  }
0x369: {  	v0 =	vadd.s32 v2, v0;
	_ =	sdelay $0x4  }
0x36a: {  	[tilespmem:v0+s11+$0x0] =	vst.idx.add.s32.msk $0xffff, v3  }
0x36b: {  	v0 =	vld [tilespmem:s13+$0x1A90];
	_ =	sdelay $0x4  }
0x36c: {  	v0 =	vadd.s32 v2, v0;
	_ =	sdelay $0x4  }
0x36d: {  	[tilespmem:v0+s11+$0x0] =	vst.idx.add.s32.msk $0xffff, v3  }
0x36e: {  	v0 =	vld [tilespmem:s13+$0x1B00];
	_ =	sdelay $0x4  }
0x36f: {  	v0 =	vadd.s32 v2, v0;
	_ =	sdelay $0x4  }
0x370: {  	[tilespmem:v0+s11+$0x0] =	vst.idx.add.s32.msk $0xffff, v3  }
0x371: {  	v0 =	vld [tilespmem:s13+$0x1B10];
	_ =	sdelay $0x4  }
0x372: {  	v0 =	vadd.s32 v2, v0;
	_ =	sdelay $0x4  }
0x373: {  	[tilespmem:v0+s11+$0x0] =	vst.idx.add.s32.msk $0xffff, v3  }
0x374: {  	v0 =	vld [tilespmem:s13+$0x1B80];
	_ =	sdelay $0x4  }
0x375: {  	v0 =	vadd.s32 v2, v0;
	_ =	sdelay $0x4  }
0x376: {  	[tilespmem:v0+s11+$0x0] =	vst.idx.add.s32.msk $0xffff, v3  }
0x377: {  	v0 =	vld [tilespmem:s13+$0x1B90];
	_ =	sdelay $0x4  }
0x378: {  	v0 =	vadd.s32 v2, v0;
	_ =	sdelay $0x4  }
0x379: {  	[tilespmem:v0+s11+$0x0] =	vst.idx.add.s32.msk $0xffff, v3  }
0x37a: {  	v0 =	vld [tilespmem:s13+$0x1C00];
	_ =	sdelay $0x4  }
0x37b: {  	v0 =	vadd.s32 v2, v0;
	_ =	sdelay $0x4  }
0x37c: {  	[tilespmem:v0+s11+$0x0] =	vst.idx.add.s32.msk $0xffff, v3  }
0x37d: {  	v0 =	vld [tilespmem:s13+$0x1C10];
	_ =	sdelay $0x4  }
0x37e: {  	v0 =	vadd.s32 v2, v0;
	_ =	sdelay $0x4  }
0x37f: {  	[tilespmem:v0+s11+$0x0] =	vst.idx.add.s32.msk $0xffff, v3  }
0x380: {  	v0 =	vld [tilespmem:s13+$0x1C80];
	_ =	sdelay $0x4  }
0x381: {  	v0 =	vadd.s32 v2, v0;
	_ =	sdelay $0x4  }
0x382: {  	[tilespmem:v0+s11+$0x0] =	vst.idx.add.s32.msk $0xffff, v3  }
0x383: {  	v0 =	vld [tilespmem:s13+$0x1C90];
	_ =	sdelay $0x4  }
0x384: {  	v0 =	vadd.s32 v2, v0;
	_ =	sdelay $0x4  }
0x385: {  	[tilespmem:v0+s11+$0x0] =	vst.idx.add.s32.msk $0xffff, v3  }
0x386: {  	v0 =	vld [tilespmem:s13+$0x1D00];
	_ =	sdelay $0x4  }
0x387: {  	v0 =	vadd.s32 v2, v0;
	_ =	sdelay $0x4  }
0x388: {  	[tilespmem:v0+s11+$0x0] =	vst.idx.add.s32.msk $0xffff, v3  }
0x389: {  	v0 =	vld [tilespmem:s13+$0x1D10];
	_ =	sdelay $0x4  }
0x38a: {  	v0 =	vadd.s32 v2, v0;
	_ =	sdelay $0x4  }
0x38b: {  	[tilespmem:v0+s11+$0x0] =	vst.idx.add.s32.msk $0xffff, v3  }
0x38c: {  	v0 =	vld [tilespmem:s13+$0x1D80];
	_ =	sdelay $0x4  }
0x38d: {  	v0 =	vadd.s32 v2, v0;
	_ =	sdelay $0x4  }
0x38e: {  	[tilespmem:v0+s11+$0x0] =	vst.idx.add.s32.msk $0xffff, v3  }
0x38f: {  	v0 =	vld [tilespmem:s13+$0x1D90];
	_ =	sdelay $0x4  }
0x390: {  	v0 =	vadd.s32 v2, v0;
	_ =	sdelay $0x4  }
0x391: {  	[tilespmem:v0+s11+$0x0] =	vst.idx.add.s32.msk $0xffff, v3  }
0x392: {  	v0 =	vld [tilespmem:s13+$0x1E00];
	_ =	sdelay $0x4  }
0x393: {  	v0 =	vadd.s32 v2, v0;
	_ =	sdelay $0x4  }
0x394: {  	[tilespmem:v0+s11+$0x0] =	vst.idx.add.s32.msk $0xffff, v3  }
0x395: {  	v0 =	vld [tilespmem:s13+$0x1E10];
	_ =	sdelay $0x4  }
0x396: {  	v0 =	vadd.s32 v2, v0;
	_ =	sdelay $0x4  }
0x397: {  	[tilespmem:v0+s11+$0x0] =	vst.idx.add.s32.msk $0xffff, v3  }
0x398: {  	v0 =	vld [tilespmem:s13+$0x1E80];
	_ =	sdelay $0x4  }
0x399: {  	v0 =	vadd.s32 v2, v0;
	_ =	sdelay $0x4  }
0x39a: {  	[tilespmem:v0+s11+$0x0] =	vst.idx.add.s32.msk $0xffff, v3  }
0x39b: {  	v0 =	vld [tilespmem:s13+$0x1E90];
	_ =	sdelay $0x4  }
0x39c: {  	v0 =	vadd.s32 v2, v0;
	_ =	sdelay $0x4  }
0x39d: {  	[tilespmem:v0+s11+$0x0] =	vst.idx.add.s32.msk $0xffff, v3  }
0x39e: {  	v0 =	vld [tilespmem:s13+$0x1F00];
	_ =	sdelay $0x4  }
0x39f: {  	v0 =	vadd.s32 v2, v0;
	_ =	sdelay $0x4  }
0x3a0: {  	[tilespmem:v0+s11+$0x0] =	vst.idx.add.s32.msk $0xffff, v3  }
0x3a1: {  	v0 =	vld [tilespmem:s13+$0x1F10];
	_ =	sdelay $0x4  }
0x3a2: {  	v0 =	vadd.s32 v2, v0;
	_ =	sdelay $0x4  }
0x3a3: {  	[tilespmem:v0+s11+$0x0] =	vst.idx.add.s32.msk $0xffff, v3  }
0x3a4: {  	v0 =	vld [tilespmem:s13+$0x1F80];
	_ =	sdelay $0x4  }
0x3a5: {  	v0 =	vadd.s32 v2, v0;
	_ =	sdelay $0x4  }
0x3a6: {  	[tilespmem:v0+s11+$0x0] =	vst.idx.add.s32.msk $0xffff, v3  }
0x3a7: {  	v0 =	vld [tilespmem:s13+$0x1F90];
	_ =	sdelay $0x4  }
0x3a8: {  	v0 =	vadd.s32 v2, v0;
	_ =	sdelay $0x4  }
0x3a9: {  	[tilespmem:v0+s11+$0x0] =	vst.idx.add.s32.msk $0xffff, v3  }
0x3aa: {  	v0 =	vld [tilespmem:s13+$0x2000];
	_ =	sdelay $0x4  }
0x3ab: {  	v0 =	vadd.s32 v2, v0;
	_ =	sdelay $0x4  }
0x3ac: {  	[tilespmem:v0+s11+$0x0] =	vst.idx.add.s32.msk $0xffff, v3  }
0x3ad: {  	v0 =	vld [tilespmem:s13+$0x2010];
	_ =	sdelay $0x4  }
0x3ae: {  	v0 =	vadd.s32 v2, v0;
	_ =	sdelay $0x4  }
0x3af: {  	[tilespmem:v0+s11+$0x0] =	vst.idx.add.s32.msk $0xffff, v3  }
0x3b0: {  	v0 =	vld [tilespmem:$0x2080]  }
0x3b1: {  	v4 =	vld [tilespmem:$0x2110]  }
0x3b2: {  	v5 =	vld [tilespmem:$0x21A0]  }
0x3b3: {  	v6 =	vld [tilespmem:$0x2230]  }
0x3b4: {  	v9 =	vld [tilespmem:$0x22C0]  }
0x3b5: {  	v12 =	vld [tilespmem:$0x2350]  }
0x3b6: {  	v22 =	vld [tilespmem:$0x23E0]  }
0x3b7: {  	v26 =	vld [tilespmem:$0x2470]  }
0x3b8: {  	v32 =	vld [tilespmem:$0x2500]  }
0x3b9: {  	v38 =	vld [tilespmem:$0x2590]  }
0x3ba: {  	v58 =	vld [tilespmem:$0x2620]  }
0x3bb: {  	v59 =	vld [tilespmem:$0x26B0]  }
0x3bc: {  	v60 =	vld [tilespmem:$0x2740]  }
0x3bd: {  	v61 =	vld [tilespmem:$0x27D0]  }
0x3be: {  	v62 =	vld [tilespmem:$0x2860]  }
0x3bf: {  	v63 =	vld [tilespmem:$0x28F0]  }
0x3c0: {  	v17 =	vld [tilespmem:$0x2090]  }
0x3c1: {  	v18 =	vld [tilespmem:$0x2120]  }
0x3c2: {  	v19 =	vld [tilespmem:$0x21B0]  }
0x3c3: {  	v20 =	vld [tilespmem:$0x2240]  }
0x3c4: {  	v21 =	vld [tilespmem:$0x22D0]  }
0x3c5: {  	v42 =	vld [tilespmem:$0x2360]  }
0x3c6: {  	v45 =	vld [tilespmem:$0x23F0]  }
0x3c7: {  	v48 =	vld [tilespmem:$0x2480]  }
0x3c8: {  	v49 =	vld [tilespmem:$0x2510]  }
0x3c9: {  	v50 =	vld [tilespmem:$0x25A0]  }
0x3ca: {  	v51 =	vld [tilespmem:$0x2630]  }
0x3cb: {  	v52 =	vld [tilespmem:$0x26C0]  }
0x3cc: {  	v53 =	vld [tilespmem:$0x2750]  }
0x3cd: {  	v54 =	vld [tilespmem:$0x27E0]  }
0x3ce: {  	v55 =	vld [tilespmem:$0x2870]  }
0x3cf: {  	v56 =	vld [tilespmem:$0x2900]  }
0x3d0: {  	v34 =	vld [tilespmem:$0x20A0]  }
0x3d1: {  	v41 =	vld [tilespmem:$0x2130]  }
0x3d2: {  	v47 =	vld [tilespmem:$0x21C0]  }
0x3d3: {  	v57 =	vld [tilespmem:$0x2250]  }
0x3d4: {  	v33 =	vld [tilespmem:$0x2640]  }
0x3d5: {  	v36 =	vld [tilespmem:$0x26D0]  }
0x3d6: {  	v11 =	vld [tilespmem:$0x2760]  }
0x3d7: {  	v14 =	vld [tilespmem:$0x27F0]  }
0x3d8: {  	v23 =	vld [tilespmem:$0x2880]  }
0x3d9: {  	v27 =	vld [tilespmem:$0x2910]  }
0x3da: {  	v31 =	vld [tilespmem:$0x20B0]  }
0x3db: {  	v30 =	vld [tilespmem:$0x2140]  }
0x3dc: {  	v39 =	vld [tilespmem:$0x21D0]  }
0x3dd: {  	v44 =	vld [tilespmem:$0x2260]  }
0x3de: {  	v10 =	vld [tilespmem:$0x22F0]  }
0x3df: {  	v13 =	vld [tilespmem:$0x2380]  }
0x3e0: {  	v15 =	vld [tilespmem:$0x2410]  }
0x3e1: {  	v16 =	vld [tilespmem:$0x24A0]  }
0x3e2: {  	v24 =	vld [tilespmem:$0x2530]  }
0x3e3: {  	v25 =	vld [tilespmem:$0x25C0]  }
0x3e4: {  	v28 =	vld [tilespmem:$0x2650]  }
0x3e5: {  	v29 =	vld [tilespmem:$0x26E0]  }
0x3e6: {  	v35 =	vld [tilespmem:$0x2770]  }
0x3e7: {  	v37 =	vld [tilespmem:$0x2800]  }
0x3e8: {  	v40 =	vld [tilespmem:$0x2890]  }
0x3e9: {  	v43 =	vld [tilespmem:$0x2920]  }
0x3ea: {  	v46 =	vld [tilespmem:$0x2420]  }
0x3eb: {  	v8 =	vld [tilespmem:$0x20D0]  }
0x3ec: {  	v7 =	vld [tilespmem:$0x2160]  }
0x3ed: {  	[tilespmem:$0x1FCD0] =	vst v58;
	v58 =	vld [tilespmem:$0x22E0]  }
0x3ee: {  	[tilespmem:$0x1FCE0] =	vst v59;
	v59 =	vld [tilespmem:$0x2370]  }
0x3ef: {  	[tilespmem:$0x1FCF0] =	vst v60;
	v60 =	vld [tilespmem:$0x2400]  }
0x3f0: {  	[tilespmem:$0x1FD00] =	vst v61;
	v61 =	vld [tilespmem:$0x2490]  }
0x3f1: {  	[tilespmem:$0x1FD10] =	vst v62;
	v62 =	vld [tilespmem:$0x2520]  }
0x3f2: {  	[tilespmem:$0x1FD20] =	vst v63;
	v63 =	vld [tilespmem:$0x25B0]  }
0x3f3: {  	[tilespmem:$0x1FD60] =	vst v16;
	v16 =	vld [tilespmem:$0x20C0]  }
0x3f4: {  	[tilespmem:$0x1FD50] =	vst v15;
	v15 =	vld [tilespmem:$0x2150]  }
0x3f5: {  	[tilespmem:$0x1FD90] =	vst v25;
	v25 =	vld [tilespmem:$0x21E0]  }
0x3f6: {  	[tilespmem:$0x1FDD0] =	vst v29;
	v29 =	vld [tilespmem:$0x2270]  }
0x3f7: {  	[tilespmem:$0x1FE20] =	vst v37;
	v37 =	vld [tilespmem:$0x2300]  }
0x3f8: {  	[tilespmem:$0x1FE80] =	vst v43;
	v43 =	vld [tilespmem:$0x2390]  }
0x3f9: {  	[tilespmem:$0x1FD30] =	vst v10;
	v10 =	vld [tilespmem:$0x24B0]  }
0x3fa: {  	[tilespmem:$0x1FD40] =	vst v13;
	v13 =	vld [tilespmem:$0x2540]  }
0x3fb: {  	[tilespmem:$0x1FD70] =	vst v24;
	v24 =	vld [tilespmem:$0x25D0]  }
0x3fc: {  	[tilespmem:$0x1FDB0] =	vst v28;
	v28 =	vld [tilespmem:$0x2660]  }
0x3fd: {  	[tilespmem:$0x1FDF0] =	vst v35;
	v35 =	vld [tilespmem:$0x26F0]  }
0x3fe: {  	[tilespmem:$0x1FE50] =	vst v40;
	v40 =	vld [tilespmem:$0x2780]  }
0x3ff: {  	[tilespmem:$0x1FD80] =	vst v46;
	v46 =	vld [tilespmem:$0x2810]  }
0x400: {  	v0 =	vadd.s32 v0, v4;
	v4 =	vld [tilespmem:$0x28B0]  }
0x401: {  	v17 =	vadd.s32 v17, v18;
	v18 =	vld [tilespmem:$0x1FF10]  }
0x402: {  	v7 =	vadd.s32 v8, v7;
	v8 =	vld [tilespmem:$0x22A0]  }
0x403: {  	v5 =	vadd.s32 v5, v0;
	v17 =	vadd.s32 v19, v17;
	v0 =	vld [tilespmem:$0x2940]  }
0x404: {  	v19 =	vld [tilespmem:$0x1FD30];
	v20 =	vadd.s32 v20, v17  }
0x405: {  	v5 =	vadd.s32 v6, v5;
	v6 =	vadd.s32 v21, v20;
	v21 =	vld [tilespmem:$0x1FD40]  }
0x406: {  	v6 =	vadd.s32 v42, v6;
	v42 =	vld [tilespmem:$0x2200]  }
0x407: {  	[tilespmem:$0x1FDA0] =	vst v10;
	v10 =	vld [tilespmem:$0x28A0]  }
0x408: {  	[tilespmem:$0x1FDC0] =	vst v13;
	v13 =	vld [tilespmem:$0x2930]  }
0x409: {  	[tilespmem:$0x1FDE0] =	vst v24;
	v24 =	vld [tilespmem:$0x2310]  }
0x40a: {  	[tilespmem:$0x1FE00] =	vst v28;
	v28 =	vld [tilespmem:$0x23A0]  }
0x40b: {  	[tilespmem:$0x1FE30] =	vst v35;
	v35 =	vld [tilespmem:$0x2430]  }
0x40c: {  	[tilespmem:$0x1FE60] =	vst v40;
	v40 =	vld [tilespmem:$0x24C0]  }
0x40d: {  	[tilespmem:$0x1FE90] =	vst v46;
	v46 =	vld [tilespmem:$0x2550]  }
0x40e: {  	v5 =	vadd.s32 v9, v5;
	v6 =	vadd.s32 v45, v6;
	v45 =	vld [tilespmem:$0x2320]  }
0x40f: {  	v5 =	vadd.s32 v12, v5;
	v15 =	vadd.s32 v16, v15;
	v16 =	vld [tilespmem:$0x2180]  }
0x410: {  	v5 =	vadd.s32 v22, v5;
	v22 =	vld [tilespmem:$0x1FD50]  }
0x411: {  	v6 =	vadd.s32 v48, v6;
	v48 =	vld [tilespmem:$0x23B0]  }
0x412: {  	v20 =	vadd.s32 v25, v15;
	v15 =	vld [tilespmem:$0x2210]  }
0x413: {  	[tilespmem:$0x1FE10] =	vst v46;
	v46 =	vld [tilespmem:$0x25E0]  }
0x414: {  	v25 =	vld [tilespmem:$0x1FD70]  }
0x415: {  	v5 =	vadd.s32 v26, v5;
	v26 =	vld [tilespmem:$0x1FD80]  }
0x416: {  	v6 =	vadd.s32 v49, v6;
	v49 =	vld [tilespmem:$0x2440]  }
0x417: {  	v5 =	vadd.s32 v32, v5;
	v32 =	vld [tilespmem:$0x1FDD0]  }
0x418: {  	[tilespmem:$0x1FE40] =	vst v46;
	v46 =	vld [tilespmem:$0x2670]  }
0x419: {  	v6 =	vadd.s32 v50, v6;
	v50 =	vld [tilespmem:$0x1FCD0]  }
0x41a: {  	v5 =	vadd.s32 v38, v5;
	v38 =	vld [tilespmem:$0x1FE20]  }
0x41b: {  	v6 =	vadd.s32 v51, v6;
	v51 =	vld [tilespmem:$0x1FCE0]  }
0x41c: {  	[tilespmem:$0x1FEB0] =	vst v10;
	v10 =	vld [tilespmem:$0x21F0]  }
0x41d: {  	[tilespmem:$0x1FE70] =	vst v46;
	v46 =	vld [tilespmem:$0x2700]  }
0x41e: {  	[tilespmem:$0x1FED0] =	vst v13;
	v13 =	vld [tilespmem:$0x2280]  }
0x41f: {  	v6 =	vadd.s32 v52, v6;
	v52 =	vld [tilespmem:$0x1FCF0]  }
0x420: {  	v6 =	vadd.s32 v53, v6;
	v53 =	vld [tilespmem:$0x2680]  }
0x421: {  	v6 =	vadd.s32 v54, v6;
	v54 =	vld [tilespmem:$0x2830]  }
0x422: {  	[tilespmem:$0x1FEA0] =	vst v46;
	v46 =	vld [tilespmem:$0x2790]  }
0x423: {  	v5 =	vadd.s32 v50, v5;
	v50 =	vld [tilespmem:$0x24D0]  }
0x424: {  	v5 =	vadd.s32 v51, v5;
	v51 =	vld [tilespmem:$0x2560]  }
0x425: {  	v5 =	vadd.s32 v52, v5;
	v52 =	vld [tilespmem:$0x25F0]  }
0x426: {  	v7 =	vadd.s32 v10, v7;
	v10 =	vld [tilespmem:$0x2330]  }
0x427: {  	v7 =	vadd.s32 v13, v7;
	[tilespmem:$0x1FEC0] =	vst v46;
	v46 =	vld [tilespmem:$0x2820]  }
0x428: {  	v13 =	vld [tilespmem:$0x23C0];
	v7 =	vadd.s32 v24, v7  }
0x429: {  	v7 =	vadd.s32 v28, v7;
	v28 =	vld [tilespmem:$0x1FED0]  }
0x42a: {  	v7 =	vadd.s32 v35, v7;
	v35 =	vld [tilespmem:$0x1FDF0]  }
0x42b: {  	v7 =	vadd.s32 v40, v7;
	v40 =	vld [tilespmem:$0x1FE40]  }
0x42c: {  	[tilespmem:$0x1FEE0] =	vst v46;
	v46 =	vadd.s32 v34, v41;
	v34 =	vld [tilespmem:$0x20E0]  }
0x42d: {  	v41 =	vld [tilespmem:$0x2170]  }
0x42e: {  	v47 =	vadd.s32 v47, v46;
	v46 =	vld [tilespmem:$0x1FE70]  }
0x42f: {  	v9 =	vadd.s32 v57, v47;
	v47 =	vld [tilespmem:$0x2290]  }
0x430: {  	v57 =	vld [tilespmem:$0x1FD00]  }
0x431: {  	v9 =	vadd.s32 v58, v9;
	v58 =	vld [tilespmem:$0x1FD10]  }
0x432: {  	v9 =	vadd.s32 v59, v9;
	v59 =	vadd.s32 v55, v6;
	v6 =	vld [tilespmem:$0x2710]  }
0x433: {  	v55 =	vld [tilespmem:$0x28C0]  }
0x434: {  	v9 =	vadd.s32 v60, v9;
	v60 =	vld [tilespmem:$0x1FD20]  }
0x435: {  	v12 =	vadd.s32 v56, v59;
	v56 =	vld [tilespmem:$0x2950];
	v9 =	vadd.s32 v61, v9  }
0x436: {  	v59 =	vld [tilespmem:$0x1FEA0];
	v9 =	vadd.s32 v62, v9  }
0x437: {  	v61 =	vld [tilespmem:$0x1FEF0];
	v9 =	vadd.s32 v63, v9  }
0x438: {  	v62 =	vld [tilespmem:$0x1FF00];
	v9 =	vadd.s32 v33, v9  }
0x439: {  	v5 =	vadd.s32 v57, v5;
	v57 =	vld [tilespmem:$0x1FE80];
	v9 =	vadd.s32 v36, v9  }
0x43a: {  	v5 =	vadd.s32 v58, v5;
	v63 =	vadd.s32 v31, v30;
	v30 =	vld [tilespmem:$0x1FDB0];
	v9 =	vadd.s32 v11, v9  }
0x43b: {  	v31 =	vld [tilespmem:$0x1FDC0];
	v11 =	vadd.s32 v60, v5;
	v9 =	vadd.s32 v14, v9  }
0x43c: {  	v12 =	vshll.u32 v12, $0xB;
	v58 =	vld [tilespmem:$0x1FE90];
	v11 =	vshll.u32 v11, $0xB;
	v9 =	vadd.s32 v23, v9  }
0x43d: {  	v33 =	vld [tilespmem:$0x1FDE0];
	v12 =	vor.u32 v62, v12;
	v11 =	vor.u32 v61, v11;
	v9 =	vadd.s32 v27, v9  }
0x43e: {  	v17 =	vadd.s32 v39, v63;
	v39 =	vld [tilespmem:$0x1FE30];
	vm6 =	vgt.s32 v11, v12;
	v9 =	vshll.u32 v9, $0xB  }
0x43f: {  	v23 =	vld [tilespmem:$0x1FD60];
	v11 =	vsel vm6, v11, v12;
	v9 =	vor.u32 v18, v9  }
0x440: {  	v27 =	vld [tilespmem:$0x1FD90];
	v12 =	vadd.s32 v44, v17;
	vm0 =	vgt.s32 v11, v9  }
0x441: {  	v9 =	vsel vm0, v11, v9;
	v11 =	vadd.s32 v19, v12;
	v12 =	vadd.s32 v29, v20;
	v29 =	vld [tilespmem:$0x1FDA0]  }
0x442: {  	v36 =	vld [tilespmem:$0x1FE00];
	v11 =	vadd.s32 v21, v11  }
0x443: {  	v12 =	vadd.s32 v37, v12;
	v37 =	vld [tilespmem:$0x1FE10];
	v11 =	vadd.s32 v22, v11  }
0x444: {  	v62 =	vld [tilespmem:$0x1FEC0];
	v12 =	vadd.s32 v43, v12;
	v11 =	vadd.s32 v23, v11  }
0x445: {  	v44 =	vld [tilespmem:$0x1FE60];
	v12 =	vadd.s32 v26, v12;
	v11 =	vadd.s32 v25, v11  }
0x446: {  	v43 =	vld [tilespmem:$0x1FE50];
	v11 =	vadd.s32 v27, v11;
	v12 =	vadd.s32 v29, v12  }
0x447: {  	v61 =	vld [tilespmem:$0x1FEB0];
	v11 =	vadd.s32 v30, v11;
	v12 =	vadd.s32 v31, v12  }
0x448: {  	v29 =	vld [tilespmem:$0x1FF20];
	v7 =	vadd.s32 v37, v7;
	v11 =	vadd.s32 v32, v11;
	v12 =	vadd.s32 v33, v12  }
0x449: {  	v30 =	vld [tilespmem:$0x1FEE0];
	v7 =	vadd.s32 v40, v7;
	v11 =	vadd.s32 v35, v11;
	v12 =	vadd.s32 v36, v12  }
0x44a: {  	v63 =	vld [tilespmem:$0x28D0];
	v7 =	vadd.s32 v46, v7;
	v11 =	vadd.s32 v38, v11;
	v12 =	vadd.s32 v39, v12  }
0x44b: {  	v33 =	vld [tilespmem:$0x1FF30];
	v35 =	vadd.s32 v34, v41;
	v11 =	vadd.s32 v43, v11;
	v12 =	vadd.s32 v44, v12  }
0x44c: {  	v5 =	vld [tilespmem:$0x27A0];
	v7 =	vadd.s32 v59, v7;
	v11 =	vadd.s32 v57, v11;
	v12 =	vadd.s32 v58, v12  }
0x44d: {  	v37 =	vld [tilespmem:$0x1FF40];
	v7 =	vadd.s32 v62, v7;
	v12 =	vadd.s32 v61, v12;
	v11 =	vshll.u32 v11, $0xB  }
0x44e: {  	v60 =	vld [tilespmem:$0x2840];
	v7 =	vadd.s32 v30, v7;
	v12 =	vadd.s32 v28, v12;
	v11 =	vor.u32 v29, v11  }
0x44f: {  	v14 =	vld [tilespmem:$0x20F0];
	v4 =	vadd.s32 v4, v7;
	vm0 =	vgt.s32 v9, v11;
	v12 =	vshll.u32 v12, $0xB  }
0x450: {  	v17 =	vld [tilespmem:$0x2450];
	v0 =	vadd.s32 v0, v4;
	v9 =	vsel vm0, v9, v11;
	v11 =	vor.u32 v33, v12  }
0x451: {  	v18 =	vld [tilespmem:$0x24E0];
	v38 =	vadd.s32 v42, v35;
	v0 =	vshll.u32 v0, $0xB;
	vm0 =	vgt.s32 v9, v11  }
0x452: {  	v19 =	vld [tilespmem:$0x2570];
	v0 =	vor.u32 v37, v0;
	v9 =	vsel vm0, v9, v11;
	v11 =	vadd.s32 v47, v38  }
0x453: {  	v20 =	vld [tilespmem:$0x2600];
	vm0 =	vgt.s32 v9, v0;
	v41 =	vadd.s32 v45, v11  }
0x454: {  	v21 =	vld [tilespmem:$0x2690];
	v0 =	vsel vm0, v9, v0;
	v9 =	vadd.s32 v48, v41  }
0x455: {  	v22 =	vld [tilespmem:$0x2720];
	v9 =	vadd.s32 v49, v9  }
0x456: {  	v23 =	vld [tilespmem:$0x27B0];
	v9 =	vadd.s32 v50, v9  }
0x457: {  	v31 =	vld [tilespmem:$0x2960];
	v9 =	vadd.s32 v51, v9  }
0x458: {  	v32 =	vld [tilespmem:$0x2100];
	v9 =	vadd.s32 v52, v9  }
0x459: {  	v14 =	vadd.s32 v14, v16;
	v40 =	vld [tilespmem:$0x2340];
	v9 =	vadd.s32 v53, v9  }
0x45a: {  	v36 =	vld [tilespmem:$0x2220];
	v42 =	vadd.s32 v15, v14;
	v6 =	vadd.s32 v6, v9  }
0x45b: {  	v8 =	vadd.s32 v8, v42;
	v4 =	vld [tilespmem:$0x2190];
	v5 =	vadd.s32 v5, v6  }
0x45c: {  	v39 =	vld [tilespmem:$0x22B0];
	v8 =	vadd.s32 v10, v8;
	v5 =	vadd.s32 v54, v5  }
0x45d: {  	v8 =	vadd.s32 v13, v8;
	v5 =	vadd.s32 v55, v5;
	v55 =	vld [tilespmem:$0x1FF50]  }
0x45e: {  	v46 =	vld [tilespmem:$0x2580];
	v8 =	vadd.s32 v17, v8  }
0x45f: {  	v43 =	vld [tilespmem:$0x23D0];
	v8 =	vadd.s32 v18, v8  }
0x460: {  	v44 =	vld [tilespmem:$0x2460];
	v8 =	vadd.s32 v19, v8;
	v4 =	vadd.s32 v32, v4;
	v5 =	vadd.s32 v56, v5  }
0x461: {  	v8 =	vadd.s32 v20, v8;
	v45 =	vld [tilespmem:$0x24F0];
	v4 =	vadd.s32 v36, v4;
	v5 =	vshll.u32 v5, $0xB  }
0x462: {  	v47 =	vld [tilespmem:$0x2610];
	v4 =	vadd.s32 v39, v4;
	v51 =	vadd.s32 v21, v8;
	v5 =	vor.u32 v55, v5  }
0x463: {  	v48 =	vld [tilespmem:$0x26A0];
	v4 =	vadd.s32 v40, v4;
	v6 =	vadd.s32 v22, v51;
	vm0 =	vgt.s32 v0, v5  }
0x464: {  	v4 =	vadd.s32 v43, v4;
	v6 =	vadd.s32 v23, v6;
	v0 =	vsel vm0, v0, v5;
	v5 =	vld [tilespmem:$0x1FF60]  }
0x465: {  	v49 =	vld [tilespmem:$0x2730];
	v4 =	vadd.s32 v44, v4;
	v6 =	vadd.s32 v60, v6  }
0x466: {  	v50 =	vld [tilespmem:$0x27C0];
	v4 =	vadd.s32 v45, v4;
	v6 =	vadd.s32 v63, v6  }
0x467: {  	v52 =	vld [tilespmem:$0x2850];
	v4 =	vadd.s32 v46, v4;
	v6 =	vadd.s32 v31, v6  }
0x468: {  	v53 =	vld [tilespmem:$0x28E0];
	v4 =	vadd.s32 v47, v4;
	v6 =	vshll.u32 v6, $0xB  }
0x469: {  	v4 =	vadd.s32 v48, v4;
	v54 =	vld [tilespmem:$0x2970];
	v5 =	vor.u32 v5, v6  }
0x46a: {  	v4 =	vadd.s32 v49, v4;
	vm0 =	vgt.s32 v0, v5  }
0x46b: {  	v4 =	vadd.s32 v50, v4;
	v0 =	vsel vm0, v0, v5;
	v5 =	vld [tilespmem:$0x1FF70]  }
0x46c: {  	v4 =	vadd.s32 v52, v4  }
0x46d: {  	v4 =	vadd.s32 v53, v4  }
0x46e: {  	v4 =	vadd.s32 v54, v4  }
0x46f: {  	v4 =	vshll.u32 v4, $0xB  }
0x470: {  	v4 =	vor.u32 v5, v4  }
0x471: {  	vm0 =	vgt.s32 v0, v4  }
0x472: {  	v0 =	vsel vm0, v0, v4  }
0x473: {  	v4 =	vshra.s32 v0, $0x1F  }
0x474: {  	v0 =	vor.u32 v4, v0  }
0x475: {  	v0 =	vxor.u32 $0x80000000, v0  }
0x476: {  	(xrf0) =	vmax.scan.msk.u32 $0xffff, v0;
	_ =	sdelay $0x5  }
0x477: {  	v0, _, _ =	vpop (xrf0)  }
0x478: {  	(v2sf) =	vpush v0, $0xF;
	_ =	sdelay $0xe  }
0x479: {  	v56 =	vld [tilespmem:$0x1FF80];
	s30 =	spop (v2sf)  }
0x47a: {  	v57 =	vld [tilespmem:$0x1FF90];
	s13 =	sxor.u32 $0xFFFFFFFF, s30  }
0x47b: {  	v58 =	vld [tilespmem:$0x1FFA0];
	s13 =	sand.u32 $0x7FF, s13  }
0x47c: {  	v59 =	vld [tilespmem:$0x1FFB0];
	v4 =	vlaneseq.u32;
	v0 =	vmov s13  }
0x47d: {  	v60 =	vld [tilespmem:$0x1FFC0];
	v5 =	vimm.f32 $0.0e+00;
	vm7 =	veq.s32 v0, v4  }
0x47e: {  	v61 =	vld [tilespmem:$0x1FFD0];
	vm8 =	veq.s32 v0, v56;
	v4 =	vsel vm7, $0x3F800000, v5  }
0x47f: {  	v62 =	vld [tilespmem:$0x1FFE0];
	vm9 =	veq.s32 v0, v57;
	[tilespmem:$0x2980] =	vst v4;
	v4 =	vsel vm8, $0x3F800000, v5  }
0x480: {  	v63 =	vld [tilespmem:$0x1FFF0];
	vm10 =	veq.s32 v0, v58;
	[tilespmem:$0x2990] =	vst v4;
	v4 =	vsel vm9, $0x3F800000, v5  }
0x481: {  	vm11 =	veq.s32 v0, v59;
	[tilespmem:$0x29A0] =	vst v4;
	v4 =	vsel vm10, $0x3F800000, v5  }
0x482: {  	vm12 =	veq.s32 v0, v60;
	[tilespmem:$0x29B0] =	vst v4;
	v4 =	vsel vm11, $0x3F800000, v5  }
0x483: {  	vm13 =	veq.s32 v0, v61;
	[tilespmem:$0x29C0] =	vst v4;
	v4 =	vsel vm12, $0x3F800000, v5  }
0x484: {  	vm14 =	veq.s32 v0, v62;
	[tilespmem:$0x29D0] =	vst v4;
	v4 =	vsel vm13, $0x3F800000, v5  }
0x485: {  	vm15 =	veq.s32 v0, v63;
	[tilespmem:$0x29E0] =	vst v4;
	v4 =	vsel vm14, $0x3F800000, v5;
	v5 =	vimm.f32 $0.0e+00  }
0x486: {  	p0 =	sne.s32 s5, $0x1;
	[tilespmem:$0x29F0] =	vst v4;
	v0 =	vsel vm15, $0x3F800000, v5  }
.Ltmp0:
0x487: {  	s31 =	rddreg [dreg:$0x6];
	[tilespmem:$0x2A00] =	vst v0;
	(pc) =	sbr.rel @p0 .LBB2_1-.Ltmp0, $4  }
0x488: {  	[hbm4b:s31+s9] =	stream.strided.scatter [tilespmem:s12], [sflag:$0x2], $0x100, s7, s9, $0x38;
	[tilespmem:$0x2A80] =	vst v63  }
0x489: {  	_ =	swait.ge [sflag:s6], $0x100  }
0x48a: {  	[sflag:s6] =	ssyncset.done $0x0  }
0x48b: {  	s5 =	sadd.s32 $0xFFFFFFFF, s5;
	[sflag:s6] =	ssyncadd.s32 $0xFFFFFF00  }
0x48c: {  	_ =	sfence.sel $0x180000  }
0x48d: {  	[bflag:$0x0] =	sbarrier.arrive $0xFFFF  }
0x48e: {  	p0 =	sne.s32 s1, $0x0;
	_ =	strace $0x90000047  }
0x48f: {  	s0 =	sadd.s32 @!p0 $0x100000, s0;
	[bflag:$0x2] =	sbarrier.arrive $0xFFFF  }
0x490: {  	[sflag:s0] =	ssyncadd.tile.s32 @!p0 $0x1;
	_ =	shalt  }
.Lfunc_end2:
_tile_overlayer_lowered:
.L_overlay_start_2:
0x491: {  	(tag) =	ssettag $0x2  }
0x492: {  	s0 =	rddreg [dreg:$0x0];
	s2 =	stileid.u32  }
0x493: {  	s1 =	rddreg [dreg:$0x1];
	p0 =	sne.s32 s2, $0x0  }
0x494: {  	s3 =	rddreg [dreg:$0x2];
	[bflag:$0x3] =	sbarrier.arrive $0xFFFF;
	s2 =	simm.s32 @!p0 $0x1C02  }
0x495: {  	[timem:s3], [sflag:s2] =	dma.local @!p0 [hbm:s0], s1  }
0x496: {  	s0 =	simm.s32 @!p0 $0x2  }
0x497: {  	_ =	swait.ge @!p0 [sflag:s0], s1  }
0x498: {  	s1 =	ssub.s32 @!p0 $0x0, s1;
	[sflag:s0] =	ssyncset.done @!p0 $0x0  }
0x499: {  	[sflag:s0] =	ssyncadd.s32 @!p0 s1  }
0x49a: {  	[bflag:$0x3] =	sbarrier.arrive $0xFFFF  }
0x49b: {  	_ =	shalt  }

</sc_bundles>
